<compile_context>
chip_gen: v7x
topology: tpu7x:2x2x1
jax: 0.10.2.dev20260603
libtpu: 0.0.44.dev20260713+nightly
codegen_flags: <defaults>
</compile_context>

<pallas_src>
import functools

import jax
import jax.numpy as jnp
from jax import lax
from jax.experimental import pallas as pl
from jax.experimental.pallas import tpu as pltpu
from jax.experimental.pallas import tpu_sc as plsc

N = 10000
E = 320000
G = 256
DH = 128
DDEG = 16

NC = 2
NS = 16
NW = NC * NS
CH = 40
SL = 50
ZB = 80
NZB = N // ZB
ZITER = (NZB + NS - 1) // NS


def _block_loop(sid, fn, zb=ZB):
    nzb = N // zb
    zit = (nzb + NS - 1) // NS

    def it(j, c):
        b = sid + j * NS

        @pl.when(b < nzb)
        def _():
            fn(b * zb)

        return c

    lax.fori_loop(0, zit, it, 0)


def _fill_const(ref, rows, width, value):
    vec = jnp.full((16,), value, jnp.float32)

    def body(r, c):
        for j in range(width // 16):
            ref[r, pl.ds(j * 16, 16)] = vec
        return c

    lax.fori_loop(0, rows, body, 0)


UNROLL = 5


def _make_prop(chunks_per_tile, cols_mode, ch=CH, sl=SL, unroll=UNROLL):
    mesh = plsc.VectorSubcoreMesh(core_axis_name="c", subcore_axis_name="s")
    nstrip = chunks_per_tile // sl
    ngrp = sl // unroll

    @functools.partial(
        pl.kernel,
        out_type=jax.ShapeDtypeStruct((NC, N, DH), jnp.float32),
        mesh=mesh,
        scratch_types=(
            [pltpu.VMEM((sl, ch), jnp.int32)] * 4
            + [pltpu.VMEM((ch, DH), jnp.float32)] * unroll
            + [pltpu.SemaphoreType.DMA] * (2 * unroll + 2)
            + [pltpu.VMEM_SHARED((N, DH), jnp.float32)]
        ),
    )
    def prop(y_hbm, src_hbm, dst_hbm, out_hbm, *s):
        src_vs, dst_vs = s[0:2], s[2:4]
        bufs = s[4:4 + unroll]
        gsem = s[4 + unroll:4 + 2 * unroll]
        ssem = s[4 + 2 * unroll:4 + 3 * unroll]
        isem = s[4 + 3 * unroll:6 + 3 * unroll]
        acc_sh = s[6 + 3 * unroll]
        cid = lax.axis_index("c")
        sid = lax.axis_index("s")
        row = sid if cols_mode else sid * NC + cid
        i0 = [pltpu.async_copy(src_hbm.at[row, 0], src_vs[0], isem[0]),
              pltpu.async_copy(dst_hbm.at[row, 0], dst_vs[0], isem[1])]
        _fill_const(bufs[0], ch, DH, 0.0)
        _block_loop(sid, lambda r: pltpu.sync_copy(
            bufs[0], acc_sh.at[pl.ds(r, ch)]), ch)
        i0[0].wait()
        i0[1].wait()
        plsc.subcore_barrier()
        ysrc = y_hbm.at[cid] if cols_mode else y_hbm

        def drain(k, dst_v):
            pltpu.make_async_copy(bufs[k], acc_sh.at[dst_v.at[0]],
                                  ssem[k]).wait()

        def idx_wait(p):
            pltpu.make_async_copy(src_hbm.at[row, 0], src_vs[p],
                                  isem[0]).wait()
            pltpu.make_async_copy(dst_hbm.at[row, 0], dst_vs[p],
                                  isem[1]).wait()

        def do_strip(st, p):
            src_v, dst_v = src_vs[p], dst_vs[p]

            @pl.when(st > 0)
            def _():
                idx_wait(p)

            def group(g, c2):
                j0 = g * unroll

                cps = []
                for k in range(unroll):
                    @pl.when((g > 0) | (st > 0))
                    def _(k=k):
                        drain(k, dst_v)

                    cps.append(pltpu.async_copy(ysrc.at[src_v.at[j0 + k]],
                                                bufs[k], gsem[k]))

                @pl.when((g == 0) & (st + 1 < nstrip))
                def _():
                    pltpu.async_copy(src_hbm.at[row, st + 1], src_vs[1 - p],
                                     isem[0])
                    pltpu.async_copy(dst_hbm.at[row, st + 1], dst_vs[1 - p],
                                     isem[1])

                for k in range(unroll):
                    cps[k].wait()
                    pltpu.async_copy(bufs[k], acc_sh.at[dst_v.at[j0 + k]],
                                     ssem[k], add=True)
                return c2

            lax.fori_loop(0, ngrp, group, 0)

        def strip_pair(i, c):
            do_strip(2 * i, 0)
            do_strip(2 * i + 1, 1)
            return c

        lax.fori_loop(0, nstrip // 2, strip_pair, 0)
        for k in range(unroll):
            drain(k, dst_vs[1])
        plsc.subcore_barrier()
        _block_loop(sid, lambda r: pltpu.sync_copy(
            acc_sh.at[pl.ds(r, ZB)], out_hbm.at[cid, pl.ds(r, ZB)]))

    return prop


def _make_degree():
    mesh = plsc.VectorSubcoreMesh(core_axis_name="c", subcore_axis_name="s")
    dch, dsl = 80, 25
    chunks_per_tile = E // NW // dch
    nstrip = chunks_per_tile // dsl
    ngrp = dsl // UNROLL

    @functools.partial(
        pl.kernel,
        out_type=jax.ShapeDtypeStruct((NC, N, DH), jnp.float32),
        mesh=mesh,
        scratch_types=(
            [pltpu.VMEM((dsl, dch), jnp.int32),
             pltpu.VMEM((dch, DH), jnp.float32),
             pltpu.VMEM((ZB, DH), jnp.float32)]
            + [pltpu.SemaphoreType.DMA] * UNROLL
            + [pltpu.VMEM_SHARED((N, DH), jnp.float32)]
        ),
    )
    def deg(dst_hbm, out_hbm, *s):
        dst_v, ones_v, zero_v = s[0], s[1], s[2]
        ssem = s[3:3 + UNROLL]
        acc_sh = s[3 + UNROLL]
        cid = lax.axis_index("c")
        sid = lax.axis_index("s")
        wid = sid * NC + cid
        _fill_const(ones_v, dch, DH, 1.0)
        _fill_const(zero_v, ZB, DH, 0.0)
        _block_loop(sid, lambda r: pltpu.sync_copy(
            zero_v, acc_sh.at[pl.ds(r, ZB)]))
        plsc.subcore_barrier()

        def drain(k):
            pltpu.make_async_copy(ones_v, acc_sh.at[dst_v.at[0]],
                                  ssem[k]).wait()

        def strip(st, c):
            @pl.when(st > 0)
            def _():
                for k in range(UNROLL):
                    drain(k)

            pltpu.sync_copy(dst_hbm.at[wid, st], dst_v)

            def group(g, c2):
                j0 = g * UNROLL

                for k in range(UNROLL):
                    @pl.when(g > 0)
                    def _(k=k):
                        drain(k)

                    pltpu.async_copy(ones_v, acc_sh.at[dst_v.at[j0 + k]],
                                     ssem[k], add=True)
                return c2

            lax.fori_loop(0, ngrp, group, 0)
            return c

        lax.fori_loop(0, nstrip, strip, 0)
        for k in range(UNROLL):
            drain(k)
        plsc.subcore_barrier()
        _block_loop(sid, lambda r: pltpu.sync_copy(
            acc_sh.at[pl.ds(r, ZB)], out_hbm.at[cid, pl.ds(r, ZB)]))

    return deg



_BR = 2000
_NBLK = N // _BR


def _xw_body(x, W1, xwh):
    xw = jnp.dot(x[...], W1[...], preferred_element_type=jnp.float32)
    xwh[0] = xw[:, :DH]
    xwh[1] = xw[:, DH:]


def _scale_body(degp, xwh, y1h, dinv_ref):
    d = degp[0, :, 0:1] + degp[1, :, 0:1] + 1.0
    di = lax.rsqrt(d)
    y1h[0] = xwh[0] * di
    y1h[1] = xwh[1] * di
    dinv_ref[...] = di


def _conv_body(z1, y1h, dinv, b1, W2p, y2_ref):
    o1 = jnp.concatenate([z1[0] + y1h[0], z1[1] + y1h[1]], axis=1)
    h1 = jnp.maximum(o1 * dinv[...] + b1[...], 0.0)
    q = jnp.dot(h1, W2p[...], preferred_element_type=jnp.float32)
    y2_ref[...] = q * dinv[...]


def _pooltail_body(zp2, y2, dinv, b2, bi, h3p, Wg, W2, b2l, W3, b3, HW1,
                   hb1, HW2bd, hb2, out, g_acc):
    i = pl.program_id(0)

    @pl.when(i < _NBLK)
    def _():
        h2 = (zp2[0] + zp2[1] + y2[...]) * dinv[...] + b2[...]
        seg = bi[0, 0, :][None, :]
        onehot = (lax.broadcasted_iota(jnp.int32, (G, _BR), 0) == seg)
        contrib = jnp.dot(onehot.astype(jnp.float32), h2,
                          preferred_element_type=jnp.float32,
                          precision=lax.Precision.HIGHEST)

        @pl.when(i == 0)
        def _():
            g_acc[...] = contrib

        @pl.when(i > 0)
        def _():
            g_acc[...] = g_acc[...] + contrib

    @pl.when(i == _NBLK)
    def _():
        h3 = jnp.maximum(
            jnp.dot(g_acc[...], Wg[...], preferred_element_type=jnp.float32)
            + h3p[...], 0.0)
        h4 = jnp.maximum(
            jnp.dot(h3, W2[...], preferred_element_type=jnp.float32)
            + b2l[...], 0.0)
        h5 = jnp.maximum(
            jnp.dot(h4, W3[...], preferred_element_type=jnp.float32)
            + b3[...], 0.0)
        t = jnp.maximum(
            jnp.dot(h5, HW1[...], preferred_element_type=jnp.float32)
            + hb1[...], 0.0)
        out[...] = (jnp.dot(t, HW2bd[...], preferred_element_type=jnp.float32)
                    + hb2[...])


def _lin1pre_body(sv, fp, Ws, Wf, b1, h3p):
    acc = jnp.dot(sv[...], Ws[...], preferred_element_type=jnp.float32)
    acc = acc + jnp.dot(fp[...], Wf[...], preferred_element_type=jnp.float32)
    h3p[...] = acc + b1[...]


def _full(shape):
    return pl.BlockSpec(shape, lambda i: tuple(0 for _ in shape))


def kernel(x, edge_index, edge_attr, batch_index, solvent_descriptors,
           mol_fingerprints, num_graphs, conv1_W, conv1_b, conv2_W, conv2_b,
           lin1_W, lin1_b, lin2_W, lin2_b, lin3_W, lin3_b,
           head_W1, head_b1, head_W2, head_b2):
    src = edge_index[0]
    dst = edge_index[1]
    nblk = N // _BR

    xwh = pl.pallas_call(
        _xw_body,
        grid=(nblk,),
        in_specs=[
            pl.BlockSpec((_BR, 131), lambda i: (i, 0)),
            _full((131, 256)),
        ],
        out_specs=pl.BlockSpec((NC, _BR, DH), lambda i: (0, i, 0)),
        out_shape=jax.ShapeDtypeStruct((NC, N, DH), jnp.float32),
    )(x, conv1_W)

    Ws = lin1_W[64:75]
    Wf = lin1_W[75:]
    CB = 1024
    h3p = pl.pallas_call(
        _lin1pre_body,
        grid=(4096 // CB,),
        in_specs=[
            _full((G, 11)),
            _full((G, 2065)),
            pl.BlockSpec((11, CB), lambda i: (0, i)),
            pl.BlockSpec((2065, CB), lambda i: (0, i)),
            pl.BlockSpec((1, CB), lambda i: (0, i)),
        ],
        out_specs=pl.BlockSpec((G, CB), lambda i: (0, i)),
        out_shape=jax.ShapeDtypeStruct((G, 4096), jnp.float32),
    )(solvent_descriptors, mol_fingerprints, Ws, Wf, lin1_b.reshape(1, 4096))

    degp = _make_degree()(dst.reshape(NW, 5, 25, 80))

    y1h, dinv = pl.pallas_call(
        _scale_body,
        grid=(nblk,),
        in_specs=[
            pl.BlockSpec((NC, _BR, DH), lambda i: (0, i, 0)),
            pl.BlockSpec((NC, _BR, DH), lambda i: (0, i, 0)),
        ],
        out_specs=[
            pl.BlockSpec((NC, _BR, DH), lambda i: (0, i, 0)),
            pl.BlockSpec((_BR, 1), lambda i: (i, 0)),
        ],
        out_shape=[
            jax.ShapeDtypeStruct((NC, N, DH), jnp.float32),
            jax.ShapeDtypeStruct((N, 1), jnp.float32),
        ],
    )(degp, xwh)

    ch1, sl1, u1 = CH, 25, UNROLL
    cpt_c = E // NS // ch1
    srcc = src.reshape(NS, cpt_c // sl1, sl1, ch1)
    dstc = dst.reshape(NS, cpt_c // sl1, sl1, ch1)
    z1 = _make_prop(cpt_c, True, ch1, sl1, u1)(y1h, srcc, dstc)

    W2p = jnp.pad(conv2_W, ((0, 0), (0, DH - conv2_W.shape[1])))
    b1r = conv1_b.reshape(1, 256)
    y2 = pl.pallas_call(
        _conv_body,
        grid=(nblk,),
        in_specs=[
            pl.BlockSpec((NC, _BR, DH), lambda i: (0, i, 0)),
            pl.BlockSpec((NC, _BR, DH), lambda i: (0, i, 0)),
            pl.BlockSpec((_BR, 1), lambda i: (i, 0)),
            _full((1, 256)),
            _full((256, DH)),
        ],
        out_specs=pl.BlockSpec((_BR, DH), lambda i: (i, 0)),
        out_shape=jax.ShapeDtypeStruct((N, DH), jnp.float32),
    )(z1, y1h, dinv, b1r, W2p)

    ch2, sl2, u2 = CH, 25, UNROLL
    cpt_e = E // NW // ch2
    srce = src.reshape(NW, cpt_e // sl2, sl2, ch2)
    dste = dst.reshape(NW, cpt_e // sl2, sl2, ch2)
    z2 = _make_prop(cpt_e, False, ch2, sl2, u2)(y2, srce, dste)

    bi3 = batch_index.reshape(nblk, 1, _BR)
    b2p = jnp.pad(conv2_b, (0, DH - conv2_b.shape[0])).reshape(1, DH)
    Wg = jnp.pad(lin1_W[:64], ((0, DH - 64), (0, 0)))
    HW1 = jnp.transpose(head_W1, (1, 0, 2)).reshape(128, 192)
    hb1 = head_b1.reshape(1, 192)
    HW2bd = jnp.zeros((192, 8), jnp.float32)
    for i in range(6):
        HW2bd = HW2bd.at[i * 32:(i + 1) * 32, i].set(head_W2[i, :, 0])
    hb2 = jnp.pad(head_b2.reshape(1, 6), ((0, 0), (0, 2)))

    def _cap(i):
        return jnp.minimum(i, _NBLK - 1)

    outp = pl.pallas_call(
        _pooltail_body,
        grid=(nblk + 1,),
        in_specs=[
            pl.BlockSpec((NC, _BR, DH), lambda i: (0, _cap(i), 0)),
            pl.BlockSpec((_BR, DH), lambda i: (_cap(i), 0)),
            pl.BlockSpec((_BR, 1), lambda i: (_cap(i), 0)),
            _full((1, DH)),
            pl.BlockSpec((1, 1, _BR), lambda i: (_cap(i), 0, 0)),
            _full((G, 4096)),
            _full((DH, 4096)),
            _full((4096, 512)),
            _full((1, 512)),
            _full((512, 128)),
            _full((1, 128)),
            _full((128, 192)),
            _full((1, 192)),
            _full((192, 8)),
            _full((1, 8)),
        ],
        out_specs=pl.BlockSpec((G, 8), lambda i: (0, 0)),
        out_shape=jax.ShapeDtypeStruct((G, 8), jnp.float32),
        scratch_shapes=[pltpu.VMEM((G, DH), jnp.float32)],
    )(z2, y2, dinv, b2p, bi3, h3p, Wg, lin2_W, lin2_b.reshape(1, 512),
      lin3_W, lin3_b.reshape(1, 128), HW1, hb1, HW2bd, hb2)
    return outp[:, :6]

# --- scband reference (transcript-rebuilt; emitter-appended) ---
"""Pipeline reference for scband-mt-fin-gcn-90305982366367 (READ-ONLY COPY).

The authoritative reference and input builder live on the scoring server;
editing this copy changes nothing except your own understanding.
"""

import jax, jax.numpy as jnp
import numpy as np

N_NODES = 10000
N_EDGES = 320000
NUM_GRAPHS = 256


def gcn_conv(x, edge_index, W, b):
    n = x.shape[0]
    xw = x @ W
    loop = jnp.arange(n, dtype=edge_index.dtype)
    src = jnp.concatenate([edge_index[0], loop])
    dst = jnp.concatenate([edge_index[1], loop])
    deg = jnp.zeros((n,), xw.dtype).at[dst].add(1.0)
    dinv = jnp.where(deg > 0, 1.0 / jnp.sqrt(deg), 0.0)
    norm = dinv[src] * dinv[dst]
    msg = xw[src] * norm[:, None]
    out = jnp.zeros_like(xw).at[dst].add(msg)
    return out + b


def setup_inputs(seed: int = 0) -> dict:
    key = jax.random.key(seed)
    ks = jax.random.split(key, 32)
    inp = {}
    inp['x'] = jax.random.normal(ks[0], (N_NODES, 131), dtype=jnp.float32)
    inp['edge_index'] = jax.random.randint(ks[1], (2, N_EDGES), 0, N_NODES, dtype=jnp.int32)
    inp['edge_attr'] = jax.random.normal(ks[2], (N_EDGES, 4), dtype=jnp.float32)
    inp['batch_index'] = jnp.sort(jax.random.randint(ks[3], (N_NODES,), 0, NUM_GRAPHS, dtype=jnp.int32))
    inp['solvent_descriptors'] = jax.random.normal(ks[4], (NUM_GRAPHS, 11), dtype=jnp.float32)
    inp['mol_fingerprints'] = jax.random.uniform(ks[5], (NUM_GRAPHS, 2065), dtype=jnp.float32)
    inp['num_graphs'] = NUM_GRAPHS
    inp['conv1_W'] = jax.random.normal(ks[6], (131, 256), dtype=jnp.float32) / np.sqrt(131.0)
    inp['conv1_b'] = jnp.zeros((256,), dtype=jnp.float32)
    inp['conv2_W'] = jax.random.normal(ks[7], (256, 64), dtype=jnp.float32) / np.sqrt(256.0)
    inp['conv2_b'] = jnp.zeros((64,), dtype=jnp.float32)
    inp['lin1_W'] = jax.random.normal(ks[8], (2140, 4096), dtype=jnp.float32) / np.sqrt(2140.0)
    inp['lin1_b'] = jnp.zeros((4096,), dtype=jnp.float32)
    inp['lin2_W'] = jax.random.normal(ks[9], (4096, 512), dtype=jnp.float32) / np.sqrt(4096.0)
    inp['lin2_b'] = jnp.zeros((512,), dtype=jnp.float32)
    inp['lin3_W'] = jax.random.normal(ks[10], (512, 128), dtype=jnp.float32) / np.sqrt(512.0)
    inp['lin3_b'] = jnp.zeros((128,), dtype=jnp.float32)
    inp['head_W1'] = jax.random.normal(ks[11], (6, 128, 32), dtype=jnp.float32) / np.sqrt(128.0)
    inp['head_b1'] = jnp.zeros((6, 32), dtype=jnp.float32)
    inp['head_W2'] = jax.random.normal(ks[12], (6, 32, 1), dtype=jnp.float32) / np.sqrt(32.0)
    inp['head_b2'] = jnp.zeros((6, 1), dtype=jnp.float32)
    return inp


def reference(x, edge_index, edge_attr, batch_index, solvent_descriptors, mol_fingerprints, num_graphs,
              conv1_W, conv1_b, conv2_W, conv2_b, lin1_W, lin1_b, lin2_W, lin2_b, lin3_W, lin3_b,
              head_W1, head_b1, head_W2, head_b2):
    n_g = solvent_descriptors.shape[0]
    h = jax.nn.relu(gcn_conv(x, edge_index, conv1_W, conv1_b))
    h = gcn_conv(h, edge_index, conv2_W, conv2_b)
    g = jax.ops.segment_sum(h, batch_index, num_segments=n_g)
    g = g + (jnp.asarray(num_graphs) - n_g).astype(g.dtype) * jnp.zeros_like(g)
    feat = jnp.concatenate([g,
                            solvent_descriptors.reshape(n_g, 11),
                            mol_fingerprints.reshape(n_g, 2065)], axis=1)
    h = jax.nn.relu(feat @ lin1_W + lin1_b)
    h = jax.nn.relu(h @ lin2_W + lin2_b)
    h = jax.nn.relu(h @ lin3_W + lin3_b)
    outs = []
    for i in range(6):
        t = jax.nn.relu(h @ head_W1[i] + head_b1[i])
        outs.append(t @ head_W2[i] + head_b2[i])
    return jnp.concatenate(outs, axis=1)

if __name__ == "__main__":
    import jax
    _d = setup_inputs()
    print(jax.jit(kernel)(*tuple(_d.values())))

</pallas_src>

<mosaic_0001>
#map = affine_map<(d0, d1) -> (0, 0, 0, 0)>
#map1 = affine_map<(d0, d1) -> (0, 0, 0)>
module attributes {stable_mosaic.version = 14 : i64} {
  func.func @deg(%arg0: i32, %arg1: i32, %arg2: memref<32x5x25x80xi32, #tpu.memory_space<hbm>>, %arg3: memref<2x10000x128xf32, #tpu.memory_space<hbm>>, %arg4: memref<25x80xi32, #tpu.memory_space<vmem>>, %arg5: memref<80x128xf32, #tpu.memory_space<vmem>>, %arg6: memref<80x128xf32, #tpu.memory_space<vmem>>, %arg7: memref<!tpu.dma_semaphore, #tpu.memory_space<semaphore_mem>>, %arg8: memref<!tpu.dma_semaphore, #tpu.memory_space<semaphore_mem>>, %arg9: memref<!tpu.dma_semaphore, #tpu.memory_space<semaphore_mem>>, %arg10: memref<!tpu.dma_semaphore, #tpu.memory_space<semaphore_mem>>, %arg11: memref<!tpu.dma_semaphore, #tpu.memory_space<semaphore_mem>>, %arg12: memref<10000x128xf32, #tpu.memory_space<vmem_shared>>) attributes {dimension_semantics = [#tpu.dimension_semantics<core_parallel>, #tpu.dimension_semantics<subcore_parallel>], iteration_bounds = array<i64: 2, 16>, scalar_prefetch = 0 : i64, scratch_operands = 9 : i64, tpu.core_type = #tpu.core_type<sc_vector_subcore>, window_params = [{transform_indices = #map}, {transform_indices = #map1}]} {
    %mul3A = arith.constant 2 : i32
    %mul3A_0 = arith.muli %arg1, %mul3A : i32
    %add3A = arith.addi %mul3A_0, %arg0 : i32
    %broadcast_in_dim3A = arith.constant 1.000000e+00 : f32
    %broadcast_in_dim3A_1 = vector.broadcast %broadcast_in_dim3A : f32 to vector<16xf32>
    %scan3A = arith.constant 0 : i32
    %scan3A_2 = arith.constant 0 : i32
    %scan3A_3 = arith.constant 80 : i32
    %scan3A_4 = arith.addi %scan3A_2, %scan3A_3 : i32
    %scan3A_5 = arith.constant 1 : i32
    scf.for %scan3A_68 = %scan3A_2 to %scan3A_4 step %scan3A_5  : i32 {
      %swap3A = arith.index_cast %scan3A_68 : i32 to index
      %swap3A_69 = arith.constant 0 : index
      %swap3A_70 = tpu.vector_load %arg5[%swap3A, %swap3A_69] {strides = array<i32>} : memref<80x128xf32, #tpu.memory_space<vmem>>, vector<1x16xf32>,
      %swap3A_71 = vector.shape_cast %swap3A_70 : vector<1x16xf32> to vector<16xf32>
      %swap3A_72 = vector.shape_cast %broadcast_in_dim3A_1 : vector<16xf32> to vector<1x16xf32>
      tpu.vector_store %arg5[%swap3A, %swap3A_69], %swap3A_72 {strides = array<i32>} : memref<80x128xf32, #tpu.memory_space<vmem>>, vector<1x16xf32>,
      %swap3A_73 = arith.index_cast %scan3A_68 : i32 to index
      %swap3A_74 = arith.constant 16 : index
      %swap3A_75 = tpu.vector_load %arg5[%swap3A_73, %swap3A_74] {strides = array<i32>} : memref<80x128xf32, #tpu.memory_space<vmem>>, vector<1x16xf32>,
      %swap3A_76 = vector.shape_cast %swap3A_75 : vector<1x16xf32> to vector<16xf32>
      %swap3A_77 = vector.shape_cast %broadcast_in_dim3A_1 : vector<16xf32> to vector<1x16xf32>
      tpu.vector_store %arg5[%swap3A_73, %swap3A_74], %swap3A_77 {strides = array<i32>} : memref<80x128xf32, #tpu.memory_space<vmem>>, vector<1x16xf32>,
      %swap3A_78 = arith.index_cast %scan3A_68 : i32 to index
      %swap3A_79 = arith.constant 32 : index
      %swap3A_80 = tpu.vector_load %arg5[%swap3A_78, %swap3A_79] {strides = array<i32>} : memref<80x128xf32, #tpu.memory_space<vmem>>, vector<1x16xf32>,
      %swap3A_81 = vector.shape_cast %swap3A_80 : vector<1x16xf32> to vector<16xf32>
      %swap3A_82 = vector.shape_cast %broadcast_in_dim3A_1 : vector<16xf32> to vector<1x16xf32>
      tpu.vector_store %arg5[%swap3A_78, %swap3A_79], %swap3A_82 {strides = array<i32>} : memref<80x128xf32, #tpu.memory_space<vmem>>, vector<1x16xf32>,
      %swap3A_83 = arith.index_cast %scan3A_68 : i32 to index
      %swap3A_84 = arith.constant 48 : index
      %swap3A_85 = tpu.vector_load %arg5[%swap3A_83, %swap3A_84] {strides = array<i32>} : memref<80x128xf32, #tpu.memory_space<vmem>>, vector<1x16xf32>,
      %swap3A_86 = vector.shape_cast %swap3A_85 : vector<1x16xf32> to vector<16xf32>
      %swap3A_87 = vector.shape_cast %broadcast_in_dim3A_1 : vector<16xf32> to vector<1x16xf32>
      tpu.vector_store %arg5[%swap3A_83, %swap3A_84], %swap3A_87 {strides = array<i32>} : memref<80x128xf32, #tpu.memory_space<vmem>>, vector<1x16xf32>,
      %swap3A_88 = arith.index_cast %scan3A_68 : i32 to index
      %swap3A_89 = arith.constant 64 : index
      %swap3A_90 = tpu.vector_load %arg5[%swap3A_88, %swap3A_89] {strides = array<i32>} : memref<80x128xf32, #tpu.memory_space<vmem>>, vector<1x16xf32>,
      %swap3A_91 = vector.shape_cast %swap3A_90 : vector<1x16xf32> to vector<16xf32>
      %swap3A_92 = vector.shape_cast %broadcast_in_dim3A_1 : vector<16xf32> to vector<1x16xf32>
      tpu.vector_store %arg5[%swap3A_88, %swap3A_89], %swap3A_92 {strides = array<i32>} : memref<80x128xf32, #tpu.memory_space<vmem>>, vector<1x16xf32>,
      %swap3A_93 = arith.index_cast %scan3A_68 : i32 to index
      %swap3A_94 = arith.constant 80 : index
      %swap3A_95 = tpu.vector_load %arg5[%swap3A_93, %swap3A_94] {strides = array<i32>} : memref<80x128xf32, #tpu.memory_space<vmem>>, vector<1x16xf32>,
      %swap3A_96 = vector.shape_cast %swap3A_95 : vector<1x16xf32> to vector<16xf32>
      %swap3A_97 = vector.shape_cast %broadcast_in_dim3A_1 : vector<16xf32> to vector<1x16xf32>
      tpu.vector_store %arg5[%swap3A_93, %swap3A_94], %swap3A_97 {strides = array<i32>} : memref<80x128xf32, #tpu.memory_space<vmem>>, vector<1x16xf32>,
      %swap3A_98 = arith.index_cast %scan3A_68 : i32 to index
      %swap3A_99 = arith.constant 96 : index
      %swap3A_100 = tpu.vector_load %arg5[%swap3A_98, %swap3A_99] {strides = array<i32>} : memref<80x128xf32, #tpu.memory_space<vmem>>, vector<1x16xf32>,
      %swap3A_101 = vector.shape_cast %swap3A_100 : vector<1x16xf32> to vector<16xf32>
      %swap3A_102 = vector.shape_cast %broadcast_in_dim3A_1 : vector<16xf32> to vector<1x16xf32>
      tpu.vector_store %arg5[%swap3A_98, %swap3A_99], %swap3A_102 {strides = array<i32>} : memref<80x128xf32, #tpu.memory_space<vmem>>, vector<1x16xf32>,
      %swap3A_103 = arith.index_cast %scan3A_68 : i32 to index
      %swap3A_104 = arith.constant 112 : index
      %swap3A_105 = tpu.vector_load %arg5[%swap3A_103, %swap3A_104] {strides = array<i32>} : memref<80x128xf32, #tpu.memory_space<vmem>>, vector<1x16xf32>,
      %swap3A_106 = vector.shape_cast %swap3A_105 : vector<1x16xf32> to vector<16xf32>
      %swap3A_107 = vector.shape_cast %broadcast_in_dim3A_1 : vector<16xf32> to vector<1x16xf32>
      tpu.vector_store %arg5[%swap3A_103, %swap3A_104], %swap3A_107 {strides = array<i32>} : memref<80x128xf32, #tpu.memory_space<vmem>>, vector<1x16xf32>,
    }
    %scan3A_6 = arith.constant 80 : i32
    %broadcast_in_dim3A_7 = arith.constant 0.000000e+00 : f32
    %broadcast_in_dim3A_8 = vector.broadcast %broadcast_in_dim3A_7 : f32 to vector<16xf32>
    %scan3A_9 = arith.constant 0 : i32
    %scan3A_10 = arith.constant 0 : i32
    %scan3A_11 = arith.constant 80 : i32
    %scan3A_12 = arith.addi %scan3A_10, %scan3A_11 : i32
    %scan3A_13 = arith.constant 1 : i32
    scf.for %scan3A_68 = %scan3A_10 to %scan3A_12 step %scan3A_13  : i32 {
      %swap3A = arith.index_cast %scan3A_68 : i32 to index
      %swap3A_69 = arith.constant 0 : index
      %swap3A_70 = tpu.vector_load %arg6[%swap3A, %swap3A_69] {strides = array<i32>} : memref<80x128xf32, #tpu.memory_space<vmem>>, vector<1x16xf32>,
      %swap3A_71 = vector.shape_cast %swap3A_70 : vector<1x16xf32> to vector<16xf32>
      %swap3A_72 = vector.shape_cast %broadcast_in_dim3A_8 : vector<16xf32> to vector<1x16xf32>
      tpu.vector_store %arg6[%swap3A, %swap3A_69], %swap3A_72 {strides = array<i32>} : memref<80x128xf32, #tpu.memory_space<vmem>>, vector<1x16xf32>,
      %swap3A_73 = arith.index_cast %scan3A_68 : i32 to index
      %swap3A_74 = arith.constant 16 : index
      %swap3A_75 = tpu.vector_load %arg6[%swap3A_73, %swap3A_74] {strides = array<i32>} : memref<80x128xf32, #tpu.memory_space<vmem>>, vector<1x16xf32>,
      %swap3A_76 = vector.shape_cast %swap3A_75 : vector<1x16xf32> to vector<16xf32>
      %swap3A_77 = vector.shape_cast %broadcast_in_dim3A_8 : vector<16xf32> to vector<1x16xf32>
      tpu.vector_store %arg6[%swap3A_73, %swap3A_74], %swap3A_77 {strides = array<i32>} : memref<80x128xf32, #tpu.memory_space<vmem>>, vector<1x16xf32>,
      %swap3A_78 = arith.index_cast %scan3A_68 : i32 to index
      %swap3A_79 = arith.constant 32 : index
      %swap3A_80 = tpu.vector_load %arg6[%swap3A_78, %swap3A_79] {strides = array<i32>} : memref<80x128xf32, #tpu.memory_space<vmem>>, vector<1x16xf32>,
      %swap3A_81 = vector.shape_cast %swap3A_80 : vector<1x16xf32> to vector<16xf32>
      %swap3A_82 = vector.shape_cast %broadcast_in_dim3A_8 : vector<16xf32> to vector<1x16xf32>
      tpu.vector_store %arg6[%swap3A_78, %swap3A_79], %swap3A_82 {strides = array<i32>} : memref<80x128xf32, #tpu.memory_space<vmem>>, vector<1x16xf32>,
      %swap3A_83 = arith.index_cast %scan3A_68 : i32 to index
      %swap3A_84 = arith.constant 48 : index
      %swap3A_85 = tpu.vector_load %arg6[%swap3A_83, %swap3A_84] {strides = array<i32>} : memref<80x128xf32, #tpu.memory_space<vmem>>, vector<1x16xf32>,
      %swap3A_86 = vector.shape_cast %swap3A_85 : vector<1x16xf32> to vector<16xf32>
      %swap3A_87 = vector.shape_cast %broadcast_in_dim3A_8 : vector<16xf32> to vector<1x16xf32>
      tpu.vector_store %arg6[%swap3A_83, %swap3A_84], %swap3A_87 {strides = array<i32>} : memref<80x128xf32, #tpu.memory_space<vmem>>, vector<1x16xf32>,
      %swap3A_88 = arith.index_cast %scan3A_68 : i32 to index
      %swap3A_89 = arith.constant 64 : index
      %swap3A_90 = tpu.vector_load %arg6[%swap3A_88, %swap3A_89] {strides = array<i32>} : memref<80x128xf32, #tpu.memory_space<vmem>>, vector<1x16xf32>,
      %swap3A_91 = vector.shape_cast %swap3A_90 : vector<1x16xf32> to vector<16xf32>
      %swap3A_92 = vector.shape_cast %broadcast_in_dim3A_8 : vector<16xf32> to vector<1x16xf32>
      tpu.vector_store %arg6[%swap3A_88, %swap3A_89], %swap3A_92 {strides = array<i32>} : memref<80x128xf32, #tpu.memory_space<vmem>>, vector<1x16xf32>,
      %swap3A_93 = arith.index_cast %scan3A_68 : i32 to index
      %swap3A_94 = arith.constant 80 : index
      %swap3A_95 = tpu.vector_load %arg6[%swap3A_93, %swap3A_94] {strides = array<i32>} : memref<80x128xf32, #tpu.memory_space<vmem>>, vector<1x16xf32>,
      %swap3A_96 = vector.shape_cast %swap3A_95 : vector<1x16xf32> to vector<16xf32>
      %swap3A_97 = vector.shape_cast %broadcast_in_dim3A_8 : vector<16xf32> to vector<1x16xf32>
      tpu.vector_store %arg6[%swap3A_93, %swap3A_94], %swap3A_97 {strides = array<i32>} : memref<80x128xf32, #tpu.memory_space<vmem>>, vector<1x16xf32>,
      %swap3A_98 = arith.index_cast %scan3A_68 : i32 to index
      %swap3A_99 = arith.constant 96 : index
      %swap3A_100 = tpu.vector_load %arg6[%swap3A_98, %swap3A_99] {strides = array<i32>} : memref<80x128xf32, #tpu.memory_space<vmem>>, vector<1x16xf32>,
      %swap3A_101 = vector.shape_cast %swap3A_100 : vector<1x16xf32> to vector<16xf32>
      %swap3A_102 = vector.shape_cast %broadcast_in_dim3A_8 : vector<16xf32> to vector<1x16xf32>
      tpu.vector_store %arg6[%swap3A_98, %swap3A_99], %swap3A_102 {strides = array<i32>} : memref<80x128xf32, #tpu.memory_space<vmem>>, vector<1x16xf32>,
      %swap3A_103 = arith.index_cast %scan3A_68 : i32 to index
      %swap3A_104 = arith.constant 112 : index
      %swap3A_105 = tpu.vector_load %arg6[%swap3A_103, %swap3A_104] {strides = array<i32>} : memref<80x128xf32, #tpu.memory_space<vmem>>, vector<1x16xf32>,
      %swap3A_106 = vector.shape_cast %swap3A_105 : vector<1x16xf32> to vector<16xf32>
      %swap3A_107 = vector.shape_cast %broadcast_in_dim3A_8 : vector<16xf32> to vector<1x16xf32>
      tpu.vector_store %arg6[%swap3A_103, %swap3A_104], %swap3A_107 {strides = array<i32>} : memref<80x128xf32, #tpu.memory_space<vmem>>, vector<1x16xf32>,
    }
    %scan3A_14 = arith.constant 80 : i32
    %scan3A_15 = arith.constant 0 : i32
    %scan3A_16 = arith.constant 0 : i32
    %scan3A_17 = arith.constant 8 : i32
    %scan3A_18 = arith.addi %scan3A_16, %scan3A_17 : i32
    %scan3A_19 = arith.constant 1 : i32
    scf.for %scan3A_68 = %scan3A_16 to %scan3A_18 step %scan3A_19  : i32 {
      %mul3A_69 = arith.constant 16 : i32
      %mul3A_70 = arith.muli %scan3A_68, %mul3A_69 : i32
      %add3A_71 = arith.addi %arg1, %mul3A_70 : i32
      %lt3A = arith.constant 125 : i32
      %lt3A_72 = arith.cmpi slt, %add3A_71, %lt3A : i32
      %convert_element_type3A = arith.extui %lt3A_72 : i1 to i32
      %cond3A = arith.constant 0 : i32
      %cond3A_73 = arith.cmpi ne, %convert_element_type3A, %cond3A : i32
      scf.if %cond3A_73 {
        %mul3A_74 = arith.constant 80 : i32
        %mul3A_75 = arith.muli %add3A_71, %mul3A_74 : i32
        "tpu.region"() ({
          %run_scoped3A = tpu.sem_alloc : memref<!tpu.dma_semaphore, #tpu.memory_space<semaphore_mem>>
          %dma_start3A = arith.constant 0 : i32
          %dma_start3A_76 = tpu.memref_slice %arg12[%mul3A_75, %dma_start3A] : memref<10000x128xf32, #tpu.memory_space<vmem_shared>> -> memref<80x128xf32, #tpu.memory_space<vmem_shared>>
          %dma_start3A_77 = arith.constant 0 : i32
          %dma_start3A_78 = tpu.memref_slice %arg12[%mul3A_75, %dma_start3A_77] : memref<10000x128xf32, #tpu.memory_space<vmem_shared>> -> memref<80x128xf32, #tpu.memory_space<vmem_shared>>
          tpu.enqueue_dma source(%arg6 : memref<80x128xf32, #tpu.memory_space<vmem>>) target(%dma_start3A_78 : memref<80x128xf32, #tpu.memory_space<vmem_shared>>) target_semaphore(%run_scoped3A : memref<!tpu.dma_semaphore, #tpu.memory_space<semaphore_mem>>)
          %dma_wait3A_79 = arith.constant 0 : i32
          %dma_wait3A_80 = tpu.memref_slice %arg12[%mul3A_75, %dma_wait3A_79] : memref<10000x128xf32, #tpu.memory_space<vmem_shared>> -> memref<80x128xf32, #tpu.memory_space<vmem_shared>>
          %dma_wait3A_81 = arith.constant 0 : i32
          %dma_wait3A_82 = tpu.memref_slice %arg12[%mul3A_75, %dma_wait3A_81] : memref<10000x128xf32, #tpu.memory_space<vmem_shared>> -> memref<80x128xf32, #tpu.memory_space<vmem_shared>>
          tpu.wait_dma2 semaphore(%run_scoped3A : memref<!tpu.dma_semaphore, #tpu.memory_space<semaphore_mem>>) src(%arg6 : memref<80x128xf32, #tpu.memory_space<vmem>>) dst(%dma_wait3A_82 : memref<80x128xf32, #tpu.memory_space<vmem_shared>>)
          tpu.yield
        }) : () -> ()
      } else {
      }
    }
    %scan3A_20 = arith.constant 8 : i32
    %barrier3A = arith.constant 0 : index
    tpu.barrier barrier_id(%barrier3A)
    %scan3A_21 = arith.constant 0 : i32
    %scan3A_22 = arith.constant 0 : i32
    %scan3A_23 = arith.constant 5 : i32
    %scan3A_24 = arith.addi %scan3A_22, %scan3A_23 : i32
    %scan3A_25 = arith.constant 1 : i32
    scf.for %scan3A_68 = %scan3A_22 to %scan3A_24 step %scan3A_25  : i32 {
      %gt3A = arith.constant 0 : i32
      %gt3A_69 = arith.cmpi sgt, %scan3A_68, %gt3A : i32
      %convert_element_type3A = arith.extui %gt3A_69 : i1 to i32
      %cond3A = arith.constant 0 : i32
      %cond3A_70 = arith.cmpi ne, %convert_element_type3A, %cond3A : i32
      scf.if %cond3A_70 {
        %dma_wait3A_77 = arith.constant 0 : i32
        %dma_wait3A_78 = arith.constant 0 : i32
        %dma_wait3A_79 = tpu.memref_slice %arg4[%dma_wait3A_77, %dma_wait3A_78] : memref<25x80xi32, #tpu.memory_space<vmem>> -> memref<1x80xi32, #tpu.memory_space<vmem>>
        %dma_wait3A_80 = tpu.memref_squeeze %dma_wait3A_79 : memref<1x80xi32, #tpu.memory_space<vmem>> -> memref<80xi32, #tpu.memory_space<vmem>>
        %dma_wait3A_81 = arith.constant 0 : i32
        %dma_wait3A_82 = arith.constant 0 : i32
        %dma_wait3A_83 = tpu.memref_slice %arg12[%dma_wait3A_81, %dma_wait3A_82] : memref<10000x128xf32, #tpu.memory_space<vmem_shared>> -> memref<10000x128xf32, #tpu.memory_space<vmem_shared>>
        tpu.wait_indirect_dma semaphore(%arg7 : memref<!tpu.dma_semaphore, #tpu.memory_space<semaphore_mem>>) src(%arg5 : memref<80x128xf32, #tpu.memory_space<vmem>>) dst(%dma_wait3A_83 : memref<10000x128xf32, #tpu.memory_space<vmem_shared>>)
        %dma_wait3A_84 = arith.constant 0 : i32
        %dma_wait3A_85 = arith.constant 0 : i32
        %dma_wait3A_86 = tpu.memref_slice %arg4[%dma_wait3A_84, %dma_wait3A_85] : memref<25x80xi32, #tpu.memory_space<vmem>> -> memref<1x80xi32, #tpu.memory_space<vmem>>
        %dma_wait3A_87 = tpu.memref_squeeze %dma_wait3A_86 : memref<1x80xi32, #tpu.memory_space<vmem>> -> memref<80xi32, #tpu.memory_space<vmem>>
        %dma_wait3A_88 = arith.constant 0 : i32
        %dma_wait3A_89 = arith.constant 0 : i32
        %dma_wait3A_90 = tpu.memref_slice %arg12[%dma_wait3A_88, %dma_wait3A_89] : memref<10000x128xf32, #tpu.memory_space<vmem_shared>> -> memref<10000x128xf32, #tpu.memory_space<vmem_shared>>
        tpu.wait_indirect_dma semaphore(%arg8 : memref<!tpu.dma_semaphore, #tpu.memory_space<semaphore_mem>>) src(%arg5 : memref<80x128xf32, #tpu.memory_space<vmem>>) dst(%dma_wait3A_90 : memref<10000x128xf32, #tpu.memory_space<vmem_shared>>)
        %dma_wait3A_91 = arith.constant 0 : i32
        %dma_wait3A_92 = arith.constant 0 : i32
        %dma_wait3A_93 = tpu.memref_slice %arg4[%dma_wait3A_91, %dma_wait3A_92] : memref<25x80xi32, #tpu.memory_space<vmem>> -> memref<1x80xi32, #tpu.memory_space<vmem>>
        %dma_wait3A_94 = tpu.memref_squeeze %dma_wait3A_93 : memref<1x80xi32, #tpu.memory_space<vmem>> -> memref<80xi32, #tpu.memory_space<vmem>>
        %dma_wait3A_95 = arith.constant 0 : i32
        %dma_wait3A_96 = arith.constant 0 : i32
        %dma_wait3A_97 = tpu.memref_slice %arg12[%dma_wait3A_95, %dma_wait3A_96] : memref<10000x128xf32, #tpu.memory_space<vmem_shared>> -> memref<10000x128xf32, #tpu.memory_space<vmem_shared>>
        tpu.wait_indirect_dma semaphore(%arg9 : memref<!tpu.dma_semaphore, #tpu.memory_space<semaphore_mem>>) src(%arg5 : memref<80x128xf32, #tpu.memory_space<vmem>>) dst(%dma_wait3A_97 : memref<10000x128xf32, #tpu.memory_space<vmem_shared>>)
        %dma_wait3A_98 = arith.constant 0 : i32
        %dma_wait3A_99 = arith.constant 0 : i32
        %dma_wait3A_100 = tpu.memref_slice %arg4[%dma_wait3A_98, %dma_wait3A_99] : memref<25x80xi32, #tpu.memory_space<vmem>> -> memref<1x80xi32, #tpu.memory_space<vmem>>
        %dma_wait3A_101 = tpu.memref_squeeze %dma_wait3A_100 : memref<1x80xi32, #tpu.memory_space<vmem>> -> memref<80xi32, #tpu.memory_space<vmem>>
        %dma_wait3A_102 = arith.constant 0 : i32
        %dma_wait3A_103 = arith.constant 0 : i32
        %dma_wait3A_104 = tpu.memref_slice %arg12[%dma_wait3A_102, %dma_wait3A_103] : memref<10000x128xf32, #tpu.memory_space<vmem_shared>> -> memref<10000x128xf32, #tpu.memory_space<vmem_shared>>
        tpu.wait_indirect_dma semaphore(%arg10 : memref<!tpu.dma_semaphore, #tpu.memory_space<semaphore_mem>>) src(%arg5 : memref<80x128xf32, #tpu.memory_space<vmem>>) dst(%dma_wait3A_104 : memref<10000x128xf32, #tpu.memory_space<vmem_shared>>)
        %dma_wait3A_105 = arith.constant 0 : i32
        %dma_wait3A_106 = arith.constant 0 : i32
        %dma_wait3A_107 = tpu.memref_slice %arg4[%dma_wait3A_105, %dma_wait3A_106] : memref<25x80xi32, #tpu.memory_space<vmem>> -> memref<1x80xi32, #tpu.memory_space<vmem>>
        %dma_wait3A_108 = tpu.memref_squeeze %dma_wait3A_107 : memref<1x80xi32, #tpu.memory_space<vmem>> -> memref<80xi32, #tpu.memory_space<vmem>>
        %dma_wait3A_109 = arith.constant 0 : i32
        %dma_wait3A_110 = arith.constant 0 : i32
        %dma_wait3A_111 = tpu.memref_slice %arg12[%dma_wait3A_109, %dma_wait3A_110] : memref<10000x128xf32, #tpu.memory_space<vmem_shared>> -> memref<10000x128xf32, #tpu.memory_space<vmem_shared>>
        tpu.wait_indirect_dma semaphore(%arg11 : memref<!tpu.dma_semaphore, #tpu.memory_space<semaphore_mem>>) src(%arg5 : memref<80x128xf32, #tpu.memory_space<vmem>>) dst(%dma_wait3A_111 : memref<10000x128xf32, #tpu.memory_space<vmem_shared>>)
      } else {
      }
      "tpu.region"() ({
        %run_scoped3A = tpu.sem_alloc : memref<!tpu.dma_semaphore, #tpu.memory_space<semaphore_mem>>
        %dma_start3A = arith.constant 0 : i32
        %dma_start3A_77 = arith.constant 0 : i32
        %dma_start3A_78 = tpu.memref_slice %arg2[%add3A, %scan3A_68, %dma_start3A, %dma_start3A_77] : memref<32x5x25x80xi32, #tpu.memory_space<hbm>> -> memref<1x1x25x80xi32, #tpu.memory_space<hbm>>
        %dma_start3A_79 = tpu.memref_squeeze %dma_start3A_78 : memref<1x1x25x80xi32, #tpu.memory_space<hbm>> -> memref<25x80xi32, #tpu.memory_space<hbm>>
        %dma_start3A_80 = arith.constant 0 : i32
        %dma_start3A_81 = arith.constant 0 : i32
        %dma_start3A_82 = tpu.memref_slice %arg2[%add3A, %scan3A_68, %dma_start3A_80, %dma_start3A_81] : memref<32x5x25x80xi32, #tpu.memory_space<hbm>> -> memref<1x1x25x80xi32, #tpu.memory_space<hbm>>
        %dma_start3A_83 = tpu.memref_squeeze %dma_start3A_82 : memref<1x1x25x80xi32, #tpu.memory_space<hbm>> -> memref<25x80xi32, #tpu.memory_space<hbm>>
        tpu.enqueue_dma source(%dma_start3A_83 : memref<25x80xi32, #tpu.memory_space<hbm>>) target(%arg4 : memref<25x80xi32, #tpu.memory_space<vmem>>) target_semaphore(%run_scoped3A : memref<!tpu.dma_semaphore, #tpu.memory_space<semaphore_mem>>)
        %dma_wait3A_84 = arith.constant 0 : i32
        %dma_wait3A_85 = arith.constant 0 : i32
        %dma_wait3A_86 = tpu.memref_slice %arg2[%add3A, %scan3A_68, %dma_wait3A_84, %dma_wait3A_85] : memref<32x5x25x80xi32, #tpu.memory_space<hbm>> -> memref<1x1x25x80xi32, #tpu.memory_space<hbm>>
        %dma_wait3A_87 = tpu.memref_squeeze %dma_wait3A_86 : memref<1x1x25x80xi32, #tpu.memory_space<hbm>> -> memref<25x80xi32, #tpu.memory_space<hbm>>
        %dma_wait3A_88 = arith.constant 0 : i32
        %dma_wait3A_89 = arith.constant 0 : i32
        %dma_wait3A_90 = tpu.memref_slice %arg2[%add3A, %scan3A_68, %dma_wait3A_88, %dma_wait3A_89] : memref<32x5x25x80xi32, #tpu.memory_space<hbm>> -> memref<1x1x25x80xi32, #tpu.memory_space<hbm>>
        %dma_wait3A_91 = tpu.memref_squeeze %dma_wait3A_90 : memref<1x1x25x80xi32, #tpu.memory_space<hbm>> -> memref<25x80xi32, #tpu.memory_space<hbm>>
        tpu.wait_dma2 semaphore(%run_scoped3A : memref<!tpu.dma_semaphore, #tpu.memory_space<semaphore_mem>>) src(%dma_wait3A_91 : memref<25x80xi32, #tpu.memory_space<hbm>>) dst(%arg4 : memref<25x80xi32, #tpu.memory_space<vmem>>)
        tpu.yield
      }) : () -> ()
      %scan3A_71 = arith.constant 0 : i32
      %scan3A_72 = arith.constant 0 : i32
      %scan3A_73 = arith.constant 5 : i32
      %scan3A_74 = arith.addi %scan3A_72, %scan3A_73 : i32
      %scan3A_75 = arith.constant 1 : i32
      scf.for %scan3A_77 = %scan3A_72 to %scan3A_74 step %scan3A_75  : i32 {
        %mul3A_78 = arith.constant 5 : i32
        %mul3A_79 = arith.muli %scan3A_77, %mul3A_78 : i32
        %gt3A_80 = arith.constant 0 : i32
        %gt3A_81 = arith.cmpi sgt, %scan3A_77, %gt3A_80 : i32
        %convert_element_type3A_82 = arith.extui %gt3A_81 : i1 to i32
        %cond3A_83 = arith.constant 0 : i32
        %cond3A_84 = arith.cmpi ne, %convert_element_type3A_82, %cond3A_83 : i32
        scf.if %cond3A_84 {
          %dma_wait3A_144 = arith.constant 0 : i32
          %dma_wait3A_145 = arith.constant 0 : i32
          %dma_wait3A_146 = tpu.memref_slice %arg4[%dma_wait3A_144, %dma_wait3A_145] : memref<25x80xi32, #tpu.memory_space<vmem>> -> memref<1x80xi32, #tpu.memory_space<vmem>>
          %dma_wait3A_147 = tpu.memref_squeeze %dma_wait3A_146 : memref<1x80xi32, #tpu.memory_space<vmem>> -> memref<80xi32, #tpu.memory_space<vmem>>
          %dma_wait3A_148 = arith.constant 0 : i32
          %dma_wait3A_149 = arith.constant 0 : i32
          %dma_wait3A_150 = tpu.memref_slice %arg12[%dma_wait3A_148, %dma_wait3A_149] : memref<10000x128xf32, #tpu.memory_space<vmem_shared>> -> memref<10000x128xf32, #tpu.memory_space<vmem_shared>>
          tpu.wait_indirect_dma semaphore(%arg7 : memref<!tpu.dma_semaphore, #tpu.memory_space<semaphore_mem>>) src(%arg5 : memref<80x128xf32, #tpu.memory_space<vmem>>) dst(%dma_wait3A_150 : memref<10000x128xf32, #tpu.memory_space<vmem_shared>>)
        } else {
        }
        %add3A_85 = arith.constant 0 : i32
        %add3A_86 = arith.addi %mul3A_79, %add3A_85 : i32
        %dma_start3A = arith.constant 0 : i32
        %dma_start3A_87 = tpu.memref_slice %arg4[%add3A_86, %dma_start3A] : memref<25x80xi32, #tpu.memory_space<vmem>> -> memref<1x80xi32, #tpu.memory_space<vmem>>
        %dma_start3A_88 = tpu.memref_squeeze %dma_start3A_87 : memref<1x80xi32, #tpu.memory_space<vmem>> -> memref<80xi32, #tpu.memory_space<vmem>>
        %dma_start3A_89 = arith.constant 0 : i32
        %dma_start3A_90 = arith.constant 0 : i32
        %dma_start3A_91 = tpu.memref_slice %arg12[%dma_start3A_89, %dma_start3A_90] : memref<10000x128xf32, #tpu.memory_space<vmem_shared>> -> memref<10000x128xf32, #tpu.memory_space<vmem_shared>>
        tpu.enqueue_indirect_dma source(%arg5 : memref<80x128xf32, #tpu.memory_space<vmem>>) target(%dma_start3A_91 : memref<10000x128xf32, #tpu.memory_space<vmem_shared>>) offsets(%dma_start3A_88 : memref<80xi32, #tpu.memory_space<vmem>>) semaphore(%arg7 : memref<!tpu.dma_semaphore, #tpu.memory_space<semaphore_mem>>) {add = true}
        %gt3A_92 = arith.constant 0 : i32
        %gt3A_93 = arith.cmpi sgt, %scan3A_77, %gt3A_92 : i32
        %convert_element_type3A_94 = arith.extui %gt3A_93 : i1 to i32
        %cond3A_95 = arith.constant 0 : i32
        %cond3A_96 = arith.cmpi ne, %convert_element_type3A_94, %cond3A_95 : i32
        scf.if %cond3A_96 {
          %dma_wait3A_144 = arith.constant 0 : i32
          %dma_wait3A_145 = arith.constant 0 : i32
          %dma_wait3A_146 = tpu.memref_slice %arg4[%dma_wait3A_144, %dma_wait3A_145] : memref<25x80xi32, #tpu.memory_space<vmem>> -> memref<1x80xi32, #tpu.memory_space<vmem>>
          %dma_wait3A_147 = tpu.memref_squeeze %dma_wait3A_146 : memref<1x80xi32, #tpu.memory_space<vmem>> -> memref<80xi32, #tpu.memory_space<vmem>>
          %dma_wait3A_148 = arith.constant 0 : i32
          %dma_wait3A_149 = arith.constant 0 : i32
          %dma_wait3A_150 = tpu.memref_slice %arg12[%dma_wait3A_148, %dma_wait3A_149] : memref<10000x128xf32, #tpu.memory_space<vmem_shared>> -> memref<10000x128xf32, #tpu.memory_space<vmem_shared>>
          tpu.wait_indirect_dma semaphore(%arg8 : memref<!tpu.dma_semaphore, #tpu.memory_space<semaphore_mem>>) src(%arg5 : memref<80x128xf32, #tpu.memory_space<vmem>>) dst(%dma_wait3A_150 : memref<10000x128xf32, #tpu.memory_space<vmem_shared>>)
        } else {
        }
        %add3A_97 = arith.constant 1 : i32
        %add3A_98 = arith.addi %mul3A_79, %add3A_97 : i32
        %dma_start3A_99 = arith.constant 0 : i32
        %dma_start3A_100 = tpu.memref_slice %arg4[%add3A_98, %dma_start3A_99] : memref<25x80xi32, #tpu.memory_space<vmem>> -> memref<1x80xi32, #tpu.memory_space<vmem>>
        %dma_start3A_101 = tpu.memref_squeeze %dma_start3A_100 : memref<1x80xi32, #tpu.memory_space<vmem>> -> memref<80xi32, #tpu.memory_space<vmem>>
        %dma_start3A_102 = arith.constant 0 : i32
        %dma_start3A_103 = arith.constant 0 : i32
        %dma_start3A_104 = tpu.memref_slice %arg12[%dma_start3A_102, %dma_start3A_103] : memref<10000x128xf32, #tpu.memory_space<vmem_shared>> -> memref<10000x128xf32, #tpu.memory_space<vmem_shared>>
        tpu.enqueue_indirect_dma source(%arg5 : memref<80x128xf32, #tpu.memory_space<vmem>>) target(%dma_start3A_104 : memref<10000x128xf32, #tpu.memory_space<vmem_shared>>) offsets(%dma_start3A_101 : memref<80xi32, #tpu.memory_space<vmem>>) semaphore(%arg8 : memref<!tpu.dma_semaphore, #tpu.memory_space<semaphore_mem>>) {add = true}
        %gt3A_105 = arith.constant 0 : i32
        %gt3A_106 = arith.cmpi sgt, %scan3A_77, %gt3A_105 : i32
        %convert_element_type3A_107 = arith.extui %gt3A_106 : i1 to i32
        %cond3A_108 = arith.constant 0 : i32
        %cond3A_109 = arith.cmpi ne, %convert_element_type3A_107, %cond3A_108 : i32
        scf.if %cond3A_109 {
          %dma_wait3A_144 = arith.constant 0 : i32
          %dma_wait3A_145 = arith.constant 0 : i32
          %dma_wait3A_146 = tpu.memref_slice %arg4[%dma_wait3A_144, %dma_wait3A_145] : memref<25x80xi32, #tpu.memory_space<vmem>> -> memref<1x80xi32, #tpu.memory_space<vmem>>
          %dma_wait3A_147 = tpu.memref_squeeze %dma_wait3A_146 : memref<1x80xi32, #tpu.memory_space<vmem>> -> memref<80xi32, #tpu.memory_space<vmem>>
          %dma_wait3A_148 = arith.constant 0 : i32
          %dma_wait3A_149 = arith.constant 0 : i32
          %dma_wait3A_150 = tpu.memref_slice %arg12[%dma_wait3A_148, %dma_wait3A_149] : memref<10000x128xf32, #tpu.memory_space<vmem_shared>> -> memref<10000x128xf32, #tpu.memory_space<vmem_shared>>
          tpu.wait_indirect_dma semaphore(%arg9 : memref<!tpu.dma_semaphore, #tpu.memory_space<semaphore_mem>>) src(%arg5 : memref<80x128xf32, #tpu.memory_space<vmem>>) dst(%dma_wait3A_150 : memref<10000x128xf32, #tpu.memory_space<vmem_shared>>)
        } else {
        }
        %add3A_110 = arith.constant 2 : i32
        %add3A_111 = arith.addi %mul3A_79, %add3A_110 : i32
        %dma_start3A_112 = arith.constant 0 : i32
        %dma_start3A_113 = tpu.memref_slice %arg4[%add3A_111, %dma_start3A_112] : memref<25x80xi32, #tpu.memory_space<vmem>> -> memref<1x80xi32, #tpu.memory_space<vmem>>
        %dma_start3A_114 = tpu.memref_squeeze %dma_start3A_113 : memref<1x80xi32, #tpu.memory_space<vmem>> -> memref<80xi32, #tpu.memory_space<vmem>>
        %dma_start3A_115 = arith.constant 0 : i32
        %dma_start3A_116 = arith.constant 0 : i32
        %dma_start3A_117 = tpu.memref_slice %arg12[%dma_start3A_115, %dma_start3A_116] : memref<10000x128xf32, #tpu.memory_space<vmem_shared>> -> memref<10000x128xf32, #tpu.memory_space<vmem_shared>>
        tpu.enqueue_indirect_dma source(%arg5 : memref<80x128xf32, #tpu.memory_space<vmem>>) target(%dma_start3A_117 : memref<10000x128xf32, #tpu.memory_space<vmem_shared>>) offsets(%dma_start3A_114 : memref<80xi32, #tpu.memory_space<vmem>>) semaphore(%arg9 : memref<!tpu.dma_semaphore, #tpu.memory_space<semaphore_mem>>) {add = true}
        %gt3A_118 = arith.constant 0 : i32
        %gt3A_119 = arith.cmpi sgt, %scan3A_77, %gt3A_118 : i32
        %convert_element_type3A_120 = arith.extui %gt3A_119 : i1 to i32
        %cond3A_121 = arith.constant 0 : i32
        %cond3A_122 = arith.cmpi ne, %convert_element_type3A_120, %cond3A_121 : i32
        scf.if %cond3A_122 {
          %dma_wait3A_144 = arith.constant 0 : i32
          %dma_wait3A_145 = arith.constant 0 : i32
          %dma_wait3A_146 = tpu.memref_slice %arg4[%dma_wait3A_144, %dma_wait3A_145] : memref<25x80xi32, #tpu.memory_space<vmem>> -> memref<1x80xi32, #tpu.memory_space<vmem>>
          %dma_wait3A_147 = tpu.memref_squeeze %dma_wait3A_146 : memref<1x80xi32, #tpu.memory_space<vmem>> -> memref<80xi32, #tpu.memory_space<vmem>>
          %dma_wait3A_148 = arith.constant 0 : i32
          %dma_wait3A_149 = arith.constant 0 : i32
          %dma_wait3A_150 = tpu.memref_slice %arg12[%dma_wait3A_148, %dma_wait3A_149] : memref<10000x128xf32, #tpu.memory_space<vmem_shared>> -> memref<10000x128xf32, #tpu.memory_space<vmem_shared>>
          tpu.wait_indirect_dma semaphore(%arg10 : memref<!tpu.dma_semaphore, #tpu.memory_space<semaphore_mem>>) src(%arg5 : memref<80x128xf32, #tpu.memory_space<vmem>>) dst(%dma_wait3A_150 : memref<10000x128xf32, #tpu.memory_space<vmem_shared>>)
        } else {
        }
        %add3A_123 = arith.constant 3 : i32
        %add3A_124 = arith.addi %mul3A_79, %add3A_123 : i32
        %dma_start3A_125 = arith.constant 0 : i32
        %dma_start3A_126 = tpu.memref_slice %arg4[%add3A_124, %dma_start3A_125] : memref<25x80xi32, #tpu.memory_space<vmem>> -> memref<1x80xi32, #tpu.memory_space<vmem>>
        %dma_start3A_127 = tpu.memref_squeeze %dma_start3A_126 : memref<1x80xi32, #tpu.memory_space<vmem>> -> memref<80xi32, #tpu.memory_space<vmem>>
        %dma_start3A_128 = arith.constant 0 : i32
        %dma_start3A_129 = arith.constant 0 : i32
        %dma_start3A_130 = tpu.memref_slice %arg12[%dma_start3A_128, %dma_start3A_129] : memref<10000x128xf32, #tpu.memory_space<vmem_shared>> -> memref<10000x128xf32, #tpu.memory_space<vmem_shared>>
        tpu.enqueue_indirect_dma source(%arg5 : memref<80x128xf32, #tpu.memory_space<vmem>>) target(%dma_start3A_130 : memref<10000x128xf32, #tpu.memory_space<vmem_shared>>) offsets(%dma_start3A_127 : memref<80xi32, #tpu.memory_space<vmem>>) semaphore(%arg10 : memref<!tpu.dma_semaphore, #tpu.memory_space<semaphore_mem>>) {add = true}
        %gt3A_131 = arith.constant 0 : i32
        %gt3A_132 = arith.cmpi sgt, %scan3A_77, %gt3A_131 : i32
        %convert_element_type3A_133 = arith.extui %gt3A_132 : i1 to i32
        %cond3A_134 = arith.constant 0 : i32
        %cond3A_135 = arith.cmpi ne, %convert_element_type3A_133, %cond3A_134 : i32
        scf.if %cond3A_135 {
          %dma_wait3A_144 = arith.constant 0 : i32
          %dma_wait3A_145 = arith.constant 0 : i32
          %dma_wait3A_146 = tpu.memref_slice %arg4[%dma_wait3A_144, %dma_wait3A_145] : memref<25x80xi32, #tpu.memory_space<vmem>> -> memref<1x80xi32, #tpu.memory_space<vmem>>
          %dma_wait3A_147 = tpu.memref_squeeze %dma_wait3A_146 : memref<1x80xi32, #tpu.memory_space<vmem>> -> memref<80xi32, #tpu.memory_space<vmem>>
          %dma_wait3A_148 = arith.constant 0 : i32
          %dma_wait3A_149 = arith.constant 0 : i32
          %dma_wait3A_150 = tpu.memref_slice %arg12[%dma_wait3A_148, %dma_wait3A_149] : memref<10000x128xf32, #tpu.memory_space<vmem_shared>> -> memref<10000x128xf32, #tpu.memory_space<vmem_shared>>
          tpu.wait_indirect_dma semaphore(%arg11 : memref<!tpu.dma_semaphore, #tpu.memory_space<semaphore_mem>>) src(%arg5 : memref<80x128xf32, #tpu.memory_space<vmem>>) dst(%dma_wait3A_150 : memref<10000x128xf32, #tpu.memory_space<vmem_shared>>)
        } else {
        }
        %add3A_136 = arith.constant 4 : i32
        %add3A_137 = arith.addi %mul3A_79, %add3A_136 : i32
        %dma_start3A_138 = arith.constant 0 : i32
        %dma_start3A_139 = tpu.memref_slice %arg4[%add3A_137, %dma_start3A_138] : memref<25x80xi32, #tpu.memory_space<vmem>> -> memref<1x80xi32, #tpu.memory_space<vmem>>
        %dma_start3A_140 = tpu.memref_squeeze %dma_start3A_139 : memref<1x80xi32, #tpu.memory_space<vmem>> -> memref<80xi32, #tpu.memory_space<vmem>>
        %dma_start3A_141 = arith.constant 0 : i32
        %dma_start3A_142 = arith.constant 0 : i32
        %dma_start3A_143 = tpu.memref_slice %arg12[%dma_start3A_141, %dma_start3A_142] : memref<10000x128xf32, #tpu.memory_space<vmem_shared>> -> memref<10000x128xf32, #tpu.memory_space<vmem_shared>>
        tpu.enqueue_indirect_dma source(%arg5 : memref<80x128xf32, #tpu.memory_space<vmem>>) target(%dma_start3A_143 : memref<10000x128xf32, #tpu.memory_space<vmem_shared>>) offsets(%dma_start3A_140 : memref<80xi32, #tpu.memory_space<vmem>>) semaphore(%arg11 : memref<!tpu.dma_semaphore, #tpu.memory_space<semaphore_mem>>) {add = true}
      }
      %scan3A_76 = arith.constant 5 : i32
    }
    %scan3A_26 = arith.constant 5 : i32
    %dma_wait3A = arith.constant 0 : i32
    %dma_wait3A_27 = arith.constant 0 : i32
    %dma_wait3A_28 = tpu.memref_slice %arg4[%dma_wait3A, %dma_wait3A_27] : memref<25x80xi32, #tpu.memory_space<vmem>> -> memref<1x80xi32, #tpu.memory_space<vmem>>
    %dma_wait3A_29 = tpu.memref_squeeze %dma_wait3A_28 : memref<1x80xi32, #tpu.memory_space<vmem>> -> memref<80xi32, #tpu.memory_space<vmem>>
    %dma_wait3A_30 = arith.constant 0 : i32
    %dma_wait3A_31 = arith.constant 0 : i32
    %dma_wait3A_32 = tpu.memref_slice %arg12[%dma_wait3A_30, %dma_wait3A_31] : memref<10000x128xf32, #tpu.memory_space<vmem_shared>> -> memref<10000x128xf32, #tpu.memory_space<vmem_shared>>
    tpu.wait_indirect_dma semaphore(%arg7 : memref<!tpu.dma_semaphore, #tpu.memory_space<semaphore_mem>>) src(%arg5 : memref<80x128xf32, #tpu.memory_space<vmem>>) dst(%dma_wait3A_32 : memref<10000x128xf32, #tpu.memory_space<vmem_shared>>)
    %dma_wait3A_33 = arith.constant 0 : i32
    %dma_wait3A_34 = arith.constant 0 : i32
    %dma_wait3A_35 = tpu.memref_slice %arg4[%dma_wait3A_33, %dma_wait3A_34] : memref<25x80xi32, #tpu.memory_space<vmem>> -> memref<1x80xi32, #tpu.memory_space<vmem>>
    %dma_wait3A_36 = tpu.memref_squeeze %dma_wait3A_35 : memref<1x80xi32, #tpu.memory_space<vmem>> -> memref<80xi32, #tpu.memory_space<vmem>>
    %dma_wait3A_37 = arith.constant 0 : i32
    %dma_wait3A_38 = arith.constant 0 : i32
    %dma_wait3A_39 = tpu.memref_slice %arg12[%dma_wait3A_37, %dma_wait3A_38] : memref<10000x128xf32, #tpu.memory_space<vmem_shared>> -> memref<10000x128xf32, #tpu.memory_space<vmem_shared>>
    tpu.wait_indirect_dma semaphore(%arg8 : memref<!tpu.dma_semaphore, #tpu.memory_space<semaphore_mem>>) src(%arg5 : memref<80x128xf32, #tpu.memory_space<vmem>>) dst(%dma_wait3A_39 : memref<10000x128xf32, #tpu.memory_space<vmem_shared>>)
    %dma_wait3A_40 = arith.constant 0 : i32
    %dma_wait3A_41 = arith.constant 0 : i32
    %dma_wait3A_42 = tpu.memref_slice %arg4[%dma_wait3A_40, %dma_wait3A_41] : memref<25x80xi32, #tpu.memory_space<vmem>> -> memref<1x80xi32, #tpu.memory_space<vmem>>
    %dma_wait3A_43 = tpu.memref_squeeze %dma_wait3A_42 : memref<1x80xi32, #tpu.memory_space<vmem>> -> memref<80xi32, #tpu.memory_space<vmem>>
    %dma_wait3A_44 = arith.constant 0 : i32
    %dma_wait3A_45 = arith.constant 0 : i32
    %dma_wait3A_46 = tpu.memref_slice %arg12[%dma_wait3A_44, %dma_wait3A_45] : memref<10000x128xf32, #tpu.memory_space<vmem_shared>> -> memref<10000x128xf32, #tpu.memory_space<vmem_shared>>
    tpu.wait_indirect_dma semaphore(%arg9 : memref<!tpu.dma_semaphore, #tpu.memory_space<semaphore_mem>>) src(%arg5 : memref<80x128xf32, #tpu.memory_space<vmem>>) dst(%dma_wait3A_46 : memref<10000x128xf32, #tpu.memory_space<vmem_shared>>)
    %dma_wait3A_47 = arith.constant 0 : i32
    %dma_wait3A_48 = arith.constant 0 : i32
    %dma_wait3A_49 = tpu.memref_slice %arg4[%dma_wait3A_47, %dma_wait3A_48] : memref<25x80xi32, #tpu.memory_space<vmem>> -> memref<1x80xi32, #tpu.memory_space<vmem>>
    %dma_wait3A_50 = tpu.memref_squeeze %dma_wait3A_49 : memref<1x80xi32, #tpu.memory_space<vmem>> -> memref<80xi32, #tpu.memory_space<vmem>>
    %dma_wait3A_51 = arith.constant 0 : i32
    %dma_wait3A_52 = arith.constant 0 : i32
    %dma_wait3A_53 = tpu.memref_slice %arg12[%dma_wait3A_51, %dma_wait3A_52] : memref<10000x128xf32, #tpu.memory_space<vmem_shared>> -> memref<10000x128xf32, #tpu.memory_space<vmem_shared>>
    tpu.wait_indirect_dma semaphore(%arg10 : memref<!tpu.dma_semaphore, #tpu.memory_space<semaphore_mem>>) src(%arg5 : memref<80x128xf32, #tpu.memory_space<vmem>>) dst(%dma_wait3A_53 : memref<10000x128xf32, #tpu.memory_space<vmem_shared>>)
    %dma_wait3A_54 = arith.constant 0 : i32
    %dma_wait3A_55 = arith.constant 0 : i32
    %dma_wait3A_56 = tpu.memref_slice %arg4[%dma_wait3A_54, %dma_wait3A_55] : memref<25x80xi32, #tpu.memory_space<vmem>> -> memref<1x80xi32, #tpu.memory_space<vmem>>
    %dma_wait3A_57 = tpu.memref_squeeze %dma_wait3A_56 : memref<1x80xi32, #tpu.memory_space<vmem>> -> memref<80xi32, #tpu.memory_space<vmem>>
    %dma_wait3A_58 = arith.constant 0 : i32
    %dma_wait3A_59 = arith.constant 0 : i32
    %dma_wait3A_60 = tpu.memref_slice %arg12[%dma_wait3A_58, %dma_wait3A_59] : memref<10000x128xf32, #tpu.memory_space<vmem_shared>> -> memref<10000x128xf32, #tpu.memory_space<vmem_shared>>
    tpu.wait_indirect_dma semaphore(%arg11 : memref<!tpu.dma_semaphore, #tpu.memory_space<semaphore_mem>>) src(%arg5 : memref<80x128xf32, #tpu.memory_space<vmem>>) dst(%dma_wait3A_60 : memref<10000x128xf32, #tpu.memory_space<vmem_shared>>)
    %barrier3A_61 = arith.constant 0 : index
    tpu.barrier barrier_id(%barrier3A_61)
    %scan3A_62 = arith.constant 0 : i32
    %scan3A_63 = arith.constant 0 : i32
    %scan3A_64 = arith.constant 8 : i32
    %scan3A_65 = arith.addi %scan3A_63, %scan3A_64 : i32
    %scan3A_66 = arith.constant 1 : i32
    scf.for %scan3A_68 = %scan3A_63 to %scan3A_65 step %scan3A_66  : i32 {
      %mul3A_69 = arith.constant 16 : i32
      %mul3A_70 = arith.muli %scan3A_68, %mul3A_69 : i32
      %add3A_71 = arith.addi %arg1, %mul3A_70 : i32
      %lt3A = arith.constant 125 : i32
      %lt3A_72 = arith.cmpi slt, %add3A_71, %lt3A : i32
      %convert_element_type3A = arith.extui %lt3A_72 : i1 to i32
      %cond3A = arith.constant 0 : i32
      %cond3A_73 = arith.cmpi ne, %convert_element_type3A, %cond3A : i32
      scf.if %cond3A_73 {
        %mul3A_74 = arith.constant 80 : i32
        %mul3A_75 = arith.muli %add3A_71, %mul3A_74 : i32
        "tpu.region"() ({
          %run_scoped3A = tpu.sem_alloc : memref<!tpu.dma_semaphore, #tpu.memory_space<semaphore_mem>>
          %dma_start3A = arith.constant 0 : i32
          %dma_start3A_76 = tpu.memref_slice %arg3[%arg0, %mul3A_75, %dma_start3A] : memref<2x10000x128xf32, #tpu.memory_space<hbm>> -> memref<1x80x128xf32, #tpu.memory_space<hbm>>
          %dma_start3A_77 = tpu.memref_squeeze %dma_start3A_76 : memref<1x80x128xf32, #tpu.memory_space<hbm>> -> memref<80x128xf32, #tpu.memory_space<hbm>>
          %dma_start3A_78 = arith.constant 0 : i32
          %dma_start3A_79 = tpu.memref_slice %arg12[%mul3A_75, %dma_start3A_78] : memref<10000x128xf32, #tpu.memory_space<vmem_shared>> -> memref<80x128xf32, #tpu.memory_space<vmem_shared>>
          tpu.enqueue_dma source(%dma_start3A_79 : memref<80x128xf32, #tpu.memory_space<vmem_shared>>) target(%dma_start3A_77 : memref<80x128xf32, #tpu.memory_space<hbm>>) target_semaphore(%run_scoped3A : memref<!tpu.dma_semaphore, #tpu.memory_space<semaphore_mem>>)
          %dma_wait3A_80 = arith.constant 0 : i32
          %dma_wait3A_81 = tpu.memref_slice %arg3[%arg0, %mul3A_75, %dma_wait3A_80] : memref<2x10000x128xf32, #tpu.memory_space<hbm>> -> memref<1x80x128xf32, #tpu.memory_space<hbm>>
          %dma_wait3A_82 = tpu.memref_squeeze %dma_wait3A_81 : memref<1x80x128xf32, #tpu.memory_space<hbm>> -> memref<80x128xf32, #tpu.memory_space<hbm>>
          %dma_wait3A_83 = arith.constant 0 : i32
          %dma_wait3A_84 = tpu.memref_slice %arg12[%mul3A_75, %dma_wait3A_83] : memref<10000x128xf32, #tpu.memory_space<vmem_shared>> -> memref<80x128xf32, #tpu.memory_space<vmem_shared>>
          tpu.wait_dma2 semaphore(%run_scoped3A : memref<!tpu.dma_semaphore, #tpu.memory_space<semaphore_mem>>) src(%dma_wait3A_84 : memref<80x128xf32, #tpu.memory_space<vmem_shared>>) dst(%dma_wait3A_82 : memref<80x128xf32, #tpu.memory_space<hbm>>)
          tpu.yield
        }) : () -> ()
      } else {
      }
    }
    %scan3A_67 = arith.constant 8 : i32
    return
  }
}

#map = affine_map<(d0, d1) -> (0, 0)>
#map1 = affine_map<(d0, d1) -> (0, 0, 0, 0)>
#map2 = affine_map<(d0, d1) -> (0, 0, 0)>
module attributes {stable_mosaic.version = 14 : i64} {
  func.func @prop(%arg0: i32, %arg1: i32, %arg2: memref<10000x128xf32, #tpu.memory_space<hbm>>, %arg3: memref<32x10x25x40xi32, #tpu.memory_space<hbm>>, %arg4: memref<32x10x25x40xi32, #tpu.memory_space<hbm>>, %arg5: memref<2x10000x128xf32, #tpu.memory_space<hbm>>, %arg6: memref<25x40xi32, #tpu.memory_space<vmem>>, %arg7: memref<25x40xi32, #tpu.memory_space<vmem>>, %arg8: memref<25x40xi32, #tpu.memory_space<vmem>>, %arg9: memref<25x40xi32, #tpu.memory_space<vmem>>, %arg10: memref<40x128xf32, #tpu.memory_space<vmem>>, %arg11: memref<40x128xf32, #tpu.memory_space<vmem>>, %arg12: memref<40x128xf32, #tpu.memory_space<vmem>>, %arg13: memref<40x128xf32, #tpu.memory_space<vmem>>, %arg14: memref<40x128xf32, #tpu.memory_space<vmem>>, %arg15: memref<!tpu.dma_semaphore, #tpu.memory_space<semaphore_mem>>, %arg16: memref<!tpu.dma_semaphore, #tpu.memory_space<semaphore_mem>>, %arg17: memref<!tpu.dma_semaphore, #tpu.memory_space<semaphore_mem>>, %arg18: memref<!tpu.dma_semaphore, #tpu.memory_space<semaphore_mem>>, %arg19: memref<!tpu.dma_semaphore, #tpu.memory_space<semaphore_mem>>, %arg20: memref<!tpu.dma_semaphore, #tpu.memory_space<semaphore_mem>>, %arg21: memref<!tpu.dma_semaphore, #tpu.memory_space<semaphore_mem>>, %arg22: memref<!tpu.dma_semaphore, #tpu.memory_space<semaphore_mem>>, %arg23: memref<!tpu.dma_semaphore, #tpu.memory_space<semaphore_mem>>, %arg24: memref<!tpu.dma_semaphore, #tpu.memory_space<semaphore_mem>>, %arg25: memref<!tpu.dma_semaphore, #tpu.memory_space<semaphore_mem>>, %arg26: memref<!tpu.dma_semaphore, #tpu.memory_space<semaphore_mem>>, %arg27: memref<10000x128xf32, #tpu.memory_space<vmem_shared>>) attributes {dimension_semantics = [#tpu.dimension_semantics<core_parallel>, #tpu.dimension_semantics<subcore_parallel>], iteration_bounds = array<i64: 2, 16>, scalar_prefetch = 0 : i64, scratch_operands = 22 : i64, tpu.core_type = #tpu.core_type<sc_vector_subcore>, window_params = [{transform_indices = #map}, {transform_indices = #map1}, {transform_indices = #map1}, {transform_indices = #map2}]} {
    %mul3A = arith.constant 2 : i32
    %mul3A_0 = arith.muli %arg1, %mul3A : i32
    %add3A = arith.addi %mul3A_0, %arg0 : i32
    %dma_start3A = arith.constant 0 : i32
    %dma_start3A_1 = arith.constant 0 : i32
    %dma_start3A_2 = arith.constant 0 : i32
    %dma_start3A_3 = tpu.memref_slice %arg3[%add3A, %dma_start3A, %dma_start3A_1, %dma_start3A_2] : memref<32x10x25x40xi32, #tpu.memory_space<hbm>> -> memref<1x1x25x40xi32, #tpu.memory_space<hbm>>
    %dma_start3A_4 = tpu.memref_squeeze %dma_start3A_3 : memref<1x1x25x40xi32, #tpu.memory_space<hbm>> -> memref<25x40xi32, #tpu.memory_space<hbm>>
    %dma_start3A_5 = arith.constant 0 : i32
    %dma_start3A_6 = arith.constant 0 : i32
    %dma_start3A_7 = tpu.memref_slice %arg3[%add3A, %dma_start3A, %dma_start3A_5, %dma_start3A_6] : memref<32x10x25x40xi32, #tpu.memory_space<hbm>> -> memref<1x1x25x40xi32, #tpu.memory_space<hbm>>
    %dma_start3A_8 = tpu.memref_squeeze %dma_start3A_7 : memref<1x1x25x40xi32, #tpu.memory_space<hbm>> -> memref<25x40xi32, #tpu.memory_space<hbm>>
    tpu.enqueue_dma source(%dma_start3A_8 : memref<25x40xi32, #tpu.memory_space<hbm>>) target(%arg6 : memref<25x40xi32, #tpu.memory_space<vmem>>) target_semaphore(%arg25 : memref<!tpu.dma_semaphore, #tpu.memory_space<semaphore_mem>>)
    %dma_start3A_9 = arith.constant 0 : i32
    %dma_start3A_10 = arith.constant 0 : i32
    %dma_start3A_11 = arith.constant 0 : i32
    %dma_start3A_12 = tpu.memref_slice %arg4[%add3A, %dma_start3A_9, %dma_start3A_10, %dma_start3A_11] : memref<32x10x25x40xi32, #tpu.memory_space<hbm>> -> memref<1x1x25x40xi32, #tpu.memory_space<hbm>>
    %dma_start3A_13 = tpu.memref_squeeze %dma_start3A_12 : memref<1x1x25x40xi32, #tpu.memory_space<hbm>> -> memref<25x40xi32, #tpu.memory_space<hbm>>
    %dma_start3A_14 = arith.constant 0 : i32
    %dma_start3A_15 = arith.constant 0 : i32
    %dma_start3A_16 = tpu.memref_slice %arg4[%add3A, %dma_start3A_9, %dma_start3A_14, %dma_start3A_15] : memref<32x10x25x40xi32, #tpu.memory_space<hbm>> -> memref<1x1x25x40xi32, #tpu.memory_space<hbm>>
    %dma_start3A_17 = tpu.memref_squeeze %dma_start3A_16 : memref<1x1x25x40xi32, #tpu.memory_space<hbm>> -> memref<25x40xi32, #tpu.memory_space<hbm>>
    tpu.enqueue_dma source(%dma_start3A_17 : memref<25x40xi32, #tpu.memory_space<hbm>>) target(%arg8 : memref<25x40xi32, #tpu.memory_space<vmem>>) target_semaphore(%arg26 : memref<!tpu.dma_semaphore, #tpu.memory_space<semaphore_mem>>)
    %broadcast_in_dim3A = arith.constant 0.000000e+00 : f32
    %broadcast_in_dim3A_18 = vector.broadcast %broadcast_in_dim3A : f32 to vector<16xf32>
    %scan3A = arith.constant 0 : i32
    %scan3A_19 = arith.constant 0 : i32
    %scan3A_20 = arith.constant 40 : i32
    %scan3A_21 = arith.addi %scan3A_19, %scan3A_20 : i32
    %scan3A_22 = arith.constant 1 : i32
    scf.for %scan3A_95 = %scan3A_19 to %scan3A_21 step %scan3A_22  : i32 {
      %swap3A = arith.index_cast %scan3A_95 : i32 to index
      %swap3A_96 = arith.constant 0 : index
      %swap3A_97 = tpu.vector_load %arg10[%swap3A, %swap3A_96] {strides = array<i32>} : memref<40x128xf32, #tpu.memory_space<vmem>>, vector<1x16xf32>,
      %swap3A_98 = vector.shape_cast %swap3A_97 : vector<1x16xf32> to vector<16xf32>
      %swap3A_99 = vector.shape_cast %broadcast_in_dim3A_18 : vector<16xf32> to vector<1x16xf32>
      tpu.vector_store %arg10[%swap3A, %swap3A_96], %swap3A_99 {strides = array<i32>} : memref<40x128xf32, #tpu.memory_space<vmem>>, vector<1x16xf32>,
      %swap3A_100 = arith.index_cast %scan3A_95 : i32 to index
      %swap3A_101 = arith.constant 16 : index
      %swap3A_102 = tpu.vector_load %arg10[%swap3A_100, %swap3A_101] {strides = array<i32>} : memref<40x128xf32, #tpu.memory_space<vmem>>, vector<1x16xf32>,
      %swap3A_103 = vector.shape_cast %swap3A_102 : vector<1x16xf32> to vector<16xf32>
      %swap3A_104 = vector.shape_cast %broadcast_in_dim3A_18 : vector<16xf32> to vector<1x16xf32>
      tpu.vector_store %arg10[%swap3A_100, %swap3A_101], %swap3A_104 {strides = array<i32>} : memref<40x128xf32, #tpu.memory_space<vmem>>, vector<1x16xf32>,
      %swap3A_105 = arith.index_cast %scan3A_95 : i32 to index
      %swap3A_106 = arith.constant 32 : index
      %swap3A_107 = tpu.vector_load %arg10[%swap3A_105, %swap3A_106] {strides = array<i32>} : memref<40x128xf32, #tpu.memory_space<vmem>>, vector<1x16xf32>,
      %swap3A_108 = vector.shape_cast %swap3A_107 : vector<1x16xf32> to vector<16xf32>
      %swap3A_109 = vector.shape_cast %broadcast_in_dim3A_18 : vector<16xf32> to vector<1x16xf32>
      tpu.vector_store %arg10[%swap3A_105, %swap3A_106], %swap3A_109 {strides = array<i32>} : memref<40x128xf32, #tpu.memory_space<vmem>>, vector<1x16xf32>,
      %swap3A_110 = arith.index_cast %scan3A_95 : i32 to index
      %swap3A_111 = arith.constant 48 : index
      %swap3A_112 = tpu.vector_load %arg10[%swap3A_110, %swap3A_111] {strides = array<i32>} : memref<40x128xf32, #tpu.memory_space<vmem>>, vector<1x16xf32>,
      %swap3A_113 = vector.shape_cast %swap3A_112 : vector<1x16xf32> to vector<16xf32>
      %swap3A_114 = vector.shape_cast %broadcast_in_dim3A_18 : vector<16xf32> to vector<1x16xf32>
      tpu.vector_store %arg10[%swap3A_110, %swap3A_111], %swap3A_114 {strides = array<i32>} : memref<40x128xf32, #tpu.memory_space<vmem>>, vector<1x16xf32>,
      %swap3A_115 = arith.index_cast %scan3A_95 : i32 to index
      %swap3A_116 = arith.constant 64 : index
      %swap3A_117 = tpu.vector_load %arg10[%swap3A_115, %swap3A_116] {strides = array<i32>} : memref<40x128xf32, #tpu.memory_space<vmem>>, vector<1x16xf32>,
      %swap3A_118 = vector.shape_cast %swap3A_117 : vector<1x16xf32> to vector<16xf32>
      %swap3A_119 = vector.shape_cast %broadcast_in_dim3A_18 : vector<16xf32> to vector<1x16xf32>
      tpu.vector_store %arg10[%swap3A_115, %swap3A_116], %swap3A_119 {strides = array<i32>} : memref<40x128xf32, #tpu.memory_space<vmem>>, vector<1x16xf32>,
      %swap3A_120 = arith.index_cast %scan3A_95 : i32 to index
      %swap3A_121 = arith.constant 80 : index
      %swap3A_122 = tpu.vector_load %arg10[%swap3A_120, %swap3A_121] {strides = array<i32>} : memref<40x128xf32, #tpu.memory_space<vmem>>, vector<1x16xf32>,
      %swap3A_123 = vector.shape_cast %swap3A_122 : vector<1x16xf32> to vector<16xf32>
      %swap3A_124 = vector.shape_cast %broadcast_in_dim3A_18 : vector<16xf32> to vector<1x16xf32>
      tpu.vector_store %arg10[%swap3A_120, %swap3A_121], %swap3A_124 {strides = array<i32>} : memref<40x128xf32, #tpu.memory_space<vmem>>, vector<1x16xf32>,
      %swap3A_125 = arith.index_cast %scan3A_95 : i32 to index
      %swap3A_126 = arith.constant 96 : index
      %swap3A_127 = tpu.vector_load %arg10[%swap3A_125, %swap3A_126] {strides = array<i32>} : memref<40x128xf32, #tpu.memory_space<vmem>>, vector<1x16xf32>,
      %swap3A_128 = vector.shape_cast %swap3A_127 : vector<1x16xf32> to vector<16xf32>
      %swap3A_129 = vector.shape_cast %broadcast_in_dim3A_18 : vector<16xf32> to vector<1x16xf32>
      tpu.vector_store %arg10[%swap3A_125, %swap3A_126], %swap3A_129 {strides = array<i32>} : memref<40x128xf32, #tpu.memory_space<vmem>>, vector<1x16xf32>,
      %swap3A_130 = arith.index_cast %scan3A_95 : i32 to index
      %swap3A_131 = arith.constant 112 : index
      %swap3A_132 = tpu.vector_load %arg10[%swap3A_130, %swap3A_131] {strides = array<i32>} : memref<40x128xf32, #tpu.memory_space<vmem>>, vector<1x16xf32>,
      %swap3A_133 = vector.shape_cast %swap3A_132 : vector<1x16xf32> to vector<16xf32>
      %swap3A_134 = vector.shape_cast %broadcast_in_dim3A_18 : vector<16xf32> to vector<1x16xf32>
      tpu.vector_store %arg10[%swap3A_130, %swap3A_131], %swap3A_134 {strides = array<i32>} : memref<40x128xf32, #tpu.memory_space<vmem>>, vector<1x16xf32>,
    }
    %scan3A_23 = arith.constant 40 : i32
    %scan3A_24 = arith.constant 0 : i32
    %scan3A_25 = arith.constant 0 : i32
    %scan3A_26 = arith.constant 16 : i32
    %scan3A_27 = arith.addi %scan3A_25, %scan3A_26 : i32
    %scan3A_28 = arith.constant 1 : i32
    scf.for %scan3A_95 = %scan3A_25 to %scan3A_27 step %scan3A_28  : i32 {
      %mul3A_96 = arith.constant 16 : i32
      %mul3A_97 = arith.muli %scan3A_95, %mul3A_96 : i32
      %add3A_98 = arith.addi %arg1, %mul3A_97 : i32
      %lt3A = arith.constant 250 : i32
      %lt3A_99 = arith.cmpi slt, %add3A_98, %lt3A : i32
      %convert_element_type3A = arith.extui %lt3A_99 : i1 to i32
      %cond3A = arith.constant 0 : i32
      %cond3A_100 = arith.cmpi ne, %convert_element_type3A, %cond3A : i32
      scf.if %cond3A_100 {
        %mul3A_101 = arith.constant 40 : i32
        %mul3A_102 = arith.muli %add3A_98, %mul3A_101 : i32
        "tpu.region"() ({
          %run_scoped3A = tpu.sem_alloc : memref<!tpu.dma_semaphore, #tpu.memory_space<semaphore_mem>>
          %dma_start3A_103 = arith.constant 0 : i32
          %dma_start3A_104 = tpu.memref_slice %arg27[%mul3A_102, %dma_start3A_103] : memref<10000x128xf32, #tpu.memory_space<vmem_shared>> -> memref<40x128xf32, #tpu.memory_space<vmem_shared>>
          %dma_start3A_105 = arith.constant 0 : i32
          %dma_start3A_106 = tpu.memref_slice %arg27[%mul3A_102, %dma_start3A_105] : memref<10000x128xf32, #tpu.memory_space<vmem_shared>> -> memref<40x128xf32, #tpu.memory_space<vmem_shared>>
          tpu.enqueue_dma source(%arg10 : memref<40x128xf32, #tpu.memory_space<vmem>>) target(%dma_start3A_106 : memref<40x128xf32, #tpu.memory_space<vmem_shared>>) target_semaphore(%run_scoped3A : memref<!tpu.dma_semaphore, #tpu.memory_space<semaphore_mem>>)
          %dma_wait3A_107 = arith.constant 0 : i32
          %dma_wait3A_108 = tpu.memref_slice %arg27[%mul3A_102, %dma_wait3A_107] : memref<10000x128xf32, #tpu.memory_space<vmem_shared>> -> memref<40x128xf32, #tpu.memory_space<vmem_shared>>
          %dma_wait3A_109 = arith.constant 0 : i32
          %dma_wait3A_110 = tpu.memref_slice %arg27[%mul3A_102, %dma_wait3A_109] : memref<10000x128xf32, #tpu.memory_space<vmem_shared>> -> memref<40x128xf32, #tpu.memory_space<vmem_shared>>
          tpu.wait_dma2 semaphore(%run_scoped3A : memref<!tpu.dma_semaphore, #tpu.memory_space<semaphore_mem>>) src(%arg10 : memref<40x128xf32, #tpu.memory_space<vmem>>) dst(%dma_wait3A_110 : memref<40x128xf32, #tpu.memory_space<vmem_shared>>)
          tpu.yield
        }) : () -> ()
      } else {
      }
    }
    %scan3A_29 = arith.constant 16 : i32
    %dma_wait3A = arith.constant 0 : i32
    %dma_wait3A_30 = arith.constant 0 : i32
    %dma_wait3A_31 = arith.constant 0 : i32
    %dma_wait3A_32 = tpu.memref_slice %arg3[%add3A, %dma_wait3A, %dma_wait3A_30, %dma_wait3A_31] : memref<32x10x25x40xi32, #tpu.memory_space<hbm>> -> memref<1x1x25x40xi32, #tpu.memory_space<hbm>>
    %dma_wait3A_33 = tpu.memref_squeeze %dma_wait3A_32 : memref<1x1x25x40xi32, #tpu.memory_space<hbm>> -> memref<25x40xi32, #tpu.memory_space<hbm>>
    %dma_wait3A_34 = arith.constant 0 : i32
    %dma_wait3A_35 = arith.constant 0 : i32
    %dma_wait3A_36 = tpu.memref_slice %arg3[%add3A, %dma_wait3A, %dma_wait3A_34, %dma_wait3A_35] : memref<32x10x25x40xi32, #tpu.memory_space<hbm>> -> memref<1x1x25x40xi32, #tpu.memory_space<hbm>>
    %dma_wait3A_37 = tpu.memref_squeeze %dma_wait3A_36 : memref<1x1x25x40xi32, #tpu.memory_space<hbm>> -> memref<25x40xi32, #tpu.memory_space<hbm>>
    tpu.wait_dma2 semaphore(%arg25 : memref<!tpu.dma_semaphore, #tpu.memory_space<semaphore_mem>>) src(%dma_wait3A_37 : memref<25x40xi32, #tpu.memory_space<hbm>>) dst(%arg6 : memref<25x40xi32, #tpu.memory_space<vmem>>)
    %dma_wait3A_38 = arith.constant 0 : i32
    %dma_wait3A_39 = arith.constant 0 : i32
    %dma_wait3A_40 = arith.constant 0 : i32
    %dma_wait3A_41 = tpu.memref_slice %arg4[%add3A, %dma_wait3A_38, %dma_wait3A_39, %dma_wait3A_40] : memref<32x10x25x40xi32, #tpu.memory_space<hbm>> -> memref<1x1x25x40xi32, #tpu.memory_space<hbm>>
    %dma_wait3A_42 = tpu.memref_squeeze %dma_wait3A_41 : memref<1x1x25x40xi32, #tpu.memory_space<hbm>> -> memref<25x40xi32, #tpu.memory_space<hbm>>
    %dma_wait3A_43 = arith.constant 0 : i32
    %dma_wait3A_44 = arith.constant 0 : i32
    %dma_wait3A_45 = tpu.memref_slice %arg4[%add3A, %dma_wait3A_38, %dma_wait3A_43, %dma_wait3A_44] : memref<32x10x25x40xi32, #tpu.memory_space<hbm>> -> memref<1x1x25x40xi32, #tpu.memory_space<hbm>>
    %dma_wait3A_46 = tpu.memref_squeeze %dma_wait3A_45 : memref<1x1x25x40xi32, #tpu.memory_space<hbm>> -> memref<25x40xi32, #tpu.memory_space<hbm>>
    tpu.wait_dma2 semaphore(%arg26 : memref<!tpu.dma_semaphore, #tpu.memory_space<semaphore_mem>>) src(%dma_wait3A_46 : memref<25x40xi32, #tpu.memory_space<hbm>>) dst(%arg8 : memref<25x40xi32, #tpu.memory_space<vmem>>)
    %barrier3A = arith.constant 0 : index
    tpu.barrier barrier_id(%barrier3A)
    %scan3A_47 = arith.constant 0 : i32
    %scan3A_48 = arith.constant 0 : i32
    %scan3A_49 = arith.constant 5 : i32
    %scan3A_50 = arith.addi %scan3A_48, %scan3A_49 : i32
    %scan3A_51 = arith.constant 1 : i32
    scf.for %scan3A_95 = %scan3A_48 to %scan3A_50 step %scan3A_51  : i32 {
      %mul3A_96 = arith.constant 2 : i32
      %mul3A_97 = arith.muli %mul3A_96, %scan3A_95 : i32
      %gt3A = arith.constant 0 : i32
      %gt3A_98 = arith.cmpi sgt, %mul3A_97, %gt3A : i32
      %convert_element_type3A = arith.extui %gt3A_98 : i1 to i32
      %cond3A = arith.constant 0 : i32
      %cond3A_99 = arith.cmpi ne, %convert_element_type3A, %cond3A : i32
      scf.if %cond3A_99 {
        %dma_wait3A_121 = arith.constant 0 : i32
        %dma_wait3A_122 = arith.constant 0 : i32
        %dma_wait3A_123 = arith.constant 0 : i32
        %dma_wait3A_124 = tpu.memref_slice %arg3[%add3A, %dma_wait3A_121, %dma_wait3A_122, %dma_wait3A_123] : memref<32x10x25x40xi32, #tpu.memory_space<hbm>> -> memref<1x1x25x40xi32, #tpu.memory_space<hbm>>
        %dma_wait3A_125 = tpu.memref_squeeze %dma_wait3A_124 : memref<1x1x25x40xi32, #tpu.memory_space<hbm>> -> memref<25x40xi32, #tpu.memory_space<hbm>>
        %dma_wait3A_126 = arith.constant 0 : i32
        %dma_wait3A_127 = arith.constant 0 : i32
        %dma_wait3A_128 = tpu.memref_slice %arg3[%add3A, %dma_wait3A_121, %dma_wait3A_126, %dma_wait3A_127] : memref<32x10x25x40xi32, #tpu.memory_space<hbm>> -> memref<1x1x25x40xi32, #tpu.memory_space<hbm>>
        %dma_wait3A_129 = tpu.memref_squeeze %dma_wait3A_128 : memref<1x1x25x40xi32, #tpu.memory_space<hbm>> -> memref<25x40xi32, #tpu.memory_space<hbm>>
        tpu.wait_dma2 semaphore(%arg25 : memref<!tpu.dma_semaphore, #tpu.memory_space<semaphore_mem>>) src(%dma_wait3A_129 : memref<25x40xi32, #tpu.memory_space<hbm>>) dst(%arg6 : memref<25x40xi32, #tpu.memory_space<vmem>>)
        %dma_wait3A_130 = arith.constant 0 : i32
        %dma_wait3A_131 = arith.constant 0 : i32
        %dma_wait3A_132 = arith.constant 0 : i32
        %dma_wait3A_133 = tpu.memref_slice %arg4[%add3A, %dma_wait3A_130, %dma_wait3A_131, %dma_wait3A_132] : memref<32x10x25x40xi32, #tpu.memory_space<hbm>> -> memref<1x1x25x40xi32, #tpu.memory_space<hbm>>
        %dma_wait3A_134 = tpu.memref_squeeze %dma_wait3A_133 : memref<1x1x25x40xi32, #tpu.memory_space<hbm>> -> memref<25x40xi32, #tpu.memory_space<hbm>>
        %dma_wait3A_135 = arith.constant 0 : i32
        %dma_wait3A_136 = arith.constant 0 : i32
        %dma_wait3A_137 = tpu.memref_slice %arg4[%add3A, %dma_wait3A_130, %dma_wait3A_135, %dma_wait3A_136] : memref<32x10x25x40xi32, #tpu.memory_space<hbm>> -> memref<1x1x25x40xi32, #tpu.memory_space<hbm>>
        %dma_wait3A_138 = tpu.memref_squeeze %dma_wait3A_137 : memref<1x1x25x40xi32, #tpu.memory_space<hbm>> -> memref<25x40xi32, #tpu.memory_space<hbm>>
        tpu.wait_dma2 semaphore(%arg26 : memref<!tpu.dma_semaphore, #tpu.memory_space<semaphore_mem>>) src(%dma_wait3A_138 : memref<25x40xi32, #tpu.memory_space<hbm>>) dst(%arg8 : memref<25x40xi32, #tpu.memory_space<vmem>>)
      } else {
      }
      %scan3A_100 = arith.constant 0 : i32
      %scan3A_101 = arith.constant 0 : i32
      %scan3A_102 = arith.constant 5 : i32
      %scan3A_103 = arith.addi %scan3A_101, %scan3A_102 : i32
      %scan3A_104 = arith.constant 1 : i32
      scf.for %scan3A_121 = %scan3A_101 to %scan3A_103 step %scan3A_104  : i32 {
        %mul3A_122 = arith.constant 5 : i32
        %mul3A_123 = arith.muli %scan3A_121, %mul3A_122 : i32
        %gt3A_124 = arith.constant 0 : i32
        %gt3A_125 = arith.cmpi sgt, %scan3A_121, %gt3A_124 : i32
        %gt3A_126 = arith.constant 0 : i32
        %gt3A_127 = arith.cmpi sgt, %mul3A_97, %gt3A_126 : i32
        %or3A = arith.ori %gt3A_125, %gt3A_127 : i1
        %convert_element_type3A_128 = arith.extui %or3A : i1 to i32
        %cond3A_129 = arith.constant 0 : i32
        %cond3A_130 = arith.cmpi ne, %convert_element_type3A_128, %cond3A_129 : i32
        scf.if %cond3A_130 {
          %dma_wait3A_280 = arith.constant 0 : i32
          %dma_wait3A_281 = arith.constant 0 : i32
          %dma_wait3A_282 = tpu.memref_slice %arg8[%dma_wait3A_280, %dma_wait3A_281] : memref<25x40xi32, #tpu.memory_space<vmem>> -> memref<1x40xi32, #tpu.memory_space<vmem>>
          %dma_wait3A_283 = tpu.memref_squeeze %dma_wait3A_282 : memref<1x40xi32, #tpu.memory_space<vmem>> -> memref<40xi32, #tpu.memory_space<vmem>>
          %dma_wait3A_284 = arith.constant 0 : i32
          %dma_wait3A_285 = arith.constant 0 : i32
          %dma_wait3A_286 = tpu.memref_slice %arg27[%dma_wait3A_284, %dma_wait3A_285] : memref<10000x128xf32, #tpu.memory_space<vmem_shared>> -> memref<10000x128xf32, #tpu.memory_space<vmem_shared>>
          tpu.wait_indirect_dma semaphore(%arg20 : memref<!tpu.dma_semaphore, #tpu.memory_space<semaphore_mem>>) src(%arg10 : memref<40x128xf32, #tpu.memory_space<vmem>>) dst(%dma_wait3A_286 : memref<10000x128xf32, #tpu.memory_space<vmem_shared>>)
        } else {
        }
        %add3A_131 = arith.constant 0 : i32
        %add3A_132 = arith.addi %mul3A_123, %add3A_131 : i32
        %dma_start3A_133 = arith.constant 0 : i32
        %dma_start3A_134 = tpu.memref_slice %arg6[%add3A_132, %dma_start3A_133] : memref<25x40xi32, #tpu.memory_space<vmem>> -> memref<1x40xi32, #tpu.memory_space<vmem>>
        %dma_start3A_135 = tpu.memref_squeeze %dma_start3A_134 : memref<1x40xi32, #tpu.memory_space<vmem>> -> memref<40xi32, #tpu.memory_space<vmem>>
        %dma_start3A_136 = arith.constant 0 : i32
        %dma_start3A_137 = arith.constant 0 : i32
        %dma_start3A_138 = tpu.memref_slice %arg2[%dma_start3A_136, %dma_start3A_137] : memref<10000x128xf32, #tpu.memory_space<hbm>> -> memref<10000x128xf32, #tpu.memory_space<hbm>>
        tpu.enqueue_indirect_dma source(%dma_start3A_138 : memref<10000x128xf32, #tpu.memory_space<hbm>>) target(%arg10 : memref<40x128xf32, #tpu.memory_space<vmem>>) offsets(%dma_start3A_135 : memref<40xi32, #tpu.memory_space<vmem>>) semaphore(%arg15 : memref<!tpu.dma_semaphore, #tpu.memory_space<semaphore_mem>>)
        %gt3A_139 = arith.constant 0 : i32
        %gt3A_140 = arith.cmpi sgt, %scan3A_121, %gt3A_139 : i32
        %gt3A_141 = arith.constant 0 : i32
        %gt3A_142 = arith.cmpi sgt, %mul3A_97, %gt3A_141 : i32
        %or3A_143 = arith.ori %gt3A_140, %gt3A_142 : i1
        %convert_element_type3A_144 = arith.extui %or3A_143 : i1 to i32
        %cond3A_145 = arith.constant 0 : i32
        %cond3A_146 = arith.cmpi ne, %convert_element_type3A_144, %cond3A_145 : i32
        scf.if %cond3A_146 {
          %dma_wait3A_280 = arith.constant 0 : i32
          %dma_wait3A_281 = arith.constant 0 : i32
          %dma_wait3A_282 = tpu.memref_slice %arg8[%dma_wait3A_280, %dma_wait3A_281] : memref<25x40xi32, #tpu.memory_space<vmem>> -> memref<1x40xi32, #tpu.memory_space<vmem>>
          %dma_wait3A_283 = tpu.memref_squeeze %dma_wait3A_282 : memref<1x40xi32, #tpu.memory_space<vmem>> -> memref<40xi32, #tpu.memory_space<vmem>>
          %dma_wait3A_284 = arith.constant 0 : i32
          %dma_wait3A_285 = arith.constant 0 : i32
          %dma_wait3A_286 = tpu.memref_slice %arg27[%dma_wait3A_284, %dma_wait3A_285] : memref<10000x128xf32, #tpu.memory_space<vmem_shared>> -> memref<10000x128xf32, #tpu.memory_space<vmem_shared>>
          tpu.wait_indirect_dma semaphore(%arg21 : memref<!tpu.dma_semaphore, #tpu.memory_space<semaphore_mem>>) src(%arg11 : memref<40x128xf32, #tpu.memory_space<vmem>>) dst(%dma_wait3A_286 : memref<10000x128xf32, #tpu.memory_space<vmem_shared>>)
        } else {
        }
        %add3A_147 = arith.constant 1 : i32
        %add3A_148 = arith.addi %mul3A_123, %add3A_147 : i32
        %dma_start3A_149 = arith.constant 0 : i32
        %dma_start3A_150 = tpu.memref_slice %arg6[%add3A_148, %dma_start3A_149] : memref<25x40xi32, #tpu.memory_space<vmem>> -> memref<1x40xi32, #tpu.memory_space<vmem>>
        %dma_start3A_151 = tpu.memref_squeeze %dma_start3A_150 : memref<1x40xi32, #tpu.memory_space<vmem>> -> memref<40xi32, #tpu.memory_space<vmem>>
        %dma_start3A_152 = arith.constant 0 : i32
        %dma_start3A_153 = arith.constant 0 : i32
        %dma_start3A_154 = tpu.memref_slice %arg2[%dma_start3A_152, %dma_start3A_153] : memref<10000x128xf32, #tpu.memory_space<hbm>> -> memref<10000x128xf32, #tpu.memory_space<hbm>>
        tpu.enqueue_indirect_dma source(%dma_start3A_154 : memref<10000x128xf32, #tpu.memory_space<hbm>>) target(%arg11 : memref<40x128xf32, #tpu.memory_space<vmem>>) offsets(%dma_start3A_151 : memref<40xi32, #tpu.memory_space<vmem>>) semaphore(%arg16 : memref<!tpu.dma_semaphore, #tpu.memory_space<semaphore_mem>>)
        %gt3A_155 = arith.constant 0 : i32
        %gt3A_156 = arith.cmpi sgt, %scan3A_121, %gt3A_155 : i32
        %gt3A_157 = arith.constant 0 : i32
        %gt3A_158 = arith.cmpi sgt, %mul3A_97, %gt3A_157 : i32
        %or3A_159 = arith.ori %gt3A_156, %gt3A_158 : i1
        %convert_element_type3A_160 = arith.extui %or3A_159 : i1 to i32
        %cond3A_161 = arith.constant 0 : i32
        %cond3A_162 = arith.cmpi ne, %convert_element_type3A_160, %cond3A_161 : i32
        scf.if %cond3A_162 {
          %dma_wait3A_280 = arith.constant 0 : i32
          %dma_wait3A_281 = arith.constant 0 : i32
          %dma_wait3A_282 = tpu.memref_slice %arg8[%dma_wait3A_280, %dma_wait3A_281] : memref<25x40xi32, #tpu.memory_space<vmem>> -> memref<1x40xi32, #tpu.memory_space<vmem>>
          %dma_wait3A_283 = tpu.memref_squeeze %dma_wait3A_282 : memref<1x40xi32, #tpu.memory_space<vmem>> -> memref<40xi32, #tpu.memory_space<vmem>>
          %dma_wait3A_284 = arith.constant 0 : i32
          %dma_wait3A_285 = arith.constant 0 : i32
          %dma_wait3A_286 = tpu.memref_slice %arg27[%dma_wait3A_284, %dma_wait3A_285] : memref<10000x128xf32, #tpu.memory_space<vmem_shared>> -> memref<10000x128xf32, #tpu.memory_space<vmem_shared>>
          tpu.wait_indirect_dma semaphore(%arg22 : memref<!tpu.dma_semaphore, #tpu.memory_space<semaphore_mem>>) src(%arg12 : memref<40x128xf32, #tpu.memory_space<vmem>>) dst(%dma_wait3A_286 : memref<10000x128xf32, #tpu.memory_space<vmem_shared>>)
        } else {
        }
        %add3A_163 = arith.constant 2 : i32
        %add3A_164 = arith.addi %mul3A_123, %add3A_163 : i32
        %dma_start3A_165 = arith.constant 0 : i32
        %dma_start3A_166 = tpu.memref_slice %arg6[%add3A_164, %dma_start3A_165] : memref<25x40xi32, #tpu.memory_space<vmem>> -> memref<1x40xi32, #tpu.memory_space<vmem>>
        %dma_start3A_167 = tpu.memref_squeeze %dma_start3A_166 : memref<1x40xi32, #tpu.memory_space<vmem>> -> memref<40xi32, #tpu.memory_space<vmem>>
        %dma_start3A_168 = arith.constant 0 : i32
        %dma_start3A_169 = arith.constant 0 : i32
        %dma_start3A_170 = tpu.memref_slice %arg2[%dma_start3A_168, %dma_start3A_169] : memref<10000x128xf32, #tpu.memory_space<hbm>> -> memref<10000x128xf32, #tpu.memory_space<hbm>>
        tpu.enqueue_indirect_dma source(%dma_start3A_170 : memref<10000x128xf32, #tpu.memory_space<hbm>>) target(%arg12 : memref<40x128xf32, #tpu.memory_space<vmem>>) offsets(%dma_start3A_167 : memref<40xi32, #tpu.memory_space<vmem>>) semaphore(%arg17 : memref<!tpu.dma_semaphore, #tpu.memory_space<semaphore_mem>>)
        %gt3A_171 = arith.constant 0 : i32
        %gt3A_172 = arith.cmpi sgt, %scan3A_121, %gt3A_171 : i32
        %gt3A_173 = arith.constant 0 : i32
        %gt3A_174 = arith.cmpi sgt, %mul3A_97, %gt3A_173 : i32
        %or3A_175 = arith.ori %gt3A_172, %gt3A_174 : i1
        %convert_element_type3A_176 = arith.extui %or3A_175 : i1 to i32
        %cond3A_177 = arith.constant 0 : i32
        %cond3A_178 = arith.cmpi ne, %convert_element_type3A_176, %cond3A_177 : i32
        scf.if %cond3A_178 {
          %dma_wait3A_280 = arith.constant 0 : i32
          %dma_wait3A_281 = arith.constant 0 : i32
          %dma_wait3A_282 = tpu.memref_slice %arg8[%dma_wait3A_280, %dma_wait3A_281] : memref<25x40xi32, #tpu.memory_space<vmem>> -> memref<1x40xi32, #tpu.memory_space<vmem>>
          %dma_wait3A_283 = tpu.memref_squeeze %dma_wait3A_282 : memref<1x40xi32, #tpu.memory_space<vmem>> -> memref<40xi32, #tpu.memory_space<vmem>>
          %dma_wait3A_284 = arith.constant 0 : i32
          %dma_wait3A_285 = arith.constant 0 : i32
          %dma_wait3A_286 = tpu.memref_slice %arg27[%dma_wait3A_284, %dma_wait3A_285] : memref<10000x128xf32, #tpu.memory_space<vmem_shared>> -> memref<10000x128xf32, #tpu.memory_space<vmem_shared>>
          tpu.wait_indirect_dma semaphore(%arg23 : memref<!tpu.dma_semaphore, #tpu.memory_space<semaphore_mem>>) src(%arg13 : memref<40x128xf32, #tpu.memory_space<vmem>>) dst(%dma_wait3A_286 : memref<10000x128xf32, #tpu.memory_space<vmem_shared>>)
        } else {
        }
        %add3A_179 = arith.constant 3 : i32
        %add3A_180 = arith.addi %mul3A_123, %add3A_179 : i32
        %dma_start3A_181 = arith.constant 0 : i32
        %dma_start3A_182 = tpu.memref_slice %arg6[%add3A_180, %dma_start3A_181] : memref<25x40xi32, #tpu.memory_space<vmem>> -> memref<1x40xi32, #tpu.memory_space<vmem>>
        %dma_start3A_183 = tpu.memref_squeeze %dma_start3A_182 : memref<1x40xi32, #tpu.memory_space<vmem>> -> memref<40xi32, #tpu.memory_space<vmem>>
        %dma_start3A_184 = arith.constant 0 : i32
        %dma_start3A_185 = arith.constant 0 : i32
        %dma_start3A_186 = tpu.memref_slice %arg2[%dma_start3A_184, %dma_start3A_185] : memref<10000x128xf32, #tpu.memory_space<hbm>> -> memref<10000x128xf32, #tpu.memory_space<hbm>>
        tpu.enqueue_indirect_dma source(%dma_start3A_186 : memref<10000x128xf32, #tpu.memory_space<hbm>>) target(%arg13 : memref<40x128xf32, #tpu.memory_space<vmem>>) offsets(%dma_start3A_183 : memref<40xi32, #tpu.memory_space<vmem>>) semaphore(%arg18 : memref<!tpu.dma_semaphore, #tpu.memory_space<semaphore_mem>>)
        %gt3A_187 = arith.constant 0 : i32
        %gt3A_188 = arith.cmpi sgt, %scan3A_121, %gt3A_187 : i32
        %gt3A_189 = arith.constant 0 : i32
        %gt3A_190 = arith.cmpi sgt, %mul3A_97, %gt3A_189 : i32
        %or3A_191 = arith.ori %gt3A_188, %gt3A_190 : i1
        %convert_element_type3A_192 = arith.extui %or3A_191 : i1 to i32
        %cond3A_193 = arith.constant 0 : i32
        %cond3A_194 = arith.cmpi ne, %convert_element_type3A_192, %cond3A_193 : i32
        scf.if %cond3A_194 {
          %dma_wait3A_280 = arith.constant 0 : i32
          %dma_wait3A_281 = arith.constant 0 : i32
          %dma_wait3A_282 = tpu.memref_slice %arg8[%dma_wait3A_280, %dma_wait3A_281] : memref<25x40xi32, #tpu.memory_space<vmem>> -> memref<1x40xi32, #tpu.memory_space<vmem>>
          %dma_wait3A_283 = tpu.memref_squeeze %dma_wait3A_282 : memref<1x40xi32, #tpu.memory_space<vmem>> -> memref<40xi32, #tpu.memory_space<vmem>>
          %dma_wait3A_284 = arith.constant 0 : i32
          %dma_wait3A_285 = arith.constant 0 : i32
          %dma_wait3A_286 = tpu.memref_slice %arg27[%dma_wait3A_284, %dma_wait3A_285] : memref<10000x128xf32, #tpu.memory_space<vmem_shared>> -> memref<10000x128xf32, #tpu.memory_space<vmem_shared>>
          tpu.wait_indirect_dma semaphore(%arg24 : memref<!tpu.dma_semaphore, #tpu.memory_space<semaphore_mem>>) src(%arg14 : memref<40x128xf32, #tpu.memory_space<vmem>>) dst(%dma_wait3A_286 : memref<10000x128xf32, #tpu.memory_space<vmem_shared>>)
        } else {
        }
        %add3A_195 = arith.constant 4 : i32
        %add3A_196 = arith.addi %mul3A_123, %add3A_195 : i32
        %dma_start3A_197 = arith.constant 0 : i32
        %dma_start3A_198 = tpu.memref_slice %arg6[%add3A_196, %dma_start3A_197] : memref<25x40xi32, #tpu.memory_space<vmem>> -> memref<1x40xi32, #tpu.memory_space<vmem>>
        %dma_start3A_199 = tpu.memref_squeeze %dma_start3A_198 : memref<1x40xi32, #tpu.memory_space<vmem>> -> memref<40xi32, #tpu.memory_space<vmem>>
        %dma_start3A_200 = arith.constant 0 : i32
        %dma_start3A_201 = arith.constant 0 : i32
        %dma_start3A_202 = tpu.memref_slice %arg2[%dma_start3A_200, %dma_start3A_201] : memref<10000x128xf32, #tpu.memory_space<hbm>> -> memref<10000x128xf32, #tpu.memory_space<hbm>>
        tpu.enqueue_indirect_dma source(%dma_start3A_202 : memref<10000x128xf32, #tpu.memory_space<hbm>>) target(%arg14 : memref<40x128xf32, #tpu.memory_space<vmem>>) offsets(%dma_start3A_199 : memref<40xi32, #tpu.memory_space<vmem>>) semaphore(%arg19 : memref<!tpu.dma_semaphore, #tpu.memory_space<semaphore_mem>>)
        %eq3A = arith.constant 0 : i32
        %eq3A_203 = arith.cmpi eq, %scan3A_121, %eq3A : i32
        %add3A_204 = arith.constant 1 : i32
        %add3A_205 = arith.addi %mul3A_97, %add3A_204 : i32
        %lt3A = arith.constant 10 : i32
        %lt3A_206 = arith.cmpi slt, %add3A_205, %lt3A : i32
        %and3A = arith.andi %eq3A_203, %lt3A_206 : i1
        %convert_element_type3A_207 = arith.extui %and3A : i1 to i32
        %cond3A_208 = arith.constant 0 : i32
        %cond3A_209 = arith.cmpi ne, %convert_element_type3A_207, %cond3A_208 : i32
        scf.if %cond3A_209 {
          %add3A_280 = arith.constant 1 : i32
          %add3A_281 = arith.addi %mul3A_97, %add3A_280 : i32
          %dma_start3A_282 = arith.constant 0 : i32
          %dma_start3A_283 = arith.constant 0 : i32
          %dma_start3A_284 = tpu.memref_slice %arg3[%add3A, %add3A_281, %dma_start3A_282, %dma_start3A_283] : memref<32x10x25x40xi32, #tpu.memory_space<hbm>> -> memref<1x1x25x40xi32, #tpu.memory_space<hbm>>
          %dma_start3A_285 = tpu.memref_squeeze %dma_start3A_284 : memref<1x1x25x40xi32, #tpu.memory_space<hbm>> -> memref<25x40xi32, #tpu.memory_space<hbm>>
          %dma_start3A_286 = arith.constant 0 : i32
          %dma_start3A_287 = arith.constant 0 : i32
          %dma_start3A_288 = tpu.memref_slice %arg3[%add3A, %add3A_281, %dma_start3A_286, %dma_start3A_287] : memref<32x10x25x40xi32, #tpu.memory_space<hbm>> -> memref<1x1x25x40xi32, #tpu.memory_space<hbm>>
          %dma_start3A_289 = tpu.memref_squeeze %dma_start3A_288 : memref<1x1x25x40xi32, #tpu.memory_space<hbm>> -> memref<25x40xi32, #tpu.memory_space<hbm>>
          tpu.enqueue_dma source(%dma_start3A_289 : memref<25x40xi32, #tpu.memory_space<hbm>>) target(%arg7 : memref<25x40xi32, #tpu.memory_space<vmem>>) target_semaphore(%arg25 : memref<!tpu.dma_semaphore, #tpu.memory_space<semaphore_mem>>)
          %add3A_290 = arith.constant 1 : i32
          %add3A_291 = arith.addi %mul3A_97, %add3A_290 : i32
          %dma_start3A_292 = arith.constant 0 : i32
          %dma_start3A_293 = arith.constant 0 : i32
          %dma_start3A_294 = tpu.memref_slice %arg4[%add3A, %add3A_291, %dma_start3A_292, %dma_start3A_293] : memref<32x10x25x40xi32, #tpu.memory_space<hbm>> -> memref<1x1x25x40xi32, #tpu.memory_space<hbm>>
          %dma_start3A_295 = tpu.memref_squeeze %dma_start3A_294 : memref<1x1x25x40xi32, #tpu.memory_space<hbm>> -> memref<25x40xi32, #tpu.memory_space<hbm>>
          %dma_start3A_296 = arith.constant 0 : i32
          %dma_start3A_297 = arith.constant 0 : i32
          %dma_start3A_298 = tpu.memref_slice %arg4[%add3A, %add3A_291, %dma_start3A_296, %dma_start3A_297] : memref<32x10x25x40xi32, #tpu.memory_space<hbm>> -> memref<1x1x25x40xi32, #tpu.memory_space<hbm>>
          %dma_start3A_299 = tpu.memref_squeeze %dma_start3A_298 : memref<1x1x25x40xi32, #tpu.memory_space<hbm>> -> memref<25x40xi32, #tpu.memory_space<hbm>>
          tpu.enqueue_dma source(%dma_start3A_299 : memref<25x40xi32, #tpu.memory_space<hbm>>) target(%arg9 : memref<25x40xi32, #tpu.memory_space<vmem>>) target_semaphore(%arg26 : memref<!tpu.dma_semaphore, #tpu.memory_space<semaphore_mem>>)
        } else {
        }
        %dma_wait3A_210 = arith.constant 0 : i32
        %dma_wait3A_211 = tpu.memref_slice %arg6[%add3A_132, %dma_wait3A_210] : memref<25x40xi32, #tpu.memory_space<vmem>> -> memref<1x40xi32, #tpu.memory_space<vmem>>
        %dma_wait3A_212 = tpu.memref_squeeze %dma_wait3A_211 : memref<1x40xi32, #tpu.memory_space<vmem>> -> memref<40xi32, #tpu.memory_space<vmem>>
        %dma_wait3A_213 = arith.constant 0 : i32
        %dma_wait3A_214 = arith.constant 0 : i32
        %dma_wait3A_215 = tpu.memref_slice %arg2[%dma_wait3A_213, %dma_wait3A_214] : memref<10000x128xf32, #tpu.memory_space<hbm>> -> memref<10000x128xf32, #tpu.memory_space<hbm>>
        tpu.wait_indirect_dma semaphore(%arg15 : memref<!tpu.dma_semaphore, #tpu.memory_space<semaphore_mem>>) src(%dma_wait3A_215 : memref<10000x128xf32, #tpu.memory_space<hbm>>) dst(%arg10 : memref<40x128xf32, #tpu.memory_space<vmem>>)
        %add3A_216 = arith.constant 0 : i32
        %add3A_217 = arith.addi %mul3A_123, %add3A_216 : i32
        %dma_start3A_218 = arith.constant 0 : i32
        %dma_start3A_219 = tpu.memref_slice %arg8[%add3A_217, %dma_start3A_218] : memref<25x40xi32, #tpu.memory_space<vmem>> -> memref<1x40xi32, #tpu.memory_space<vmem>>
        %dma_start3A_220 = tpu.memref_squeeze %dma_start3A_219 : memref<1x40xi32, #tpu.memory_space<vmem>> -> memref<40xi32, #tpu.memory_space<vmem>>
        %dma_start3A_221 = arith.constant 0 : i32
        %dma_start3A_222 = arith.constant 0 : i32
        %dma_start3A_223 = tpu.memref_slice %arg27[%dma_start3A_221, %dma_start3A_222] : memref<10000x128xf32, #tpu.memory_space<vmem_shared>> -> memref<10000x128xf32, #tpu.memory_space<vmem_shared>>
        tpu.enqueue_indirect_dma source(%arg10 : memref<40x128xf32, #tpu.memory_space<vmem>>) target(%dma_start3A_223 : memref<10000x128xf32, #tpu.memory_space<vmem_shared>>) offsets(%dma_start3A_220 : memref<40xi32, #tpu.memory_space<vmem>>) semaphore(%arg20 : memref<!tpu.dma_semaphore, #tpu.memory_space<semaphore_mem>>) {add = true}
        %dma_wait3A_224 = arith.constant 0 : i32
        %dma_wait3A_225 = tpu.memref_slice %arg6[%add3A_148, %dma_wait3A_224] : memref<25x40xi32, #tpu.memory_space<vmem>> -> memref<1x40xi32, #tpu.memory_space<vmem>>
        %dma_wait3A_226 = tpu.memref_squeeze %dma_wait3A_225 : memref<1x40xi32, #tpu.memory_space<vmem>> -> memref<40xi32, #tpu.memory_space<vmem>>
        %dma_wait3A_227 = arith.constant 0 : i32
        %dma_wait3A_228 = arith.constant 0 : i32
        %dma_wait3A_229 = tpu.memref_slice %arg2[%dma_wait3A_227, %dma_wait3A_228] : memref<10000x128xf32, #tpu.memory_space<hbm>> -> memref<10000x128xf32, #tpu.memory_space<hbm>>
        tpu.wait_indirect_dma semaphore(%arg16 : memref<!tpu.dma_semaphore, #tpu.memory_space<semaphore_mem>>) src(%dma_wait3A_229 : memref<10000x128xf32, #tpu.memory_space<hbm>>) dst(%arg11 : memref<40x128xf32, #tpu.memory_space<vmem>>)
        %add3A_230 = arith.constant 1 : i32
        %add3A_231 = arith.addi %mul3A_123, %add3A_230 : i32
        %dma_start3A_232 = arith.constant 0 : i32
        %dma_start3A_233 = tpu.memref_slice %arg8[%add3A_231, %dma_start3A_232] : memref<25x40xi32, #tpu.memory_space<vmem>> -> memref<1x40xi32, #tpu.memory_space<vmem>>
        %dma_start3A_234 = tpu.memref_squeeze %dma_start3A_233 : memref<1x40xi32, #tpu.memory_space<vmem>> -> memref<40xi32, #tpu.memory_space<vmem>>
        %dma_start3A_235 = arith.constant 0 : i32
        %dma_start3A_236 = arith.constant 0 : i32
        %dma_start3A_237 = tpu.memref_slice %arg27[%dma_start3A_235, %dma_start3A_236] : memref<10000x128xf32, #tpu.memory_space<vmem_shared>> -> memref<10000x128xf32, #tpu.memory_space<vmem_shared>>
        tpu.enqueue_indirect_dma source(%arg11 : memref<40x128xf32, #tpu.memory_space<vmem>>) target(%dma_start3A_237 : memref<10000x128xf32, #tpu.memory_space<vmem_shared>>) offsets(%dma_start3A_234 : memref<40xi32, #tpu.memory_space<vmem>>) semaphore(%arg21 : memref<!tpu.dma_semaphore, #tpu.memory_space<semaphore_mem>>) {add = true}
        %dma_wait3A_238 = arith.constant 0 : i32
        %dma_wait3A_239 = tpu.memref_slice %arg6[%add3A_164, %dma_wait3A_238] : memref<25x40xi32, #tpu.memory_space<vmem>> -> memref<1x40xi32, #tpu.memory_space<vmem>>
        %dma_wait3A_240 = tpu.memref_squeeze %dma_wait3A_239 : memref<1x40xi32, #tpu.memory_space<vmem>> -> memref<40xi32, #tpu.memory_space<vmem>>
        %dma_wait3A_241 = arith.constant 0 : i32
        %dma_wait3A_242 = arith.constant 0 : i32
        %dma_wait3A_243 = tpu.memref_slice %arg2[%dma_wait3A_241, %dma_wait3A_242] : memref<10000x128xf32, #tpu.memory_space<hbm>> -> memref<10000x128xf32, #tpu.memory_space<hbm>>
        tpu.wait_indirect_dma semaphore(%arg17 : memref<!tpu.dma_semaphore, #tpu.memory_space<semaphore_mem>>) src(%dma_wait3A_243 : memref<10000x128xf32, #tpu.memory_space<hbm>>) dst(%arg12 : memref<40x128xf32, #tpu.memory_space<vmem>>)
        %add3A_244 = arith.constant 2 : i32
        %add3A_245 = arith.addi %mul3A_123, %add3A_244 : i32
        %dma_start3A_246 = arith.constant 0 : i32
        %dma_start3A_247 = tpu.memref_slice %arg8[%add3A_245, %dma_start3A_246] : memref<25x40xi32, #tpu.memory_space<vmem>> -> memref<1x40xi32, #tpu.memory_space<vmem>>
        %dma_start3A_248 = tpu.memref_squeeze %dma_start3A_247 : memref<1x40xi32, #tpu.memory_space<vmem>> -> memref<40xi32, #tpu.memory_space<vmem>>
        %dma_start3A_249 = arith.constant 0 : i32
        %dma_start3A_250 = arith.constant 0 : i32
        %dma_start3A_251 = tpu.memref_slice %arg27[%dma_start3A_249, %dma_start3A_250] : memref<10000x128xf32, #tpu.memory_space<vmem_shared>> -> memref<10000x128xf32, #tpu.memory_space<vmem_shared>>
        tpu.enqueue_indirect_dma source(%arg12 : memref<40x128xf32, #tpu.memory_space<vmem>>) target(%dma_start3A_251 : memref<10000x128xf32, #tpu.memory_space<vmem_shared>>) offsets(%dma_start3A_248 : memref<40xi32, #tpu.memory_space<vmem>>) semaphore(%arg22 : memref<!tpu.dma_semaphore, #tpu.memory_space<semaphore_mem>>) {add = true}
        %dma_wait3A_252 = arith.constant 0 : i32
        %dma_wait3A_253 = tpu.memref_slice %arg6[%add3A_180, %dma_wait3A_252] : memref<25x40xi32, #tpu.memory_space<vmem>> -> memref<1x40xi32, #tpu.memory_space<vmem>>
        %dma_wait3A_254 = tpu.memref_squeeze %dma_wait3A_253 : memref<1x40xi32, #tpu.memory_space<vmem>> -> memref<40xi32, #tpu.memory_space<vmem>>
        %dma_wait3A_255 = arith.constant 0 : i32
        %dma_wait3A_256 = arith.constant 0 : i32
        %dma_wait3A_257 = tpu.memref_slice %arg2[%dma_wait3A_255, %dma_wait3A_256] : memref<10000x128xf32, #tpu.memory_space<hbm>> -> memref<10000x128xf32, #tpu.memory_space<hbm>>
        tpu.wait_indirect_dma semaphore(%arg18 : memref<!tpu.dma_semaphore, #tpu.memory_space<semaphore_mem>>) src(%dma_wait3A_257 : memref<10000x128xf32, #tpu.memory_space<hbm>>) dst(%arg13 : memref<40x128xf32, #tpu.memory_space<vmem>>)
        %add3A_258 = arith.constant 3 : i32
        %add3A_259 = arith.addi %mul3A_123, %add3A_258 : i32
        %dma_start3A_260 = arith.constant 0 : i32
        %dma_start3A_261 = tpu.memref_slice %arg8[%add3A_259, %dma_start3A_260] : memref<25x40xi32, #tpu.memory_space<vmem>> -> memref<1x40xi32, #tpu.memory_space<vmem>>
        %dma_start3A_262 = tpu.memref_squeeze %dma_start3A_261 : memref<1x40xi32, #tpu.memory_space<vmem>> -> memref<40xi32, #tpu.memory_space<vmem>>
        %dma_start3A_263 = arith.constant 0 : i32
        %dma_start3A_264 = arith.constant 0 : i32
        %dma_start3A_265 = tpu.memref_slice %arg27[%dma_start3A_263, %dma_start3A_264] : memref<10000x128xf32, #tpu.memory_space<vmem_shared>> -> memref<10000x128xf32, #tpu.memory_space<vmem_shared>>
        tpu.enqueue_indirect_dma source(%arg13 : memref<40x128xf32, #tpu.memory_space<vmem>>) target(%dma_start3A_265 : memref<10000x128xf32, #tpu.memory_space<vmem_shared>>) offsets(%dma_start3A_262 : memref<40xi32, #tpu.memory_space<vmem>>) semaphore(%arg23 : memref<!tpu.dma_semaphore, #tpu.memory_space<semaphore_mem>>) {add = true}
        %dma_wait3A_266 = arith.constant 0 : i32
        %dma_wait3A_267 = tpu.memref_slice %arg6[%add3A_196, %dma_wait3A_266] : memref<25x40xi32, #tpu.memory_space<vmem>> -> memref<1x40xi32, #tpu.memory_space<vmem>>
        %dma_wait3A_268 = tpu.memref_squeeze %dma_wait3A_267 : memref<1x40xi32, #tpu.memory_space<vmem>> -> memref<40xi32, #tpu.memory_space<vmem>>
        %dma_wait3A_269 = arith.constant 0 : i32
        %dma_wait3A_270 = arith.constant 0 : i32
        %dma_wait3A_271 = tpu.memref_slice %arg2[%dma_wait3A_269, %dma_wait3A_270] : memref<10000x128xf32, #tpu.memory_space<hbm>> -> memref<10000x128xf32, #tpu.memory_space<hbm>>
        tpu.wait_indirect_dma semaphore(%arg19 : memref<!tpu.dma_semaphore, #tpu.memory_space<semaphore_mem>>) src(%dma_wait3A_271 : memref<10000x128xf32, #tpu.memory_space<hbm>>) dst(%arg14 : memref<40x128xf32, #tpu.memory_space<vmem>>)
        %add3A_272 = arith.constant 4 : i32
        %add3A_273 = arith.addi %mul3A_123, %add3A_272 : i32
        %dma_start3A_274 = arith.constant 0 : i32
        %dma_start3A_275 = tpu.memref_slice %arg8[%add3A_273, %dma_start3A_274] : memref<25x40xi32, #tpu.memory_space<vmem>> -> memref<1x40xi32, #tpu.memory_space<vmem>>
        %dma_start3A_276 = tpu.memref_squeeze %dma_start3A_275 : memref<1x40xi32, #tpu.memory_space<vmem>> -> memref<40xi32, #tpu.memory_space<vmem>>
        %dma_start3A_277 = arith.constant 0 : i32
        %dma_start3A_278 = arith.constant 0 : i32
        %dma_start3A_279 = tpu.memref_slice %arg27[%dma_start3A_277, %dma_start3A_278] : memref<10000x128xf32, #tpu.memory_space<vmem_shared>> -> memref<10000x128xf32, #tpu.memory_space<vmem_shared>>
        tpu.enqueue_indirect_dma source(%arg14 : memref<40x128xf32, #tpu.memory_space<vmem>>) target(%dma_start3A_279 : memref<10000x128xf32, #tpu.memory_space<vmem_shared>>) offsets(%dma_start3A_276 : memref<40xi32, #tpu.memory_space<vmem>>) semaphore(%arg24 : memref<!tpu.dma_semaphore, #tpu.memory_space<semaphore_mem>>) {add = true}
      }
      %scan3A_105 = arith.constant 5 : i32
      %mul3A_106 = arith.constant 2 : i32
      %mul3A_107 = arith.muli %mul3A_106, %scan3A_95 : i32
      %add3A_108 = arith.constant 1 : i32
      %add3A_109 = arith.addi %mul3A_107, %add3A_108 : i32
      %gt3A_110 = arith.constant 0 : i32
      %gt3A_111 = arith.cmpi sgt, %add3A_109, %gt3A_110 : i32
      %convert_element_type3A_112 = arith.extui %gt3A_111 : i1 to i32
      %cond3A_113 = arith.constant 0 : i32
      %cond3A_114 = arith.cmpi ne, %convert_element_type3A_112, %cond3A_113 : i32
      scf.if %cond3A_114 {
        %dma_wait3A_121 = arith.constant 0 : i32
        %dma_wait3A_122 = arith.constant 0 : i32
        %dma_wait3A_123 = arith.constant 0 : i32
        %dma_wait3A_124 = tpu.memref_slice %arg3[%add3A, %dma_wait3A_121, %dma_wait3A_122, %dma_wait3A_123] : memref<32x10x25x40xi32, #tpu.memory_space<hbm>> -> memref<1x1x25x40xi32, #tpu.memory_space<hbm>>
        %dma_wait3A_125 = tpu.memref_squeeze %dma_wait3A_124 : memref<1x1x25x40xi32, #tpu.memory_space<hbm>> -> memref<25x40xi32, #tpu.memory_space<hbm>>
        %dma_wait3A_126 = arith.constant 0 : i32
        %dma_wait3A_127 = arith.constant 0 : i32
        %dma_wait3A_128 = tpu.memref_slice %arg3[%add3A, %dma_wait3A_121, %dma_wait3A_126, %dma_wait3A_127] : memref<32x10x25x40xi32, #tpu.memory_space<hbm>> -> memref<1x1x25x40xi32, #tpu.memory_space<hbm>>
        %dma_wait3A_129 = tpu.memref_squeeze %dma_wait3A_128 : memref<1x1x25x40xi32, #tpu.memory_space<hbm>> -> memref<25x40xi32, #tpu.memory_space<hbm>>
        tpu.wait_dma2 semaphore(%arg25 : memref<!tpu.dma_semaphore, #tpu.memory_space<semaphore_mem>>) src(%dma_wait3A_129 : memref<25x40xi32, #tpu.memory_space<hbm>>) dst(%arg7 : memref<25x40xi32, #tpu.memory_space<vmem>>)
        %dma_wait3A_130 = arith.constant 0 : i32
        %dma_wait3A_131 = arith.constant 0 : i32
        %dma_wait3A_132 = arith.constant 0 : i32
        %dma_wait3A_133 = tpu.memref_slice %arg4[%add3A, %dma_wait3A_130, %dma_wait3A_131, %dma_wait3A_132] : memref<32x10x25x40xi32, #tpu.memory_space<hbm>> -> memref<1x1x25x40xi32, #tpu.memory_space<hbm>>
        %dma_wait3A_134 = tpu.memref_squeeze %dma_wait3A_133 : memref<1x1x25x40xi32, #tpu.memory_space<hbm>> -> memref<25x40xi32, #tpu.memory_space<hbm>>
        %dma_wait3A_135 = arith.constant 0 : i32
        %dma_wait3A_136 = arith.constant 0 : i32
        %dma_wait3A_137 = tpu.memref_slice %arg4[%add3A, %dma_wait3A_130, %dma_wait3A_135, %dma_wait3A_136] : memref<32x10x25x40xi32, #tpu.memory_space<hbm>> -> memref<1x1x25x40xi32, #tpu.memory_space<hbm>>
        %dma_wait3A_138 = tpu.memref_squeeze %dma_wait3A_137 : memref<1x1x25x40xi32, #tpu.memory_space<hbm>> -> memref<25x40xi32, #tpu.memory_space<hbm>>
        tpu.wait_dma2 semaphore(%arg26 : memref<!tpu.dma_semaphore, #tpu.memory_space<semaphore_mem>>) src(%dma_wait3A_138 : memref<25x40xi32, #tpu.memory_space<hbm>>) dst(%arg9 : memref<25x40xi32, #tpu.memory_space<vmem>>)
      } else {
      }
      %scan3A_115 = arith.constant 0 : i32
      %scan3A_116 = arith.constant 0 : i32
      %scan3A_117 = arith.constant 5 : i32
      %scan3A_118 = arith.addi %scan3A_116, %scan3A_117 : i32
      %scan3A_119 = arith.constant 1 : i32
      scf.for %scan3A_121 = %scan3A_116 to %scan3A_118 step %scan3A_119  : i32 {
        %mul3A_122 = arith.constant 5 : i32
        %mul3A_123 = arith.muli %scan3A_121, %mul3A_122 : i32
        %gt3A_124 = arith.constant 0 : i32
        %gt3A_125 = arith.cmpi sgt, %scan3A_121, %gt3A_124 : i32
        %gt3A_126 = arith.constant 0 : i32
        %gt3A_127 = arith.cmpi sgt, %add3A_109, %gt3A_126 : i32
        %or3A = arith.ori %gt3A_125, %gt3A_127 : i1
        %convert_element_type3A_128 = arith.extui %or3A : i1 to i32
        %cond3A_129 = arith.constant 0 : i32
        %cond3A_130 = arith.cmpi ne, %convert_element_type3A_128, %cond3A_129 : i32
        scf.if %cond3A_130 {
          %dma_wait3A_280 = arith.constant 0 : i32
          %dma_wait3A_281 = arith.constant 0 : i32
          %dma_wait3A_282 = tpu.memref_slice %arg9[%dma_wait3A_280, %dma_wait3A_281] : memref<25x40xi32, #tpu.memory_space<vmem>> -> memref<1x40xi32, #tpu.memory_space<vmem>>
          %dma_wait3A_283 = tpu.memref_squeeze %dma_wait3A_282 : memref<1x40xi32, #tpu.memory_space<vmem>> -> memref<40xi32, #tpu.memory_space<vmem>>
          %dma_wait3A_284 = arith.constant 0 : i32
          %dma_wait3A_285 = arith.constant 0 : i32
          %dma_wait3A_286 = tpu.memref_slice %arg27[%dma_wait3A_284, %dma_wait3A_285] : memref<10000x128xf32, #tpu.memory_space<vmem_shared>> -> memref<10000x128xf32, #tpu.memory_space<vmem_shared>>
          tpu.wait_indirect_dma semaphore(%arg20 : memref<!tpu.dma_semaphore, #tpu.memory_space<semaphore_mem>>) src(%arg10 : memref<40x128xf32, #tpu.memory_space<vmem>>) dst(%dma_wait3A_286 : memref<10000x128xf32, #tpu.memory_space<vmem_shared>>)
        } else {
        }
        %add3A_131 = arith.constant 0 : i32
        %add3A_132 = arith.addi %mul3A_123, %add3A_131 : i32
        %dma_start3A_133 = arith.constant 0 : i32
        %dma_start3A_134 = tpu.memref_slice %arg7[%add3A_132, %dma_start3A_133] : memref<25x40xi32, #tpu.memory_space<vmem>> -> memref<1x40xi32, #tpu.memory_space<vmem>>
        %dma_start3A_135 = tpu.memref_squeeze %dma_start3A_134 : memref<1x40xi32, #tpu.memory_space<vmem>> -> memref<40xi32, #tpu.memory_space<vmem>>
        %dma_start3A_136 = arith.constant 0 : i32
        %dma_start3A_137 = arith.constant 0 : i32
        %dma_start3A_138 = tpu.memref_slice %arg2[%dma_start3A_136, %dma_start3A_137] : memref<10000x128xf32, #tpu.memory_space<hbm>> -> memref<10000x128xf32, #tpu.memory_space<hbm>>
        tpu.enqueue_indirect_dma source(%dma_start3A_138 : memref<10000x128xf32, #tpu.memory_space<hbm>>) target(%arg10 : memref<40x128xf32, #tpu.memory_space<vmem>>) offsets(%dma_start3A_135 : memref<40xi32, #tpu.memory_space<vmem>>) semaphore(%arg15 : memref<!tpu.dma_semaphore, #tpu.memory_space<semaphore_mem>>)
        %gt3A_139 = arith.constant 0 : i32
        %gt3A_140 = arith.cmpi sgt, %scan3A_121, %gt3A_139 : i32
        %gt3A_141 = arith.constant 0 : i32
        %gt3A_142 = arith.cmpi sgt, %add3A_109, %gt3A_141 : i32
        %or3A_143 = arith.ori %gt3A_140, %gt3A_142 : i1
        %convert_element_type3A_144 = arith.extui %or3A_143 : i1 to i32
        %cond3A_145 = arith.constant 0 : i32
        %cond3A_146 = arith.cmpi ne, %convert_element_type3A_144, %cond3A_145 : i32
        scf.if %cond3A_146 {
          %dma_wait3A_280 = arith.constant 0 : i32
          %dma_wait3A_281 = arith.constant 0 : i32
          %dma_wait3A_282 = tpu.memref_slice %arg9[%dma_wait3A_280, %dma_wait3A_281] : memref<25x40xi32, #tpu.memory_space<vmem>> -> memref<1x40xi32, #tpu.memory_space<vmem>>
          %dma_wait3A_283 = tpu.memref_squeeze %dma_wait3A_282 : memref<1x40xi32, #tpu.memory_space<vmem>> -> memref<40xi32, #tpu.memory_space<vmem>>
          %dma_wait3A_284 = arith.constant 0 : i32
          %dma_wait3A_285 = arith.constant 0 : i32
          %dma_wait3A_286 = tpu.memref_slice %arg27[%dma_wait3A_284, %dma_wait3A_285] : memref<10000x128xf32, #tpu.memory_space<vmem_shared>> -> memref<10000x128xf32, #tpu.memory_space<vmem_shared>>
          tpu.wait_indirect_dma semaphore(%arg21 : memref<!tpu.dma_semaphore, #tpu.memory_space<semaphore_mem>>) src(%arg11 : memref<40x128xf32, #tpu.memory_space<vmem>>) dst(%dma_wait3A_286 : memref<10000x128xf32, #tpu.memory_space<vmem_shared>>)
        } else {
        }
        %add3A_147 = arith.constant 1 : i32
        %add3A_148 = arith.addi %mul3A_123, %add3A_147 : i32
        %dma_start3A_149 = arith.constant 0 : i32
        %dma_start3A_150 = tpu.memref_slice %arg7[%add3A_148, %dma_start3A_149] : memref<25x40xi32, #tpu.memory_space<vmem>> -> memref<1x40xi32, #tpu.memory_space<vmem>>
        %dma_start3A_151 = tpu.memref_squeeze %dma_start3A_150 : memref<1x40xi32, #tpu.memory_space<vmem>> -> memref<40xi32, #tpu.memory_space<vmem>>
        %dma_start3A_152 = arith.constant 0 : i32
        %dma_start3A_153 = arith.constant 0 : i32
        %dma_start3A_154 = tpu.memref_slice %arg2[%dma_start3A_152, %dma_start3A_153] : memref<10000x128xf32, #tpu.memory_space<hbm>> -> memref<10000x128xf32, #tpu.memory_space<hbm>>
        tpu.enqueue_indirect_dma source(%dma_start3A_154 : memref<10000x128xf32, #tpu.memory_space<hbm>>) target(%arg11 : memref<40x128xf32, #tpu.memory_space<vmem>>) offsets(%dma_start3A_151 : memref<40xi32, #tpu.memory_space<vmem>>) semaphore(%arg16 : memref<!tpu.dma_semaphore, #tpu.memory_space<semaphore_mem>>)
        %gt3A_155 = arith.constant 0 : i32
        %gt3A_156 = arith.cmpi sgt, %scan3A_121, %gt3A_155 : i32
        %gt3A_157 = arith.constant 0 : i32
        %gt3A_158 = arith.cmpi sgt, %add3A_109, %gt3A_157 : i32
        %or3A_159 = arith.ori %gt3A_156, %gt3A_158 : i1
        %convert_element_type3A_160 = arith.extui %or3A_159 : i1 to i32
        %cond3A_161 = arith.constant 0 : i32
        %cond3A_162 = arith.cmpi ne, %convert_element_type3A_160, %cond3A_161 : i32
        scf.if %cond3A_162 {
          %dma_wait3A_280 = arith.constant 0 : i32
          %dma_wait3A_281 = arith.constant 0 : i32
          %dma_wait3A_282 = tpu.memref_slice %arg9[%dma_wait3A_280, %dma_wait3A_281] : memref<25x40xi32, #tpu.memory_space<vmem>> -> memref<1x40xi32, #tpu.memory_space<vmem>>
          %dma_wait3A_283 = tpu.memref_squeeze %dma_wait3A_282 : memref<1x40xi32, #tpu.memory_space<vmem>> -> memref<40xi32, #tpu.memory_space<vmem>>
          %dma_wait3A_284 = arith.constant 0 : i32
          %dma_wait3A_285 = arith.constant 0 : i32
          %dma_wait3A_286 = tpu.memref_slice %arg27[%dma_wait3A_284, %dma_wait3A_285] : memref<10000x128xf32, #tpu.memory_space<vmem_shared>> -> memref<10000x128xf32, #tpu.memory_space<vmem_shared>>
          tpu.wait_indirect_dma semaphore(%arg22 : memref<!tpu.dma_semaphore, #tpu.memory_space<semaphore_mem>>) src(%arg12 : memref<40x128xf32, #tpu.memory_space<vmem>>) dst(%dma_wait3A_286 : memref<10000x128xf32, #tpu.memory_space<vmem_shared>>)
        } else {
        }
        %add3A_163 = arith.constant 2 : i32
        %add3A_164 = arith.addi %mul3A_123, %add3A_163 : i32
        %dma_start3A_165 = arith.constant 0 : i32
        %dma_start3A_166 = tpu.memref_slice %arg7[%add3A_164, %dma_start3A_165] : memref<25x40xi32, #tpu.memory_space<vmem>> -> memref<1x40xi32, #tpu.memory_space<vmem>>
        %dma_start3A_167 = tpu.memref_squeeze %dma_start3A_166 : memref<1x40xi32, #tpu.memory_space<vmem>> -> memref<40xi32, #tpu.memory_space<vmem>>
        %dma_start3A_168 = arith.constant 0 : i32
        %dma_start3A_169 = arith.constant 0 : i32
        %dma_start3A_170 = tpu.memref_slice %arg2[%dma_start3A_168, %dma_start3A_169] : memref<10000x128xf32, #tpu.memory_space<hbm>> -> memref<10000x128xf32, #tpu.memory_space<hbm>>
        tpu.enqueue_indirect_dma source(%dma_start3A_170 : memref<10000x128xf32, #tpu.memory_space<hbm>>) target(%arg12 : memref<40x128xf32, #tpu.memory_space<vmem>>) offsets(%dma_start3A_167 : memref<40xi32, #tpu.memory_space<vmem>>) semaphore(%arg17 : memref<!tpu.dma_semaphore, #tpu.memory_space<semaphore_mem>>)
        %gt3A_171 = arith.constant 0 : i32
        %gt3A_172 = arith.cmpi sgt, %scan3A_121, %gt3A_171 : i32
        %gt3A_173 = arith.constant 0 : i32
        %gt3A_174 = arith.cmpi sgt, %add3A_109, %gt3A_173 : i32
        %or3A_175 = arith.ori %gt3A_172, %gt3A_174 : i1
        %convert_element_type3A_176 = arith.extui %or3A_175 : i1 to i32
        %cond3A_177 = arith.constant 0 : i32
        %cond3A_178 = arith.cmpi ne, %convert_element_type3A_176, %cond3A_177 : i32
        scf.if %cond3A_178 {
          %dma_wait3A_280 = arith.constant 0 : i32
          %dma_wait3A_281 = arith.constant 0 : i32
          %dma_wait3A_282 = tpu.memref_slice %arg9[%dma_wait3A_280, %dma_wait3A_281] : memref<25x40xi32, #tpu.memory_space<vmem>> -> memref<1x40xi32, #tpu.memory_space<vmem>>
          %dma_wait3A_283 = tpu.memref_squeeze %dma_wait3A_282 : memref<1x40xi32, #tpu.memory_space<vmem>> -> memref<40xi32, #tpu.memory_space<vmem>>
          %dma_wait3A_284 = arith.constant 0 : i32
          %dma_wait3A_285 = arith.constant 0 : i32
          %dma_wait3A_286 = tpu.memref_slice %arg27[%dma_wait3A_284, %dma_wait3A_285] : memref<10000x128xf32, #tpu.memory_space<vmem_shared>> -> memref<10000x128xf32, #tpu.memory_space<vmem_shared>>
          tpu.wait_indirect_dma semaphore(%arg23 : memref<!tpu.dma_semaphore, #tpu.memory_space<semaphore_mem>>) src(%arg13 : memref<40x128xf32, #tpu.memory_space<vmem>>) dst(%dma_wait3A_286 : memref<10000x128xf32, #tpu.memory_space<vmem_shared>>)
        } else {
        }
        %add3A_179 = arith.constant 3 : i32
        %add3A_180 = arith.addi %mul3A_123, %add3A_179 : i32
        %dma_start3A_181 = arith.constant 0 : i32
        %dma_start3A_182 = tpu.memref_slice %arg7[%add3A_180, %dma_start3A_181] : memref<25x40xi32, #tpu.memory_space<vmem>> -> memref<1x40xi32, #tpu.memory_space<vmem>>
        %dma_start3A_183 = tpu.memref_squeeze %dma_start3A_182 : memref<1x40xi32, #tpu.memory_space<vmem>> -> memref<40xi32, #tpu.memory_space<vmem>>
        %dma_start3A_184 = arith.constant 0 : i32
        %dma_start3A_185 = arith.constant 0 : i32
        %dma_start3A_186 = tpu.memref_slice %arg2[%dma_start3A_184, %dma_start3A_185] : memref<10000x128xf32, #tpu.memory_space<hbm>> -> memref<10000x128xf32, #tpu.memory_space<hbm>>
        tpu.enqueue_indirect_dma source(%dma_start3A_186 : memref<10000x128xf32, #tpu.memory_space<hbm>>) target(%arg13 : memref<40x128xf32, #tpu.memory_space<vmem>>) offsets(%dma_start3A_183 : memref<40xi32, #tpu.memory_space<vmem>>) semaphore(%arg18 : memref<!tpu.dma_semaphore, #tpu.memory_space<semaphore_mem>>)
        %gt3A_187 = arith.constant 0 : i32
        %gt3A_188 = arith.cmpi sgt, %scan3A_121, %gt3A_187 : i32
        %gt3A_189 = arith.constant 0 : i32
        %gt3A_190 = arith.cmpi sgt, %add3A_109, %gt3A_189 : i32
        %or3A_191 = arith.ori %gt3A_188, %gt3A_190 : i1
        %convert_element_type3A_192 = arith.extui %or3A_191 : i1 to i32
        %cond3A_193 = arith.constant 0 : i32
        %cond3A_194 = arith.cmpi ne, %convert_element_type3A_192, %cond3A_193 : i32
        scf.if %cond3A_194 {
          %dma_wait3A_280 = arith.constant 0 : i32
          %dma_wait3A_281 = arith.constant 0 : i32
          %dma_wait3A_282 = tpu.memref_slice %arg9[%dma_wait3A_280, %dma_wait3A_281] : memref<25x40xi32, #tpu.memory_space<vmem>> -> memref<1x40xi32, #tpu.memory_space<vmem>>
          %dma_wait3A_283 = tpu.memref_squeeze %dma_wait3A_282 : memref<1x40xi32, #tpu.memory_space<vmem>> -> memref<40xi32, #tpu.memory_space<vmem>>
          %dma_wait3A_284 = arith.constant 0 : i32
          %dma_wait3A_285 = arith.constant 0 : i32
          %dma_wait3A_286 = tpu.memref_slice %arg27[%dma_wait3A_284, %dma_wait3A_285] : memref<10000x128xf32, #tpu.memory_space<vmem_shared>> -> memref<10000x128xf32, #tpu.memory_space<vmem_shared>>
          tpu.wait_indirect_dma semaphore(%arg24 : memref<!tpu.dma_semaphore, #tpu.memory_space<semaphore_mem>>) src(%arg14 : memref<40x128xf32, #tpu.memory_space<vmem>>) dst(%dma_wait3A_286 : memref<10000x128xf32, #tpu.memory_space<vmem_shared>>)
        } else {
        }
        %add3A_195 = arith.constant 4 : i32
        %add3A_196 = arith.addi %mul3A_123, %add3A_195 : i32
        %dma_start3A_197 = arith.constant 0 : i32
        %dma_start3A_198 = tpu.memref_slice %arg7[%add3A_196, %dma_start3A_197] : memref<25x40xi32, #tpu.memory_space<vmem>> -> memref<1x40xi32, #tpu.memory_space<vmem>>
        %dma_start3A_199 = tpu.memref_squeeze %dma_start3A_198 : memref<1x40xi32, #tpu.memory_space<vmem>> -> memref<40xi32, #tpu.memory_space<vmem>>
        %dma_start3A_200 = arith.constant 0 : i32
        %dma_start3A_201 = arith.constant 0 : i32
        %dma_start3A_202 = tpu.memref_slice %arg2[%dma_start3A_200, %dma_start3A_201] : memref<10000x128xf32, #tpu.memory_space<hbm>> -> memref<10000x128xf32, #tpu.memory_space<hbm>>
        tpu.enqueue_indirect_dma source(%dma_start3A_202 : memref<10000x128xf32, #tpu.memory_space<hbm>>) target(%arg14 : memref<40x128xf32, #tpu.memory_space<vmem>>) offsets(%dma_start3A_199 : memref<40xi32, #tpu.memory_space<vmem>>) semaphore(%arg19 : memref<!tpu.dma_semaphore, #tpu.memory_space<semaphore_mem>>)
        %eq3A = arith.constant 0 : i32
        %eq3A_203 = arith.cmpi eq, %scan3A_121, %eq3A : i32
        %add3A_204 = arith.constant 1 : i32
        %add3A_205 = arith.addi %add3A_109, %add3A_204 : i32
        %lt3A = arith.constant 10 : i32
        %lt3A_206 = arith.cmpi slt, %add3A_205, %lt3A : i32
        %and3A = arith.andi %eq3A_203, %lt3A_206 : i1
        %convert_element_type3A_207 = arith.extui %and3A : i1 to i32
        %cond3A_208 = arith.constant 0 : i32
        %cond3A_209 = arith.cmpi ne, %convert_element_type3A_207, %cond3A_208 : i32
        scf.if %cond3A_209 {
          %add3A_280 = arith.constant 1 : i32
          %add3A_281 = arith.addi %add3A_109, %add3A_280 : i32
          %dma_start3A_282 = arith.constant 0 : i32
          %dma_start3A_283 = arith.constant 0 : i32
          %dma_start3A_284 = tpu.memref_slice %arg3[%add3A, %add3A_281, %dma_start3A_282, %dma_start3A_283] : memref<32x10x25x40xi32, #tpu.memory_space<hbm>> -> memref<1x1x25x40xi32, #tpu.memory_space<hbm>>
          %dma_start3A_285 = tpu.memref_squeeze %dma_start3A_284 : memref<1x1x25x40xi32, #tpu.memory_space<hbm>> -> memref<25x40xi32, #tpu.memory_space<hbm>>
          %dma_start3A_286 = arith.constant 0 : i32
          %dma_start3A_287 = arith.constant 0 : i32
          %dma_start3A_288 = tpu.memref_slice %arg3[%add3A, %add3A_281, %dma_start3A_286, %dma_start3A_287] : memref<32x10x25x40xi32, #tpu.memory_space<hbm>> -> memref<1x1x25x40xi32, #tpu.memory_space<hbm>>
          %dma_start3A_289 = tpu.memref_squeeze %dma_start3A_288 : memref<1x1x25x40xi32, #tpu.memory_space<hbm>> -> memref<25x40xi32, #tpu.memory_space<hbm>>
          tpu.enqueue_dma source(%dma_start3A_289 : memref<25x40xi32, #tpu.memory_space<hbm>>) target(%arg6 : memref<25x40xi32, #tpu.memory_space<vmem>>) target_semaphore(%arg25 : memref<!tpu.dma_semaphore, #tpu.memory_space<semaphore_mem>>)
          %add3A_290 = arith.constant 1 : i32
          %add3A_291 = arith.addi %add3A_109, %add3A_290 : i32
          %dma_start3A_292 = arith.constant 0 : i32
          %dma_start3A_293 = arith.constant 0 : i32
          %dma_start3A_294 = tpu.memref_slice %arg4[%add3A, %add3A_291, %dma_start3A_292, %dma_start3A_293] : memref<32x10x25x40xi32, #tpu.memory_space<hbm>> -> memref<1x1x25x40xi32, #tpu.memory_space<hbm>>
          %dma_start3A_295 = tpu.memref_squeeze %dma_start3A_294 : memref<1x1x25x40xi32, #tpu.memory_space<hbm>> -> memref<25x40xi32, #tpu.memory_space<hbm>>
          %dma_start3A_296 = arith.constant 0 : i32
          %dma_start3A_297 = arith.constant 0 : i32
          %dma_start3A_298 = tpu.memref_slice %arg4[%add3A, %add3A_291, %dma_start3A_296, %dma_start3A_297] : memref<32x10x25x40xi32, #tpu.memory_space<hbm>> -> memref<1x1x25x40xi32, #tpu.memory_space<hbm>>
          %dma_start3A_299 = tpu.memref_squeeze %dma_start3A_298 : memref<1x1x25x40xi32, #tpu.memory_space<hbm>> -> memref<25x40xi32, #tpu.memory_space<hbm>>
          tpu.enqueue_dma source(%dma_start3A_299 : memref<25x40xi32, #tpu.memory_space<hbm>>) target(%arg8 : memref<25x40xi32, #tpu.memory_space<vmem>>) target_semaphore(%arg26 : memref<!tpu.dma_semaphore, #tpu.memory_space<semaphore_mem>>)
        } else {
        }
        %dma_wait3A_210 = arith.constant 0 : i32
        %dma_wait3A_211 = tpu.memref_slice %arg7[%add3A_132, %dma_wait3A_210] : memref<25x40xi32, #tpu.memory_space<vmem>> -> memref<1x40xi32, #tpu.memory_space<vmem>>
        %dma_wait3A_212 = tpu.memref_squeeze %dma_wait3A_211 : memref<1x40xi32, #tpu.memory_space<vmem>> -> memref<40xi32, #tpu.memory_space<vmem>>
        %dma_wait3A_213 = arith.constant 0 : i32
        %dma_wait3A_214 = arith.constant 0 : i32
        %dma_wait3A_215 = tpu.memref_slice %arg2[%dma_wait3A_213, %dma_wait3A_214] : memref<10000x128xf32, #tpu.memory_space<hbm>> -> memref<10000x128xf32, #tpu.memory_space<hbm>>
        tpu.wait_indirect_dma semaphore(%arg15 : memref<!tpu.dma_semaphore, #tpu.memory_space<semaphore_mem>>) src(%dma_wait3A_215 : memref<10000x128xf32, #tpu.memory_space<hbm>>) dst(%arg10 : memref<40x128xf32, #tpu.memory_space<vmem>>)
        %add3A_216 = arith.constant 0 : i32
        %add3A_217 = arith.addi %mul3A_123, %add3A_216 : i32
        %dma_start3A_218 = arith.constant 0 : i32
        %dma_start3A_219 = tpu.memref_slice %arg9[%add3A_217, %dma_start3A_218] : memref<25x40xi32, #tpu.memory_space<vmem>> -> memref<1x40xi32, #tpu.memory_space<vmem>>
        %dma_start3A_220 = tpu.memref_squeeze %dma_start3A_219 : memref<1x40xi32, #tpu.memory_space<vmem>> -> memref<40xi32, #tpu.memory_space<vmem>>
        %dma_start3A_221 = arith.constant 0 : i32
        %dma_start3A_222 = arith.constant 0 : i32
        %dma_start3A_223 = tpu.memref_slice %arg27[%dma_start3A_221, %dma_start3A_222] : memref<10000x128xf32, #tpu.memory_space<vmem_shared>> -> memref<10000x128xf32, #tpu.memory_space<vmem_shared>>
        tpu.enqueue_indirect_dma source(%arg10 : memref<40x128xf32, #tpu.memory_space<vmem>>) target(%dma_start3A_223 : memref<10000x128xf32, #tpu.memory_space<vmem_shared>>) offsets(%dma_start3A_220 : memref<40xi32, #tpu.memory_space<vmem>>) semaphore(%arg20 : memref<!tpu.dma_semaphore, #tpu.memory_space<semaphore_mem>>) {add = true}
        %dma_wait3A_224 = arith.constant 0 : i32
        %dma_wait3A_225 = tpu.memref_slice %arg7[%add3A_148, %dma_wait3A_224] : memref<25x40xi32, #tpu.memory_space<vmem>> -> memref<1x40xi32, #tpu.memory_space<vmem>>
        %dma_wait3A_226 = tpu.memref_squeeze %dma_wait3A_225 : memref<1x40xi32, #tpu.memory_space<vmem>> -> memref<40xi32, #tpu.memory_space<vmem>>
        %dma_wait3A_227 = arith.constant 0 : i32
        %dma_wait3A_228 = arith.constant 0 : i32
        %dma_wait3A_229 = tpu.memref_slice %arg2[%dma_wait3A_227, %dma_wait3A_228] : memref<10000x128xf32, #tpu.memory_space<hbm>> -> memref<10000x128xf32, #tpu.memory_space<hbm>>
        tpu.wait_indirect_dma semaphore(%arg16 : memref<!tpu.dma_semaphore, #tpu.memory_space<semaphore_mem>>) src(%dma_wait3A_229 : memref<10000x128xf32, #tpu.memory_space<hbm>>) dst(%arg11 : memref<40x128xf32, #tpu.memory_space<vmem>>)
        %add3A_230 = arith.constant 1 : i32
        %add3A_231 = arith.addi %mul3A_123, %add3A_230 : i32
        %dma_start3A_232 = arith.constant 0 : i32
        %dma_start3A_233 = tpu.memref_slice %arg9[%add3A_231, %dma_start3A_232] : memref<25x40xi32, #tpu.memory_space<vmem>> -> memref<1x40xi32, #tpu.memory_space<vmem>>
        %dma_start3A_234 = tpu.memref_squeeze %dma_start3A_233 : memref<1x40xi32, #tpu.memory_space<vmem>> -> memref<40xi32, #tpu.memory_space<vmem>>
        %dma_start3A_235 = arith.constant 0 : i32
        %dma_start3A_236 = arith.constant 0 : i32
        %dma_start3A_237 = tpu.memref_slice %arg27[%dma_start3A_235, %dma_start3A_236] : memref<10000x128xf32, #tpu.memory_space<vmem_shared>> -> memref<10000x128xf32, #tpu.memory_space<vmem_shared>>
        tpu.enqueue_indirect_dma source(%arg11 : memref<40x128xf32, #tpu.memory_space<vmem>>) target(%dma_start3A_237 : memref<10000x128xf32, #tpu.memory_space<vmem_shared>>) offsets(%dma_start3A_234 : memref<40xi32, #tpu.memory_space<vmem>>) semaphore(%arg21 : memref<!tpu.dma_semaphore, #tpu.memory_space<semaphore_mem>>) {add = true}
        %dma_wait3A_238 = arith.constant 0 : i32
        %dma_wait3A_239 = tpu.memref_slice %arg7[%add3A_164, %dma_wait3A_238] : memref<25x40xi32, #tpu.memory_space<vmem>> -> memref<1x40xi32, #tpu.memory_space<vmem>>
        %dma_wait3A_240 = tpu.memref_squeeze %dma_wait3A_239 : memref<1x40xi32, #tpu.memory_space<vmem>> -> memref<40xi32, #tpu.memory_space<vmem>>
        %dma_wait3A_241 = arith.constant 0 : i32
        %dma_wait3A_242 = arith.constant 0 : i32
        %dma_wait3A_243 = tpu.memref_slice %arg2[%dma_wait3A_241, %dma_wait3A_242] : memref<10000x128xf32, #tpu.memory_space<hbm>> -> memref<10000x128xf32, #tpu.memory_space<hbm>>
        tpu.wait_indirect_dma semaphore(%arg17 : memref<!tpu.dma_semaphore, #tpu.memory_space<semaphore_mem>>) src(%dma_wait3A_243 : memref<10000x128xf32, #tpu.memory_space<hbm>>) dst(%arg12 : memref<40x128xf32, #tpu.memory_space<vmem>>)
        %add3A_244 = arith.constant 2 : i32
        %add3A_245 = arith.addi %mul3A_123, %add3A_244 : i32
        %dma_start3A_246 = arith.constant 0 : i32
        %dma_start3A_247 = tpu.memref_slice %arg9[%add3A_245, %dma_start3A_246] : memref<25x40xi32, #tpu.memory_space<vmem>> -> memref<1x40xi32, #tpu.memory_space<vmem>>
        %dma_start3A_248 = tpu.memref_squeeze %dma_start3A_247 : memref<1x40xi32, #tpu.memory_space<vmem>> -> memref<40xi32, #tpu.memory_space<vmem>>
        %dma_start3A_249 = arith.constant 0 : i32
        %dma_start3A_250 = arith.constant 0 : i32
        %dma_start3A_251 = tpu.memref_slice %arg27[%dma_start3A_249, %dma_start3A_250] : memref<10000x128xf32, #tpu.memory_space<vmem_shared>> -> memref<10000x128xf32, #tpu.memory_space<vmem_shared>>
        tpu.enqueue_indirect_dma source(%arg12 : memref<40x128xf32, #tpu.memory_space<vmem>>) target(%dma_start3A_251 : memref<10000x128xf32, #tpu.memory_space<vmem_shared>>) offsets(%dma_start3A_248 : memref<40xi32, #tpu.memory_space<vmem>>) semaphore(%arg22 : memref<!tpu.dma_semaphore, #tpu.memory_space<semaphore_mem>>) {add = true}
        %dma_wait3A_252 = arith.constant 0 : i32
        %dma_wait3A_253 = tpu.memref_slice %arg7[%add3A_180, %dma_wait3A_252] : memref<25x40xi32, #tpu.memory_space<vmem>> -> memref<1x40xi32, #tpu.memory_space<vmem>>
        %dma_wait3A_254 = tpu.memref_squeeze %dma_wait3A_253 : memref<1x40xi32, #tpu.memory_space<vmem>> -> memref<40xi32, #tpu.memory_space<vmem>>
        %dma_wait3A_255 = arith.constant 0 : i32
        %dma_wait3A_256 = arith.constant 0 : i32
        %dma_wait3A_257 = tpu.memref_slice %arg2[%dma_wait3A_255, %dma_wait3A_256] : memref<10000x128xf32, #tpu.memory_space<hbm>> -> memref<10000x128xf32, #tpu.memory_space<hbm>>
        tpu.wait_indirect_dma semaphore(%arg18 : memref<!tpu.dma_semaphore, #tpu.memory_space<semaphore_mem>>) src(%dma_wait3A_257 : memref<10000x128xf32, #tpu.memory_space<hbm>>) dst(%arg13 : memref<40x128xf32, #tpu.memory_space<vmem>>)
        %add3A_258 = arith.constant 3 : i32
        %add3A_259 = arith.addi %mul3A_123, %add3A_258 : i32
        %dma_start3A_260 = arith.constant 0 : i32
        %dma_start3A_261 = tpu.memref_slice %arg9[%add3A_259, %dma_start3A_260] : memref<25x40xi32, #tpu.memory_space<vmem>> -> memref<1x40xi32, #tpu.memory_space<vmem>>
        %dma_start3A_262 = tpu.memref_squeeze %dma_start3A_261 : memref<1x40xi32, #tpu.memory_space<vmem>> -> memref<40xi32, #tpu.memory_space<vmem>>
        %dma_start3A_263 = arith.constant 0 : i32
        %dma_start3A_264 = arith.constant 0 : i32
        %dma_start3A_265 = tpu.memref_slice %arg27[%dma_start3A_263, %dma_start3A_264] : memref<10000x128xf32, #tpu.memory_space<vmem_shared>> -> memref<10000x128xf32, #tpu.memory_space<vmem_shared>>
        tpu.enqueue_indirect_dma source(%arg13 : memref<40x128xf32, #tpu.memory_space<vmem>>) target(%dma_start3A_265 : memref<10000x128xf32, #tpu.memory_space<vmem_shared>>) offsets(%dma_start3A_262 : memref<40xi32, #tpu.memory_space<vmem>>) semaphore(%arg23 : memref<!tpu.dma_semaphore, #tpu.memory_space<semaphore_mem>>) {add = true}
        %dma_wait3A_266 = arith.constant 0 : i32
        %dma_wait3A_267 = tpu.memref_slice %arg7[%add3A_196, %dma_wait3A_266] : memref<25x40xi32, #tpu.memory_space<vmem>> -> memref<1x40xi32, #tpu.memory_space<vmem>>
        %dma_wait3A_268 = tpu.memref_squeeze %dma_wait3A_267 : memref<1x40xi32, #tpu.memory_space<vmem>> -> memref<40xi32, #tpu.memory_space<vmem>>
        %dma_wait3A_269 = arith.constant 0 : i32
        %dma_wait3A_270 = arith.constant 0 : i32
        %dma_wait3A_271 = tpu.memref_slice %arg2[%dma_wait3A_269, %dma_wait3A_270] : memref<10000x128xf32, #tpu.memory_space<hbm>> -> memref<10000x128xf32, #tpu.memory_space<hbm>>
        tpu.wait_indirect_dma semaphore(%arg19 : memref<!tpu.dma_semaphore, #tpu.memory_space<semaphore_mem>>) src(%dma_wait3A_271 : memref<10000x128xf32, #tpu.memory_space<hbm>>) dst(%arg14 : memref<40x128xf32, #tpu.memory_space<vmem>>)
        %add3A_272 = arith.constant 4 : i32
        %add3A_273 = arith.addi %mul3A_123, %add3A_272 : i32
        %dma_start3A_274 = arith.constant 0 : i32
        %dma_start3A_275 = tpu.memref_slice %arg9[%add3A_273, %dma_start3A_274] : memref<25x40xi32, #tpu.memory_space<vmem>> -> memref<1x40xi32, #tpu.memory_space<vmem>>
        %dma_start3A_276 = tpu.memref_squeeze %dma_start3A_275 : memref<1x40xi32, #tpu.memory_space<vmem>> -> memref<40xi32, #tpu.memory_space<vmem>>
        %dma_start3A_277 = arith.constant 0 : i32
        %dma_start3A_278 = arith.constant 0 : i32
        %dma_start3A_279 = tpu.memref_slice %arg27[%dma_start3A_277, %dma_start3A_278] : memref<10000x128xf32, #tpu.memory_space<vmem_shared>> -> memref<10000x128xf32, #tpu.memory_space<vmem_shared>>
        tpu.enqueue_indirect_dma source(%arg14 : memref<40x128xf32, #tpu.memory_space<vmem>>) target(%dma_start3A_279 : memref<10000x128xf32, #tpu.memory_space<vmem_shared>>) offsets(%dma_start3A_276 : memref<40xi32, #tpu.memory_space<vmem>>) semaphore(%arg24 : memref<!tpu.dma_semaphore, #tpu.memory_space<semaphore_mem>>) {add = true}
      }
      %scan3A_120 = arith.constant 5 : i32
    }
    %scan3A_52 = arith.constant 5 : i32
    %dma_wait3A_53 = arith.constant 0 : i32
    %dma_wait3A_54 = arith.constant 0 : i32
    %dma_wait3A_55 = tpu.memref_slice %arg9[%dma_wait3A_53, %dma_wait3A_54] : memref<25x40xi32, #tpu.memory_space<vmem>> -> memref<1x40xi32, #tpu.memory_space<vmem>>
    %dma_wait3A_56 = tpu.memref_squeeze %dma_wait3A_55 : memref<1x40xi32, #tpu.memory_space<vmem>> -> memref<40xi32, #tpu.memory_space<vmem>>
    %dma_wait3A_57 = arith.constant 0 : i32
    %dma_wait3A_58 = arith.constant 0 : i32
    %dma_wait3A_59 = tpu.memref_slice %arg27[%dma_wait3A_57, %dma_wait3A_58] : memref<10000x128xf32, #tpu.memory_space<vmem_shared>> -> memref<10000x128xf32, #tpu.memory_space<vmem_shared>>
    tpu.wait_indirect_dma semaphore(%arg20 : memref<!tpu.dma_semaphore, #tpu.memory_space<semaphore_mem>>) src(%arg10 : memref<40x128xf32, #tpu.memory_space<vmem>>) dst(%dma_wait3A_59 : memref<10000x128xf32, #tpu.memory_space<vmem_shared>>)
    %dma_wait3A_60 = arith.constant 0 : i32
    %dma_wait3A_61 = arith.constant 0 : i32
    %dma_wait3A_62 = tpu.memref_slice %arg9[%dma_wait3A_60, %dma_wait3A_61] : memref<25x40xi32, #tpu.memory_space<vmem>> -> memref<1x40xi32, #tpu.memory_space<vmem>>
    %dma_wait3A_63 = tpu.memref_squeeze %dma_wait3A_62 : memref<1x40xi32, #tpu.memory_space<vmem>> -> memref<40xi32, #tpu.memory_space<vmem>>
    %dma_wait3A_64 = arith.constant 0 : i32
    %dma_wait3A_65 = arith.constant 0 : i32
    %dma_wait3A_66 = tpu.memref_slice %arg27[%dma_wait3A_64, %dma_wait3A_65] : memref<10000x128xf32, #tpu.memory_space<vmem_shared>> -> memref<10000x128xf32, #tpu.memory_space<vmem_shared>>
    tpu.wait_indirect_dma semaphore(%arg21 : memref<!tpu.dma_semaphore, #tpu.memory_space<semaphore_mem>>) src(%arg11 : memref<40x128xf32, #tpu.memory_space<vmem>>) dst(%dma_wait3A_66 : memref<10000x128xf32, #tpu.memory_space<vmem_shared>>)
    %dma_wait3A_67 = arith.constant 0 : i32
    %dma_wait3A_68 = arith.constant 0 : i32
    %dma_wait3A_69 = tpu.memref_slice %arg9[%dma_wait3A_67, %dma_wait3A_68] : memref<25x40xi32, #tpu.memory_space<vmem>> -> memref<1x40xi32, #tpu.memory_space<vmem>>
    %dma_wait3A_70 = tpu.memref_squeeze %dma_wait3A_69 : memref<1x40xi32, #tpu.memory_space<vmem>> -> memref<40xi32, #tpu.memory_space<vmem>>
    %dma_wait3A_71 = arith.constant 0 : i32
    %dma_wait3A_72 = arith.constant 0 : i32
    %dma_wait3A_73 = tpu.memref_slice %arg27[%dma_wait3A_71, %dma_wait3A_72] : memref<10000x128xf32, #tpu.memory_space<vmem_shared>> -> memref<10000x128xf32, #tpu.memory_space<vmem_shared>>
    tpu.wait_indirect_dma semaphore(%arg22 : memref<!tpu.dma_semaphore, #tpu.memory_space<semaphore_mem>>) src(%arg12 : memref<40x128xf32, #tpu.memory_space<vmem>>) dst(%dma_wait3A_73 : memref<10000x128xf32, #tpu.memory_space<vmem_shared>>)
    %dma_wait3A_74 = arith.constant 0 : i32
    %dma_wait3A_75 = arith.constant 0 : i32
    %dma_wait3A_76 = tpu.memref_slice %arg9[%dma_wait3A_74, %dma_wait3A_75] : memref<25x40xi32, #tpu.memory_space<vmem>> -> memref<1x40xi32, #tpu.memory_space<vmem>>
    %dma_wait3A_77 = tpu.memref_squeeze %dma_wait3A_76 : memref<1x40xi32, #tpu.memory_space<vmem>> -> memref<40xi32, #tpu.memory_space<vmem>>
    %dma_wait3A_78 = arith.constant 0 : i32
    %dma_wait3A_79 = arith.constant 0 : i32
    %dma_wait3A_80 = tpu.memref_slice %arg27[%dma_wait3A_78, %dma_wait3A_79] : memref<10000x128xf32, #tpu.memory_space<vmem_shared>> -> memref<10000x128xf32, #tpu.memory_space<vmem_shared>>
    tpu.wait_indirect_dma semaphore(%arg23 : memref<!tpu.dma_semaphore, #tpu.memory_space<semaphore_mem>>) src(%arg13 : memref<40x128xf32, #tpu.memory_space<vmem>>) dst(%dma_wait3A_80 : memref<10000x128xf32, #tpu.memory_space<vmem_shared>>)
    %dma_wait3A_81 = arith.constant 0 : i32
    %dma_wait3A_82 = arith.constant 0 : i32
    %dma_wait3A_83 = tpu.memref_slice %arg9[%dma_wait3A_81, %dma_wait3A_82] : memref<25x40xi32, #tpu.memory_space<vmem>> -> memref<1x40xi32, #tpu.memory_space<vmem>>
    %dma_wait3A_84 = tpu.memref_squeeze %dma_wait3A_83 : memref<1x40xi32, #tpu.memory_space<vmem>> -> memref<40xi32, #tpu.memory_space<vmem>>
    %dma_wait3A_85 = arith.constant 0 : i32
    %dma_wait3A_86 = arith.constant 0 : i32
    %dma_wait3A_87 = tpu.memref_slice %arg27[%dma_wait3A_85, %dma_wait3A_86] : memref<10000x128xf32, #tpu.memory_space<vmem_shared>> -> memref<10000x128xf32, #tpu.memory_space<vmem_shared>>
    tpu.wait_indirect_dma semaphore(%arg24 : memref<!tpu.dma_semaphore, #tpu.memory_space<semaphore_mem>>) src(%arg14 : memref<40x128xf32, #tpu.memory_space<vmem>>) dst(%dma_wait3A_87 : memref<10000x128xf32, #tpu.memory_space<vmem_shared>>)
    %barrier3A_88 = arith.constant 0 : index
    tpu.barrier barrier_id(%barrier3A_88)
    %scan3A_89 = arith.constant 0 : i32
    %scan3A_90 = arith.constant 0 : i32
    %scan3A_91 = arith.constant 8 : i32
    %scan3A_92 = arith.addi %scan3A_90, %scan3A_91 : i32
    %scan3A_93 = arith.constant 1 : i32
    scf.for %scan3A_95 = %scan3A_90 to %scan3A_92 step %scan3A_93  : i32 {
      %mul3A_96 = arith.constant 16 : i32
      %mul3A_97 = arith.muli %scan3A_95, %mul3A_96 : i32
      %add3A_98 = arith.addi %arg1, %mul3A_97 : i32
      %lt3A = arith.constant 125 : i32
      %lt3A_99 = arith.cmpi slt, %add3A_98, %lt3A : i32
      %convert_element_type3A = arith.extui %lt3A_99 : i1 to i32
      %cond3A = arith.constant 0 : i32
      %cond3A_100 = arith.cmpi ne, %convert_element_type3A, %cond3A : i32
      scf.if %cond3A_100 {
        %mul3A_101 = arith.constant 80 : i32
        %mul3A_102 = arith.muli %add3A_98, %mul3A_101 : i32
        "tpu.region"() ({
          %run_scoped3A = tpu.sem_alloc : memref<!tpu.dma_semaphore, #tpu.memory_space<semaphore_mem>>
          %dma_start3A_103 = arith.constant 0 : i32
          %dma_start3A_104 = tpu.memref_slice %arg5[%arg0, %mul3A_102, %dma_start3A_103] : memref<2x10000x128xf32, #tpu.memory_space<hbm>> -> memref<1x80x128xf32, #tpu.memory_space<hbm>>
          %dma_start3A_105 = tpu.memref_squeeze %dma_start3A_104 : memref<1x80x128xf32, #tpu.memory_space<hbm>> -> memref<80x128xf32, #tpu.memory_space<hbm>>
          %dma_start3A_106 = arith.constant 0 : i32
          %dma_start3A_107 = tpu.memref_slice %arg27[%mul3A_102, %dma_start3A_106] : memref<10000x128xf32, #tpu.memory_space<vmem_shared>> -> memref<80x128xf32, #tpu.memory_space<vmem_shared>>
          tpu.enqueue_dma source(%dma_start3A_107 : memref<80x128xf32, #tpu.memory_space<vmem_shared>>) target(%dma_start3A_105 : memref<80x128xf32, #tpu.memory_space<hbm>>) target_semaphore(%run_scoped3A : memref<!tpu.dma_semaphore, #tpu.memory_space<semaphore_mem>>)
          %dma_wait3A_108 = arith.constant 0 : i32
          %dma_wait3A_109 = tpu.memref_slice %arg5[%arg0, %mul3A_102, %dma_wait3A_108] : memref<2x10000x128xf32, #tpu.memory_space<hbm>> -> memref<1x80x128xf32, #tpu.memory_space<hbm>>
          %dma_wait3A_110 = tpu.memref_squeeze %dma_wait3A_109 : memref<1x80x128xf32, #tpu.memory_space<hbm>> -> memref<80x128xf32, #tpu.memory_space<hbm>>
          %dma_wait3A_111 = arith.constant 0 : i32
          %dma_wait3A_112 = tpu.memref_slice %arg27[%mul3A_102, %dma_wait3A_111] : memref<10000x128xf32, #tpu.memory_space<vmem_shared>> -> memref<80x128xf32, #tpu.memory_space<vmem_shared>>
          tpu.wait_dma2 semaphore(%run_scoped3A : memref<!tpu.dma_semaphore, #tpu.memory_space<semaphore_mem>>) src(%dma_wait3A_112 : memref<80x128xf32, #tpu.memory_space<vmem_shared>>) dst(%dma_wait3A_110 : memref<80x128xf32, #tpu.memory_space<hbm>>)
          tpu.yield
        }) : () -> ()
      } else {
      }
    }
    %scan3A_94 = arith.constant 8 : i32
    return
  }
}

#map = affine_map<(d0, d1) -> (0, 0, 0)>
#map1 = affine_map<(d0, d1) -> (0, 0, 0, 0)>
module attributes {stable_mosaic.version = 14 : i64} {
  func.func @prop(%arg0: i32, %arg1: i32, %arg2: memref<2x10000x128xf32, #tpu.memory_space<hbm>>, %arg3: memref<16x20x25x40xi32, #tpu.memory_space<hbm>>, %arg4: memref<16x20x25x40xi32, #tpu.memory_space<hbm>>, %arg5: memref<2x10000x128xf32, #tpu.memory_space<hbm>>, %arg6: memref<25x40xi32, #tpu.memory_space<vmem>>, %arg7: memref<25x40xi32, #tpu.memory_space<vmem>>, %arg8: memref<25x40xi32, #tpu.memory_space<vmem>>, %arg9: memref<25x40xi32, #tpu.memory_space<vmem>>, %arg10: memref<40x128xf32, #tpu.memory_space<vmem>>, %arg11: memref<40x128xf32, #tpu.memory_space<vmem>>, %arg12: memref<40x128xf32, #tpu.memory_space<vmem>>, %arg13: memref<40x128xf32, #tpu.memory_space<vmem>>, %arg14: memref<40x128xf32, #tpu.memory_space<vmem>>, %arg15: memref<!tpu.dma_semaphore, #tpu.memory_space<semaphore_mem>>, %arg16: memref<!tpu.dma_semaphore, #tpu.memory_space<semaphore_mem>>, %arg17: memref<!tpu.dma_semaphore, #tpu.memory_space<semaphore_mem>>, %arg18: memref<!tpu.dma_semaphore, #tpu.memory_space<semaphore_mem>>, %arg19: memref<!tpu.dma_semaphore, #tpu.memory_space<semaphore_mem>>, %arg20: memref<!tpu.dma_semaphore, #tpu.memory_space<semaphore_mem>>, %arg21: memref<!tpu.dma_semaphore, #tpu.memory_space<semaphore_mem>>, %arg22: memref<!tpu.dma_semaphore, #tpu.memory_space<semaphore_mem>>, %arg23: memref<!tpu.dma_semaphore, #tpu.memory_space<semaphore_mem>>, %arg24: memref<!tpu.dma_semaphore, #tpu.memory_space<semaphore_mem>>, %arg25: memref<!tpu.dma_semaphore, #tpu.memory_space<semaphore_mem>>, %arg26: memref<!tpu.dma_semaphore, #tpu.memory_space<semaphore_mem>>, %arg27: memref<10000x128xf32, #tpu.memory_space<vmem_shared>>) attributes {dimension_semantics = [#tpu.dimension_semantics<core_parallel>, #tpu.dimension_semantics<subcore_parallel>], iteration_bounds = array<i64: 2, 16>, scalar_prefetch = 0 : i64, scratch_operands = 22 : i64, tpu.core_type = #tpu.core_type<sc_vector_subcore>, window_params = [{transform_indices = #map}, {transform_indices = #map1}, {transform_indices = #map1}, {transform_indices = #map}]} {
    %dma_start3A = arith.constant 0 : i32
    %dma_start3A_0 = arith.constant 0 : i32
    %dma_start3A_1 = arith.constant 0 : i32
    %dma_start3A_2 = tpu.memref_slice %arg3[%arg1, %dma_start3A, %dma_start3A_0, %dma_start3A_1] : memref<16x20x25x40xi32, #tpu.memory_space<hbm>> -> memref<1x1x25x40xi32, #tpu.memory_space<hbm>>
    %dma_start3A_3 = tpu.memref_squeeze %dma_start3A_2 : memref<1x1x25x40xi32, #tpu.memory_space<hbm>> -> memref<25x40xi32, #tpu.memory_space<hbm>>
    %dma_start3A_4 = arith.constant 0 : i32
    %dma_start3A_5 = arith.constant 0 : i32
    %dma_start3A_6 = tpu.memref_slice %arg3[%arg1, %dma_start3A, %dma_start3A_4, %dma_start3A_5] : memref<16x20x25x40xi32, #tpu.memory_space<hbm>> -> memref<1x1x25x40xi32, #tpu.memory_space<hbm>>
    %dma_start3A_7 = tpu.memref_squeeze %dma_start3A_6 : memref<1x1x25x40xi32, #tpu.memory_space<hbm>> -> memref<25x40xi32, #tpu.memory_space<hbm>>
    tpu.enqueue_dma source(%dma_start3A_7 : memref<25x40xi32, #tpu.memory_space<hbm>>) target(%arg6 : memref<25x40xi32, #tpu.memory_space<vmem>>) target_semaphore(%arg25 : memref<!tpu.dma_semaphore, #tpu.memory_space<semaphore_mem>>)
    %dma_start3A_8 = arith.constant 0 : i32
    %dma_start3A_9 = arith.constant 0 : i32
    %dma_start3A_10 = arith.constant 0 : i32
    %dma_start3A_11 = tpu.memref_slice %arg4[%arg1, %dma_start3A_8, %dma_start3A_9, %dma_start3A_10] : memref<16x20x25x40xi32, #tpu.memory_space<hbm>> -> memref<1x1x25x40xi32, #tpu.memory_space<hbm>>
    %dma_start3A_12 = tpu.memref_squeeze %dma_start3A_11 : memref<1x1x25x40xi32, #tpu.memory_space<hbm>> -> memref<25x40xi32, #tpu.memory_space<hbm>>
    %dma_start3A_13 = arith.constant 0 : i32
    %dma_start3A_14 = arith.constant 0 : i32
    %dma_start3A_15 = tpu.memref_slice %arg4[%arg1, %dma_start3A_8, %dma_start3A_13, %dma_start3A_14] : memref<16x20x25x40xi32, #tpu.memory_space<hbm>> -> memref<1x1x25x40xi32, #tpu.memory_space<hbm>>
    %dma_start3A_16 = tpu.memref_squeeze %dma_start3A_15 : memref<1x1x25x40xi32, #tpu.memory_space<hbm>> -> memref<25x40xi32, #tpu.memory_space<hbm>>
    tpu.enqueue_dma source(%dma_start3A_16 : memref<25x40xi32, #tpu.memory_space<hbm>>) target(%arg8 : memref<25x40xi32, #tpu.memory_space<vmem>>) target_semaphore(%arg26 : memref<!tpu.dma_semaphore, #tpu.memory_space<semaphore_mem>>)
    %broadcast_in_dim3A = arith.constant 0.000000e+00 : f32
    %broadcast_in_dim3A_17 = vector.broadcast %broadcast_in_dim3A : f32 to vector<16xf32>
    %scan3A = arith.constant 0 : i32
    %scan3A_18 = arith.constant 0 : i32
    %scan3A_19 = arith.constant 40 : i32
    %scan3A_20 = arith.addi %scan3A_18, %scan3A_19 : i32
    %scan3A_21 = arith.constant 1 : i32
    scf.for %scan3A_94 = %scan3A_18 to %scan3A_20 step %scan3A_21  : i32 {
      %swap3A = arith.index_cast %scan3A_94 : i32 to index
      %swap3A_95 = arith.constant 0 : index
      %swap3A_96 = tpu.vector_load %arg10[%swap3A, %swap3A_95] {strides = array<i32>} : memref<40x128xf32, #tpu.memory_space<vmem>>, vector<1x16xf32>,
      %swap3A_97 = vector.shape_cast %swap3A_96 : vector<1x16xf32> to vector<16xf32>
      %swap3A_98 = vector.shape_cast %broadcast_in_dim3A_17 : vector<16xf32> to vector<1x16xf32>
      tpu.vector_store %arg10[%swap3A, %swap3A_95], %swap3A_98 {strides = array<i32>} : memref<40x128xf32, #tpu.memory_space<vmem>>, vector<1x16xf32>,
      %swap3A_99 = arith.index_cast %scan3A_94 : i32 to index
      %swap3A_100 = arith.constant 16 : index
      %swap3A_101 = tpu.vector_load %arg10[%swap3A_99, %swap3A_100] {strides = array<i32>} : memref<40x128xf32, #tpu.memory_space<vmem>>, vector<1x16xf32>,
      %swap3A_102 = vector.shape_cast %swap3A_101 : vector<1x16xf32> to vector<16xf32>
      %swap3A_103 = vector.shape_cast %broadcast_in_dim3A_17 : vector<16xf32> to vector<1x16xf32>
      tpu.vector_store %arg10[%swap3A_99, %swap3A_100], %swap3A_103 {strides = array<i32>} : memref<40x128xf32, #tpu.memory_space<vmem>>, vector<1x16xf32>,
      %swap3A_104 = arith.index_cast %scan3A_94 : i32 to index
      %swap3A_105 = arith.constant 32 : index
      %swap3A_106 = tpu.vector_load %arg10[%swap3A_104, %swap3A_105] {strides = array<i32>} : memref<40x128xf32, #tpu.memory_space<vmem>>, vector<1x16xf32>,
      %swap3A_107 = vector.shape_cast %swap3A_106 : vector<1x16xf32> to vector<16xf32>
      %swap3A_108 = vector.shape_cast %broadcast_in_dim3A_17 : vector<16xf32> to vector<1x16xf32>
      tpu.vector_store %arg10[%swap3A_104, %swap3A_105], %swap3A_108 {strides = array<i32>} : memref<40x128xf32, #tpu.memory_space<vmem>>, vector<1x16xf32>,
      %swap3A_109 = arith.index_cast %scan3A_94 : i32 to index
      %swap3A_110 = arith.constant 48 : index
      %swap3A_111 = tpu.vector_load %arg10[%swap3A_109, %swap3A_110] {strides = array<i32>} : memref<40x128xf32, #tpu.memory_space<vmem>>, vector<1x16xf32>,
      %swap3A_112 = vector.shape_cast %swap3A_111 : vector<1x16xf32> to vector<16xf32>
      %swap3A_113 = vector.shape_cast %broadcast_in_dim3A_17 : vector<16xf32> to vector<1x16xf32>
      tpu.vector_store %arg10[%swap3A_109, %swap3A_110], %swap3A_113 {strides = array<i32>} : memref<40x128xf32, #tpu.memory_space<vmem>>, vector<1x16xf32>,
      %swap3A_114 = arith.index_cast %scan3A_94 : i32 to index
      %swap3A_115 = arith.constant 64 : index
      %swap3A_116 = tpu.vector_load %arg10[%swap3A_114, %swap3A_115] {strides = array<i32>} : memref<40x128xf32, #tpu.memory_space<vmem>>, vector<1x16xf32>,
      %swap3A_117 = vector.shape_cast %swap3A_116 : vector<1x16xf32> to vector<16xf32>
      %swap3A_118 = vector.shape_cast %broadcast_in_dim3A_17 : vector<16xf32> to vector<1x16xf32>
      tpu.vector_store %arg10[%swap3A_114, %swap3A_115], %swap3A_118 {strides = array<i32>} : memref<40x128xf32, #tpu.memory_space<vmem>>, vector<1x16xf32>,
      %swap3A_119 = arith.index_cast %scan3A_94 : i32 to index
      %swap3A_120 = arith.constant 80 : index
      %swap3A_121 = tpu.vector_load %arg10[%swap3A_119, %swap3A_120] {strides = array<i32>} : memref<40x128xf32, #tpu.memory_space<vmem>>, vector<1x16xf32>,
      %swap3A_122 = vector.shape_cast %swap3A_121 : vector<1x16xf32> to vector<16xf32>
      %swap3A_123 = vector.shape_cast %broadcast_in_dim3A_17 : vector<16xf32> to vector<1x16xf32>
      tpu.vector_store %arg10[%swap3A_119, %swap3A_120], %swap3A_123 {strides = array<i32>} : memref<40x128xf32, #tpu.memory_space<vmem>>, vector<1x16xf32>,
      %swap3A_124 = arith.index_cast %scan3A_94 : i32 to index
      %swap3A_125 = arith.constant 96 : index
      %swap3A_126 = tpu.vector_load %arg10[%swap3A_124, %swap3A_125] {strides = array<i32>} : memref<40x128xf32, #tpu.memory_space<vmem>>, vector<1x16xf32>,
      %swap3A_127 = vector.shape_cast %swap3A_126 : vector<1x16xf32> to vector<16xf32>
      %swap3A_128 = vector.shape_cast %broadcast_in_dim3A_17 : vector<16xf32> to vector<1x16xf32>
      tpu.vector_store %arg10[%swap3A_124, %swap3A_125], %swap3A_128 {strides = array<i32>} : memref<40x128xf32, #tpu.memory_space<vmem>>, vector<1x16xf32>,
      %swap3A_129 = arith.index_cast %scan3A_94 : i32 to index
      %swap3A_130 = arith.constant 112 : index
      %swap3A_131 = tpu.vector_load %arg10[%swap3A_129, %swap3A_130] {strides = array<i32>} : memref<40x128xf32, #tpu.memory_space<vmem>>, vector<1x16xf32>,
      %swap3A_132 = vector.shape_cast %swap3A_131 : vector<1x16xf32> to vector<16xf32>
      %swap3A_133 = vector.shape_cast %broadcast_in_dim3A_17 : vector<16xf32> to vector<1x16xf32>
      tpu.vector_store %arg10[%swap3A_129, %swap3A_130], %swap3A_133 {strides = array<i32>} : memref<40x128xf32, #tpu.memory_space<vmem>>, vector<1x16xf32>,
    }
    %scan3A_22 = arith.constant 40 : i32
    %scan3A_23 = arith.constant 0 : i32
    %scan3A_24 = arith.constant 0 : i32
    %scan3A_25 = arith.constant 16 : i32
    %scan3A_26 = arith.addi %scan3A_24, %scan3A_25 : i32
    %scan3A_27 = arith.constant 1 : i32
    scf.for %scan3A_94 = %scan3A_24 to %scan3A_26 step %scan3A_27  : i32 {
      %mul3A = arith.constant 16 : i32
      %mul3A_95 = arith.muli %scan3A_94, %mul3A : i32
      %add3A = arith.addi %arg1, %mul3A_95 : i32
      %lt3A = arith.constant 250 : i32
      %lt3A_96 = arith.cmpi slt, %add3A, %lt3A : i32
      %convert_element_type3A = arith.extui %lt3A_96 : i1 to i32
      %cond3A = arith.constant 0 : i32
      %cond3A_97 = arith.cmpi ne, %convert_element_type3A, %cond3A : i32
      scf.if %cond3A_97 {
        %mul3A_98 = arith.constant 40 : i32
        %mul3A_99 = arith.muli %add3A, %mul3A_98 : i32
        "tpu.region"() ({
          %run_scoped3A = tpu.sem_alloc : memref<!tpu.dma_semaphore, #tpu.memory_space<semaphore_mem>>
          %dma_start3A_100 = arith.constant 0 : i32
          %dma_start3A_101 = tpu.memref_slice %arg27[%mul3A_99, %dma_start3A_100] : memref<10000x128xf32, #tpu.memory_space<vmem_shared>> -> memref<40x128xf32, #tpu.memory_space<vmem_shared>>
          %dma_start3A_102 = arith.constant 0 : i32
          %dma_start3A_103 = tpu.memref_slice %arg27[%mul3A_99, %dma_start3A_102] : memref<10000x128xf32, #tpu.memory_space<vmem_shared>> -> memref<40x128xf32, #tpu.memory_space<vmem_shared>>
          tpu.enqueue_dma source(%arg10 : memref<40x128xf32, #tpu.memory_space<vmem>>) target(%dma_start3A_103 : memref<40x128xf32, #tpu.memory_space<vmem_shared>>) target_semaphore(%run_scoped3A : memref<!tpu.dma_semaphore, #tpu.memory_space<semaphore_mem>>)
          %dma_wait3A_104 = arith.constant 0 : i32
          %dma_wait3A_105 = tpu.memref_slice %arg27[%mul3A_99, %dma_wait3A_104] : memref<10000x128xf32, #tpu.memory_space<vmem_shared>> -> memref<40x128xf32, #tpu.memory_space<vmem_shared>>
          %dma_wait3A_106 = arith.constant 0 : i32
          %dma_wait3A_107 = tpu.memref_slice %arg27[%mul3A_99, %dma_wait3A_106] : memref<10000x128xf32, #tpu.memory_space<vmem_shared>> -> memref<40x128xf32, #tpu.memory_space<vmem_shared>>
          tpu.wait_dma2 semaphore(%run_scoped3A : memref<!tpu.dma_semaphore, #tpu.memory_space<semaphore_mem>>) src(%arg10 : memref<40x128xf32, #tpu.memory_space<vmem>>) dst(%dma_wait3A_107 : memref<40x128xf32, #tpu.memory_space<vmem_shared>>)
          tpu.yield
        }) : () -> ()
      } else {
      }
    }
    %scan3A_28 = arith.constant 16 : i32
    %dma_wait3A = arith.constant 0 : i32
    %dma_wait3A_29 = arith.constant 0 : i32
    %dma_wait3A_30 = arith.constant 0 : i32
    %dma_wait3A_31 = tpu.memref_slice %arg3[%arg1, %dma_wait3A, %dma_wait3A_29, %dma_wait3A_30] : memref<16x20x25x40xi32, #tpu.memory_space<hbm>> -> memref<1x1x25x40xi32, #tpu.memory_space<hbm>>
    %dma_wait3A_32 = tpu.memref_squeeze %dma_wait3A_31 : memref<1x1x25x40xi32, #tpu.memory_space<hbm>> -> memref<25x40xi32, #tpu.memory_space<hbm>>
    %dma_wait3A_33 = arith.constant 0 : i32
    %dma_wait3A_34 = arith.constant 0 : i32
    %dma_wait3A_35 = tpu.memref_slice %arg3[%arg1, %dma_wait3A, %dma_wait3A_33, %dma_wait3A_34] : memref<16x20x25x40xi32, #tpu.memory_space<hbm>> -> memref<1x1x25x40xi32, #tpu.memory_space<hbm>>
    %dma_wait3A_36 = tpu.memref_squeeze %dma_wait3A_35 : memref<1x1x25x40xi32, #tpu.memory_space<hbm>> -> memref<25x40xi32, #tpu.memory_space<hbm>>
    tpu.wait_dma2 semaphore(%arg25 : memref<!tpu.dma_semaphore, #tpu.memory_space<semaphore_mem>>) src(%dma_wait3A_36 : memref<25x40xi32, #tpu.memory_space<hbm>>) dst(%arg6 : memref<25x40xi32, #tpu.memory_space<vmem>>)
    %dma_wait3A_37 = arith.constant 0 : i32
    %dma_wait3A_38 = arith.constant 0 : i32
    %dma_wait3A_39 = arith.constant 0 : i32
    %dma_wait3A_40 = tpu.memref_slice %arg4[%arg1, %dma_wait3A_37, %dma_wait3A_38, %dma_wait3A_39] : memref<16x20x25x40xi32, #tpu.memory_space<hbm>> -> memref<1x1x25x40xi32, #tpu.memory_space<hbm>>
    %dma_wait3A_41 = tpu.memref_squeeze %dma_wait3A_40 : memref<1x1x25x40xi32, #tpu.memory_space<hbm>> -> memref<25x40xi32, #tpu.memory_space<hbm>>
    %dma_wait3A_42 = arith.constant 0 : i32
    %dma_wait3A_43 = arith.constant 0 : i32
    %dma_wait3A_44 = tpu.memref_slice %arg4[%arg1, %dma_wait3A_37, %dma_wait3A_42, %dma_wait3A_43] : memref<16x20x25x40xi32, #tpu.memory_space<hbm>> -> memref<1x1x25x40xi32, #tpu.memory_space<hbm>>
    %dma_wait3A_45 = tpu.memref_squeeze %dma_wait3A_44 : memref<1x1x25x40xi32, #tpu.memory_space<hbm>> -> memref<25x40xi32, #tpu.memory_space<hbm>>
    tpu.wait_dma2 semaphore(%arg26 : memref<!tpu.dma_semaphore, #tpu.memory_space<semaphore_mem>>) src(%dma_wait3A_45 : memref<25x40xi32, #tpu.memory_space<hbm>>) dst(%arg8 : memref<25x40xi32, #tpu.memory_space<vmem>>)
    %barrier3A = arith.constant 0 : index
    tpu.barrier barrier_id(%barrier3A)
    %scan3A_46 = arith.constant 0 : i32
    %scan3A_47 = arith.constant 0 : i32
    %scan3A_48 = arith.constant 10 : i32
    %scan3A_49 = arith.addi %scan3A_47, %scan3A_48 : i32
    %scan3A_50 = arith.constant 1 : i32
    scf.for %scan3A_94 = %scan3A_47 to %scan3A_49 step %scan3A_50  : i32 {
      %mul3A = arith.constant 2 : i32
      %mul3A_95 = arith.muli %mul3A, %scan3A_94 : i32
      %gt3A = arith.constant 0 : i32
      %gt3A_96 = arith.cmpi sgt, %mul3A_95, %gt3A : i32
      %convert_element_type3A = arith.extui %gt3A_96 : i1 to i32
      %cond3A = arith.constant 0 : i32
      %cond3A_97 = arith.cmpi ne, %convert_element_type3A, %cond3A : i32
      scf.if %cond3A_97 {
        %dma_wait3A_118 = arith.constant 0 : i32
        %dma_wait3A_119 = arith.constant 0 : i32
        %dma_wait3A_120 = arith.constant 0 : i32
        %dma_wait3A_121 = tpu.memref_slice %arg3[%arg1, %dma_wait3A_118, %dma_wait3A_119, %dma_wait3A_120] : memref<16x20x25x40xi32, #tpu.memory_space<hbm>> -> memref<1x1x25x40xi32, #tpu.memory_space<hbm>>
        %dma_wait3A_122 = tpu.memref_squeeze %dma_wait3A_121 : memref<1x1x25x40xi32, #tpu.memory_space<hbm>> -> memref<25x40xi32, #tpu.memory_space<hbm>>
        %dma_wait3A_123 = arith.constant 0 : i32
        %dma_wait3A_124 = arith.constant 0 : i32
        %dma_wait3A_125 = tpu.memref_slice %arg3[%arg1, %dma_wait3A_118, %dma_wait3A_123, %dma_wait3A_124] : memref<16x20x25x40xi32, #tpu.memory_space<hbm>> -> memref<1x1x25x40xi32, #tpu.memory_space<hbm>>
        %dma_wait3A_126 = tpu.memref_squeeze %dma_wait3A_125 : memref<1x1x25x40xi32, #tpu.memory_space<hbm>> -> memref<25x40xi32, #tpu.memory_space<hbm>>
        tpu.wait_dma2 semaphore(%arg25 : memref<!tpu.dma_semaphore, #tpu.memory_space<semaphore_mem>>) src(%dma_wait3A_126 : memref<25x40xi32, #tpu.memory_space<hbm>>) dst(%arg6 : memref<25x40xi32, #tpu.memory_space<vmem>>)
        %dma_wait3A_127 = arith.constant 0 : i32
        %dma_wait3A_128 = arith.constant 0 : i32
        %dma_wait3A_129 = arith.constant 0 : i32
        %dma_wait3A_130 = tpu.memref_slice %arg4[%arg1, %dma_wait3A_127, %dma_wait3A_128, %dma_wait3A_129] : memref<16x20x25x40xi32, #tpu.memory_space<hbm>> -> memref<1x1x25x40xi32, #tpu.memory_space<hbm>>
        %dma_wait3A_131 = tpu.memref_squeeze %dma_wait3A_130 : memref<1x1x25x40xi32, #tpu.memory_space<hbm>> -> memref<25x40xi32, #tpu.memory_space<hbm>>
        %dma_wait3A_132 = arith.constant 0 : i32
        %dma_wait3A_133 = arith.constant 0 : i32
        %dma_wait3A_134 = tpu.memref_slice %arg4[%arg1, %dma_wait3A_127, %dma_wait3A_132, %dma_wait3A_133] : memref<16x20x25x40xi32, #tpu.memory_space<hbm>> -> memref<1x1x25x40xi32, #tpu.memory_space<hbm>>
        %dma_wait3A_135 = tpu.memref_squeeze %dma_wait3A_134 : memref<1x1x25x40xi32, #tpu.memory_space<hbm>> -> memref<25x40xi32, #tpu.memory_space<hbm>>
        tpu.wait_dma2 semaphore(%arg26 : memref<!tpu.dma_semaphore, #tpu.memory_space<semaphore_mem>>) src(%dma_wait3A_135 : memref<25x40xi32, #tpu.memory_space<hbm>>) dst(%arg8 : memref<25x40xi32, #tpu.memory_space<vmem>>)
      } else {
      }
      %scan3A_98 = arith.constant 0 : i32
      %scan3A_99 = arith.constant 0 : i32
      %scan3A_100 = arith.constant 5 : i32
      %scan3A_101 = arith.addi %scan3A_99, %scan3A_100 : i32
      %scan3A_102 = arith.constant 1 : i32
      scf.for %scan3A_118 = %scan3A_99 to %scan3A_101 step %scan3A_102  : i32 {
        %mul3A_119 = arith.constant 5 : i32
        %mul3A_120 = arith.muli %scan3A_118, %mul3A_119 : i32
        %gt3A_121 = arith.constant 0 : i32
        %gt3A_122 = arith.cmpi sgt, %scan3A_118, %gt3A_121 : i32
        %gt3A_123 = arith.constant 0 : i32
        %gt3A_124 = arith.cmpi sgt, %mul3A_95, %gt3A_123 : i32
        %or3A = arith.ori %gt3A_122, %gt3A_124 : i1
        %convert_element_type3A_125 = arith.extui %or3A : i1 to i32
        %cond3A_126 = arith.constant 0 : i32
        %cond3A_127 = arith.cmpi ne, %convert_element_type3A_125, %cond3A_126 : i32
        scf.if %cond3A_127 {
          %dma_wait3A_317 = arith.constant 0 : i32
          %dma_wait3A_318 = arith.constant 0 : i32
          %dma_wait3A_319 = tpu.memref_slice %arg8[%dma_wait3A_317, %dma_wait3A_318] : memref<25x40xi32, #tpu.memory_space<vmem>> -> memref<1x40xi32, #tpu.memory_space<vmem>>
          %dma_wait3A_320 = tpu.memref_squeeze %dma_wait3A_319 : memref<1x40xi32, #tpu.memory_space<vmem>> -> memref<40xi32, #tpu.memory_space<vmem>>
          %dma_wait3A_321 = arith.constant 0 : i32
          %dma_wait3A_322 = arith.constant 0 : i32
          %dma_wait3A_323 = tpu.memref_slice %arg27[%dma_wait3A_321, %dma_wait3A_322] : memref<10000x128xf32, #tpu.memory_space<vmem_shared>> -> memref<10000x128xf32, #tpu.memory_space<vmem_shared>>
          tpu.wait_indirect_dma semaphore(%arg20 : memref<!tpu.dma_semaphore, #tpu.memory_space<semaphore_mem>>) src(%arg10 : memref<40x128xf32, #tpu.memory_space<vmem>>) dst(%dma_wait3A_323 : memref<10000x128xf32, #tpu.memory_space<vmem_shared>>)
        } else {
        }
        %add3A_128 = arith.constant 0 : i32
        %add3A_129 = arith.addi %mul3A_120, %add3A_128 : i32
        %dma_start3A_130 = arith.constant 0 : i32
        %dma_start3A_131 = tpu.memref_slice %arg6[%add3A_129, %dma_start3A_130] : memref<25x40xi32, #tpu.memory_space<vmem>> -> memref<1x40xi32, #tpu.memory_space<vmem>>
        %dma_start3A_132 = tpu.memref_squeeze %dma_start3A_131 : memref<1x40xi32, #tpu.memory_space<vmem>> -> memref<40xi32, #tpu.memory_space<vmem>>
        %dma_start3A_133 = arith.constant 0 : i32
        %dma_start3A_134 = arith.constant 0 : i32
        %dma_start3A_135 = tpu.memref_slice %arg2[%arg0, %dma_start3A_133, %dma_start3A_134] : memref<2x10000x128xf32, #tpu.memory_space<hbm>> -> memref<1x10000x128xf32, #tpu.memory_space<hbm>>
        %dma_start3A_136 = tpu.memref_squeeze %dma_start3A_135 : memref<1x10000x128xf32, #tpu.memory_space<hbm>> -> memref<10000x128xf32, #tpu.memory_space<hbm>>
        %dma_start3A_137 = arith.constant 0 : i32
        %dma_start3A_138 = arith.constant 0 : i32
        %dma_start3A_139 = tpu.memref_slice %dma_start3A_136[%dma_start3A_137, %dma_start3A_138] : memref<10000x128xf32, #tpu.memory_space<hbm>> -> memref<10000x128xf32, #tpu.memory_space<hbm>>
        tpu.enqueue_indirect_dma source(%dma_start3A_139 : memref<10000x128xf32, #tpu.memory_space<hbm>>) target(%arg10 : memref<40x128xf32, #tpu.memory_space<vmem>>) offsets(%dma_start3A_132 : memref<40xi32, #tpu.memory_space<vmem>>) semaphore(%arg15 : memref<!tpu.dma_semaphore, #tpu.memory_space<semaphore_mem>>)
        %gt3A_140 = arith.constant 0 : i32
        %gt3A_141 = arith.cmpi sgt, %scan3A_118, %gt3A_140 : i32
        %gt3A_142 = arith.constant 0 : i32
        %gt3A_143 = arith.cmpi sgt, %mul3A_95, %gt3A_142 : i32
        %or3A_144 = arith.ori %gt3A_141, %gt3A_143 : i1
        %convert_element_type3A_145 = arith.extui %or3A_144 : i1 to i32
        %cond3A_146 = arith.constant 0 : i32
        %cond3A_147 = arith.cmpi ne, %convert_element_type3A_145, %cond3A_146 : i32
        scf.if %cond3A_147 {
          %dma_wait3A_317 = arith.constant 0 : i32
          %dma_wait3A_318 = arith.constant 0 : i32
          %dma_wait3A_319 = tpu.memref_slice %arg8[%dma_wait3A_317, %dma_wait3A_318] : memref<25x40xi32, #tpu.memory_space<vmem>> -> memref<1x40xi32, #tpu.memory_space<vmem>>
          %dma_wait3A_320 = tpu.memref_squeeze %dma_wait3A_319 : memref<1x40xi32, #tpu.memory_space<vmem>> -> memref<40xi32, #tpu.memory_space<vmem>>
          %dma_wait3A_321 = arith.constant 0 : i32
          %dma_wait3A_322 = arith.constant 0 : i32
          %dma_wait3A_323 = tpu.memref_slice %arg27[%dma_wait3A_321, %dma_wait3A_322] : memref<10000x128xf32, #tpu.memory_space<vmem_shared>> -> memref<10000x128xf32, #tpu.memory_space<vmem_shared>>
          tpu.wait_indirect_dma semaphore(%arg21 : memref<!tpu.dma_semaphore, #tpu.memory_space<semaphore_mem>>) src(%arg11 : memref<40x128xf32, #tpu.memory_space<vmem>>) dst(%dma_wait3A_323 : memref<10000x128xf32, #tpu.memory_space<vmem_shared>>)
        } else {
        }
        %add3A_148 = arith.constant 1 : i32
        %add3A_149 = arith.addi %mul3A_120, %add3A_148 : i32
        %dma_start3A_150 = arith.constant 0 : i32
        %dma_start3A_151 = tpu.memref_slice %arg6[%add3A_149, %dma_start3A_150] : memref<25x40xi32, #tpu.memory_space<vmem>> -> memref<1x40xi32, #tpu.memory_space<vmem>>
        %dma_start3A_152 = tpu.memref_squeeze %dma_start3A_151 : memref<1x40xi32, #tpu.memory_space<vmem>> -> memref<40xi32, #tpu.memory_space<vmem>>
        %dma_start3A_153 = arith.constant 0 : i32
        %dma_start3A_154 = arith.constant 0 : i32
        %dma_start3A_155 = tpu.memref_slice %arg2[%arg0, %dma_start3A_153, %dma_start3A_154] : memref<2x10000x128xf32, #tpu.memory_space<hbm>> -> memref<1x10000x128xf32, #tpu.memory_space<hbm>>
        %dma_start3A_156 = tpu.memref_squeeze %dma_start3A_155 : memref<1x10000x128xf32, #tpu.memory_space<hbm>> -> memref<10000x128xf32, #tpu.memory_space<hbm>>
        %dma_start3A_157 = arith.constant 0 : i32
        %dma_start3A_158 = arith.constant 0 : i32
        %dma_start3A_159 = tpu.memref_slice %dma_start3A_156[%dma_start3A_157, %dma_start3A_158] : memref<10000x128xf32, #tpu.memory_space<hbm>> -> memref<10000x128xf32, #tpu.memory_space<hbm>>
        tpu.enqueue_indirect_dma source(%dma_start3A_159 : memref<10000x128xf32, #tpu.memory_space<hbm>>) target(%arg11 : memref<40x128xf32, #tpu.memory_space<vmem>>) offsets(%dma_start3A_152 : memref<40xi32, #tpu.memory_space<vmem>>) semaphore(%arg16 : memref<!tpu.dma_semaphore, #tpu.memory_space<semaphore_mem>>)
        %gt3A_160 = arith.constant 0 : i32
        %gt3A_161 = arith.cmpi sgt, %scan3A_118, %gt3A_160 : i32
        %gt3A_162 = arith.constant 0 : i32
        %gt3A_163 = arith.cmpi sgt, %mul3A_95, %gt3A_162 : i32
        %or3A_164 = arith.ori %gt3A_161, %gt3A_163 : i1
        %convert_element_type3A_165 = arith.extui %or3A_164 : i1 to i32
        %cond3A_166 = arith.constant 0 : i32
        %cond3A_167 = arith.cmpi ne, %convert_element_type3A_165, %cond3A_166 : i32
        scf.if %cond3A_167 {
          %dma_wait3A_317 = arith.constant 0 : i32
          %dma_wait3A_318 = arith.constant 0 : i32
          %dma_wait3A_319 = tpu.memref_slice %arg8[%dma_wait3A_317, %dma_wait3A_318] : memref<25x40xi32, #tpu.memory_space<vmem>> -> memref<1x40xi32, #tpu.memory_space<vmem>>
          %dma_wait3A_320 = tpu.memref_squeeze %dma_wait3A_319 : memref<1x40xi32, #tpu.memory_space<vmem>> -> memref<40xi32, #tpu.memory_space<vmem>>
          %dma_wait3A_321 = arith.constant 0 : i32
          %dma_wait3A_322 = arith.constant 0 : i32
          %dma_wait3A_323 = tpu.memref_slice %arg27[%dma_wait3A_321, %dma_wait3A_322] : memref<10000x128xf32, #tpu.memory_space<vmem_shared>> -> memref<10000x128xf32, #tpu.memory_space<vmem_shared>>
          tpu.wait_indirect_dma semaphore(%arg22 : memref<!tpu.dma_semaphore, #tpu.memory_space<semaphore_mem>>) src(%arg12 : memref<40x128xf32, #tpu.memory_space<vmem>>) dst(%dma_wait3A_323 : memref<10000x128xf32, #tpu.memory_space<vmem_shared>>)
        } else {
        }
        %add3A_168 = arith.constant 2 : i32
        %add3A_169 = arith.addi %mul3A_120, %add3A_168 : i32
        %dma_start3A_170 = arith.constant 0 : i32
        %dma_start3A_171 = tpu.memref_slice %arg6[%add3A_169, %dma_start3A_170] : memref<25x40xi32, #tpu.memory_space<vmem>> -> memref<1x40xi32, #tpu.memory_space<vmem>>
        %dma_start3A_172 = tpu.memref_squeeze %dma_start3A_171 : memref<1x40xi32, #tpu.memory_space<vmem>> -> memref<40xi32, #tpu.memory_space<vmem>>
        %dma_start3A_173 = arith.constant 0 : i32
        %dma_start3A_174 = arith.constant 0 : i32
        %dma_start3A_175 = tpu.memref_slice %arg2[%arg0, %dma_start3A_173, %dma_start3A_174] : memref<2x10000x128xf32, #tpu.memory_space<hbm>> -> memref<1x10000x128xf32, #tpu.memory_space<hbm>>
        %dma_start3A_176 = tpu.memref_squeeze %dma_start3A_175 : memref<1x10000x128xf32, #tpu.memory_space<hbm>> -> memref<10000x128xf32, #tpu.memory_space<hbm>>
        %dma_start3A_177 = arith.constant 0 : i32
        %dma_start3A_178 = arith.constant 0 : i32
        %dma_start3A_179 = tpu.memref_slice %dma_start3A_176[%dma_start3A_177, %dma_start3A_178] : memref<10000x128xf32, #tpu.memory_space<hbm>> -> memref<10000x128xf32, #tpu.memory_space<hbm>>
        tpu.enqueue_indirect_dma source(%dma_start3A_179 : memref<10000x128xf32, #tpu.memory_space<hbm>>) target(%arg12 : memref<40x128xf32, #tpu.memory_space<vmem>>) offsets(%dma_start3A_172 : memref<40xi32, #tpu.memory_space<vmem>>) semaphore(%arg17 : memref<!tpu.dma_semaphore, #tpu.memory_space<semaphore_mem>>)
        %gt3A_180 = arith.constant 0 : i32
        %gt3A_181 = arith.cmpi sgt, %scan3A_118, %gt3A_180 : i32
        %gt3A_182 = arith.constant 0 : i32
        %gt3A_183 = arith.cmpi sgt, %mul3A_95, %gt3A_182 : i32
        %or3A_184 = arith.ori %gt3A_181, %gt3A_183 : i1
        %convert_element_type3A_185 = arith.extui %or3A_184 : i1 to i32
        %cond3A_186 = arith.constant 0 : i32
        %cond3A_187 = arith.cmpi ne, %convert_element_type3A_185, %cond3A_186 : i32
        scf.if %cond3A_187 {
          %dma_wait3A_317 = arith.constant 0 : i32
          %dma_wait3A_318 = arith.constant 0 : i32
          %dma_wait3A_319 = tpu.memref_slice %arg8[%dma_wait3A_317, %dma_wait3A_318] : memref<25x40xi32, #tpu.memory_space<vmem>> -> memref<1x40xi32, #tpu.memory_space<vmem>>
          %dma_wait3A_320 = tpu.memref_squeeze %dma_wait3A_319 : memref<1x40xi32, #tpu.memory_space<vmem>> -> memref<40xi32, #tpu.memory_space<vmem>>
          %dma_wait3A_321 = arith.constant 0 : i32
          %dma_wait3A_322 = arith.constant 0 : i32
          %dma_wait3A_323 = tpu.memref_slice %arg27[%dma_wait3A_321, %dma_wait3A_322] : memref<10000x128xf32, #tpu.memory_space<vmem_shared>> -> memref<10000x128xf32, #tpu.memory_space<vmem_shared>>
          tpu.wait_indirect_dma semaphore(%arg23 : memref<!tpu.dma_semaphore, #tpu.memory_space<semaphore_mem>>) src(%arg13 : memref<40x128xf32, #tpu.memory_space<vmem>>) dst(%dma_wait3A_323 : memref<10000x128xf32, #tpu.memory_space<vmem_shared>>)
        } else {
        }
        %add3A_188 = arith.constant 3 : i32
        %add3A_189 = arith.addi %mul3A_120, %add3A_188 : i32
        %dma_start3A_190 = arith.constant 0 : i32
        %dma_start3A_191 = tpu.memref_slice %arg6[%add3A_189, %dma_start3A_190] : memref<25x40xi32, #tpu.memory_space<vmem>> -> memref<1x40xi32, #tpu.memory_space<vmem>>
        %dma_start3A_192 = tpu.memref_squeeze %dma_start3A_191 : memref<1x40xi32, #tpu.memory_space<vmem>> -> memref<40xi32, #tpu.memory_space<vmem>>
        %dma_start3A_193 = arith.constant 0 : i32
        %dma_start3A_194 = arith.constant 0 : i32
        %dma_start3A_195 = tpu.memref_slice %arg2[%arg0, %dma_start3A_193, %dma_start3A_194] : memref<2x10000x128xf32, #tpu.memory_space<hbm>> -> memref<1x10000x128xf32, #tpu.memory_space<hbm>>
        %dma_start3A_196 = tpu.memref_squeeze %dma_start3A_195 : memref<1x10000x128xf32, #tpu.memory_space<hbm>> -> memref<10000x128xf32, #tpu.memory_space<hbm>>
        %dma_start3A_197 = arith.constant 0 : i32
        %dma_start3A_198 = arith.constant 0 : i32
        %dma_start3A_199 = tpu.memref_slice %dma_start3A_196[%dma_start3A_197, %dma_start3A_198] : memref<10000x128xf32, #tpu.memory_space<hbm>> -> memref<10000x128xf32, #tpu.memory_space<hbm>>
        tpu.enqueue_indirect_dma source(%dma_start3A_199 : memref<10000x128xf32, #tpu.memory_space<hbm>>) target(%arg13 : memref<40x128xf32, #tpu.memory_space<vmem>>) offsets(%dma_start3A_192 : memref<40xi32, #tpu.memory_space<vmem>>) semaphore(%arg18 : memref<!tpu.dma_semaphore, #tpu.memory_space<semaphore_mem>>)
        %gt3A_200 = arith.constant 0 : i32
        %gt3A_201 = arith.cmpi sgt, %scan3A_118, %gt3A_200 : i32
        %gt3A_202 = arith.constant 0 : i32
        %gt3A_203 = arith.cmpi sgt, %mul3A_95, %gt3A_202 : i32
        %or3A_204 = arith.ori %gt3A_201, %gt3A_203 : i1
        %convert_element_type3A_205 = arith.extui %or3A_204 : i1 to i32
        %cond3A_206 = arith.constant 0 : i32
        %cond3A_207 = arith.cmpi ne, %convert_element_type3A_205, %cond3A_206 : i32
        scf.if %cond3A_207 {
          %dma_wait3A_317 = arith.constant 0 : i32
          %dma_wait3A_318 = arith.constant 0 : i32
          %dma_wait3A_319 = tpu.memref_slice %arg8[%dma_wait3A_317, %dma_wait3A_318] : memref<25x40xi32, #tpu.memory_space<vmem>> -> memref<1x40xi32, #tpu.memory_space<vmem>>
          %dma_wait3A_320 = tpu.memref_squeeze %dma_wait3A_319 : memref<1x40xi32, #tpu.memory_space<vmem>> -> memref<40xi32, #tpu.memory_space<vmem>>
          %dma_wait3A_321 = arith.constant 0 : i32
          %dma_wait3A_322 = arith.constant 0 : i32
          %dma_wait3A_323 = tpu.memref_slice %arg27[%dma_wait3A_321, %dma_wait3A_322] : memref<10000x128xf32, #tpu.memory_space<vmem_shared>> -> memref<10000x128xf32, #tpu.memory_space<vmem_shared>>
          tpu.wait_indirect_dma semaphore(%arg24 : memref<!tpu.dma_semaphore, #tpu.memory_space<semaphore_mem>>) src(%arg14 : memref<40x128xf32, #tpu.memory_space<vmem>>) dst(%dma_wait3A_323 : memref<10000x128xf32, #tpu.memory_space<vmem_shared>>)
        } else {
        }
        %add3A_208 = arith.constant 4 : i32
        %add3A_209 = arith.addi %mul3A_120, %add3A_208 : i32
        %dma_start3A_210 = arith.constant 0 : i32
        %dma_start3A_211 = tpu.memref_slice %arg6[%add3A_209, %dma_start3A_210] : memref<25x40xi32, #tpu.memory_space<vmem>> -> memref<1x40xi32, #tpu.memory_space<vmem>>
        %dma_start3A_212 = tpu.memref_squeeze %dma_start3A_211 : memref<1x40xi32, #tpu.memory_space<vmem>> -> memref<40xi32, #tpu.memory_space<vmem>>
        %dma_start3A_213 = arith.constant 0 : i32
        %dma_start3A_214 = arith.constant 0 : i32
        %dma_start3A_215 = tpu.memref_slice %arg2[%arg0, %dma_start3A_213, %dma_start3A_214] : memref<2x10000x128xf32, #tpu.memory_space<hbm>> -> memref<1x10000x128xf32, #tpu.memory_space<hbm>>
        %dma_start3A_216 = tpu.memref_squeeze %dma_start3A_215 : memref<1x10000x128xf32, #tpu.memory_space<hbm>> -> memref<10000x128xf32, #tpu.memory_space<hbm>>
        %dma_start3A_217 = arith.constant 0 : i32
        %dma_start3A_218 = arith.constant 0 : i32
        %dma_start3A_219 = tpu.memref_slice %dma_start3A_216[%dma_start3A_217, %dma_start3A_218] : memref<10000x128xf32, #tpu.memory_space<hbm>> -> memref<10000x128xf32, #tpu.memory_space<hbm>>
        tpu.enqueue_indirect_dma source(%dma_start3A_219 : memref<10000x128xf32, #tpu.memory_space<hbm>>) target(%arg14 : memref<40x128xf32, #tpu.memory_space<vmem>>) offsets(%dma_start3A_212 : memref<40xi32, #tpu.memory_space<vmem>>) semaphore(%arg19 : memref<!tpu.dma_semaphore, #tpu.memory_space<semaphore_mem>>)
        %eq3A = arith.constant 0 : i32
        %eq3A_220 = arith.cmpi eq, %scan3A_118, %eq3A : i32
        %add3A_221 = arith.constant 1 : i32
        %add3A_222 = arith.addi %mul3A_95, %add3A_221 : i32
        %lt3A = arith.constant 20 : i32
        %lt3A_223 = arith.cmpi slt, %add3A_222, %lt3A : i32
        %and3A = arith.andi %eq3A_220, %lt3A_223 : i1
        %convert_element_type3A_224 = arith.extui %and3A : i1 to i32
        %cond3A_225 = arith.constant 0 : i32
        %cond3A_226 = arith.cmpi ne, %convert_element_type3A_224, %cond3A_225 : i32
        scf.if %cond3A_226 {
          %add3A_317 = arith.constant 1 : i32
          %add3A_318 = arith.addi %mul3A_95, %add3A_317 : i32
          %dma_start3A_319 = arith.constant 0 : i32
          %dma_start3A_320 = arith.constant 0 : i32
          %dma_start3A_321 = tpu.memref_slice %arg3[%arg1, %add3A_318, %dma_start3A_319, %dma_start3A_320] : memref<16x20x25x40xi32, #tpu.memory_space<hbm>> -> memref<1x1x25x40xi32, #tpu.memory_space<hbm>>
          %dma_start3A_322 = tpu.memref_squeeze %dma_start3A_321 : memref<1x1x25x40xi32, #tpu.memory_space<hbm>> -> memref<25x40xi32, #tpu.memory_space<hbm>>
          %dma_start3A_323 = arith.constant 0 : i32
          %dma_start3A_324 = arith.constant 0 : i32
          %dma_start3A_325 = tpu.memref_slice %arg3[%arg1, %add3A_318, %dma_start3A_323, %dma_start3A_324] : memref<16x20x25x40xi32, #tpu.memory_space<hbm>> -> memref<1x1x25x40xi32, #tpu.memory_space<hbm>>
          %dma_start3A_326 = tpu.memref_squeeze %dma_start3A_325 : memref<1x1x25x40xi32, #tpu.memory_space<hbm>> -> memref<25x40xi32, #tpu.memory_space<hbm>>
          tpu.enqueue_dma source(%dma_start3A_326 : memref<25x40xi32, #tpu.memory_space<hbm>>) target(%arg7 : memref<25x40xi32, #tpu.memory_space<vmem>>) target_semaphore(%arg25 : memref<!tpu.dma_semaphore, #tpu.memory_space<semaphore_mem>>)
          %add3A_327 = arith.constant 1 : i32
          %add3A_328 = arith.addi %mul3A_95, %add3A_327 : i32
          %dma_start3A_329 = arith.constant 0 : i32
          %dma_start3A_330 = arith.constant 0 : i32
          %dma_start3A_331 = tpu.memref_slice %arg4[%arg1, %add3A_328, %dma_start3A_329, %dma_start3A_330] : memref<16x20x25x40xi32, #tpu.memory_space<hbm>> -> memref<1x1x25x40xi32, #tpu.memory_space<hbm>>
          %dma_start3A_332 = tpu.memref_squeeze %dma_start3A_331 : memref<1x1x25x40xi32, #tpu.memory_space<hbm>> -> memref<25x40xi32, #tpu.memory_space<hbm>>
          %dma_start3A_333 = arith.constant 0 : i32
          %dma_start3A_334 = arith.constant 0 : i32
          %dma_start3A_335 = tpu.memref_slice %arg4[%arg1, %add3A_328, %dma_start3A_333, %dma_start3A_334] : memref<16x20x25x40xi32, #tpu.memory_space<hbm>> -> memref<1x1x25x40xi32, #tpu.memory_space<hbm>>
          %dma_start3A_336 = tpu.memref_squeeze %dma_start3A_335 : memref<1x1x25x40xi32, #tpu.memory_space<hbm>> -> memref<25x40xi32, #tpu.memory_space<hbm>>
          tpu.enqueue_dma source(%dma_start3A_336 : memref<25x40xi32, #tpu.memory_space<hbm>>) target(%arg9 : memref<25x40xi32, #tpu.memory_space<vmem>>) target_semaphore(%arg26 : memref<!tpu.dma_semaphore, #tpu.memory_space<semaphore_mem>>)
        } else {
        }
        %dma_wait3A_227 = arith.constant 0 : i32
        %dma_wait3A_228 = tpu.memref_slice %arg6[%add3A_129, %dma_wait3A_227] : memref<25x40xi32, #tpu.memory_space<vmem>> -> memref<1x40xi32, #tpu.memory_space<vmem>>
        %dma_wait3A_229 = tpu.memref_squeeze %dma_wait3A_228 : memref<1x40xi32, #tpu.memory_space<vmem>> -> memref<40xi32, #tpu.memory_space<vmem>>
        %dma_wait3A_230 = arith.constant 0 : i32
        %dma_wait3A_231 = arith.constant 0 : i32
        %dma_wait3A_232 = tpu.memref_slice %arg2[%arg0, %dma_wait3A_230, %dma_wait3A_231] : memref<2x10000x128xf32, #tpu.memory_space<hbm>> -> memref<1x10000x128xf32, #tpu.memory_space<hbm>>
        %dma_wait3A_233 = tpu.memref_squeeze %dma_wait3A_232 : memref<1x10000x128xf32, #tpu.memory_space<hbm>> -> memref<10000x128xf32, #tpu.memory_space<hbm>>
        %dma_wait3A_234 = arith.constant 0 : i32
        %dma_wait3A_235 = arith.constant 0 : i32
        %dma_wait3A_236 = tpu.memref_slice %dma_wait3A_233[%dma_wait3A_234, %dma_wait3A_235] : memref<10000x128xf32, #tpu.memory_space<hbm>> -> memref<10000x128xf32, #tpu.memory_space<hbm>>
        tpu.wait_indirect_dma semaphore(%arg15 : memref<!tpu.dma_semaphore, #tpu.memory_space<semaphore_mem>>) src(%dma_wait3A_236 : memref<10000x128xf32, #tpu.memory_space<hbm>>) dst(%arg10 : memref<40x128xf32, #tpu.memory_space<vmem>>)
        %add3A_237 = arith.constant 0 : i32
        %add3A_238 = arith.addi %mul3A_120, %add3A_237 : i32
        %dma_start3A_239 = arith.constant 0 : i32
        %dma_start3A_240 = tpu.memref_slice %arg8[%add3A_238, %dma_start3A_239] : memref<25x40xi32, #tpu.memory_space<vmem>> -> memref<1x40xi32, #tpu.memory_space<vmem>>
        %dma_start3A_241 = tpu.memref_squeeze %dma_start3A_240 : memref<1x40xi32, #tpu.memory_space<vmem>> -> memref<40xi32, #tpu.memory_space<vmem>>
        %dma_start3A_242 = arith.constant 0 : i32
        %dma_start3A_243 = arith.constant 0 : i32
        %dma_start3A_244 = tpu.memref_slice %arg27[%dma_start3A_242, %dma_start3A_243] : memref<10000x128xf32, #tpu.memory_space<vmem_shared>> -> memref<10000x128xf32, #tpu.memory_space<vmem_shared>>
        tpu.enqueue_indirect_dma source(%arg10 : memref<40x128xf32, #tpu.memory_space<vmem>>) target(%dma_start3A_244 : memref<10000x128xf32, #tpu.memory_space<vmem_shared>>) offsets(%dma_start3A_241 : memref<40xi32, #tpu.memory_space<vmem>>) semaphore(%arg20 : memref<!tpu.dma_semaphore, #tpu.memory_space<semaphore_mem>>) {add = true}
        %dma_wait3A_245 = arith.constant 0 : i32
        %dma_wait3A_246 = tpu.memref_slice %arg6[%add3A_149, %dma_wait3A_245] : memref<25x40xi32, #tpu.memory_space<vmem>> -> memref<1x40xi32, #tpu.memory_space<vmem>>
        %dma_wait3A_247 = tpu.memref_squeeze %dma_wait3A_246 : memref<1x40xi32, #tpu.memory_space<vmem>> -> memref<40xi32, #tpu.memory_space<vmem>>
        %dma_wait3A_248 = arith.constant 0 : i32
        %dma_wait3A_249 = arith.constant 0 : i32
        %dma_wait3A_250 = tpu.memref_slice %arg2[%arg0, %dma_wait3A_248, %dma_wait3A_249] : memref<2x10000x128xf32, #tpu.memory_space<hbm>> -> memref<1x10000x128xf32, #tpu.memory_space<hbm>>
        %dma_wait3A_251 = tpu.memref_squeeze %dma_wait3A_250 : memref<1x10000x128xf32, #tpu.memory_space<hbm>> -> memref<10000x128xf32, #tpu.memory_space<hbm>>
        %dma_wait3A_252 = arith.constant 0 : i32
        %dma_wait3A_253 = arith.constant 0 : i32
        %dma_wait3A_254 = tpu.memref_slice %dma_wait3A_251[%dma_wait3A_252, %dma_wait3A_253] : memref<10000x128xf32, #tpu.memory_space<hbm>> -> memref<10000x128xf32, #tpu.memory_space<hbm>>
        tpu.wait_indirect_dma semaphore(%arg16 : memref<!tpu.dma_semaphore, #tpu.memory_space<semaphore_mem>>) src(%dma_wait3A_254 : memref<10000x128xf32, #tpu.memory_space<hbm>>) dst(%arg11 : memref<40x128xf32, #tpu.memory_space<vmem>>)
        %add3A_255 = arith.constant 1 : i32
        %add3A_256 = arith.addi %mul3A_120, %add3A_255 : i32
        %dma_start3A_257 = arith.constant 0 : i32
        %dma_start3A_258 = tpu.memref_slice %arg8[%add3A_256, %dma_start3A_257] : memref<25x40xi32, #tpu.memory_space<vmem>> -> memref<1x40xi32, #tpu.memory_space<vmem>>
        %dma_start3A_259 = tpu.memref_squeeze %dma_start3A_258 : memref<1x40xi32, #tpu.memory_space<vmem>> -> memref<40xi32, #tpu.memory_space<vmem>>
        %dma_start3A_260 = arith.constant 0 : i32
        %dma_start3A_261 = arith.constant 0 : i32
        %dma_start3A_262 = tpu.memref_slice %arg27[%dma_start3A_260, %dma_start3A_261] : memref<10000x128xf32, #tpu.memory_space<vmem_shared>> -> memref<10000x128xf32, #tpu.memory_space<vmem_shared>>
        tpu.enqueue_indirect_dma source(%arg11 : memref<40x128xf32, #tpu.memory_space<vmem>>) target(%dma_start3A_262 : memref<10000x128xf32, #tpu.memory_space<vmem_shared>>) offsets(%dma_start3A_259 : memref<40xi32, #tpu.memory_space<vmem>>) semaphore(%arg21 : memref<!tpu.dma_semaphore, #tpu.memory_space<semaphore_mem>>) {add = true}
        %dma_wait3A_263 = arith.constant 0 : i32
        %dma_wait3A_264 = tpu.memref_slice %arg6[%add3A_169, %dma_wait3A_263] : memref<25x40xi32, #tpu.memory_space<vmem>> -> memref<1x40xi32, #tpu.memory_space<vmem>>
        %dma_wait3A_265 = tpu.memref_squeeze %dma_wait3A_264 : memref<1x40xi32, #tpu.memory_space<vmem>> -> memref<40xi32, #tpu.memory_space<vmem>>
        %dma_wait3A_266 = arith.constant 0 : i32
        %dma_wait3A_267 = arith.constant 0 : i32
        %dma_wait3A_268 = tpu.memref_slice %arg2[%arg0, %dma_wait3A_266, %dma_wait3A_267] : memref<2x10000x128xf32, #tpu.memory_space<hbm>> -> memref<1x10000x128xf32, #tpu.memory_space<hbm>>
        %dma_wait3A_269 = tpu.memref_squeeze %dma_wait3A_268 : memref<1x10000x128xf32, #tpu.memory_space<hbm>> -> memref<10000x128xf32, #tpu.memory_space<hbm>>
        %dma_wait3A_270 = arith.constant 0 : i32
        %dma_wait3A_271 = arith.constant 0 : i32
        %dma_wait3A_272 = tpu.memref_slice %dma_wait3A_269[%dma_wait3A_270, %dma_wait3A_271] : memref<10000x128xf32, #tpu.memory_space<hbm>> -> memref<10000x128xf32, #tpu.memory_space<hbm>>
        tpu.wait_indirect_dma semaphore(%arg17 : memref<!tpu.dma_semaphore, #tpu.memory_space<semaphore_mem>>) src(%dma_wait3A_272 : memref<10000x128xf32, #tpu.memory_space<hbm>>) dst(%arg12 : memref<40x128xf32, #tpu.memory_space<vmem>>)
        %add3A_273 = arith.constant 2 : i32
        %add3A_274 = arith.addi %mul3A_120, %add3A_273 : i32
        %dma_start3A_275 = arith.constant 0 : i32
        %dma_start3A_276 = tpu.memref_slice %arg8[%add3A_274, %dma_start3A_275] : memref<25x40xi32, #tpu.memory_space<vmem>> -> memref<1x40xi32, #tpu.memory_space<vmem>>
        %dma_start3A_277 = tpu.memref_squeeze %dma_start3A_276 : memref<1x40xi32, #tpu.memory_space<vmem>> -> memref<40xi32, #tpu.memory_space<vmem>>
        %dma_start3A_278 = arith.constant 0 : i32
        %dma_start3A_279 = arith.constant 0 : i32
        %dma_start3A_280 = tpu.memref_slice %arg27[%dma_start3A_278, %dma_start3A_279] : memref<10000x128xf32, #tpu.memory_space<vmem_shared>> -> memref<10000x128xf32, #tpu.memory_space<vmem_shared>>
        tpu.enqueue_indirect_dma source(%arg12 : memref<40x128xf32, #tpu.memory_space<vmem>>) target(%dma_start3A_280 : memref<10000x128xf32, #tpu.memory_space<vmem_shared>>) offsets(%dma_start3A_277 : memref<40xi32, #tpu.memory_space<vmem>>) semaphore(%arg22 : memref<!tpu.dma_semaphore, #tpu.memory_space<semaphore_mem>>) {add = true}
        %dma_wait3A_281 = arith.constant 0 : i32
        %dma_wait3A_282 = tpu.memref_slice %arg6[%add3A_189, %dma_wait3A_281] : memref<25x40xi32, #tpu.memory_space<vmem>> -> memref<1x40xi32, #tpu.memory_space<vmem>>
        %dma_wait3A_283 = tpu.memref_squeeze %dma_wait3A_282 : memref<1x40xi32, #tpu.memory_space<vmem>> -> memref<40xi32, #tpu.memory_space<vmem>>
        %dma_wait3A_284 = arith.constant 0 : i32
        %dma_wait3A_285 = arith.constant 0 : i32
        %dma_wait3A_286 = tpu.memref_slice %arg2[%arg0, %dma_wait3A_284, %dma_wait3A_285] : memref<2x10000x128xf32, #tpu.memory_space<hbm>> -> memref<1x10000x128xf32, #tpu.memory_space<hbm>>
        %dma_wait3A_287 = tpu.memref_squeeze %dma_wait3A_286 : memref<1x10000x128xf32, #tpu.memory_space<hbm>> -> memref<10000x128xf32, #tpu.memory_space<hbm>>
        %dma_wait3A_288 = arith.constant 0 : i32
        %dma_wait3A_289 = arith.constant 0 : i32
        %dma_wait3A_290 = tpu.memref_slice %dma_wait3A_287[%dma_wait3A_288, %dma_wait3A_289] : memref<10000x128xf32, #tpu.memory_space<hbm>> -> memref<10000x128xf32, #tpu.memory_space<hbm>>
        tpu.wait_indirect_dma semaphore(%arg18 : memref<!tpu.dma_semaphore, #tpu.memory_space<semaphore_mem>>) src(%dma_wait3A_290 : memref<10000x128xf32, #tpu.memory_space<hbm>>) dst(%arg13 : memref<40x128xf32, #tpu.memory_space<vmem>>)
        %add3A_291 = arith.constant 3 : i32
        %add3A_292 = arith.addi %mul3A_120, %add3A_291 : i32
        %dma_start3A_293 = arith.constant 0 : i32
        %dma_start3A_294 = tpu.memref_slice %arg8[%add3A_292, %dma_start3A_293] : memref<25x40xi32, #tpu.memory_space<vmem>> -> memref<1x40xi32, #tpu.memory_space<vmem>>
        %dma_start3A_295 = tpu.memref_squeeze %dma_start3A_294 : memref<1x40xi32, #tpu.memory_space<vmem>> -> memref<40xi32, #tpu.memory_space<vmem>>
        %dma_start3A_296 = arith.constant 0 : i32
        %dma_start3A_297 = arith.constant 0 : i32
        %dma_start3A_298 = tpu.memref_slice %arg27[%dma_start3A_296, %dma_start3A_297] : memref<10000x128xf32, #tpu.memory_space<vmem_shared>> -> memref<10000x128xf32, #tpu.memory_space<vmem_shared>>
        tpu.enqueue_indirect_dma source(%arg13 : memref<40x128xf32, #tpu.memory_space<vmem>>) target(%dma_start3A_298 : memref<10000x128xf32, #tpu.memory_space<vmem_shared>>) offsets(%dma_start3A_295 : memref<40xi32, #tpu.memory_space<vmem>>) semaphore(%arg23 : memref<!tpu.dma_semaphore, #tpu.memory_space<semaphore_mem>>) {add = true}
        %dma_wait3A_299 = arith.constant 0 : i32
        %dma_wait3A_300 = tpu.memref_slice %arg6[%add3A_209, %dma_wait3A_299] : memref<25x40xi32, #tpu.memory_space<vmem>> -> memref<1x40xi32, #tpu.memory_space<vmem>>
        %dma_wait3A_301 = tpu.memref_squeeze %dma_wait3A_300 : memref<1x40xi32, #tpu.memory_space<vmem>> -> memref<40xi32, #tpu.memory_space<vmem>>
        %dma_wait3A_302 = arith.constant 0 : i32
        %dma_wait3A_303 = arith.constant 0 : i32
        %dma_wait3A_304 = tpu.memref_slice %arg2[%arg0, %dma_wait3A_302, %dma_wait3A_303] : memref<2x10000x128xf32, #tpu.memory_space<hbm>> -> memref<1x10000x128xf32, #tpu.memory_space<hbm>>
        %dma_wait3A_305 = tpu.memref_squeeze %dma_wait3A_304 : memref<1x10000x128xf32, #tpu.memory_space<hbm>> -> memref<10000x128xf32, #tpu.memory_space<hbm>>
        %dma_wait3A_306 = arith.constant 0 : i32
        %dma_wait3A_307 = arith.constant 0 : i32
        %dma_wait3A_308 = tpu.memref_slice %dma_wait3A_305[%dma_wait3A_306, %dma_wait3A_307] : memref<10000x128xf32, #tpu.memory_space<hbm>> -> memref<10000x128xf32, #tpu.memory_space<hbm>>
        tpu.wait_indirect_dma semaphore(%arg19 : memref<!tpu.dma_semaphore, #tpu.memory_space<semaphore_mem>>) src(%dma_wait3A_308 : memref<10000x128xf32, #tpu.memory_space<hbm>>) dst(%arg14 : memref<40x128xf32, #tpu.memory_space<vmem>>)
        %add3A_309 = arith.constant 4 : i32
        %add3A_310 = arith.addi %mul3A_120, %add3A_309 : i32
        %dma_start3A_311 = arith.constant 0 : i32
        %dma_start3A_312 = tpu.memref_slice %arg8[%add3A_310, %dma_start3A_311] : memref<25x40xi32, #tpu.memory_space<vmem>> -> memref<1x40xi32, #tpu.memory_space<vmem>>
        %dma_start3A_313 = tpu.memref_squeeze %dma_start3A_312 : memref<1x40xi32, #tpu.memory_space<vmem>> -> memref<40xi32, #tpu.memory_space<vmem>>
        %dma_start3A_314 = arith.constant 0 : i32
        %dma_start3A_315 = arith.constant 0 : i32
        %dma_start3A_316 = tpu.memref_slice %arg27[%dma_start3A_314, %dma_start3A_315] : memref<10000x128xf32, #tpu.memory_space<vmem_shared>> -> memref<10000x128xf32, #tpu.memory_space<vmem_shared>>
        tpu.enqueue_indirect_dma source(%arg14 : memref<40x128xf32, #tpu.memory_space<vmem>>) target(%dma_start3A_316 : memref<10000x128xf32, #tpu.memory_space<vmem_shared>>) offsets(%dma_start3A_313 : memref<40xi32, #tpu.memory_space<vmem>>) semaphore(%arg24 : memref<!tpu.dma_semaphore, #tpu.memory_space<semaphore_mem>>) {add = true}
      }
      %scan3A_103 = arith.constant 5 : i32
      %mul3A_104 = arith.constant 2 : i32
      %mul3A_105 = arith.muli %mul3A_104, %scan3A_94 : i32
      %add3A = arith.constant 1 : i32
      %add3A_106 = arith.addi %mul3A_105, %add3A : i32
      %gt3A_107 = arith.constant 0 : i32
      %gt3A_108 = arith.cmpi sgt, %add3A_106, %gt3A_107 : i32
      %convert_element_type3A_109 = arith.extui %gt3A_108 : i1 to i32
      %cond3A_110 = arith.constant 0 : i32
      %cond3A_111 = arith.cmpi ne, %convert_element_type3A_109, %cond3A_110 : i32
      scf.if %cond3A_111 {
        %dma_wait3A_118 = arith.constant 0 : i32
        %dma_wait3A_119 = arith.constant 0 : i32
        %dma_wait3A_120 = arith.constant 0 : i32
        %dma_wait3A_121 = tpu.memref_slice %arg3[%arg1, %dma_wait3A_118, %dma_wait3A_119, %dma_wait3A_120] : memref<16x20x25x40xi32, #tpu.memory_space<hbm>> -> memref<1x1x25x40xi32, #tpu.memory_space<hbm>>
        %dma_wait3A_122 = tpu.memref_squeeze %dma_wait3A_121 : memref<1x1x25x40xi32, #tpu.memory_space<hbm>> -> memref<25x40xi32, #tpu.memory_space<hbm>>
        %dma_wait3A_123 = arith.constant 0 : i32
        %dma_wait3A_124 = arith.constant 0 : i32
        %dma_wait3A_125 = tpu.memref_slice %arg3[%arg1, %dma_wait3A_118, %dma_wait3A_123, %dma_wait3A_124] : memref<16x20x25x40xi32, #tpu.memory_space<hbm>> -> memref<1x1x25x40xi32, #tpu.memory_space<hbm>>
        %dma_wait3A_126 = tpu.memref_squeeze %dma_wait3A_125 : memref<1x1x25x40xi32, #tpu.memory_space<hbm>> -> memref<25x40xi32, #tpu.memory_space<hbm>>
        tpu.wait_dma2 semaphore(%arg25 : memref<!tpu.dma_semaphore, #tpu.memory_space<semaphore_mem>>) src(%dma_wait3A_126 : memref<25x40xi32, #tpu.memory_space<hbm>>) dst(%arg7 : memref<25x40xi32, #tpu.memory_space<vmem>>)
        %dma_wait3A_127 = arith.constant 0 : i32
        %dma_wait3A_128 = arith.constant 0 : i32
        %dma_wait3A_129 = arith.constant 0 : i32
        %dma_wait3A_130 = tpu.memref_slice %arg4[%arg1, %dma_wait3A_127, %dma_wait3A_128, %dma_wait3A_129] : memref<16x20x25x40xi32, #tpu.memory_space<hbm>> -> memref<1x1x25x40xi32, #tpu.memory_space<hbm>>
        %dma_wait3A_131 = tpu.memref_squeeze %dma_wait3A_130 : memref<1x1x25x40xi32, #tpu.memory_space<hbm>> -> memref<25x40xi32, #tpu.memory_space<hbm>>
        %dma_wait3A_132 = arith.constant 0 : i32
        %dma_wait3A_133 = arith.constant 0 : i32
        %dma_wait3A_134 = tpu.memref_slice %arg4[%arg1, %dma_wait3A_127, %dma_wait3A_132, %dma_wait3A_133] : memref<16x20x25x40xi32, #tpu.memory_space<hbm>> -> memref<1x1x25x40xi32, #tpu.memory_space<hbm>>
        %dma_wait3A_135 = tpu.memref_squeeze %dma_wait3A_134 : memref<1x1x25x40xi32, #tpu.memory_space<hbm>> -> memref<25x40xi32, #tpu.memory_space<hbm>>
        tpu.wait_dma2 semaphore(%arg26 : memref<!tpu.dma_semaphore, #tpu.memory_space<semaphore_mem>>) src(%dma_wait3A_135 : memref<25x40xi32, #tpu.memory_space<hbm>>) dst(%arg9 : memref<25x40xi32, #tpu.memory_space<vmem>>)
      } else {
      }
      %scan3A_112 = arith.constant 0 : i32
      %scan3A_113 = arith.constant 0 : i32
      %scan3A_114 = arith.constant 5 : i32
      %scan3A_115 = arith.addi %scan3A_113, %scan3A_114 : i32
      %scan3A_116 = arith.constant 1 : i32
      scf.for %scan3A_118 = %scan3A_113 to %scan3A_115 step %scan3A_116  : i32 {
        %mul3A_119 = arith.constant 5 : i32
        %mul3A_120 = arith.muli %scan3A_118, %mul3A_119 : i32
        %gt3A_121 = arith.constant 0 : i32
        %gt3A_122 = arith.cmpi sgt, %scan3A_118, %gt3A_121 : i32
        %gt3A_123 = arith.constant 0 : i32
        %gt3A_124 = arith.cmpi sgt, %add3A_106, %gt3A_123 : i32
        %or3A = arith.ori %gt3A_122, %gt3A_124 : i1
        %convert_element_type3A_125 = arith.extui %or3A : i1 to i32
        %cond3A_126 = arith.constant 0 : i32
        %cond3A_127 = arith.cmpi ne, %convert_element_type3A_125, %cond3A_126 : i32
        scf.if %cond3A_127 {
          %dma_wait3A_317 = arith.constant 0 : i32
          %dma_wait3A_318 = arith.constant 0 : i32
          %dma_wait3A_319 = tpu.memref_slice %arg9[%dma_wait3A_317, %dma_wait3A_318] : memref<25x40xi32, #tpu.memory_space<vmem>> -> memref<1x40xi32, #tpu.memory_space<vmem>>
          %dma_wait3A_320 = tpu.memref_squeeze %dma_wait3A_319 : memref<1x40xi32, #tpu.memory_space<vmem>> -> memref<40xi32, #tpu.memory_space<vmem>>
          %dma_wait3A_321 = arith.constant 0 : i32
          %dma_wait3A_322 = arith.constant 0 : i32
          %dma_wait3A_323 = tpu.memref_slice %arg27[%dma_wait3A_321, %dma_wait3A_322] : memref<10000x128xf32, #tpu.memory_space<vmem_shared>> -> memref<10000x128xf32, #tpu.memory_space<vmem_shared>>
          tpu.wait_indirect_dma semaphore(%arg20 : memref<!tpu.dma_semaphore, #tpu.memory_space<semaphore_mem>>) src(%arg10 : memref<40x128xf32, #tpu.memory_space<vmem>>) dst(%dma_wait3A_323 : memref<10000x128xf32, #tpu.memory_space<vmem_shared>>)
        } else {
        }
        %add3A_128 = arith.constant 0 : i32
        %add3A_129 = arith.addi %mul3A_120, %add3A_128 : i32
        %dma_start3A_130 = arith.constant 0 : i32
        %dma_start3A_131 = tpu.memref_slice %arg7[%add3A_129, %dma_start3A_130] : memref<25x40xi32, #tpu.memory_space<vmem>> -> memref<1x40xi32, #tpu.memory_space<vmem>>
        %dma_start3A_132 = tpu.memref_squeeze %dma_start3A_131 : memref<1x40xi32, #tpu.memory_space<vmem>> -> memref<40xi32, #tpu.memory_space<vmem>>
        %dma_start3A_133 = arith.constant 0 : i32
        %dma_start3A_134 = arith.constant 0 : i32
        %dma_start3A_135 = tpu.memref_slice %arg2[%arg0, %dma_start3A_133, %dma_start3A_134] : memref<2x10000x128xf32, #tpu.memory_space<hbm>> -> memref<1x10000x128xf32, #tpu.memory_space<hbm>>
        %dma_start3A_136 = tpu.memref_squeeze %dma_start3A_135 : memref<1x10000x128xf32, #tpu.memory_space<hbm>> -> memref<10000x128xf32, #tpu.memory_space<hbm>>
        %dma_start3A_137 = arith.constant 0 : i32
        %dma_start3A_138 = arith.constant 0 : i32
        %dma_start3A_139 = tpu.memref_slice %dma_start3A_136[%dma_start3A_137, %dma_start3A_138] : memref<10000x128xf32, #tpu.memory_space<hbm>> -> memref<10000x128xf32, #tpu.memory_space<hbm>>
        tpu.enqueue_indirect_dma source(%dma_start3A_139 : memref<10000x128xf32, #tpu.memory_space<hbm>>) target(%arg10 : memref<40x128xf32, #tpu.memory_space<vmem>>) offsets(%dma_start3A_132 : memref<40xi32, #tpu.memory_space<vmem>>) semaphore(%arg15 : memref<!tpu.dma_semaphore, #tpu.memory_space<semaphore_mem>>)
        %gt3A_140 = arith.constant 0 : i32
        %gt3A_141 = arith.cmpi sgt, %scan3A_118, %gt3A_140 : i32
        %gt3A_142 = arith.constant 0 : i32
        %gt3A_143 = arith.cmpi sgt, %add3A_106, %gt3A_142 : i32
        %or3A_144 = arith.ori %gt3A_141, %gt3A_143 : i1
        %convert_element_type3A_145 = arith.extui %or3A_144 : i1 to i32
        %cond3A_146 = arith.constant 0 : i32
        %cond3A_147 = arith.cmpi ne, %convert_element_type3A_145, %cond3A_146 : i32
        scf.if %cond3A_147 {
          %dma_wait3A_317 = arith.constant 0 : i32
          %dma_wait3A_318 = arith.constant 0 : i32
          %dma_wait3A_319 = tpu.memref_slice %arg9[%dma_wait3A_317, %dma_wait3A_318] : memref<25x40xi32, #tpu.memory_space<vmem>> -> memref<1x40xi32, #tpu.memory_space<vmem>>
          %dma_wait3A_320 = tpu.memref_squeeze %dma_wait3A_319 : memref<1x40xi32, #tpu.memory_space<vmem>> -> memref<40xi32, #tpu.memory_space<vmem>>
          %dma_wait3A_321 = arith.constant 0 : i32
          %dma_wait3A_322 = arith.constant 0 : i32
          %dma_wait3A_323 = tpu.memref_slice %arg27[%dma_wait3A_321, %dma_wait3A_322] : memref<10000x128xf32, #tpu.memory_space<vmem_shared>> -> memref<10000x128xf32, #tpu.memory_space<vmem_shared>>
          tpu.wait_indirect_dma semaphore(%arg21 : memref<!tpu.dma_semaphore, #tpu.memory_space<semaphore_mem>>) src(%arg11 : memref<40x128xf32, #tpu.memory_space<vmem>>) dst(%dma_wait3A_323 : memref<10000x128xf32, #tpu.memory_space<vmem_shared>>)
        } else {
        }
        %add3A_148 = arith.constant 1 : i32
        %add3A_149 = arith.addi %mul3A_120, %add3A_148 : i32
        %dma_start3A_150 = arith.constant 0 : i32
        %dma_start3A_151 = tpu.memref_slice %arg7[%add3A_149, %dma_start3A_150] : memref<25x40xi32, #tpu.memory_space<vmem>> -> memref<1x40xi32, #tpu.memory_space<vmem>>
        %dma_start3A_152 = tpu.memref_squeeze %dma_start3A_151 : memref<1x40xi32, #tpu.memory_space<vmem>> -> memref<40xi32, #tpu.memory_space<vmem>>
        %dma_start3A_153 = arith.constant 0 : i32
        %dma_start3A_154 = arith.constant 0 : i32
        %dma_start3A_155 = tpu.memref_slice %arg2[%arg0, %dma_start3A_153, %dma_start3A_154] : memref<2x10000x128xf32, #tpu.memory_space<hbm>> -> memref<1x10000x128xf32, #tpu.memory_space<hbm>>
        %dma_start3A_156 = tpu.memref_squeeze %dma_start3A_155 : memref<1x10000x128xf32, #tpu.memory_space<hbm>> -> memref<10000x128xf32, #tpu.memory_space<hbm>>
        %dma_start3A_157 = arith.constant 0 : i32
        %dma_start3A_158 = arith.constant 0 : i32
        %dma_start3A_159 = tpu.memref_slice %dma_start3A_156[%dma_start3A_157, %dma_start3A_158] : memref<10000x128xf32, #tpu.memory_space<hbm>> -> memref<10000x128xf32, #tpu.memory_space<hbm>>
        tpu.enqueue_indirect_dma source(%dma_start3A_159 : memref<10000x128xf32, #tpu.memory_space<hbm>>) target(%arg11 : memref<40x128xf32, #tpu.memory_space<vmem>>) offsets(%dma_start3A_152 : memref<40xi32, #tpu.memory_space<vmem>>) semaphore(%arg16 : memref<!tpu.dma_semaphore, #tpu.memory_space<semaphore_mem>>)
        %gt3A_160 = arith.constant 0 : i32
        %gt3A_161 = arith.cmpi sgt, %scan3A_118, %gt3A_160 : i32
        %gt3A_162 = arith.constant 0 : i32
        %gt3A_163 = arith.cmpi sgt, %add3A_106, %gt3A_162 : i32
        %or3A_164 = arith.ori %gt3A_161, %gt3A_163 : i1
        %convert_element_type3A_165 = arith.extui %or3A_164 : i1 to i32
        %cond3A_166 = arith.constant 0 : i32
        %cond3A_167 = arith.cmpi ne, %convert_element_type3A_165, %cond3A_166 : i32
        scf.if %cond3A_167 {
          %dma_wait3A_317 = arith.constant 0 : i32
          %dma_wait3A_318 = arith.constant 0 : i32
          %dma_wait3A_319 = tpu.memref_slice %arg9[%dma_wait3A_317, %dma_wait3A_318] : memref<25x40xi32, #tpu.memory_space<vmem>> -> memref<1x40xi32, #tpu.memory_space<vmem>>
          %dma_wait3A_320 = tpu.memref_squeeze %dma_wait3A_319 : memref<1x40xi32, #tpu.memory_space<vmem>> -> memref<40xi32, #tpu.memory_space<vmem>>
          %dma_wait3A_321 = arith.constant 0 : i32
          %dma_wait3A_322 = arith.constant 0 : i32
          %dma_wait3A_323 = tpu.memref_slice %arg27[%dma_wait3A_321, %dma_wait3A_322] : memref<10000x128xf32, #tpu.memory_space<vmem_shared>> -> memref<10000x128xf32, #tpu.memory_space<vmem_shared>>
          tpu.wait_indirect_dma semaphore(%arg22 : memref<!tpu.dma_semaphore, #tpu.memory_space<semaphore_mem>>) src(%arg12 : memref<40x128xf32, #tpu.memory_space<vmem>>) dst(%dma_wait3A_323 : memref<10000x128xf32, #tpu.memory_space<vmem_shared>>)
        } else {
        }
        %add3A_168 = arith.constant 2 : i32
        %add3A_169 = arith.addi %mul3A_120, %add3A_168 : i32
        %dma_start3A_170 = arith.constant 0 : i32
        %dma_start3A_171 = tpu.memref_slice %arg7[%add3A_169, %dma_start3A_170] : memref<25x40xi32, #tpu.memory_space<vmem>> -> memref<1x40xi32, #tpu.memory_space<vmem>>
        %dma_start3A_172 = tpu.memref_squeeze %dma_start3A_171 : memref<1x40xi32, #tpu.memory_space<vmem>> -> memref<40xi32, #tpu.memory_space<vmem>>
        %dma_start3A_173 = arith.constant 0 : i32
        %dma_start3A_174 = arith.constant 0 : i32
        %dma_start3A_175 = tpu.memref_slice %arg2[%arg0, %dma_start3A_173, %dma_start3A_174] : memref<2x10000x128xf32, #tpu.memory_space<hbm>> -> memref<1x10000x128xf32, #tpu.memory_space<hbm>>
        %dma_start3A_176 = tpu.memref_squeeze %dma_start3A_175 : memref<1x10000x128xf32, #tpu.memory_space<hbm>> -> memref<10000x128xf32, #tpu.memory_space<hbm>>
        %dma_start3A_177 = arith.constant 0 : i32
        %dma_start3A_178 = arith.constant 0 : i32
        %dma_start3A_179 = tpu.memref_slice %dma_start3A_176[%dma_start3A_177, %dma_start3A_178] : memref<10000x128xf32, #tpu.memory_space<hbm>> -> memref<10000x128xf32, #tpu.memory_space<hbm>>
        tpu.enqueue_indirect_dma source(%dma_start3A_179 : memref<10000x128xf32, #tpu.memory_space<hbm>>) target(%arg12 : memref<40x128xf32, #tpu.memory_space<vmem>>) offsets(%dma_start3A_172 : memref<40xi32, #tpu.memory_space<vmem>>) semaphore(%arg17 : memref<!tpu.dma_semaphore, #tpu.memory_space<semaphore_mem>>)
        %gt3A_180 = arith.constant 0 : i32
        %gt3A_181 = arith.cmpi sgt, %scan3A_118, %gt3A_180 : i32
        %gt3A_182 = arith.constant 0 : i32
        %gt3A_183 = arith.cmpi sgt, %add3A_106, %gt3A_182 : i32
        %or3A_184 = arith.ori %gt3A_181, %gt3A_183 : i1
        %convert_element_type3A_185 = arith.extui %or3A_184 : i1 to i32
        %cond3A_186 = arith.constant 0 : i32
        %cond3A_187 = arith.cmpi ne, %convert_element_type3A_185, %cond3A_186 : i32
        scf.if %cond3A_187 {
          %dma_wait3A_317 = arith.constant 0 : i32
          %dma_wait3A_318 = arith.constant 0 : i32
          %dma_wait3A_319 = tpu.memref_slice %arg9[%dma_wait3A_317, %dma_wait3A_318] : memref<25x40xi32, #tpu.memory_space<vmem>> -> memref<1x40xi32, #tpu.memory_space<vmem>>
          %dma_wait3A_320 = tpu.memref_squeeze %dma_wait3A_319 : memref<1x40xi32, #tpu.memory_space<vmem>> -> memref<40xi32, #tpu.memory_space<vmem>>
          %dma_wait3A_321 = arith.constant 0 : i32
          %dma_wait3A_322 = arith.constant 0 : i32
          %dma_wait3A_323 = tpu.memref_slice %arg27[%dma_wait3A_321, %dma_wait3A_322] : memref<10000x128xf32, #tpu.memory_space<vmem_shared>> -> memref<10000x128xf32, #tpu.memory_space<vmem_shared>>
          tpu.wait_indirect_dma semaphore(%arg23 : memref<!tpu.dma_semaphore, #tpu.memory_space<semaphore_mem>>) src(%arg13 : memref<40x128xf32, #tpu.memory_space<vmem>>) dst(%dma_wait3A_323 : memref<10000x128xf32, #tpu.memory_space<vmem_shared>>)
        } else {
        }
        %add3A_188 = arith.constant 3 : i32
        %add3A_189 = arith.addi %mul3A_120, %add3A_188 : i32
        %dma_start3A_190 = arith.constant 0 : i32
        %dma_start3A_191 = tpu.memref_slice %arg7[%add3A_189, %dma_start3A_190] : memref<25x40xi32, #tpu.memory_space<vmem>> -> memref<1x40xi32, #tpu.memory_space<vmem>>
        %dma_start3A_192 = tpu.memref_squeeze %dma_start3A_191 : memref<1x40xi32, #tpu.memory_space<vmem>> -> memref<40xi32, #tpu.memory_space<vmem>>
        %dma_start3A_193 = arith.constant 0 : i32
        %dma_start3A_194 = arith.constant 0 : i32
        %dma_start3A_195 = tpu.memref_slice %arg2[%arg0, %dma_start3A_193, %dma_start3A_194] : memref<2x10000x128xf32, #tpu.memory_space<hbm>> -> memref<1x10000x128xf32, #tpu.memory_space<hbm>>
        %dma_start3A_196 = tpu.memref_squeeze %dma_start3A_195 : memref<1x10000x128xf32, #tpu.memory_space<hbm>> -> memref<10000x128xf32, #tpu.memory_space<hbm>>
        %dma_start3A_197 = arith.constant 0 : i32
        %dma_start3A_198 = arith.constant 0 : i32
        %dma_start3A_199 = tpu.memref_slice %dma_start3A_196[%dma_start3A_197, %dma_start3A_198] : memref<10000x128xf32, #tpu.memory_space<hbm>> -> memref<10000x128xf32, #tpu.memory_space<hbm>>
        tpu.enqueue_indirect_dma source(%dma_start3A_199 : memref<10000x128xf32, #tpu.memory_space<hbm>>) target(%arg13 : memref<40x128xf32, #tpu.memory_space<vmem>>) offsets(%dma_start3A_192 : memref<40xi32, #tpu.memory_space<vmem>>) semaphore(%arg18 : memref<!tpu.dma_semaphore, #tpu.memory_space<semaphore_mem>>)
        %gt3A_200 = arith.constant 0 : i32
        %gt3A_201 = arith.cmpi sgt, %scan3A_118, %gt3A_200 : i32
        %gt3A_202 = arith.constant 0 : i32
        %gt3A_203 = arith.cmpi sgt, %add3A_106, %gt3A_202 : i32
        %or3A_204 = arith.ori %gt3A_201, %gt3A_203 : i1
        %convert_element_type3A_205 = arith.extui %or3A_204 : i1 to i32
        %cond3A_206 = arith.constant 0 : i32
        %cond3A_207 = arith.cmpi ne, %convert_element_type3A_205, %cond3A_206 : i32
        scf.if %cond3A_207 {
          %dma_wait3A_317 = arith.constant 0 : i32
          %dma_wait3A_318 = arith.constant 0 : i32
          %dma_wait3A_319 = tpu.memref_slice %arg9[%dma_wait3A_317, %dma_wait3A_318] : memref<25x40xi32, #tpu.memory_space<vmem>> -> memref<1x40xi32, #tpu.memory_space<vmem>>
          %dma_wait3A_320 = tpu.memref_squeeze %dma_wait3A_319 : memref<1x40xi32, #tpu.memory_space<vmem>> -> memref<40xi32, #tpu.memory_space<vmem>>
          %dma_wait3A_321 = arith.constant 0 : i32
          %dma_wait3A_322 = arith.constant 0 : i32
          %dma_wait3A_323 = tpu.memref_slice %arg27[%dma_wait3A_321, %dma_wait3A_322] : memref<10000x128xf32, #tpu.memory_space<vmem_shared>> -> memref<10000x128xf32, #tpu.memory_space<vmem_shared>>
          tpu.wait_indirect_dma semaphore(%arg24 : memref<!tpu.dma_semaphore, #tpu.memory_space<semaphore_mem>>) src(%arg14 : memref<40x128xf32, #tpu.memory_space<vmem>>) dst(%dma_wait3A_323 : memref<10000x128xf32, #tpu.memory_space<vmem_shared>>)
        } else {
        }
        %add3A_208 = arith.constant 4 : i32
        %add3A_209 = arith.addi %mul3A_120, %add3A_208 : i32
        %dma_start3A_210 = arith.constant 0 : i32
        %dma_start3A_211 = tpu.memref_slice %arg7[%add3A_209, %dma_start3A_210] : memref<25x40xi32, #tpu.memory_space<vmem>> -> memref<1x40xi32, #tpu.memory_space<vmem>>
        %dma_start3A_212 = tpu.memref_squeeze %dma_start3A_211 : memref<1x40xi32, #tpu.memory_space<vmem>> -> memref<40xi32, #tpu.memory_space<vmem>>
        %dma_start3A_213 = arith.constant 0 : i32
        %dma_start3A_214 = arith.constant 0 : i32
        %dma_start3A_215 = tpu.memref_slice %arg2[%arg0, %dma_start3A_213, %dma_start3A_214] : memref<2x10000x128xf32, #tpu.memory_space<hbm>> -> memref<1x10000x128xf32, #tpu.memory_space<hbm>>
        %dma_start3A_216 = tpu.memref_squeeze %dma_start3A_215 : memref<1x10000x128xf32, #tpu.memory_space<hbm>> -> memref<10000x128xf32, #tpu.memory_space<hbm>>
        %dma_start3A_217 = arith.constant 0 : i32
        %dma_start3A_218 = arith.constant 0 : i32
        %dma_start3A_219 = tpu.memref_slice %dma_start3A_216[%dma_start3A_217, %dma_start3A_218] : memref<10000x128xf32, #tpu.memory_space<hbm>> -> memref<10000x128xf32, #tpu.memory_space<hbm>>
        tpu.enqueue_indirect_dma source(%dma_start3A_219 : memref<10000x128xf32, #tpu.memory_space<hbm>>) target(%arg14 : memref<40x128xf32, #tpu.memory_space<vmem>>) offsets(%dma_start3A_212 : memref<40xi32, #tpu.memory_space<vmem>>) semaphore(%arg19 : memref<!tpu.dma_semaphore, #tpu.memory_space<semaphore_mem>>)
        %eq3A = arith.constant 0 : i32
        %eq3A_220 = arith.cmpi eq, %scan3A_118, %eq3A : i32
        %add3A_221 = arith.constant 1 : i32
        %add3A_222 = arith.addi %add3A_106, %add3A_221 : i32
        %lt3A = arith.constant 20 : i32
        %lt3A_223 = arith.cmpi slt, %add3A_222, %lt3A : i32
        %and3A = arith.andi %eq3A_220, %lt3A_223 : i1
        %convert_element_type3A_224 = arith.extui %and3A : i1 to i32
        %cond3A_225 = arith.constant 0 : i32
        %cond3A_226 = arith.cmpi ne, %convert_element_type3A_224, %cond3A_225 : i32
        scf.if %cond3A_226 {
          %add3A_317 = arith.constant 1 : i32
          %add3A_318 = arith.addi %add3A_106, %add3A_317 : i32
          %dma_start3A_319 = arith.constant 0 : i32
          %dma_start3A_320 = arith.constant 0 : i32
          %dma_start3A_321 = tpu.memref_slice %arg3[%arg1, %add3A_318, %dma_start3A_319, %dma_start3A_320] : memref<16x20x25x40xi32, #tpu.memory_space<hbm>> -> memref<1x1x25x40xi32, #tpu.memory_space<hbm>>
          %dma_start3A_322 = tpu.memref_squeeze %dma_start3A_321 : memref<1x1x25x40xi32, #tpu.memory_space<hbm>> -> memref<25x40xi32, #tpu.memory_space<hbm>>
          %dma_start3A_323 = arith.constant 0 : i32
          %dma_start3A_324 = arith.constant 0 : i32
          %dma_start3A_325 = tpu.memref_slice %arg3[%arg1, %add3A_318, %dma_start3A_323, %dma_start3A_324] : memref<16x20x25x40xi32, #tpu.memory_space<hbm>> -> memref<1x1x25x40xi32, #tpu.memory_space<hbm>>
          %dma_start3A_326 = tpu.memref_squeeze %dma_start3A_325 : memref<1x1x25x40xi32, #tpu.memory_space<hbm>> -> memref<25x40xi32, #tpu.memory_space<hbm>>
          tpu.enqueue_dma source(%dma_start3A_326 : memref<25x40xi32, #tpu.memory_space<hbm>>) target(%arg6 : memref<25x40xi32, #tpu.memory_space<vmem>>) target_semaphore(%arg25 : memref<!tpu.dma_semaphore, #tpu.memory_space<semaphore_mem>>)
          %add3A_327 = arith.constant 1 : i32
          %add3A_328 = arith.addi %add3A_106, %add3A_327 : i32
          %dma_start3A_329 = arith.constant 0 : i32
          %dma_start3A_330 = arith.constant 0 : i32
          %dma_start3A_331 = tpu.memref_slice %arg4[%arg1, %add3A_328, %dma_start3A_329, %dma_start3A_330] : memref<16x20x25x40xi32, #tpu.memory_space<hbm>> -> memref<1x1x25x40xi32, #tpu.memory_space<hbm>>
          %dma_start3A_332 = tpu.memref_squeeze %dma_start3A_331 : memref<1x1x25x40xi32, #tpu.memory_space<hbm>> -> memref<25x40xi32, #tpu.memory_space<hbm>>
          %dma_start3A_333 = arith.constant 0 : i32
          %dma_start3A_334 = arith.constant 0 : i32
          %dma_start3A_335 = tpu.memref_slice %arg4[%arg1, %add3A_328, %dma_start3A_333, %dma_start3A_334] : memref<16x20x25x40xi32, #tpu.memory_space<hbm>> -> memref<1x1x25x40xi32, #tpu.memory_space<hbm>>
          %dma_start3A_336 = tpu.memref_squeeze %dma_start3A_335 : memref<1x1x25x40xi32, #tpu.memory_space<hbm>> -> memref<25x40xi32, #tpu.memory_space<hbm>>
          tpu.enqueue_dma source(%dma_start3A_336 : memref<25x40xi32, #tpu.memory_space<hbm>>) target(%arg8 : memref<25x40xi32, #tpu.memory_space<vmem>>) target_semaphore(%arg26 : memref<!tpu.dma_semaphore, #tpu.memory_space<semaphore_mem>>)
        } else {
        }
        %dma_wait3A_227 = arith.constant 0 : i32
        %dma_wait3A_228 = tpu.memref_slice %arg7[%add3A_129, %dma_wait3A_227] : memref<25x40xi32, #tpu.memory_space<vmem>> -> memref<1x40xi32, #tpu.memory_space<vmem>>
        %dma_wait3A_229 = tpu.memref_squeeze %dma_wait3A_228 : memref<1x40xi32, #tpu.memory_space<vmem>> -> memref<40xi32, #tpu.memory_space<vmem>>
        %dma_wait3A_230 = arith.constant 0 : i32
        %dma_wait3A_231 = arith.constant 0 : i32
        %dma_wait3A_232 = tpu.memref_slice %arg2[%arg0, %dma_wait3A_230, %dma_wait3A_231] : memref<2x10000x128xf32, #tpu.memory_space<hbm>> -> memref<1x10000x128xf32, #tpu.memory_space<hbm>>
        %dma_wait3A_233 = tpu.memref_squeeze %dma_wait3A_232 : memref<1x10000x128xf32, #tpu.memory_space<hbm>> -> memref<10000x128xf32, #tpu.memory_space<hbm>>
        %dma_wait3A_234 = arith.constant 0 : i32
        %dma_wait3A_235 = arith.constant 0 : i32
        %dma_wait3A_236 = tpu.memref_slice %dma_wait3A_233[%dma_wait3A_234, %dma_wait3A_235] : memref<10000x128xf32, #tpu.memory_space<hbm>> -> memref<10000x128xf32, #tpu.memory_space<hbm>>
        tpu.wait_indirect_dma semaphore(%arg15 : memref<!tpu.dma_semaphore, #tpu.memory_space<semaphore_mem>>) src(%dma_wait3A_236 : memref<10000x128xf32, #tpu.memory_space<hbm>>) dst(%arg10 : memref<40x128xf32, #tpu.memory_space<vmem>>)
        %add3A_237 = arith.constant 0 : i32
        %add3A_238 = arith.addi %mul3A_120, %add3A_237 : i32
        %dma_start3A_239 = arith.constant 0 : i32
        %dma_start3A_240 = tpu.memref_slice %arg9[%add3A_238, %dma_start3A_239] : memref<25x40xi32, #tpu.memory_space<vmem>> -> memref<1x40xi32, #tpu.memory_space<vmem>>
        %dma_start3A_241 = tpu.memref_squeeze %dma_start3A_240 : memref<1x40xi32, #tpu.memory_space<vmem>> -> memref<40xi32, #tpu.memory_space<vmem>>
        %dma_start3A_242 = arith.constant 0 : i32
        %dma_start3A_243 = arith.constant 0 : i32
        %dma_start3A_244 = tpu.memref_slice %arg27[%dma_start3A_242, %dma_start3A_243] : memref<10000x128xf32, #tpu.memory_space<vmem_shared>> -> memref<10000x128xf32, #tpu.memory_space<vmem_shared>>
        tpu.enqueue_indirect_dma source(%arg10 : memref<40x128xf32, #tpu.memory_space<vmem>>) target(%dma_start3A_244 : memref<10000x128xf32, #tpu.memory_space<vmem_shared>>) offsets(%dma_start3A_241 : memref<40xi32, #tpu.memory_space<vmem>>) semaphore(%arg20 : memref<!tpu.dma_semaphore, #tpu.memory_space<semaphore_mem>>) {add = true}
        %dma_wait3A_245 = arith.constant 0 : i32
        %dma_wait3A_246 = tpu.memref_slice %arg7[%add3A_149, %dma_wait3A_245] : memref<25x40xi32, #tpu.memory_space<vmem>> -> memref<1x40xi32, #tpu.memory_space<vmem>>
        %dma_wait3A_247 = tpu.memref_squeeze %dma_wait3A_246 : memref<1x40xi32, #tpu.memory_space<vmem>> -> memref<40xi32, #tpu.memory_space<vmem>>
        %dma_wait3A_248 = arith.constant 0 : i32
        %dma_wait3A_249 = arith.constant 0 : i32
        %dma_wait3A_250 = tpu.memref_slice %arg2[%arg0, %dma_wait3A_248, %dma_wait3A_249] : memref<2x10000x128xf32, #tpu.memory_space<hbm>> -> memref<1x10000x128xf32, #tpu.memory_space<hbm>>
        %dma_wait3A_251 = tpu.memref_squeeze %dma_wait3A_250 : memref<1x10000x128xf32, #tpu.memory_space<hbm>> -> memref<10000x128xf32, #tpu.memory_space<hbm>>
        %dma_wait3A_252 = arith.constant 0 : i32
        %dma_wait3A_253 = arith.constant 0 : i32
        %dma_wait3A_254 = tpu.memref_slice %dma_wait3A_251[%dma_wait3A_252, %dma_wait3A_253] : memref<10000x128xf32, #tpu.memory_space<hbm>> -> memref<10000x128xf32, #tpu.memory_space<hbm>>
        tpu.wait_indirect_dma semaphore(%arg16 : memref<!tpu.dma_semaphore, #tpu.memory_space<semaphore_mem>>) src(%dma_wait3A_254 : memref<10000x128xf32, #tpu.memory_space<hbm>>) dst(%arg11 : memref<40x128xf32, #tpu.memory_space<vmem>>)
        %add3A_255 = arith.constant 1 : i32
        %add3A_256 = arith.addi %mul3A_120, %add3A_255 : i32
        %dma_start3A_257 = arith.constant 0 : i32
        %dma_start3A_258 = tpu.memref_slice %arg9[%add3A_256, %dma_start3A_257] : memref<25x40xi32, #tpu.memory_space<vmem>> -> memref<1x40xi32, #tpu.memory_space<vmem>>
        %dma_start3A_259 = tpu.memref_squeeze %dma_start3A_258 : memref<1x40xi32, #tpu.memory_space<vmem>> -> memref<40xi32, #tpu.memory_space<vmem>>
        %dma_start3A_260 = arith.constant 0 : i32
        %dma_start3A_261 = arith.constant 0 : i32
        %dma_start3A_262 = tpu.memref_slice %arg27[%dma_start3A_260, %dma_start3A_261] : memref<10000x128xf32, #tpu.memory_space<vmem_shared>> -> memref<10000x128xf32, #tpu.memory_space<vmem_shared>>
        tpu.enqueue_indirect_dma source(%arg11 : memref<40x128xf32, #tpu.memory_space<vmem>>) target(%dma_start3A_262 : memref<10000x128xf32, #tpu.memory_space<vmem_shared>>) offsets(%dma_start3A_259 : memref<40xi32, #tpu.memory_space<vmem>>) semaphore(%arg21 : memref<!tpu.dma_semaphore, #tpu.memory_space<semaphore_mem>>) {add = true}
        %dma_wait3A_263 = arith.constant 0 : i32
        %dma_wait3A_264 = tpu.memref_slice %arg7[%add3A_169, %dma_wait3A_263] : memref<25x40xi32, #tpu.memory_space<vmem>> -> memref<1x40xi32, #tpu.memory_space<vmem>>
        %dma_wait3A_265 = tpu.memref_squeeze %dma_wait3A_264 : memref<1x40xi32, #tpu.memory_space<vmem>> -> memref<40xi32, #tpu.memory_space<vmem>>
        %dma_wait3A_266 = arith.constant 0 : i32
        %dma_wait3A_267 = arith.constant 0 : i32
        %dma_wait3A_268 = tpu.memref_slice %arg2[%arg0, %dma_wait3A_266, %dma_wait3A_267] : memref<2x10000x128xf32, #tpu.memory_space<hbm>> -> memref<1x10000x128xf32, #tpu.memory_space<hbm>>
        %dma_wait3A_269 = tpu.memref_squeeze %dma_wait3A_268 : memref<1x10000x128xf32, #tpu.memory_space<hbm>> -> memref<10000x128xf32, #tpu.memory_space<hbm>>
        %dma_wait3A_270 = arith.constant 0 : i32
        %dma_wait3A_271 = arith.constant 0 : i32
        %dma_wait3A_272 = tpu.memref_slice %dma_wait3A_269[%dma_wait3A_270, %dma_wait3A_271] : memref<10000x128xf32, #tpu.memory_space<hbm>> -> memref<10000x128xf32, #tpu.memory_space<hbm>>
        tpu.wait_indirect_dma semaphore(%arg17 : memref<!tpu.dma_semaphore, #tpu.memory_space<semaphore_mem>>) src(%dma_wait3A_272 : memref<10000x128xf32, #tpu.memory_space<hbm>>) dst(%arg12 : memref<40x128xf32, #tpu.memory_space<vmem>>)
        %add3A_273 = arith.constant 2 : i32
        %add3A_274 = arith.addi %mul3A_120, %add3A_273 : i32
        %dma_start3A_275 = arith.constant 0 : i32
        %dma_start3A_276 = tpu.memref_slice %arg9[%add3A_274, %dma_start3A_275] : memref<25x40xi32, #tpu.memory_space<vmem>> -> memref<1x40xi32, #tpu.memory_space<vmem>>
        %dma_start3A_277 = tpu.memref_squeeze %dma_start3A_276 : memref<1x40xi32, #tpu.memory_space<vmem>> -> memref<40xi32, #tpu.memory_space<vmem>>
        %dma_start3A_278 = arith.constant 0 : i32
        %dma_start3A_279 = arith.constant 0 : i32
        %dma_start3A_280 = tpu.memref_slice %arg27[%dma_start3A_278, %dma_start3A_279] : memref<10000x128xf32, #tpu.memory_space<vmem_shared>> -> memref<10000x128xf32, #tpu.memory_space<vmem_shared>>
        tpu.enqueue_indirect_dma source(%arg12 : memref<40x128xf32, #tpu.memory_space<vmem>>) target(%dma_start3A_280 : memref<10000x128xf32, #tpu.memory_space<vmem_shared>>) offsets(%dma_start3A_277 : memref<40xi32, #tpu.memory_space<vmem>>) semaphore(%arg22 : memref<!tpu.dma_semaphore, #tpu.memory_space<semaphore_mem>>) {add = true}
        %dma_wait3A_281 = arith.constant 0 : i32
        %dma_wait3A_282 = tpu.memref_slice %arg7[%add3A_189, %dma_wait3A_281] : memref<25x40xi32, #tpu.memory_space<vmem>> -> memref<1x40xi32, #tpu.memory_space<vmem>>
        %dma_wait3A_283 = tpu.memref_squeeze %dma_wait3A_282 : memref<1x40xi32, #tpu.memory_space<vmem>> -> memref<40xi32, #tpu.memory_space<vmem>>
        %dma_wait3A_284 = arith.constant 0 : i32
        %dma_wait3A_285 = arith.constant 0 : i32
        %dma_wait3A_286 = tpu.memref_slice %arg2[%arg0, %dma_wait3A_284, %dma_wait3A_285] : memref<2x10000x128xf32, #tpu.memory_space<hbm>> -> memref<1x10000x128xf32, #tpu.memory_space<hbm>>
        %dma_wait3A_287 = tpu.memref_squeeze %dma_wait3A_286 : memref<1x10000x128xf32, #tpu.memory_space<hbm>> -> memref<10000x128xf32, #tpu.memory_space<hbm>>
        %dma_wait3A_288 = arith.constant 0 : i32
        %dma_wait3A_289 = arith.constant 0 : i32
        %dma_wait3A_290 = tpu.memref_slice %dma_wait3A_287[%dma_wait3A_288, %dma_wait3A_289] : memref<10000x128xf32, #tpu.memory_space<hbm>> -> memref<10000x128xf32, #tpu.memory_space<hbm>>
        tpu.wait_indirect_dma semaphore(%arg18 : memref<!tpu.dma_semaphore, #tpu.memory_space<semaphore_mem>>) src(%dma_wait3A_290 : memref<10000x128xf32, #tpu.memory_space<hbm>>) dst(%arg13 : memref<40x128xf32, #tpu.memory_space<vmem>>)
        %add3A_291 = arith.constant 3 : i32
        %add3A_292 = arith.addi %mul3A_120, %add3A_291 : i32
        %dma_start3A_293 = arith.constant 0 : i32
        %dma_start3A_294 = tpu.memref_slice %arg9[%add3A_292, %dma_start3A_293] : memref<25x40xi32, #tpu.memory_space<vmem>> -> memref<1x40xi32, #tpu.memory_space<vmem>>
        %dma_start3A_295 = tpu.memref_squeeze %dma_start3A_294 : memref<1x40xi32, #tpu.memory_space<vmem>> -> memref<40xi32, #tpu.memory_space<vmem>>
        %dma_start3A_296 = arith.constant 0 : i32
        %dma_start3A_297 = arith.constant 0 : i32
        %dma_start3A_298 = tpu.memref_slice %arg27[%dma_start3A_296, %dma_start3A_297] : memref<10000x128xf32, #tpu.memory_space<vmem_shared>> -> memref<10000x128xf32, #tpu.memory_space<vmem_shared>>
        tpu.enqueue_indirect_dma source(%arg13 : memref<40x128xf32, #tpu.memory_space<vmem>>) target(%dma_start3A_298 : memref<10000x128xf32, #tpu.memory_space<vmem_shared>>) offsets(%dma_start3A_295 : memref<40xi32, #tpu.memory_space<vmem>>) semaphore(%arg23 : memref<!tpu.dma_semaphore, #tpu.memory_space<semaphore_mem>>) {add = true}
        %dma_wait3A_299 = arith.constant 0 : i32
        %dma_wait3A_300 = tpu.memref_slice %arg7[%add3A_209, %dma_wait3A_299] : memref<25x40xi32, #tpu.memory_space<vmem>> -> memref<1x40xi32, #tpu.memory_space<vmem>>
        %dma_wait3A_301 = tpu.memref_squeeze %dma_wait3A_300 : memref<1x40xi32, #tpu.memory_space<vmem>> -> memref<40xi32, #tpu.memory_space<vmem>>
        %dma_wait3A_302 = arith.constant 0 : i32
        %dma_wait3A_303 = arith.constant 0 : i32
        %dma_wait3A_304 = tpu.memref_slice %arg2[%arg0, %dma_wait3A_302, %dma_wait3A_303] : memref<2x10000x128xf32, #tpu.memory_space<hbm>> -> memref<1x10000x128xf32, #tpu.memory_space<hbm>>
        %dma_wait3A_305 = tpu.memref_squeeze %dma_wait3A_304 : memref<1x10000x128xf32, #tpu.memory_space<hbm>> -> memref<10000x128xf32, #tpu.memory_space<hbm>>
        %dma_wait3A_306 = arith.constant 0 : i32
        %dma_wait3A_307 = arith.constant 0 : i32
        %dma_wait3A_308 = tpu.memref_slice %dma_wait3A_305[%dma_wait3A_306, %dma_wait3A_307] : memref<10000x128xf32, #tpu.memory_space<hbm>> -> memref<10000x128xf32, #tpu.memory_space<hbm>>
        tpu.wait_indirect_dma semaphore(%arg19 : memref<!tpu.dma_semaphore, #tpu.memory_space<semaphore_mem>>) src(%dma_wait3A_308 : memref<10000x128xf32, #tpu.memory_space<hbm>>) dst(%arg14 : memref<40x128xf32, #tpu.memory_space<vmem>>)
        %add3A_309 = arith.constant 4 : i32
        %add3A_310 = arith.addi %mul3A_120, %add3A_309 : i32
        %dma_start3A_311 = arith.constant 0 : i32
        %dma_start3A_312 = tpu.memref_slice %arg9[%add3A_310, %dma_start3A_311] : memref<25x40xi32, #tpu.memory_space<vmem>> -> memref<1x40xi32, #tpu.memory_space<vmem>>
        %dma_start3A_313 = tpu.memref_squeeze %dma_start3A_312 : memref<1x40xi32, #tpu.memory_space<vmem>> -> memref<40xi32, #tpu.memory_space<vmem>>
        %dma_start3A_314 = arith.constant 0 : i32
        %dma_start3A_315 = arith.constant 0 : i32
        %dma_start3A_316 = tpu.memref_slice %arg27[%dma_start3A_314, %dma_start3A_315] : memref<10000x128xf32, #tpu.memory_space<vmem_shared>> -> memref<10000x128xf32, #tpu.memory_space<vmem_shared>>
        tpu.enqueue_indirect_dma source(%arg14 : memref<40x128xf32, #tpu.memory_space<vmem>>) target(%dma_start3A_316 : memref<10000x128xf32, #tpu.memory_space<vmem_shared>>) offsets(%dma_start3A_313 : memref<40xi32, #tpu.memory_space<vmem>>) semaphore(%arg24 : memref<!tpu.dma_semaphore, #tpu.memory_space<semaphore_mem>>) {add = true}
      }
      %scan3A_117 = arith.constant 5 : i32
    }
    %scan3A_51 = arith.constant 10 : i32
    %dma_wait3A_52 = arith.constant 0 : i32
    %dma_wait3A_53 = arith.constant 0 : i32
    %dma_wait3A_54 = tpu.memref_slice %arg9[%dma_wait3A_52, %dma_wait3A_53] : memref<25x40xi32, #tpu.memory_space<vmem>> -> memref<1x40xi32, #tpu.memory_space<vmem>>
    %dma_wait3A_55 = tpu.memref_squeeze %dma_wait3A_54 : memref<1x40xi32, #tpu.memory_space<vmem>> -> memref<40xi32, #tpu.memory_space<vmem>>
    %dma_wait3A_56 = arith.constant 0 : i32
    %dma_wait3A_57 = arith.constant 0 : i32
    %dma_wait3A_58 = tpu.memref_slice %arg27[%dma_wait3A_56, %dma_wait3A_57] : memref<10000x128xf32, #tpu.memory_space<vmem_shared>> -> memref<10000x128xf32, #tpu.memory_space<vmem_shared>>
    tpu.wait_indirect_dma semaphore(%arg20 : memref<!tpu.dma_semaphore, #tpu.memory_space<semaphore_mem>>) src(%arg10 : memref<40x128xf32, #tpu.memory_space<vmem>>) dst(%dma_wait3A_58 : memref<10000x128xf32, #tpu.memory_space<vmem_shared>>)
    %dma_wait3A_59 = arith.constant 0 : i32
    %dma_wait3A_60 = arith.constant 0 : i32
    %dma_wait3A_61 = tpu.memref_slice %arg9[%dma_wait3A_59, %dma_wait3A_60] : memref<25x40xi32, #tpu.memory_space<vmem>> -> memref<1x40xi32, #tpu.memory_space<vmem>>
    %dma_wait3A_62 = tpu.memref_squeeze %dma_wait3A_61 : memref<1x40xi32, #tpu.memory_space<vmem>> -> memref<40xi32, #tpu.memory_space<vmem>>
    %dma_wait3A_63 = arith.constant 0 : i32
    %dma_wait3A_64 = arith.constant 0 : i32
    %dma_wait3A_65 = tpu.memref_slice %arg27[%dma_wait3A_63, %dma_wait3A_64] : memref<10000x128xf32, #tpu.memory_space<vmem_shared>> -> memref<10000x128xf32, #tpu.memory_space<vmem_shared>>
    tpu.wait_indirect_dma semaphore(%arg21 : memref<!tpu.dma_semaphore, #tpu.memory_space<semaphore_mem>>) src(%arg11 : memref<40x128xf32, #tpu.memory_space<vmem>>) dst(%dma_wait3A_65 : memref<10000x128xf32, #tpu.memory_space<vmem_shared>>)
    %dma_wait3A_66 = arith.constant 0 : i32
    %dma_wait3A_67 = arith.constant 0 : i32
    %dma_wait3A_68 = tpu.memref_slice %arg9[%dma_wait3A_66, %dma_wait3A_67] : memref<25x40xi32, #tpu.memory_space<vmem>> -> memref<1x40xi32, #tpu.memory_space<vmem>>
    %dma_wait3A_69 = tpu.memref_squeeze %dma_wait3A_68 : memref<1x40xi32, #tpu.memory_space<vmem>> -> memref<40xi32, #tpu.memory_space<vmem>>
    %dma_wait3A_70 = arith.constant 0 : i32
    %dma_wait3A_71 = arith.constant 0 : i32
    %dma_wait3A_72 = tpu.memref_slice %arg27[%dma_wait3A_70, %dma_wait3A_71] : memref<10000x128xf32, #tpu.memory_space<vmem_shared>> -> memref<10000x128xf32, #tpu.memory_space<vmem_shared>>
    tpu.wait_indirect_dma semaphore(%arg22 : memref<!tpu.dma_semaphore, #tpu.memory_space<semaphore_mem>>) src(%arg12 : memref<40x128xf32, #tpu.memory_space<vmem>>) dst(%dma_wait3A_72 : memref<10000x128xf32, #tpu.memory_space<vmem_shared>>)
    %dma_wait3A_73 = arith.constant 0 : i32
    %dma_wait3A_74 = arith.constant 0 : i32
    %dma_wait3A_75 = tpu.memref_slice %arg9[%dma_wait3A_73, %dma_wait3A_74] : memref<25x40xi32, #tpu.memory_space<vmem>> -> memref<1x40xi32, #tpu.memory_space<vmem>>
    %dma_wait3A_76 = tpu.memref_squeeze %dma_wait3A_75 : memref<1x40xi32, #tpu.memory_space<vmem>> -> memref<40xi32, #tpu.memory_space<vmem>>
    %dma_wait3A_77 = arith.constant 0 : i32
    %dma_wait3A_78 = arith.constant 0 : i32
    %dma_wait3A_79 = tpu.memref_slice %arg27[%dma_wait3A_77, %dma_wait3A_78] : memref<10000x128xf32, #tpu.memory_space<vmem_shared>> -> memref<10000x128xf32, #tpu.memory_space<vmem_shared>>
    tpu.wait_indirect_dma semaphore(%arg23 : memref<!tpu.dma_semaphore, #tpu.memory_space<semaphore_mem>>) src(%arg13 : memref<40x128xf32, #tpu.memory_space<vmem>>) dst(%dma_wait3A_79 : memref<10000x128xf32, #tpu.memory_space<vmem_shared>>)
    %dma_wait3A_80 = arith.constant 0 : i32
    %dma_wait3A_81 = arith.constant 0 : i32
    %dma_wait3A_82 = tpu.memref_slice %arg9[%dma_wait3A_80, %dma_wait3A_81] : memref<25x40xi32, #tpu.memory_space<vmem>> -> memref<1x40xi32, #tpu.memory_space<vmem>>
    %dma_wait3A_83 = tpu.memref_squeeze %dma_wait3A_82 : memref<1x40xi32, #tpu.memory_space<vmem>> -> memref<40xi32, #tpu.memory_space<vmem>>
    %dma_wait3A_84 = arith.constant 0 : i32
    %dma_wait3A_85 = arith.constant 0 : i32
    %dma_wait3A_86 = tpu.memref_slice %arg27[%dma_wait3A_84, %dma_wait3A_85] : memref<10000x128xf32, #tpu.memory_space<vmem_shared>> -> memref<10000x128xf32, #tpu.memory_space<vmem_shared>>
    tpu.wait_indirect_dma semaphore(%arg24 : memref<!tpu.dma_semaphore, #tpu.memory_space<semaphore_mem>>) src(%arg14 : memref<40x128xf32, #tpu.memory_space<vmem>>) dst(%dma_wait3A_86 : memref<10000x128xf32, #tpu.memory_space<vmem_shared>>)
    %barrier3A_87 = arith.constant 0 : index
    tpu.barrier barrier_id(%barrier3A_87)
    %scan3A_88 = arith.constant 0 : i32
    %scan3A_89 = arith.constant 0 : i32
    %scan3A_90 = arith.constant 8 : i32
    %scan3A_91 = arith.addi %scan3A_89, %scan3A_90 : i32
    %scan3A_92 = arith.constant 1 : i32
    scf.for %scan3A_94 = %scan3A_89 to %scan3A_91 step %scan3A_92  : i32 {
      %mul3A = arith.constant 16 : i32
      %mul3A_95 = arith.muli %scan3A_94, %mul3A : i32
      %add3A = arith.addi %arg1, %mul3A_95 : i32
      %lt3A = arith.constant 125 : i32
      %lt3A_96 = arith.cmpi slt, %add3A, %lt3A : i32
      %convert_element_type3A = arith.extui %lt3A_96 : i1 to i32
      %cond3A = arith.constant 0 : i32
      %cond3A_97 = arith.cmpi ne, %convert_element_type3A, %cond3A : i32
      scf.if %cond3A_97 {
        %mul3A_98 = arith.constant 80 : i32
        %mul3A_99 = arith.muli %add3A, %mul3A_98 : i32
        "tpu.region"() ({
          %run_scoped3A = tpu.sem_alloc : memref<!tpu.dma_semaphore, #tpu.memory_space<semaphore_mem>>
          %dma_start3A_100 = arith.constant 0 : i32
          %dma_start3A_101 = tpu.memref_slice %arg5[%arg0, %mul3A_99, %dma_start3A_100] : memref<2x10000x128xf32, #tpu.memory_space<hbm>> -> memref<1x80x128xf32, #tpu.memory_space<hbm>>
          %dma_start3A_102 = tpu.memref_squeeze %dma_start3A_101 : memref<1x80x128xf32, #tpu.memory_space<hbm>> -> memref<80x128xf32, #tpu.memory_space<hbm>>
          %dma_start3A_103 = arith.constant 0 : i32
          %dma_start3A_104 = tpu.memref_slice %arg27[%mul3A_99, %dma_start3A_103] : memref<10000x128xf32, #tpu.memory_space<vmem_shared>> -> memref<80x128xf32, #tpu.memory_space<vmem_shared>>
          tpu.enqueue_dma source(%dma_start3A_104 : memref<80x128xf32, #tpu.memory_space<vmem_shared>>) target(%dma_start3A_102 : memref<80x128xf32, #tpu.memory_space<hbm>>) target_semaphore(%run_scoped3A : memref<!tpu.dma_semaphore, #tpu.memory_space<semaphore_mem>>)
          %dma_wait3A_105 = arith.constant 0 : i32
          %dma_wait3A_106 = tpu.memref_slice %arg5[%arg0, %mul3A_99, %dma_wait3A_105] : memref<2x10000x128xf32, #tpu.memory_space<hbm>> -> memref<1x80x128xf32, #tpu.memory_space<hbm>>
          %dma_wait3A_107 = tpu.memref_squeeze %dma_wait3A_106 : memref<1x80x128xf32, #tpu.memory_space<hbm>> -> memref<80x128xf32, #tpu.memory_space<hbm>>
          %dma_wait3A_108 = arith.constant 0 : i32
          %dma_wait3A_109 = tpu.memref_slice %arg27[%mul3A_99, %dma_wait3A_108] : memref<10000x128xf32, #tpu.memory_space<vmem_shared>> -> memref<80x128xf32, #tpu.memory_space<vmem_shared>>
          tpu.wait_dma2 semaphore(%run_scoped3A : memref<!tpu.dma_semaphore, #tpu.memory_space<semaphore_mem>>) src(%dma_wait3A_109 : memref<80x128xf32, #tpu.memory_space<vmem_shared>>) dst(%dma_wait3A_107 : memref<80x128xf32, #tpu.memory_space<hbm>>)
          tpu.yield
        }) : () -> ()
      } else {
      }
    }
    %scan3A_93 = arith.constant 8 : i32
    return
  }
}

module attributes {stable_mosaic.version = 14 : i64} {
  func.func @_xw_body(%arg0: i32, %arg1: memref<2000x131xf32, #tpu.memory_space<vmem>>, %arg2: memref<131x256xf32, #tpu.memory_space<vmem>>, %arg3: memref<2x2000x128xf32, #tpu.memory_space<vmem>>) attributes {dimension_semantics = [#tpu.dimension_semantics<arbitrary>], iteration_bounds = array<i64: 5>, scalar_prefetch = 0 : i64, scratch_operands = 0 : i64, tpu.core_type = #tpu.core_type<tc>, window_params = [{transform_indices = @transform_0, window_bounds = array<i64: 2000, 131>}, {pipeline_mode = #tpu.pipeline_mode<synchronous>, transform_indices = @transform_1, window_bounds = array<i64: 131, 256>}, {transform_indices = @transform_2, window_bounds = array<i64: 2, 2000, 128>}]} {
    %get3A = arith.constant 0 : index
    %get3A_0 = arith.constant 0 : index
    %get3A_1 = vector.load %arg1[%get3A, %get3A_0] : memref<2000x131xf32, #tpu.memory_space<vmem>>, vector<2000x131xf32>
    %get3A_2 = arith.constant 0 : index
    %get3A_3 = arith.constant 0 : index
    %get3A_4 = vector.load %arg2[%get3A_2, %get3A_3] : memref<131x256xf32, #tpu.memory_space<vmem>>, vector<131x256xf32>
    %dot_general3A = arith.constant dense<0.000000e+00> : vector<2000x256xf32>
    %dot_general3A_5 = tpu.matmul %get3A_1, %get3A_4, %dot_general3A {dimension_numbers = #tpu.dot_dimension_numbers<[1], [0], [0], [1], [0, 0, 1, 1], [], []>, transpose_lhs_hint = false} : vector<2000x131xf32>, vector<131x256xf32>, vector<2000x256xf32> -> vector<2000x256xf32>
    %slice3A = vector.extract_strided_slice %dot_general3A_5 {offsets = [0, 0], sizes = [2000, 128], strides = [1, 1]} : vector<2000x256xf32> to vector<2000x128xf32>
    %swap3A = arith.constant 0 : index
    %swap3A_6 = arith.constant 0 : index
    %swap3A_7 = arith.constant 0 : index
    %swap3A_8 = vector.load %arg3[%swap3A, %swap3A_6, %swap3A_7] : memref<2x2000x128xf32, #tpu.memory_space<vmem>>, vector<1x2000x128xf32>
    %swap3A_9 = vector.shape_cast %swap3A_8 : vector<1x2000x128xf32> to vector<2000x128xf32>
    %swap3A_10 = vector.shape_cast %slice3A : vector<2000x128xf32> to vector<1x2000x128xf32>
    tpu.vector_store %arg3[%swap3A, %swap3A_6, %swap3A_7], %swap3A_10 {strides = array<i32>} : memref<2x2000x128xf32, #tpu.memory_space<vmem>>, vector<1x2000x128xf32>,
    %slice3A_11 = vector.extract_strided_slice %dot_general3A_5 {offsets = [0, 128], sizes = [2000, 128], strides = [1, 1]} : vector<2000x256xf32> to vector<2000x128xf32>
    %swap3A_12 = arith.constant 1 : index
    %swap3A_13 = arith.constant 0 : index
    %swap3A_14 = arith.constant 0 : index
    %swap3A_15 = vector.load %arg3[%swap3A_12, %swap3A_13, %swap3A_14] : memref<2x2000x128xf32, #tpu.memory_space<vmem>>, vector<1x2000x128xf32>
    %swap3A_16 = vector.shape_cast %swap3A_15 : vector<1x2000x128xf32> to vector<2000x128xf32>
    %swap3A_17 = vector.shape_cast %slice3A_11 : vector<2000x128xf32> to vector<1x2000x128xf32>
    tpu.vector_store %arg3[%swap3A_12, %swap3A_13, %swap3A_14], %swap3A_17 {strides = array<i32>} : memref<2x2000x128xf32, #tpu.memory_space<vmem>>, vector<1x2000x128xf32>,
    return
  }
  func.func @transform_0(%arg0: i32) -> (i32, i32) {
    %c0_i32 = arith.constant 0 : i32
    %c0_i32_0 = arith.constant 0 : i32
    return %arg0, %c0_i32 : i32, i32
  }
  func.func @transform_1(%arg0: i32) -> (i32, i32) {
    %c0_i32 = arith.constant 0 : i32
    %c0_i32_0 = arith.constant 0 : i32
    %c0_i32_1 = arith.constant 0 : i32
    return %c0_i32, %c0_i32_0 : i32, i32
  }
  func.func @transform_2(%arg0: i32) -> (i32, i32, i32) {
    %c0_i32 = arith.constant 0 : i32
    %c0_i32_0 = arith.constant 0 : i32
    %c0_i32_1 = arith.constant 0 : i32
    return %c0_i32, %arg0, %c0_i32_0 : i32, i32, i32
  }
}

module attributes {stable_mosaic.version = 14 : i64} {
  func.func @_scale_body(%arg0: i32, %arg1: memref<2x2000x128xf32, #tpu.memory_space<vmem>>, %arg2: memref<2x2000x128xf32, #tpu.memory_space<vmem>>, %arg3: memref<2x2000x128xf32, #tpu.memory_space<vmem>>, %arg4: memref<2000x1xf32, #tpu.memory_space<vmem>>) attributes {dimension_semantics = [#tpu.dimension_semantics<arbitrary>], iteration_bounds = array<i64: 5>, scalar_prefetch = 0 : i64, scratch_operands = 0 : i64, tpu.core_type = #tpu.core_type<tc>, window_params = [{transform_indices = @transform_0, window_bounds = array<i64: 2, 2000, 128>}, {transform_indices = @transform_1, window_bounds = array<i64: 2, 2000, 128>}, {transform_indices = @transform_2, window_bounds = array<i64: 2, 2000, 128>}, {transform_indices = @transform_3, window_bounds = array<i64: 2000, 1>}]} {
    %get3A = arith.constant 0 : index
    %get3A_0 = arith.constant 0 : index
    %get3A_1 = arith.constant 0 : index
    %get3A_2 = vector.load %arg1[%get3A, %get3A_0, %get3A_1] : memref<2x2000x128xf32, #tpu.memory_space<vmem>>, vector<1x2000x1xf32>
    %get3A_3 = vector.shape_cast %get3A_2 : vector<1x2000x1xf32> to vector<2000x1xf32>
    %get3A_4 = arith.constant 1 : index
    %get3A_5 = arith.constant 0 : index
    %get3A_6 = arith.constant 0 : index
    %get3A_7 = vector.load %arg1[%get3A_4, %get3A_5, %get3A_6] : memref<2x2000x128xf32, #tpu.memory_space<vmem>>, vector<1x2000x1xf32>
    %get3A_8 = vector.shape_cast %get3A_7 : vector<1x2000x1xf32> to vector<2000x1xf32>
    %add3A = arith.addf %get3A_3, %get3A_8 : vector<2000x1xf32>
    %add3A_9 = arith.constant 1.000000e+00 : f32
    %add3A_10 = vector.broadcast %add3A_9 : f32 to vector<2000x1xf32>
    %add3A_11 = arith.addf %add3A, %add3A_10 : vector<2000x1xf32>
    %rsqrt3A = math.rsqrt %add3A_11 : vector<2000x1xf32>
    %get3A_12 = arith.constant 0 : index
    %get3A_13 = arith.constant 0 : index
    %get3A_14 = arith.constant 0 : index
    %get3A_15 = vector.load %arg2[%get3A_12, %get3A_13, %get3A_14] : memref<2x2000x128xf32, #tpu.memory_space<vmem>>, vector<1x2000x128xf32>
    %get3A_16 = vector.shape_cast %get3A_15 : vector<1x2000x128xf32> to vector<2000x128xf32>
    %mul3A = vector.broadcast %rsqrt3A : vector<2000x1xf32> to vector<2000x128xf32>
    %mul3A_17 = arith.mulf %get3A_16, %mul3A : vector<2000x128xf32>
    %swap3A = arith.constant 0 : index
    %swap3A_18 = arith.constant 0 : index
    %swap3A_19 = arith.constant 0 : index
    %swap3A_20 = vector.load %arg3[%swap3A, %swap3A_18, %swap3A_19] : memref<2x2000x128xf32, #tpu.memory_space<vmem>>, vector<1x2000x128xf32>
    %swap3A_21 = vector.shape_cast %swap3A_20 : vector<1x2000x128xf32> to vector<2000x128xf32>
    %swap3A_22 = vector.shape_cast %mul3A_17 : vector<2000x128xf32> to vector<1x2000x128xf32>
    tpu.vector_store %arg3[%swap3A, %swap3A_18, %swap3A_19], %swap3A_22 {strides = array<i32>} : memref<2x2000x128xf32, #tpu.memory_space<vmem>>, vector<1x2000x128xf32>,
    %get3A_23 = arith.constant 1 : index
    %get3A_24 = arith.constant 0 : index
    %get3A_25 = arith.constant 0 : index
    %get3A_26 = vector.load %arg2[%get3A_23, %get3A_24, %get3A_25] : memref<2x2000x128xf32, #tpu.memory_space<vmem>>, vector<1x2000x128xf32>
    %get3A_27 = vector.shape_cast %get3A_26 : vector<1x2000x128xf32> to vector<2000x128xf32>
    %mul3A_28 = vector.broadcast %rsqrt3A : vector<2000x1xf32> to vector<2000x128xf32>
    %mul3A_29 = arith.mulf %get3A_27, %mul3A_28 : vector<2000x128xf32>
    %swap3A_30 = arith.constant 1 : index
    %swap3A_31 = arith.constant 0 : index
    %swap3A_32 = arith.constant 0 : index
    %swap3A_33 = vector.load %arg3[%swap3A_30, %swap3A_31, %swap3A_32] : memref<2x2000x128xf32, #tpu.memory_space<vmem>>, vector<1x2000x128xf32>
    %swap3A_34 = vector.shape_cast %swap3A_33 : vector<1x2000x128xf32> to vector<2000x128xf32>
    %swap3A_35 = vector.shape_cast %mul3A_29 : vector<2000x128xf32> to vector<1x2000x128xf32>
    tpu.vector_store %arg3[%swap3A_30, %swap3A_31, %swap3A_32], %swap3A_35 {strides = array<i32>} : memref<2x2000x128xf32, #tpu.memory_space<vmem>>, vector<1x2000x128xf32>,
    %swap3A_36 = arith.constant 0 : index
    %swap3A_37 = arith.constant 0 : index
    %swap3A_38 = vector.load %arg4[%swap3A_36, %swap3A_37] : memref<2000x1xf32, #tpu.memory_space<vmem>>, vector<2000x1xf32>
    tpu.vector_store %arg4[%swap3A_36, %swap3A_37], %rsqrt3A {strides = array<i32>} : memref<2000x1xf32, #tpu.memory_space<vmem>>, vector<2000x1xf32>,
    return
  }
  func.func @transform_0(%arg0: i32) -> (i32, i32, i32) {
    %c0_i32 = arith.constant 0 : i32
    %c0_i32_0 = arith.constant 0 : i32
    %c0_i32_1 = arith.constant 0 : i32
    return %c0_i32, %arg0, %c0_i32_0 : i32, i32, i32
  }
  func.func @transform_1(%arg0: i32) -> (i32, i32, i32) {
    %c0_i32 = arith.constant 0 : i32
    %c0_i32_0 = arith.constant 0 : i32
    %c0_i32_1 = arith.constant 0 : i32
    return %c0_i32, %arg0, %c0_i32_0 : i32, i32, i32
  }
  func.func @transform_2(%arg0: i32) -> (i32, i32, i32) {
    %c0_i32 = arith.constant 0 : i32
    %c0_i32_0 = arith.constant 0 : i32
    %c0_i32_1 = arith.constant 0 : i32
    return %c0_i32, %arg0, %c0_i32_0 : i32, i32, i32
  }
  func.func @transform_3(%arg0: i32) -> (i32, i32) {
    %c0_i32 = arith.constant 0 : i32
    %c0_i32_0 = arith.constant 0 : i32
    return %arg0, %c0_i32 : i32, i32
  }
}

module attributes {stable_mosaic.version = 14 : i64} {
  func.func @_conv_body(%arg0: i32, %arg1: memref<2x2000x128xf32, #tpu.memory_space<vmem>>, %arg2: memref<2x2000x128xf32, #tpu.memory_space<vmem>>, %arg3: memref<2000x1xf32, #tpu.memory_space<vmem>>, %arg4: memref<1x256xf32, #tpu.memory_space<vmem>>, %arg5: memref<256x128xf32, #tpu.memory_space<vmem>>, %arg6: memref<2000x128xf32, #tpu.memory_space<vmem>>) attributes {dimension_semantics = [#tpu.dimension_semantics<arbitrary>], iteration_bounds = array<i64: 5>, scalar_prefetch = 0 : i64, scratch_operands = 0 : i64, tpu.core_type = #tpu.core_type<tc>, window_params = [{transform_indices = @transform_0, window_bounds = array<i64: 2, 2000, 128>}, {transform_indices = @transform_1, window_bounds = array<i64: 2, 2000, 128>}, {transform_indices = @transform_2, window_bounds = array<i64: 2000, 1>}, {pipeline_mode = #tpu.pipeline_mode<synchronous>, transform_indices = @transform_3, window_bounds = array<i64: 1, 256>}, {pipeline_mode = #tpu.pipeline_mode<synchronous>, transform_indices = @transform_4, window_bounds = array<i64: 256, 128>}, {transform_indices = @transform_5, window_bounds = array<i64: 2000, 128>}]} {
    %get3A = arith.constant 0 : index
    %get3A_0 = arith.constant 0 : index
    %get3A_1 = arith.constant 0 : index
    %get3A_2 = vector.load %arg1[%get3A, %get3A_0, %get3A_1] : memref<2x2000x128xf32, #tpu.memory_space<vmem>>, vector<1x2000x128xf32>
    %get3A_3 = vector.shape_cast %get3A_2 : vector<1x2000x128xf32> to vector<2000x128xf32>
    %get3A_4 = arith.constant 0 : index
    %get3A_5 = arith.constant 0 : index
    %get3A_6 = arith.constant 0 : index
    %get3A_7 = vector.load %arg2[%get3A_4, %get3A_5, %get3A_6] : memref<2x2000x128xf32, #tpu.memory_space<vmem>>, vector<1x2000x128xf32>
    %get3A_8 = vector.shape_cast %get3A_7 : vector<1x2000x128xf32> to vector<2000x128xf32>
    %add3A = arith.addf %get3A_3, %get3A_8 : vector<2000x128xf32>
    %get3A_9 = arith.constant 1 : index
    %get3A_10 = arith.constant 0 : index
    %get3A_11 = arith.constant 0 : index
    %get3A_12 = vector.load %arg1[%get3A_9, %get3A_10, %get3A_11] : memref<2x2000x128xf32, #tpu.memory_space<vmem>>, vector<1x2000x128xf32>
    %get3A_13 = vector.shape_cast %get3A_12 : vector<1x2000x128xf32> to vector<2000x128xf32>
    %get3A_14 = arith.constant 1 : index
    %get3A_15 = arith.constant 0 : index
    %get3A_16 = arith.constant 0 : index
    %get3A_17 = vector.load %arg2[%get3A_14, %get3A_15, %get3A_16] : memref<2x2000x128xf32, #tpu.memory_space<vmem>>, vector<1x2000x128xf32>
    %get3A_18 = vector.shape_cast %get3A_17 : vector<1x2000x128xf32> to vector<2000x128xf32>
    %add3A_19 = arith.addf %get3A_13, %get3A_18 : vector<2000x128xf32>
    %concatenate3A = tpu.concatenate %add3A, %add3A_19 in 1 : vector<2000x128xf32>, vector<2000x128xf32> -> vector<2000x256xf32>
    %get3A_20 = arith.constant 0 : index
    %get3A_21 = arith.constant 0 : index
    %get3A_22 = vector.load %arg3[%get3A_20, %get3A_21] : memref<2000x1xf32, #tpu.memory_space<vmem>>, vector<2000x1xf32>
    %mul3A = vector.broadcast %get3A_22 : vector<2000x1xf32> to vector<2000x256xf32>
    %mul3A_23 = arith.mulf %concatenate3A, %mul3A : vector<2000x256xf32>
    %get3A_24 = arith.constant 0 : index
    %get3A_25 = arith.constant 0 : index
    %get3A_26 = vector.load %arg4[%get3A_24, %get3A_25] : memref<1x256xf32, #tpu.memory_space<vmem>>, vector<1x256xf32>
    %add3A_27 = vector.broadcast %get3A_26 : vector<1x256xf32> to vector<2000x256xf32>
    %add3A_28 = arith.addf %mul3A_23, %add3A_27 : vector<2000x256xf32>
    %max3A = arith.constant 0.000000e+00 : f32
    %max3A_29 = vector.broadcast %max3A : f32 to vector<2000x256xf32>
    %max3A_30 = arith.maximumf %add3A_28, %max3A_29 : vector<2000x256xf32>
    %get3A_31 = arith.constant 0 : index
    %get3A_32 = arith.constant 0 : index
    %get3A_33 = vector.load %arg5[%get3A_31, %get3A_32] : memref<256x128xf32, #tpu.memory_space<vmem>>, vector<256x128xf32>
    %dot_general3A = arith.constant dense<0.000000e+00> : vector<2000x128xf32>
    %dot_general3A_34 = tpu.matmul %max3A_30, %get3A_33, %dot_general3A {dimension_numbers = #tpu.dot_dimension_numbers<[1], [0], [0], [1], [0, 0, 1, 1], [], []>, transpose_lhs_hint = false} : vector<2000x256xf32>, vector<256x128xf32>, vector<2000x128xf32> -> vector<2000x128xf32>
    %get3A_35 = arith.constant 0 : index
    %get3A_36 = arith.constant 0 : index
    %get3A_37 = vector.load %arg3[%get3A_35, %get3A_36] : memref<2000x1xf32, #tpu.memory_space<vmem>>, vector<2000x1xf32>
    %mul3A_38 = vector.broadcast %get3A_37 : vector<2000x1xf32> to vector<2000x128xf32>
    %mul3A_39 = arith.mulf %dot_general3A_34, %mul3A_38 : vector<2000x128xf32>
    %swap3A = arith.constant 0 : index
    %swap3A_40 = arith.constant 0 : index
    %swap3A_41 = vector.load %arg6[%swap3A, %swap3A_40] : memref<2000x128xf32, #tpu.memory_space<vmem>>, vector<2000x128xf32>
    tpu.vector_store %arg6[%swap3A, %swap3A_40], %mul3A_39 {strides = array<i32>} : memref<2000x128xf32, #tpu.memory_space<vmem>>, vector<2000x128xf32>,
    return
  }
  func.func @transform_0(%arg0: i32) -> (i32, i32, i32) {
    %c0_i32 = arith.constant 0 : i32
    %c0_i32_0 = arith.constant 0 : i32
    %c0_i32_1 = arith.constant 0 : i32
    return %c0_i32, %arg0, %c0_i32_0 : i32, i32, i32
  }
  func.func @transform_1(%arg0: i32) -> (i32, i32, i32) {
    %c0_i32 = arith.constant 0 : i32
    %c0_i32_0 = arith.constant 0 : i32
    %c0_i32_1 = arith.constant 0 : i32
    return %c0_i32, %arg0, %c0_i32_0 : i32, i32, i32
  }
  func.func @transform_2(%arg0: i32) -> (i32, i32) {
    %c0_i32 = arith.constant 0 : i32
    %c0_i32_0 = arith.constant 0 : i32
    return %arg0, %c0_i32 : i32, i32
  }
  func.func @transform_3(%arg0: i32) -> (i32, i32) {
    %c0_i32 = arith.constant 0 : i32
    %c0_i32_0 = arith.constant 0 : i32
    %c0_i32_1 = arith.constant 0 : i32
    return %c0_i32, %c0_i32_0 : i32, i32
  }
  func.func @transform_4(%arg0: i32) -> (i32, i32) {
    %c0_i32 = arith.constant 0 : i32
    %c0_i32_0 = arith.constant 0 : i32
    %c0_i32_1 = arith.constant 0 : i32
    return %c0_i32, %c0_i32_0 : i32, i32
  }
  func.func @transform_5(%arg0: i32) -> (i32, i32) {
    %c0_i32 = arith.constant 0 : i32
    %c0_i32_0 = arith.constant 0 : i32
    return %arg0, %c0_i32 : i32, i32
  }
}

module attributes {stable_mosaic.version = 14 : i64} {
  func.func @_lin1pre_body(%arg0: i32, %arg1: memref<256x11xf32, #tpu.memory_space<vmem>>, %arg2: memref<256x2065xf32, #tpu.memory_space<vmem>>, %arg3: memref<11x1024xf32, #tpu.memory_space<vmem>>, %arg4: memref<2065x1024xf32, #tpu.memory_space<vmem>>, %arg5: memref<1x1024xf32, #tpu.memory_space<vmem>>, %arg6: memref<256x1024xf32, #tpu.memory_space<vmem>>) attributes {dimension_semantics = [#tpu.dimension_semantics<arbitrary>], iteration_bounds = array<i64: 4>, scalar_prefetch = 0 : i64, scratch_operands = 0 : i64, tpu.core_type = #tpu.core_type<tc>, window_params = [{pipeline_mode = #tpu.pipeline_mode<synchronous>, transform_indices = @transform_0, window_bounds = array<i64: 256, 11>}, {pipeline_mode = #tpu.pipeline_mode<synchronous>, transform_indices = @transform_1, window_bounds = array<i64: 256, 2065>}, {transform_indices = @transform_2, window_bounds = array<i64: 11, 1024>}, {transform_indices = @transform_3, window_bounds = array<i64: 2065, 1024>}, {transform_indices = @transform_4, window_bounds = array<i64: 1, 1024>}, {transform_indices = @transform_5, window_bounds = array<i64: 256, 1024>}]} {
    %get3A = arith.constant 0 : index
    %get3A_0 = arith.constant 0 : index
    %get3A_1 = vector.load %arg1[%get3A, %get3A_0] : memref<256x11xf32, #tpu.memory_space<vmem>>, vector<256x11xf32>
    %get3A_2 = arith.constant 0 : index
    %get3A_3 = arith.constant 0 : index
    %get3A_4 = vector.load %arg3[%get3A_2, %get3A_3] : memref<11x1024xf32, #tpu.memory_space<vmem>>, vector<11x1024xf32>
    %dot_general3A = arith.constant dense<0.000000e+00> : vector<256x1024xf32>
    %dot_general3A_5 = tpu.matmul %get3A_1, %get3A_4, %dot_general3A {dimension_numbers = #tpu.dot_dimension_numbers<[1], [0], [0], [1], [0, 0, 1, 1], [], []>, transpose_lhs_hint = false} : vector<256x11xf32>, vector<11x1024xf32>, vector<256x1024xf32> -> vector<256x1024xf32>
    %get3A_6 = arith.constant 0 : index
    %get3A_7 = arith.constant 0 : index
    %get3A_8 = vector.load %arg2[%get3A_6, %get3A_7] : memref<256x2065xf32, #tpu.memory_space<vmem>>, vector<256x2065xf32>
    %get3A_9 = arith.constant 0 : index
    %get3A_10 = arith.constant 0 : index
    %get3A_11 = vector.load %arg4[%get3A_9, %get3A_10] : memref<2065x1024xf32, #tpu.memory_space<vmem>>, vector<2065x1024xf32>
    %dot_general3A_12 = arith.constant dense<0.000000e+00> : vector<256x1024xf32>
    %dot_general3A_13 = tpu.matmul %get3A_8, %get3A_11, %dot_general3A_12 {dimension_numbers = #tpu.dot_dimension_numbers<[1], [0], [0], [1], [0, 0, 1, 1], [], []>, transpose_lhs_hint = false} : vector<256x2065xf32>, vector<2065x1024xf32>, vector<256x1024xf32> -> vector<256x1024xf32>
    %add3A = arith.addf %dot_general3A_5, %dot_general3A_13 : vector<256x1024xf32>
    %get3A_14 = arith.constant 0 : index
    %get3A_15 = arith.constant 0 : index
    %get3A_16 = vector.load %arg5[%get3A_14, %get3A_15] : memref<1x1024xf32, #tpu.memory_space<vmem>>, vector<1x1024xf32>
    %add3A_17 = vector.broadcast %get3A_16 : vector<1x1024xf32> to vector<256x1024xf32>
    %add3A_18 = arith.addf %add3A, %add3A_17 : vector<256x1024xf32>
    %swap3A = arith.constant 0 : index
    %swap3A_19 = arith.constant 0 : index
    %swap3A_20 = vector.load %arg6[%swap3A, %swap3A_19] : memref<256x1024xf32, #tpu.memory_space<vmem>>, vector<256x1024xf32>
    tpu.vector_store %arg6[%swap3A, %swap3A_19], %add3A_18 {strides = array<i32>} : memref<256x1024xf32, #tpu.memory_space<vmem>>, vector<256x1024xf32>,
    return
  }
  func.func @transform_0(%arg0: i32) -> (i32, i32) {
    %c0_i32 = arith.constant 0 : i32
    %c0_i32_0 = arith.constant 0 : i32
    %c0_i32_1 = arith.constant 0 : i32
    return %c0_i32, %c0_i32_0 : i32, i32
  }
  func.func @transform_1(%arg0: i32) -> (i32, i32) {
    %c0_i32 = arith.constant 0 : i32
    %c0_i32_0 = arith.constant 0 : i32
    %c0_i32_1 = arith.constant 0 : i32
    return %c0_i32, %c0_i32_0 : i32, i32
  }
  func.func @transform_2(%arg0: i32) -> (i32, i32) {
    %c0_i32 = arith.constant 0 : i32
    %c0_i32_0 = arith.constant 0 : i32
    return %c0_i32, %arg0 : i32, i32
  }
  func.func @transform_3(%arg0: i32) -> (i32, i32) {
    %c0_i32 = arith.constant 0 : i32
    %c0_i32_0 = arith.constant 0 : i32
    return %c0_i32, %arg0 : i32, i32
  }
  func.func @transform_4(%arg0: i32) -> (i32, i32) {
    %c0_i32 = arith.constant 0 : i32
    %c0_i32_0 = arith.constant 0 : i32
    return %c0_i32, %arg0 : i32, i32
  }
  func.func @transform_5(%arg0: i32) -> (i32, i32) {
    %c0_i32 = arith.constant 0 : i32
    %c0_i32_0 = arith.constant 0 : i32
    return %c0_i32, %arg0 : i32, i32
  }
}

module attributes {stable_mosaic.version = 14 : i64} {
  func.func @_pooltail_body(%arg0: i32, %arg1: memref<2x2000x128xf32, #tpu.memory_space<vmem>>, %arg2: memref<2000x128xf32, #tpu.memory_space<vmem>>, %arg3: memref<2000x1xf32, #tpu.memory_space<vmem>>, %arg4: memref<1x128xf32, #tpu.memory_space<vmem>>, %arg5: memref<1x1x2000xi32, #tpu.memory_space<vmem>>, %arg6: memref<256x4096xf32, #tpu.memory_space<vmem>>, %arg7: memref<128x4096xf32, #tpu.memory_space<vmem>>, %arg8: memref<4096x512xf32, #tpu.memory_space<vmem>>, %arg9: memref<1x512xf32, #tpu.memory_space<vmem>>, %arg10: memref<512x128xf32, #tpu.memory_space<vmem>>, %arg11: memref<1x128xf32, #tpu.memory_space<vmem>>, %arg12: memref<128x192xf32, #tpu.memory_space<vmem>>, %arg13: memref<1x192xf32, #tpu.memory_space<vmem>>, %arg14: memref<192x8xf32, #tpu.memory_space<vmem>>, %arg15: memref<1x8xf32, #tpu.memory_space<vmem>>, %arg16: memref<256x8xf32, #tpu.memory_space<vmem>>, %arg17: memref<256x128xf32, #tpu.memory_space<vmem>>) attributes {dimension_semantics = [#tpu.dimension_semantics<arbitrary>], iteration_bounds = array<i64: 6>, scalar_prefetch = 0 : i64, scratch_operands = 1 : i64, tpu.core_type = #tpu.core_type<tc>, window_params = [{transform_indices = @transform_0, window_bounds = array<i64: 2, 2000, 128>}, {transform_indices = @transform_1, window_bounds = array<i64: 2000, 128>}, {transform_indices = @transform_2, window_bounds = array<i64: 2000, 1>}, {pipeline_mode = #tpu.pipeline_mode<synchronous>, transform_indices = @transform_3, window_bounds = array<i64: 1, 128>}, {transform_indices = @transform_4, window_bounds = array<i64: 1, 1, 2000>}, {pipeline_mode = #tpu.pipeline_mode<synchronous>, transform_indices = @transform_5, window_bounds = array<i64: 256, 4096>}, {pipeline_mode = #tpu.pipeline_mode<synchronous>, transform_indices = @transform_6, window_bounds = array<i64: 128, 4096>}, {pipeline_mode = #tpu.pipeline_mode<synchronous>, transform_indices = @transform_7, window_bounds = array<i64: 4096, 512>}, {pipeline_mode = #tpu.pipeline_mode<synchronous>, transform_indices = @transform_8, window_bounds = array<i64: 1, 512>}, {pipeline_mode = #tpu.pipeline_mode<synchronous>, transform_indices = @transform_9, window_bounds = array<i64: 512, 128>}, {pipeline_mode = #tpu.pipeline_mode<synchronous>, transform_indices = @transform_10, window_bounds = array<i64: 1, 128>}, {pipeline_mode = #tpu.pipeline_mode<synchronous>, transform_indices = @transform_11, window_bounds = array<i64: 128, 192>}, {pipeline_mode = #tpu.pipeline_mode<synchronous>, transform_indices = @transform_12, window_bounds = array<i64: 1, 192>}, {pipeline_mode = #tpu.pipeline_mode<synchronous>, transform_indices = @transform_13, window_bounds = array<i64: 192, 8>}, {pipeline_mode = #tpu.pipeline_mode<synchronous>, transform_indices = @transform_14, window_bounds = array<i64: 1, 8>}, {pipeline_mode = #tpu.pipeline_mode<synchronous>, transform_indices = @transform_15, window_bounds = array<i64: 256, 8>}]} {
    %lt3A = arith.constant 5 : i32
    %lt3A_0 = arith.cmpi slt, %arg0, %lt3A : i32
    %convert_element_type3A = arith.extui %lt3A_0 : i1 to i32
    %cond3A = arith.constant 0 : i32
    %cond3A_1 = arith.cmpi ne, %convert_element_type3A, %cond3A : i32
    scf.if %cond3A_1 {
      %get3A = arith.constant 0 : index
      %get3A_6 = arith.constant 0 : index
      %get3A_7 = arith.constant 0 : index
      %get3A_8 = vector.load %arg1[%get3A, %get3A_6, %get3A_7] : memref<2x2000x128xf32, #tpu.memory_space<vmem>>, vector<1x2000x128xf32>
      %get3A_9 = vector.shape_cast %get3A_8 : vector<1x2000x128xf32> to vector<2000x128xf32>
      %get3A_10 = arith.constant 1 : index
      %get3A_11 = arith.constant 0 : index
      %get3A_12 = arith.constant 0 : index
      %get3A_13 = vector.load %arg1[%get3A_10, %get3A_11, %get3A_12] : memref<2x2000x128xf32, #tpu.memory_space<vmem>>, vector<1x2000x128xf32>
      %get3A_14 = vector.shape_cast %get3A_13 : vector<1x2000x128xf32> to vector<2000x128xf32>
      %add3A = arith.addf %get3A_9, %get3A_14 : vector<2000x128xf32>
      %get3A_15 = arith.constant 0 : index
      %get3A_16 = arith.constant 0 : index
      %get3A_17 = vector.load %arg2[%get3A_15, %get3A_16] : memref<2000x128xf32, #tpu.memory_space<vmem>>, vector<2000x128xf32>
      %add3A_18 = arith.addf %add3A, %get3A_17 : vector<2000x128xf32>
      %get3A_19 = arith.constant 0 : index
      %get3A_20 = arith.constant 0 : index
      %get3A_21 = vector.load %arg3[%get3A_19, %get3A_20] : memref<2000x1xf32, #tpu.memory_space<vmem>>, vector<2000x1xf32>
      %mul3A = vector.broadcast %get3A_21 : vector<2000x1xf32> to vector<2000x128xf32>
      %mul3A_22 = arith.mulf %add3A_18, %mul3A : vector<2000x128xf32>
      %get3A_23 = arith.constant 0 : index
      %get3A_24 = arith.constant 0 : index
      %get3A_25 = vector.load %arg4[%get3A_23, %get3A_24] : memref<1x128xf32, #tpu.memory_space<vmem>>, vector<1x128xf32>
      %add3A_26 = vector.broadcast %get3A_25 : vector<1x128xf32> to vector<2000x128xf32>
      %add3A_27 = arith.addf %mul3A_22, %add3A_26 : vector<2000x128xf32>
      %get3A_28 = arith.constant 0 : index
      %get3A_29 = arith.constant 0 : index
      %get3A_30 = arith.constant 0 : index
      %get3A_31 = vector.load %arg5[%get3A_28, %get3A_29, %get3A_30] : memref<1x1x2000xi32, #tpu.memory_space<vmem>>, vector<1x1x2000xi32>
      %get3A_32 = vector.shape_cast %get3A_31 : vector<1x1x2000xi32> to vector<2000xi32>
      %broadcast_in_dim3A = vector.shape_cast %get3A_32 : vector<2000xi32> to vector<1x2000xi32>
      %iota3A = tpu.iota {dimensions = array<i32: 0>} : vector<256x2000xi32>
      %eq3A_33 = vector.broadcast %broadcast_in_dim3A : vector<1x2000xi32> to vector<256x2000xi32>
      %eq3A_34 = arith.cmpi eq, %iota3A, %eq3A_33 : vector<256x2000xi32>
      %convert_element_type3A_35 = arith.extui %eq3A_34 : vector<256x2000xi1> to vector<256x2000xi32>
      %convert_element_type3A_36 = arith.sitofp %convert_element_type3A_35 : vector<256x2000xi32> to vector<256x2000xf32>
      %dot_general3A = arith.constant dense<0.000000e+00> : vector<256x128xf32>
      %dot_general3A_37 = tpu.matmul %convert_element_type3A_36, %add3A_27, %dot_general3A {dimension_numbers = #tpu.dot_dimension_numbers<[1], [0], [0], [1], [0, 0, 1, 1], [], []>, precision = #tpu.contract_precision<fp32>, transpose_lhs_hint = false} : vector<256x2000xf32>, vector<2000x128xf32>, vector<256x128xf32> -> vector<256x128xf32>
      %eq3A_38 = arith.constant 0 : i32
      %eq3A_39 = arith.cmpi eq, %arg0, %eq3A_38 : i32
      %convert_element_type3A_40 = arith.extui %eq3A_39 : i1 to i32
      %cond3A_41 = arith.constant 0 : i32
      %cond3A_42 = arith.cmpi ne, %convert_element_type3A_40, %cond3A_41 : i32
      scf.if %cond3A_42 {
        %swap3A = arith.constant 0 : index
        %swap3A_47 = arith.constant 0 : index
        %swap3A_48 = vector.load %arg17[%swap3A, %swap3A_47] : memref<256x128xf32, #tpu.memory_space<vmem>>, vector<256x128xf32>
        tpu.vector_store %arg17[%swap3A, %swap3A_47], %dot_general3A_37 {strides = array<i32>} : memref<256x128xf32, #tpu.memory_space<vmem>>, vector<256x128xf32>,
      } else {
      }
      %gt3A = arith.constant 0 : i32
      %gt3A_43 = arith.cmpi sgt, %arg0, %gt3A : i32
      %convert_element_type3A_44 = arith.extui %gt3A_43 : i1 to i32
      %cond3A_45 = arith.constant 0 : i32
      %cond3A_46 = arith.cmpi ne, %convert_element_type3A_44, %cond3A_45 : i32
      scf.if %cond3A_46 {
        %get3A_47 = arith.constant 0 : index
        %get3A_48 = arith.constant 0 : index
        %get3A_49 = vector.load %arg17[%get3A_47, %get3A_48] : memref<256x128xf32, #tpu.memory_space<vmem>>, vector<256x128xf32>
        %add3A_50 = arith.addf %get3A_49, %dot_general3A_37 : vector<256x128xf32>
        %swap3A = arith.constant 0 : index
        %swap3A_51 = arith.constant 0 : index
        %swap3A_52 = vector.load %arg17[%swap3A, %swap3A_51] : memref<256x128xf32, #tpu.memory_space<vmem>>, vector<256x128xf32>
        tpu.vector_store %arg17[%swap3A, %swap3A_51], %add3A_50 {strides = array<i32>} : memref<256x128xf32, #tpu.memory_space<vmem>>, vector<256x128xf32>,
      } else {
      }
    } else {
    }
    %eq3A = arith.constant 5 : i32
    %eq3A_2 = arith.cmpi eq, %arg0, %eq3A : i32
    %convert_element_type3A_3 = arith.extui %eq3A_2 : i1 to i32
    %cond3A_4 = arith.constant 0 : i32
    %cond3A_5 = arith.cmpi ne, %convert_element_type3A_3, %cond3A_4 : i32
    scf.if %cond3A_5 {
      %get3A = arith.constant 0 : index
      %get3A_6 = arith.constant 0 : index
      %get3A_7 = vector.load %arg17[%get3A, %get3A_6] : memref<256x128xf32, #tpu.memory_space<vmem>>, vector<256x128xf32>
      %get3A_8 = arith.constant 0 : index
      %get3A_9 = arith.constant 0 : index
      %get3A_10 = vector.load %arg7[%get3A_8, %get3A_9] : memref<128x4096xf32, #tpu.memory_space<vmem>>, vector<128x4096xf32>
      %dot_general3A = arith.constant dense<0.000000e+00> : vector<256x4096xf32>
      %dot_general3A_11 = tpu.matmul %get3A_7, %get3A_10, %dot_general3A {dimension_numbers = #tpu.dot_dimension_numbers<[1], [0], [0], [1], [0, 0, 1, 1], [], []>, transpose_lhs_hint = false} : vector<256x128xf32>, vector<128x4096xf32>, vector<256x4096xf32> -> vector<256x4096xf32>
      %get3A_12 = arith.constant 0 : index
      %get3A_13 = arith.constant 0 : index
      %get3A_14 = vector.load %arg6[%get3A_12, %get3A_13] : memref<256x4096xf32, #tpu.memory_space<vmem>>, vector<256x4096xf32>
      %add3A = arith.addf %dot_general3A_11, %get3A_14 : vector<256x4096xf32>
      %max3A = arith.constant 0.000000e+00 : f32
      %max3A_15 = vector.broadcast %max3A : f32 to vector<256x4096xf32>
      %max3A_16 = arith.maximumf %add3A, %max3A_15 : vector<256x4096xf32>
      %get3A_17 = arith.constant 0 : index
      %get3A_18 = arith.constant 0 : index
      %get3A_19 = vector.load %arg8[%get3A_17, %get3A_18] : memref<4096x512xf32, #tpu.memory_space<vmem>>, vector<4096x512xf32>
      %dot_general3A_20 = arith.constant dense<0.000000e+00> : vector<256x512xf32>
      %dot_general3A_21 = tpu.matmul %max3A_16, %get3A_19, %dot_general3A_20 {dimension_numbers = #tpu.dot_dimension_numbers<[1], [0], [0], [1], [0, 0, 1, 1], [], []>, transpose_lhs_hint = false} : vector<256x4096xf32>, vector<4096x512xf32>, vector<256x512xf32> -> vector<256x512xf32>
      %get3A_22 = arith.constant 0 : index
      %get3A_23 = arith.constant 0 : index
      %get3A_24 = vector.load %arg9[%get3A_22, %get3A_23] : memref<1x512xf32, #tpu.memory_space<vmem>>, vector<1x512xf32>
      %add3A_25 = vector.broadcast %get3A_24 : vector<1x512xf32> to vector<256x512xf32>
      %add3A_26 = arith.addf %dot_general3A_21, %add3A_25 : vector<256x512xf32>
      %max3A_27 = arith.constant 0.000000e+00 : f32
      %max3A_28 = vector.broadcast %max3A_27 : f32 to vector<256x512xf32>
      %max3A_29 = arith.maximumf %add3A_26, %max3A_28 : vector<256x512xf32>
      %get3A_30 = arith.constant 0 : index
      %get3A_31 = arith.constant 0 : index
      %get3A_32 = vector.load %arg10[%get3A_30, %get3A_31] : memref<512x128xf32, #tpu.memory_space<vmem>>, vector<512x128xf32>
      %dot_general3A_33 = arith.constant dense<0.000000e+00> : vector<256x128xf32>
      %dot_general3A_34 = tpu.matmul %max3A_29, %get3A_32, %dot_general3A_33 {dimension_numbers = #tpu.dot_dimension_numbers<[1], [0], [0], [1], [0, 0, 1, 1], [], []>, transpose_lhs_hint = false} : vector<256x512xf32>, vector<512x128xf32>, vector<256x128xf32> -> vector<256x128xf32>
      %get3A_35 = arith.constant 0 : index
      %get3A_36 = arith.constant 0 : index
      %get3A_37 = vector.load %arg11[%get3A_35, %get3A_36] : memref<1x128xf32, #tpu.memory_space<vmem>>, vector<1x128xf32>
      %add3A_38 = vector.broadcast %get3A_37 : vector<1x128xf32> to vector<256x128xf32>
      %add3A_39 = arith.addf %dot_general3A_34, %add3A_38 : vector<256x128xf32>
      %max3A_40 = arith.constant 0.000000e+00 : f32
      %max3A_41 = vector.broadcast %max3A_40 : f32 to vector<256x128xf32>
      %max3A_42 = arith.maximumf %add3A_39, %max3A_41 : vector<256x128xf32>
      %get3A_43 = arith.constant 0 : index
      %get3A_44 = arith.constant 0 : index
      %get3A_45 = vector.load %arg12[%get3A_43, %get3A_44] : memref<128x192xf32, #tpu.memory_space<vmem>>, vector<128x192xf32>
      %dot_general3A_46 = arith.constant dense<0.000000e+00> : vector<256x192xf32>
      %dot_general3A_47 = tpu.matmul %max3A_42, %get3A_45, %dot_general3A_46 {dimension_numbers = #tpu.dot_dimension_numbers<[1], [0], [0], [1], [0, 0, 1, 1], [], []>, transpose_lhs_hint = false} : vector<256x128xf32>, vector<128x192xf32>, vector<256x192xf32> -> vector<256x192xf32>
      %get3A_48 = arith.constant 0 : index
      %get3A_49 = arith.constant 0 : index
      %get3A_50 = vector.load %arg13[%get3A_48, %get3A_49] : memref<1x192xf32, #tpu.memory_space<vmem>>, vector<1x192xf32>
      %add3A_51 = vector.broadcast %get3A_50 : vector<1x192xf32> to vector<256x192xf32>
      %add3A_52 = arith.addf %dot_general3A_47, %add3A_51 : vector<256x192xf32>
      %max3A_53 = arith.constant 0.000000e+00 : f32
      %max3A_54 = vector.broadcast %max3A_53 : f32 to vector<256x192xf32>
      %max3A_55 = arith.maximumf %add3A_52, %max3A_54 : vector<256x192xf32>
      %get3A_56 = arith.constant 0 : index
      %get3A_57 = arith.constant 0 : index
      %get3A_58 = vector.load %arg14[%get3A_56, %get3A_57] : memref<192x8xf32, #tpu.memory_space<vmem>>, vector<192x8xf32>
      %dot_general3A_59 = arith.constant dense<0.000000e+00> : vector<256x8xf32>
      %dot_general3A_60 = tpu.matmul %max3A_55, %get3A_58, %dot_general3A_59 {dimension_numbers = #tpu.dot_dimension_numbers<[1], [0], [0], [1], [0, 0, 1, 1], [], []>, transpose_lhs_hint = false} : vector<256x192xf32>, vector<192x8xf32>, vector<256x8xf32> -> vector<256x8xf32>
      %get3A_61 = arith.constant 0 : index
      %get3A_62 = arith.constant 0 : index
      %get3A_63 = vector.load %arg15[%get3A_61, %get3A_62] : memref<1x8xf32, #tpu.memory_space<vmem>>, vector<1x8xf32>
      %add3A_64 = vector.broadcast %get3A_63 : vector<1x8xf32> to vector<256x8xf32>
      %add3A_65 = arith.addf %dot_general3A_60, %add3A_64 : vector<256x8xf32>
      %swap3A = arith.constant 0 : index
      %swap3A_66 = arith.constant 0 : index
      %swap3A_67 = vector.load %arg16[%swap3A, %swap3A_66] : memref<256x8xf32, #tpu.memory_space<vmem>>, vector<256x8xf32>
      tpu.vector_store %arg16[%swap3A, %swap3A_66], %add3A_65 {strides = array<i32>} : memref<256x8xf32, #tpu.memory_space<vmem>>, vector<256x8xf32>,
    } else {
    }
    return
  }
  func.func @transform_0(%arg0: i32) -> (i32, i32, i32) {
    %min3A = arith.constant 4 : i32
    %min3A_0 = arith.minsi %arg0, %min3A : i32
    %c0_i32 = arith.constant 0 : i32
    %c0_i32_1 = arith.constant 0 : i32
    %c0_i32_2 = arith.constant 0 : i32
    return %c0_i32, %min3A_0, %c0_i32_1 : i32, i32, i32
  }
  func.func @transform_1(%arg0: i32) -> (i32, i32) {
    %min3A = arith.constant 4 : i32
    %min3A_0 = arith.minsi %arg0, %min3A : i32
    %c0_i32 = arith.constant 0 : i32
    %c0_i32_1 = arith.constant 0 : i32
    return %min3A_0, %c0_i32 : i32, i32
  }
  func.func @transform_2(%arg0: i32) -> (i32, i32) {
    %min3A = arith.constant 4 : i32
    %min3A_0 = arith.minsi %arg0, %min3A : i32
    %c0_i32 = arith.constant 0 : i32
    %c0_i32_1 = arith.constant 0 : i32
    return %min3A_0, %c0_i32 : i32, i32
  }
  func.func @transform_3(%arg0: i32) -> (i32, i32) {
    %c0_i32 = arith.constant 0 : i32
    %c0_i32_0 = arith.constant 0 : i32
    %c0_i32_1 = arith.constant 0 : i32
    return %c0_i32, %c0_i32_0 : i32, i32
  }
  func.func @transform_4(%arg0: i32) -> (i32, i32, i32) {
    %min3A = arith.constant 4 : i32
    %min3A_0 = arith.minsi %arg0, %min3A : i32
    %c0_i32 = arith.constant 0 : i32
    %c0_i32_1 = arith.constant 0 : i32
    %c0_i32_2 = arith.constant 0 : i32
    return %min3A_0, %c0_i32, %c0_i32_1 : i32, i32, i32
  }
  func.func @transform_5(%arg0: i32) -> (i32, i32) {
    %c0_i32 = arith.constant 0 : i32
    %c0_i32_0 = arith.constant 0 : i32
    %c0_i32_1 = arith.constant 0 : i32
    return %c0_i32, %c0_i32_0 : i32, i32
  }
  func.func @transform_6(%arg0: i32) -> (i32, i32) {
    %c0_i32 = arith.constant 0 : i32
    %c0_i32_0 = arith.constant 0 : i32
    %c0_i32_1 = arith.constant 0 : i32
    return %c0_i32, %c0_i32_0 : i32, i32
  }
  func.func @transform_7(%arg0: i32) -> (i32, i32) {
    %c0_i32 = arith.constant 0 : i32
    %c0_i32_0 = arith.constant 0 : i32
    %c0_i32_1 = arith.constant 0 : i32
    return %c0_i32, %c0_i32_0 : i32, i32
  }
  func.func @transform_8(%arg0: i32) -> (i32, i32) {
    %c0_i32 = arith.constant 0 : i32
    %c0_i32_0 = arith.constant 0 : i32
    %c0_i32_1 = arith.constant 0 : i32
    return %c0_i32, %c0_i32_0 : i32, i32
  }
  func.func @transform_9(%arg0: i32) -> (i32, i32) {
    %c0_i32 = arith.constant 0 : i32
    %c0_i32_0 = arith.constant 0 : i32
    %c0_i32_1 = arith.constant 0 : i32
    return %c0_i32, %c0_i32_0 : i32, i32
  }
  func.func @transform_10(%arg0: i32) -> (i32, i32) {
    %c0_i32 = arith.constant 0 : i32
    %c0_i32_0 = arith.constant 0 : i32
    %c0_i32_1 = arith.constant 0 : i32
    return %c0_i32, %c0_i32_0 : i32, i32
  }
  func.func @transform_11(%arg0: i32) -> (i32, i32) {
    %c0_i32 = arith.constant 0 : i32
    %c0_i32_0 = arith.constant 0 : i32
    %c0_i32_1 = arith.constant 0 : i32
    return %c0_i32, %c0_i32_0 : i32, i32
  }
  func.func @transform_12(%arg0: i32) -> (i32, i32) {
    %c0_i32 = arith.constant 0 : i32
    %c0_i32_0 = arith.constant 0 : i32
    %c0_i32_1 = arith.constant 0 : i32
    return %c0_i32, %c0_i32_0 : i32, i32
  }
  func.func @transform_13(%arg0: i32) -> (i32, i32) {
    %c0_i32 = arith.constant 0 : i32
    %c0_i32_0 = arith.constant 0 : i32
    %c0_i32_1 = arith.constant 0 : i32
    return %c0_i32, %c0_i32_0 : i32, i32
  }
  func.func @transform_14(%arg0: i32) -> (i32, i32) {
    %c0_i32 = arith.constant 0 : i32
    %c0_i32_0 = arith.constant 0 : i32
    %c0_i32_1 = arith.constant 0 : i32
    return %c0_i32, %c0_i32_0 : i32, i32
  }
  func.func @transform_15(%arg0: i32) -> (i32, i32) {
    %c0_i32 = arith.constant 0 : i32
    %c0_i32_0 = arith.constant 0 : i32
    %c0_i32_1 = arith.constant 0 : i32
    return %c0_i32, %c0_i32_0 : i32, i32
  }
}

</mosaic_0001>

<sc_bundles>
// kernel: kernel.10.cloned.1.call-start
scs
__scs_entry_jumppad:
0x0: {  	(pc) =	sbr.rel $0x88, $3  }
0x1: {  	(tag) =	ssettag $0x0;
	lr =	simm.s32 $0x1  }
0x2: {  	[smem:$0x3F8E] =	sst lr;
	_ =	strace $0xD0000000  }
0x3: {  	_ = 	snop  }
0x4: {  	_ = 	snop  }
0x5: {  	_ = 	snop  }
0x6: {  	_ = 	snop  }
0x7: {  	_ = 	snop  }
__scs_overlays_trampoline_lowered:
0x8: {  	[smem:$0x3F9D] =	sst s0  }
0x9: {  	[smem:$0x3F9E] =	sst s1  }
0xa: {  	[smem:$0x3F9F] =	sst s2  }
0xb: {  	[smem:$0x3FA0] =	sst s3  }
0xc: {  	[smem:$0x3FA1] =	sst s4  }
0xd: {  	[smem:$0x3FA2] =	sst s5  }
0xe: {  	[smem:$0x3FA3] =	sst s6  }
0xf: {  	[smem:$0x3FA4] =	sst s7  }
0x10: {  	[smem:$0x3FA5] =	sst s8  }
0x11: {  	[smem:$0x3FA6] =	sst s9;
	s0 =	simm.s32 @!p0 $0x0  }
0x12: {  	s1 =	sld [smem:$0x3F8C];
	s0 =	simm.s32 @p0 $0x1  }
0x13: {  	[smem:$0x3FA7] =	sst s0;
	s0 =	simm.s32 @!p1 $0x0  }
0x14: {  	s2 =	sld [smem:$0x3F8B];
	s0 =	simm.s32 @p1 $0x1  }
0x15: {  	[smem:$0x3FA8] =	sst s0;
	s0 =	simm.s32 @!p2 $0x0  }
0x16: {  	s3 =	sld [smem:$0x3FDB];
	s0 =	simm.s32 @p2 $0x1  }
0x17: {  	s4 =	simm.s32 $0x1BF5;
	[smem:$0x3FAA] =	sst s0  }
0x18: {  	s0 =	sld [smem:$0x3F8D];
	_ =	swait.ge [sflag:s4], $0x0  }
0x19: {  	s7 =	sld [smem:$0x3F8E]  }
0x1a: {  	s8 =	sadd.s32 $0xFFFFE003, lr  }
0x1b: {  	s9 =	sadd.s32 $0xFFFFFEF7, lr;
	s5 =	simm.s32 $0xFFFFFFFF;
	p2 =	slt.u32 s8, $0xFFFFF086  }
0x1c: {  	p1 =	slt.u32 s9, $0xF7A;
	s5 =	simm.s32 @!p2 $0x0  }
0x1d: {  	s5 =	simm.s32 @p1 $0x1;
	p0 =	seq.s32 s7, s2  }
0x1e: {  	s7 =	smul.u32 @!p0 $0xF7A, s2;
	p2 =	seq.s32 @!p0 s5, $0x0  }
0x1f: {  	s9 =	smul.u32 $0xF7A, s1;
	s8 =	simm.s32 @!p0 $0x1BF5;
	p2 =	por !p2, p0  }
0x20: {  	[sflag:s8] =	ssyncset.s32 @!p0 $0xFFFFF086;
	s6 =	sadd.s32 @!p0 s3, s7;
	s7 =	simm.s32 @!p0 $0x108  }
0x21: {  	s3 =	sadd.s32 s3, s9;
	s6 =	sadd.s32 @!p0 $0x88, s6;
	s7 =	simm.s32 @p2 $0x1082  }
0x22: {  	[simem:s7], [sflag:s8] =	dma.local @!p0 [hbm:s6], $0xF7A  }
0x23: {  	s9 =	sor.u32 $0xD0000000, s2;
	s6 =	simm.s32 $0x108;
	_ =	swait.ge @!p0 [sflag:s8], $0x0  }
0x24: {  	s3 =	sadd.s32 $0x88, s3;
	s6 =	simm.s32 @!p1 $0x1082;
	[sflag:s4] =	ssyncset.s32 $0xFFFFF086  }
0x25: {  	[simem:s6], [sflag:s4] =	dma.local [hbm:s3], $0xF7A  }
0x26: {  	[smem:$0x3F8E] =	sst s1;
	(tag) =	ssettag s2;
	_ =	strace s9  }
0x27: {  	s1 =	sld [smem:$0x3F9E]  }
0x28: {  	s2 =	sld [smem:$0x3F9F]  }
0x29: {  	s4 =	sld [smem:$0x3FA1]  }
0x2a: {  	p0 =	seq.s32 s5, $0x0;
	s5 =	sld [smem:$0x3FA2]  }
0x2b: {  	s6 =	sld [smem:$0x3FA3]  }
0x2c: {  	s7 =	sld [smem:$0x3FA4]  }
0x2d: {  	s3 =	simm.s32 $0x108;
	s8 =	sld [smem:$0x3FA5]  }
0x2e: {  	s3 =	simm.s32 @!p0 $0x1082;
	s9 =	sld [smem:$0x3FA6]  }
0x2f: {  	lr =	sadd.s32 s0, s3;
	s0 =	sld [smem:$0x3F9D]  }
0x30: {  	s3 =	sld [smem:$0x3FA0]  }
0x31: {  	[smem:$0x3FA9] =	sst s10  }
0x32: {  	s10 =	sld [smem:$0x3FA7];
	_ =	sdelay $0x3  }
0x33: {  	p0 =	seq.s32 s10, $0x1;
	s10 =	sld [smem:$0x3FA9];
	_ =	sdelay $0x3  }
0x34: {  	[smem:$0x3FA9] =	sst s10  }
0x35: {  	s10 =	sld [smem:$0x3FA8];
	_ =	sdelay $0x3  }
0x36: {  	p1 =	seq.s32 s10, $0x1;
	s10 =	sld [smem:$0x3FA9];
	_ =	sdelay $0x3  }
0x37: {  	[smem:$0x3FA9] =	sst s10  }
0x38: {  	s10 =	sld [smem:$0x3FAA]  }
0x39: {  	_ = 	snop;
	(pc) =	sbr.ind lr, $3  }
0x3a: {  	_ = 	snop  }
0x3b: {  	_ = 	snop  }
0x3c: {  	p2 =	seq.s32 s10, $0x1;
	s10 =	sld [smem:$0x3FA9]  }
0x3d: {  	_ =	shalt  }
0x3e: {  	_ =	shalt  }
0x3f: {  	_ =	shalt  }
0x40: {  	_ =	shalt  }
0x41: {  	_ =	shalt  }
0x42: {  	_ =	shalt  }
0x43: {  	_ =	shalt  }
0x44: {  	_ =	shalt  }
0x45: {  	_ =	shalt  }
0x46: {  	_ =	shalt  }
0x47: {  	_ =	shalt  }
0x48: {  	_ =	shalt  }
0x49: {  	_ =	shalt  }
0x4a: {  	_ =	shalt  }
0x4b: {  	_ =	shalt  }
0x4c: {  	_ =	shalt  }
0x4d: {  	_ =	shalt  }
0x4e: {  	_ =	shalt  }
0x4f: {  	_ =	shalt  }
0x50: {  	_ =	shalt  }
0x51: {  	_ =	shalt  }
0x52: {  	_ =	shalt  }
0x53: {  	_ =	shalt  }
0x54: {  	_ =	shalt  }
0x55: {  	_ =	shalt  }
0x56: {  	_ =	shalt  }
0x57: {  	_ =	shalt  }
0x58: {  	_ =	shalt  }
0x59: {  	_ =	shalt  }
0x5a: {  	_ =	shalt  }
0x5b: {  	_ =	shalt  }
0x5c: {  	_ =	shalt  }
0x5d: {  	_ =	shalt  }
0x5e: {  	_ =	shalt  }
0x5f: {  	_ =	shalt  }
0x60: {  	_ =	shalt  }
0x61: {  	_ =	shalt  }
0x62: {  	_ =	shalt  }
0x63: {  	_ =	shalt  }
0x64: {  	_ =	shalt  }
0x65: {  	_ =	shalt  }
0x66: {  	_ =	shalt  }
0x67: {  	_ =	shalt  }
0x68: {  	_ =	shalt  }
0x69: {  	_ =	shalt  }
0x6a: {  	_ =	shalt  }
0x6b: {  	_ =	shalt  }
0x6c: {  	_ =	shalt  }
0x6d: {  	_ =	shalt  }
0x6e: {  	_ =	shalt  }
0x6f: {  	_ =	shalt  }
0x70: {  	_ =	shalt  }
0x71: {  	_ =	shalt  }
0x72: {  	_ =	shalt  }
0x73: {  	_ =	shalt  }
0x74: {  	_ =	shalt  }
0x75: {  	_ =	shalt  }
0x76: {  	_ =	shalt  }
0x77: {  	_ =	shalt  }
0x78: {  	_ =	shalt  }
0x79: {  	_ =	shalt  }
0x7a: {  	_ =	shalt  }
0x7b: {  	_ =	shalt  }
0x7c: {  	_ =	shalt  }
0x7d: {  	_ =	shalt  }
0x7e: {  	_ =	shalt  }
0x7f: {  	_ =	shalt  }
0x80: {  	_ =	shalt  }
0x81: {  	_ =	shalt  }
0x82: {  	_ =	shalt  }
0x83: {  	_ =	shalt  }
0x84: {  	_ =	shalt  }
0x85: {  	_ =	shalt  }
0x86: {  	_ =	shalt  }
0x87: {  	_ =	shalt  }
.Lfunc_end0:
.L_simem_size_0:
called_computation_lowered:
.L_overlay_start_0:
0x88: {  	s2 =	sld [smem:$0x3FD9]  }
0x89: {  	s3 =	sld [smem:$0x3FFE];
	_ =	sdelay $0x1  }
0x8a: {  	s1 =	srdreg.scid  }
0x8b: {  	s0 =	sand.u32 $0x1, s1  }
0x8c: {  	s16 =	sshll.u32 s0, $0xA;
	s2 =	sadd.s32 s3, s2  }
0x8d: {  	s2 =	sadd.s32 s2, s16  }
0x8e: {  	[smem:$0x3FB5] =	sst s2  }
0x8f: {  	_ = 	snop  }
0x90: {  	(tm) =	ssettm $0x1  }
0x91: {  	s17 =	sld [smem:$0x3FFB];
	_ =	sdelay $0x3  }
0x92: {  	_ =	strace s17  }
0x93: {  	s2 =	sld [smem:$0x3FFC];
	_ =	sdelay $0x3  }
0x94: {  	_ =	strace s2  }
0x95: {  	s2 =	sld [smem:$0x3FFD];
	_ =	sdelay $0x3  }
0x96: {  	_ =	strace s2  }
0x97: {  	_ =	strace $0x8FFFFFFF  }
0x98: {  	s18 =	sld [smem:$0x3FDB];
	_ =	sdelay $0x1  }
0x99: {  	s19 =	simm.s32 $_scs_section_size  }
0x9a: {  	s4 =	simm.s32 $_size__tile_overlayer_lowered;
	s5 =	simm.s32 $_tile_overlayer_lowered  }
0x9b: {  	s22 =	simm.s32 $0x1BFF;
	s21 =	sshll.u32 s5, $0x1;
	s2 =	sadd.s32 s19, s18  }
0x9c: {  	s6 =	simm.s32 $0x0;
	s20 =	sshll.u32 s4, $0x1;
	s4 =	sadd.s32 s21, s2  }
0x9d: {  	[timem:s6], [sflag:s22] =	dma.local [hbm:s4], s20  }
0x9e: {  	_ =	swait.ge [sflag:s22], s20  }
0x9f: {  	s3 =	ssub.s32 $0x0, s20;
	[sflag:s22] =	ssyncset.done $0x0  }
0xa0: {  	[sflag:s22] =	ssyncadd.s32 s3;
	_ =	sdelay $0x1  }
0xa1: {  	s23 =	simm.s32 $0x1B8B  }
0xa2: {  	_ =	swait.ge [sflag:s23], $0x1  }
0xa3: {  	[sflag:s23] =	ssyncset.done $0x0  }
0xa4: {  	s25 =	simm.s32 $0x1B8E;
	s24 =	sld [smem:$0x3FFE];
	[sflag:s23] =	ssyncadd.s32 $0xFFFFFFFF  }
0xa5: {  	s26 =	simm.s32 $execute0_lowered;
	[smem:$0x3FD2] =	sst s25  }
0xa6: {  	s4 =	sshll.u32 s26, $0x1;
	_ =	strace $0x80000046;
	[dreg:$0x1] =	wrdreg $0xFFFFFFFF  }
0xa7: {  	s28 =	simm.s32 $_size_execute0_lowered;
	s2 =	sadd.s32 s2, s4;
	[dreg:$0x0] =	wrdreg $0x0  }
0xa8: {  	s4 =	sshll.u32 s28, $0x1;
	[dreg:$0x2] =	wrdreg s2  }
0xa9: {  	[dreg:$0x3] =	wrdreg s4  }
0xaa: {  	[dreg:$0x4] =	wrdreg $0xC0  }
0xab: {  	_ =	task [dreg:s6], $0x5FFFF  }
0xac: {  	[dreg:$0x1] =	wrdreg $0xFFFFFFFF  }
0xad: {  	[dreg:$0x0] =	wrdreg $0x60  }
0xae: {  	[dreg:$0x2] =	wrdreg s24  }
0xaf: {  	[dreg:$0x3] =	wrdreg $0x60000  }
0xb0: {  	[dreg:$0x4] =	wrdreg $0x9  }
0xb1: {  	_ =	task.clear_ibuf [dreg:s6], $0x5FFFF;
	_ =	strace $0x90000046  }
0xb2: {  	s29 =	simm.s32 $0x9;
	_ =	strace $0x80000048  }
0xb3: {  	_ =	swait.ge [sflag:s29], $0x1  }
0xb4: {  	[sflag:s29] =	ssyncadd.s32 $0xFFFFFFFF  }
0xb5: {  	_ =	strace $0x90000048  }
0xb6: {  	_ =	sfence  }
0xb7: {  	s30 =	sld [smem:$0x0];
	_ =	sdelay $0x2  }
0xb8: {  	s31 =	sshll.u32 s1, $0xD;
	s1 =	sshrl.u32 s1, $0x2  }
0xb9: {  	s3 =	sand.u32 $0x4000, s31;
	s1 =	sadd.s32 s1, s30  }
0xba: {  	s0 =	sor.u32 s3, s0;
	s1 =	sshll.u32 s1, $0x11  }
0xbb: {  	s0 =	sor.u32 s1, s0  }
0xbc: {  	s0 =	sadd.s32 $0x8F2B, s0  }
0xbd: {  	[sflag:s0] =	ssyncadd.remote.s32 $0x1  }
0xbe: {  	_ =	sfence.sel $0xFFFF  }
0xbf: {  	[dreg:$0x0] =	wrdreg $0xFFFFFFFF;
	(pc) =	sbr.abs _section_cstart, $3  }
0xc0: {  	[dreg:$0x1] =	wrdreg $0xFFFFFFFF  }
0xc1: {  	_ =	task.clear_ibuf [dreg:s6], $0x2FFFF;
	_ =	strace $0x9FFFFFFF  }
0xc2: {  	(tm) =	ssettm $0x7FFFFFFF  }
0xc3: {  	_ =	shalt  }
tec
execute0_lowered:
.L_overlay_start_1:
0x0: {  	(tag) =	ssettag $0x1  }
0x1: {  	s0 =	srdreg.scid  }
0x2: {  	s11 =	stileid.u32;
	s1 =	rddreg [dreg:$0x0]  }
0x3: {  	s2 =	rddreg [dreg:$0x1];
	s3 =	simm.s32 $0x0;
	s5 =	smul.u32 $0xA000, s11  }
0x4: {  	s28 =	simm.s32 $0x3;
	s4 =	sand.u32 $0x1, s0;
	s12 =	smul.u32 $0x2800, s11  }
0x5: {  	s29 =	simm.s32 $0x4;
	s18 =	sor.u32 $0x20, s11;
	s0 =	smul.u32 $0x5000, s4  }
0x6: {  	s30 =	simm.s32 $0x5;
	s9 =	sor.u32 $0x30, s11;
	s19 =	smul.u32 $0xA000, s18  }
0x7: {  	s31 =	simm.s32 $0x580;
	s13 =	sor.u32 $0x40, s11;
	s10 =	smul.u32 $0xA000, s9  }
0x8: {  	[smem:$0x7FF] =	sst s3;
	s14 =	sor.u32 $0x50, s11;
	s20 =	smul.u32 $0xA000, s13  }
0x9: {  	s15 =	sor.u32 $0x60, s11;
	s16 =	sor.u32 $0x70, s11;
	s22 =	smul.u32 $0xA000, s14  }
0xa: {  	s6 =	ssub.s32 $0x2, s4;
	_ =	strace $0x80000047;
	s24 =	smul.u32 $0xA000, s15  }
0xb: {  	s26 =	smul.u32 $0xA000, s16;
	p0 =	sgt.u32 s16, $0x7C;
	s7 =	sshrl.u32 s6, $0x1  }
0xc: {  	s0 =	sadd.s32 s0, s5;
	s6 =	ssub.s32 s6, s7;
	s7 =	sor.u32 $0x10, s11  }
0xd: {  	s5 =	sshrl.u32 s5, $0x2;
	s21 =	sshrl.u32 s10, $0x2;
	s25 =	sshrl.u32 s22, $0x2  }
0xe: {  	s0 =	sshrl.u32 s0, $0x3;
	s6 =	smax.u32 s6, $0x1;
	s17 =	smul.u32 $0xA000, s7  }
0xf: {  	s8 =	sadd.s32 s0, s1;
	s0 =	sadd.s32 $0x18000, s1;
	s1 =	smul.u32 $0x138800, s4  }
0x10: {  	s5 =	sadd.s32 s5, s2;
	[dreg:$0xe] =	wrdreg s6;
	s4 =	smul.u32 $0x2800, s7  }
0x11: {  	s10 =	sadd.s32 s25, s2;
	[dreg:$0xf] =	wrdreg s5;
	s7 =	smul.u32 $0x2800, s18  }
0x12: {  	s5 =	sshrl.u32 s19, $0x2;
	s19 =	smul.u32 $0x2800, s9;
	s6 =	sshrl.u32 s17, $0x2  }
0x13: {  	[dreg:$0x14] =	wrdreg s10;
	s5 =	sadd.s32 s5, s2;
	s6 =	sadd.s32 s6, s2  }
0x14: {  	[dreg:$0x11] =	wrdreg s5;
	s5 =	sadd.s32 s21, s2;
	s17 =	sadd.s32 s1, s12  }
0x15: {  	s4 =	sadd.s32 s1, s4;
	s18 =	sadd.s32 s1, s7;
	s21 =	smul.u32 $0x2800, s13  }
0x16: {  	s22 =	sadd.s32 s1, s19;
	s19 =	simm.s32 $0x180;
	[dreg:$0x10] =	wrdreg s6  }
0x17: {  	s7 =	simm.s32 $0x0;
	s6 =	sshrl.u32 s20, $0x2;
	[dreg:$0x12] =	wrdreg s5  }
0x18: {  	s5 =	sshrl.u32 s24, $0x2;
	s4 =	sshrl.u32 s4, $0x3;
	s24 =	smul.u32 $0x2800, s15  }
0x19: {  	s20 =	sshrl.u32 s18, $0x3;
	s15 =	smul.u32 $0x2800, s16;
	s18 =	simm.s32 $0x100  }
0x1a: {  	[dreg:$0x6] =	wrdreg s19;
	s16 =	simm.s32 $0x900;
	s19 =	simm.s32 $0xA80  }
0x1b: {  	s23 =	sadd.s32 s6, s2;
	s11 =	sadd.s32 s5, s2;
	s6 =	sshrl.u32 s26, $0x2  }
0x1c: {  	s5 =	sshrl.u32 s17, $0x3;
	s4 =	sadd.s32 s0, s4;
	[dreg:$0x5] =	wrdreg s18  }
0x1d: {  	s17 =	simm.s32 $0x80;
	s18 =	simm.s32 $0xA00;
	[dreg:$0x13] =	wrdreg s23  }
0x1e: {  	s12 =	sadd.s32 s6, s2;
	s5 =	sadd.s32 s0, s5;
	[dreg:$0x18] =	wrdreg s4  }
0x1f: {  	s4 =	sadd.s32 s0, s20;
	s23 =	smul.u32 $0x2800, s14;
	[dreg:$0x4] =	wrdreg s17  }
0x20: {  	s9 =	sadd.s32 s1, s24;
	s14 =	sadd.s32 $0x4000, s8;
	[dreg:$0x15] =	wrdreg s11  }
0x21: {  	s20 =	simm.s32 $0x200;
	s24 =	simm.s32 $0x400;
	[dreg:$0x17] =	wrdreg s5  }
0x22: {  	s17 =	simm.s32 $0x980;
	[dreg:$0x19] =	wrdreg s4;
	s4 =	sshrl.u32 s22, $0x3  }
0x23: {  	s5 =	sadd.s32 s1, s21;
	s13 =	sshrl.u32 s9, $0x3;
	[dreg:$0x3] =	wrdreg s14  }
0x24: {  	[dreg:$0x7] =	wrdreg s20;
	s21 =	simm.s32 $0x280;
	s22 =	simm.s32 $0x300  }
0x25: {  	[dreg:$0xb] =	wrdreg s24;
	s24 =	simm.s32 $0x1000;
	s14 =	simm.s32 $0x800  }
0x26: {  	s20 =	simm.s32 $0xB00;
	[dreg:$0x16] =	wrdreg s12;
	s4 =	sadd.s32 s0, s4  }
0x27: {  	s25 =	sshrl.u32 s5, $0x3;
	s26 =	sadd.s32 s1, s23;
	[dreg:$0x8] =	wrdreg s21  }
0x28: {  	s1 =	sadd.s32 s1, s15;
	[dreg:$0x9] =	wrdreg s22;
	s23 =	simm.s32 $0x380  }
0x29: {  	s22 =	simm.s32 $0x6;
	s15 =	simm.s32 $0x880;
	[dreg:$0x1a] =	wrdreg s4  }
0x2a: {  	s5 =	simm.s32 $0xB80;
	s4 =	sadd.s32 s0, s25;
	[dreg:$0xa] =	wrdreg s23  }
0x2b: {  	s6 =	sshrl.u32 s26, $0x3;
	s25 =	simm.s32 $0x480;
	[dreg:$0x1b] =	wrdreg s4  }
0x2c: {  	s1 =	sshrl.u32 s1, $0x3;
	s26 =	simm.s32 $0x500;
	[dreg:$0xc] =	wrdreg s25  }
0x2d: {  	s23 =	simm.s32 $0x50;
	s4 =	sadd.s32 s0, s6;
	[dreg:$0xd] =	wrdreg s26  }
0x2e: {  	s25 =	simm.s32 $0x1;
	s26 =	simm.s32 $0x2;
	s6 =	simm.s32 $0xC00  }
0x2f: {  	[dreg:$0x1c] =	wrdreg s4;
	s4 =	sadd.s32 s0, s13;
	s0 =	sadd.s32 s0, s1  }
0x30: {  	s1 =	simm.s32 $0x600;
	s13 =	simm.s32 $0x780;
	[dreg:$0x1d] =	wrdreg s4  }
0x31: {  	v0 =	vimm.f32 $1.000000000e+00;
	v1 =	vimm.f32 $0.0e+00;
	[dreg:$0x1e] =	wrdreg s0;
	s0 =	simm.s32 $0x680;
	s4 =	simm.s32 $0x700  }
.LBB2_1:
0x32: {  	s8 =	simm.s32 $0x0;
	s9 =	simm.s32 $0x200  }
.LBB2_2:
0x33: {  	p1 =	sne.s32 s9, $0x9E00;
	[tilespmem:s8+$0x1070] =	vst v0  }
0x34: {  	[tilespmem:s8+$0x1000] =	vst v0  }
0x35: {  	[tilespmem:s8+$0x1010] =	vst v0  }
.Ltmp0:
0x36: {  	[tilespmem:s8+$0x1020] =	vst v0;
	(pc) =	sbr.rel @p1 .LBB2_2-.Ltmp0, $4  }
0x37: {  	[tilespmem:s8+$0x1030] =	vst v0  }
0x38: {  	[tilespmem:s8+$0x1040] =	vst v0  }
0x39: {  	[tilespmem:s8+$0x1050] =	vst v0  }
0x3a: {  	[tilespmem:s8+$0x1060] =	vst v0;
	s8 =	sshra.s32 s9, $0x2;
	s9 =	sadd.s32 $0x200, s9  }
0x3b: {  	[tilespmem:s8+$0x1070] =	vst v0  }
0x3c: {  	[tilespmem:s8+$0x1000] =	vst v0  }
0x3d: {  	[tilespmem:s8+$0x1010] =	vst v0  }
0x3e: {  	[tilespmem:s8+$0x1020] =	vst v0  }
0x3f: {  	[tilespmem:s8+$0x1030] =	vst v0  }
0x40: {  	[tilespmem:s8+$0x1040] =	vst v0  }
0x41: {  	[tilespmem:s8+$0x1050] =	vst v0  }
0x42: {  	[tilespmem:s8+$0x1060] =	vst v0;
	s8 =	simm.s32 $0x0;
	s9 =	simm.s32 $0x200  }
.LBB2_4:
0x43: {  	p1 =	sne.s32 s9, $0x9E00;
	[tilespmem:s8+$0x3870] =	vst v1  }
0x44: {  	[tilespmem:s8+$0x3800] =	vst v1  }
0x45: {  	[tilespmem:s8+$0x3810] =	vst v1  }
.Ltmp1:
0x46: {  	[tilespmem:s8+$0x3820] =	vst v1;
	(pc) =	sbr.rel @p1 .LBB2_4-.Ltmp1, $4  }
0x47: {  	[tilespmem:s8+$0x3830] =	vst v1  }
0x48: {  	[tilespmem:s8+$0x3840] =	vst v1  }
0x49: {  	[tilespmem:s8+$0x3850] =	vst v1  }
0x4a: {  	[tilespmem:s8+$0x3860] =	vst v1;
	s8 =	sshra.s32 s9, $0x2;
	s9 =	sadd.s32 $0x200, s9  }
0x4b: {  	[tilespmem:s8+$0x3870] =	vst v1  }
0x4c: {  	[tilespmem:s8+$0x3800] =	vst v1  }
0x4d: {  	[tilespmem:s8+$0x3810] =	vst v1  }
0x4e: {  	[tilespmem:s8+$0x3820] =	vst v1  }
0x4f: {  	[tilespmem:s8+$0x3830] =	vst v1  }
0x50: {  	[tilespmem:s8+$0x3840] =	vst v1  }
0x51: {  	[tilespmem:s8+$0x3850] =	vst v1  }
0x52: {  	[tilespmem:s8+$0x3860] =	vst v1;
	s21 =	rddreg [dreg:$0xf];
	s9 =	simm.s32 $0x3800  }
0x53: {  	[spmem:s21] =	stream.linear.scatter [tilespmem:s9], [sflag:$0x6], $0x2800, $0x38;
	[tilespmem:$0x19880] =	vst v63  }
0x54: {  	_ =	swait.ge [sflag:s22], $0x2800  }
0x55: {  	[sflag:s22] =	ssyncset.done $0x0  }
0x56: {  	s21 =	rddreg [dreg:$0x10];
	[sflag:s22] =	ssyncadd.s32 $0xFFFFD800  }
0x57: {  	[spmem:s21] =	stream.linear.scatter [tilespmem:s9], [sflag:$0x6], $0x2800, $0x38;
	[tilespmem:$0x19880] =	vst v63  }
0x58: {  	_ =	swait.ge [sflag:s22], $0x2800  }
0x59: {  	[sflag:s22] =	ssyncset.done $0x0  }
0x5a: {  	s21 =	rddreg [dreg:$0x11];
	[sflag:s22] =	ssyncadd.s32 $0xFFFFD800  }
0x5b: {  	[spmem:s21] =	stream.linear.scatter [tilespmem:s9], [sflag:$0x6], $0x2800, $0x38;
	[tilespmem:$0x19880] =	vst v63  }
0x5c: {  	_ =	swait.ge [sflag:s22], $0x2800  }
0x5d: {  	[sflag:s22] =	ssyncset.done $0x0  }
0x5e: {  	s21 =	rddreg [dreg:$0x12];
	[sflag:s22] =	ssyncadd.s32 $0xFFFFD800  }
0x5f: {  	[spmem:s21] =	stream.linear.scatter [tilespmem:s9], [sflag:$0x6], $0x2800, $0x38;
	[tilespmem:$0x19880] =	vst v63  }
0x60: {  	_ =	swait.ge [sflag:s22], $0x2800  }
0x61: {  	[sflag:s22] =	ssyncset.done $0x0  }
0x62: {  	s21 =	rddreg [dreg:$0x13];
	[sflag:s22] =	ssyncadd.s32 $0xFFFFD800  }
0x63: {  	[spmem:s21] =	stream.linear.scatter [tilespmem:s9], [sflag:$0x6], $0x2800, $0x38;
	[tilespmem:$0x19880] =	vst v63  }
0x64: {  	_ =	swait.ge [sflag:s22], $0x2800  }
0x65: {  	[sflag:s22] =	ssyncset.done $0x0  }
0x66: {  	[sflag:s22] =	ssyncadd.s32 $0xFFFFD800  }
0x67: {  	[spmem:s10] =	stream.linear.scatter [tilespmem:s9], [sflag:$0x6], $0x2800, $0x38;
	[tilespmem:$0x19880] =	vst v63  }
0x68: {  	_ =	swait.ge [sflag:s22], $0x2800  }
0x69: {  	[sflag:s22] =	ssyncset.done $0x0  }
0x6a: {  	[sflag:s22] =	ssyncadd.s32 $0xFFFFD800  }
0x6b: {  	[spmem:s11] =	stream.linear.scatter [tilespmem:s9], [sflag:$0x6], $0x2800, $0x38;
	[tilespmem:$0x19880] =	vst v63  }
0x6c: {  	_ =	swait.ge [sflag:s22], $0x2800  }
0x6d: {  	[sflag:s22] =	ssyncset.done $0x0  }
0x6e: {  	s8 =	simm.s32 @!p0 $0x3800;
	[sflag:s22] =	ssyncadd.s32 $0xFFFFD800  }
0x6f: {  	[spmem:s12] =	stream.linear.scatter @!p0 [tilespmem:s8], [sflag:$0x6], $0x2800, $0x38;
	[tilespmem:$0x19880] =	vst v63  }
0x70: {  	s8 =	simm.s32 @!p0 $0x6  }
0x71: {  	_ =	swait.ge @!p0 [sflag:s8], $0x2800  }
0x72: {  	[sflag:s8] =	ssyncset.done @!p0 $0x0  }
0x73: {  	p1 =	por $0x1, $0x1;
	[sflag:s8] =	ssyncadd.s32 @!p0 $0xFFFFD800  }
0x74: {  	s8 =	simm.s32 @!p1 $0x1;
	[bflag:$0x0] =	sbarrier.arrive $0xFFFF  }
0x75: {  	_ =	swait.ge @!p1 [sflag:s8], $0x2800  }
0x76: {  	[sflag:s8] =	ssyncset.done @!p1 $0x0  }
0x77: {  	[sflag:s8] =	ssyncadd.s32 @!p1 $0xFFFFD800;
	s8 =	simm.s32 @!p1 $0x2  }
0x78: {  	_ =	swait.ge @!p1 [sflag:s8], $0x2800  }
0x79: {  	[sflag:s8] =	ssyncset.done @!p1 $0x0  }
0x7a: {  	[sflag:s8] =	ssyncadd.s32 @!p1 $0xFFFFD800;
	s8 =	simm.s32 @!p1 $0x3  }
0x7b: {  	_ =	swait.ge @!p1 [sflag:s8], $0x2800  }
0x7c: {  	[sflag:s8] =	ssyncset.done @!p1 $0x0  }
0x7d: {  	[sflag:s8] =	ssyncadd.s32 @!p1 $0xFFFFD800;
	s8 =	simm.s32 @!p1 $0x4  }
0x7e: {  	_ =	swait.ge @!p1 [sflag:s8], $0x2800  }
0x7f: {  	[sflag:s8] =	ssyncset.done @!p1 $0x0  }
0x80: {  	[sflag:s8] =	ssyncadd.s32 @!p1 $0xFFFFD800;
	s8 =	simm.s32 @!p1 $0x5  }
0x81: {  	_ =	swait.ge @!p1 [sflag:s8], $0x2800  }
0x82: {  	s12 =	rddreg [dreg:$0x3];
	[sflag:s8] =	ssyncset.done @!p1 $0x0  }
0x83: {  	[sflag:s8] =	ssyncadd.s32 @!p1 $0xFFFFD800;
	s21 =	sadd.s32 $0x0, s12  }
0x84: {  	[tilespmem:s3], [sflag:$0x6] =	stream.linear.gather [hbm4b:s21+s3], $0xC80, $0x38;
	[tilespmem:$0x19880] =	vst v63  }
0x85: {  	_ =	swait.ge [sflag:s22], $0xC80  }
0x86: {  	[sflag:s22] =	ssyncset.done $0x0  }
0x87: {  	[sflag:s22] =	ssyncadd.s32 $0xFFFFF380  }
0x88: {  	[spmem:s2] =	stream.indirect.scatter.add.f32 [tilespmem:s24], [sflag:$0x1], $0x80, s3, s23, $0xb8;
	[tilespmem:$0x19880] =	vst v63  }
0x89: {  	s9 =	rddreg [dreg:$0x4]  }
0x8a: {  	[spmem:s2] =	stream.indirect.scatter.add.f32 [tilespmem:s24], [sflag:$0x2], $0x80, s9, s23, $0xb8;
	[tilespmem:$0x19880] =	vst v63  }
0x8b: {  	s10 =	rddreg [dreg:$0x5]  }
0x8c: {  	[spmem:s2] =	stream.indirect.scatter.add.f32 [tilespmem:s24], [sflag:$0x3], $0x80, s10, s23, $0xb8;
	[tilespmem:$0x19880] =	vst v63  }
0x8d: {  	s11 =	rddreg [dreg:$0x6]  }
0x8e: {  	[spmem:s2] =	stream.indirect.scatter.add.f32 [tilespmem:s24], [sflag:$0x4], $0x80, s11, s23, $0xb8;
	[tilespmem:$0x19880] =	vst v63  }
0x8f: {  	s12 =	rddreg [dreg:$0x7]  }
0x90: {  	[spmem:s2] =	stream.indirect.scatter.add.f32 [tilespmem:s24], [sflag:$0x5], $0x80, s12, s23, $0xb8;
	[tilespmem:$0x19880] =	vst v63  }
0x91: {  	_ =	swait.ge [sflag:s25], $0x2800  }
0x92: {  	[sflag:s25] =	ssyncset.done $0x0  }
0x93: {  	s21 =	rddreg [dreg:$0x8];
	[sflag:s25] =	ssyncadd.s32 $0xFFFFD800  }
0x94: {  	[spmem:s2] =	stream.indirect.scatter.add.f32 [tilespmem:s24], [sflag:$0x1], $0x80, s21, s23, $0xb8;
	[tilespmem:$0x19880] =	vst v63  }
0x95: {  	_ =	swait.ge [sflag:s26], $0x2800  }
0x96: {  	[sflag:s26] =	ssyncset.done $0x0  }
0x97: {  	s9 =	rddreg [dreg:$0x9];
	[sflag:s26] =	ssyncadd.s32 $0xFFFFD800  }
0x98: {  	[spmem:s2] =	stream.indirect.scatter.add.f32 [tilespmem:s24], [sflag:$0x2], $0x80, s9, s23, $0xb8;
	[tilespmem:$0x19880] =	vst v63  }
0x99: {  	_ =	swait.ge [sflag:s28], $0x2800  }
0x9a: {  	[sflag:s28] =	ssyncset.done $0x0  }
0x9b: {  	s10 =	rddreg [dreg:$0xa];
	[sflag:s28] =	ssyncadd.s32 $0xFFFFD800  }
0x9c: {  	[spmem:s2] =	stream.indirect.scatter.add.f32 [tilespmem:s24], [sflag:$0x3], $0x80, s10, s23, $0xb8;
	[tilespmem:$0x19880] =	vst v63  }
0x9d: {  	_ =	swait.ge [sflag:s29], $0x2800  }
0x9e: {  	[sflag:s29] =	ssyncset.done $0x0  }
0x9f: {  	s11 =	rddreg [dreg:$0xb];
	[sflag:s29] =	ssyncadd.s32 $0xFFFFD800  }
0xa0: {  	[spmem:s2] =	stream.indirect.scatter.add.f32 [tilespmem:s24], [sflag:$0x4], $0x80, s11, s23, $0xb8;
	[tilespmem:$0x19880] =	vst v63  }
0xa1: {  	_ =	swait.ge [sflag:s30], $0x2800  }
0xa2: {  	[sflag:s30] =	ssyncset.done $0x0  }
0xa3: {  	s12 =	rddreg [dreg:$0xc];
	[sflag:s30] =	ssyncadd.s32 $0xFFFFD800  }
0xa4: {  	[spmem:s2] =	stream.indirect.scatter.add.f32 [tilespmem:s24], [sflag:$0x5], $0x80, s12, s23, $0xb8;
	[tilespmem:$0x19880] =	vst v63  }
0xa5: {  	_ =	swait.ge [sflag:s25], $0x2800  }
0xa6: {  	[sflag:s25] =	ssyncset.done $0x0  }
0xa7: {  	s21 =	rddreg [dreg:$0xd];
	[sflag:s25] =	ssyncadd.s32 $0xFFFFD800  }
0xa8: {  	[spmem:s2] =	stream.indirect.scatter.add.f32 [tilespmem:s24], [sflag:$0x1], $0x80, s21, s23, $0xb8;
	[tilespmem:$0x19880] =	vst v63  }
0xa9: {  	_ =	swait.ge [sflag:s26], $0x2800  }
0xaa: {  	[sflag:s26] =	ssyncset.done $0x0  }
0xab: {  	[sflag:s26] =	ssyncadd.s32 $0xFFFFD800  }
0xac: {  	[spmem:s2] =	stream.indirect.scatter.add.f32 [tilespmem:s24], [sflag:$0x2], $0x80, s31, s23, $0xb8;
	[tilespmem:$0x19880] =	vst v63  }
0xad: {  	_ =	swait.ge [sflag:s28], $0x2800  }
0xae: {  	[sflag:s28] =	ssyncset.done $0x0  }
0xaf: {  	[sflag:s28] =	ssyncadd.s32 $0xFFFFD800  }
0xb0: {  	[spmem:s2] =	stream.indirect.scatter.add.f32 [tilespmem:s24], [sflag:$0x3], $0x80, s1, s23, $0xb8;
	[tilespmem:$0x19880] =	vst v63  }
0xb1: {  	_ =	swait.ge [sflag:s29], $0x2800  }
0xb2: {  	[sflag:s29] =	ssyncset.done $0x0  }
0xb3: {  	[sflag:s29] =	ssyncadd.s32 $0xFFFFD800  }
0xb4: {  	[spmem:s2] =	stream.indirect.scatter.add.f32 [tilespmem:s24], [sflag:$0x4], $0x80, s0, s23, $0xb8;
	[tilespmem:$0x19880] =	vst v63  }
0xb5: {  	_ =	swait.ge [sflag:s30], $0x2800  }
0xb6: {  	[sflag:s30] =	ssyncset.done $0x0  }
0xb7: {  	[sflag:s30] =	ssyncadd.s32 $0xFFFFD800  }
0xb8: {  	[spmem:s2] =	stream.indirect.scatter.add.f32 [tilespmem:s24], [sflag:$0x5], $0x80, s4, s23, $0xb8;
	[tilespmem:$0x19880] =	vst v63  }
0xb9: {  	_ =	swait.ge [sflag:s25], $0x2800  }
0xba: {  	[sflag:s25] =	ssyncset.done $0x0  }
0xbb: {  	[sflag:s25] =	ssyncadd.s32 $0xFFFFD800  }
0xbc: {  	[spmem:s2] =	stream.indirect.scatter.add.f32 [tilespmem:s24], [sflag:$0x1], $0x80, s13, s23, $0xb8;
	[tilespmem:$0x19880] =	vst v63  }
0xbd: {  	_ =	swait.ge [sflag:s26], $0x2800  }
0xbe: {  	[sflag:s26] =	ssyncset.done $0x0  }
0xbf: {  	[sflag:s26] =	ssyncadd.s32 $0xFFFFD800  }
0xc0: {  	[spmem:s2] =	stream.indirect.scatter.add.f32 [tilespmem:s24], [sflag:$0x2], $0x80, s14, s23, $0xb8;
	[tilespmem:$0x19880] =	vst v63  }
0xc1: {  	_ =	swait.ge [sflag:s28], $0x2800  }
0xc2: {  	[sflag:s28] =	ssyncset.done $0x0  }
0xc3: {  	[sflag:s28] =	ssyncadd.s32 $0xFFFFD800  }
0xc4: {  	[spmem:s2] =	stream.indirect.scatter.add.f32 [tilespmem:s24], [sflag:$0x3], $0x80, s15, s23, $0xb8;
	[tilespmem:$0x19880] =	vst v63  }
0xc5: {  	_ =	swait.ge [sflag:s29], $0x2800  }
0xc6: {  	[sflag:s29] =	ssyncset.done $0x0  }
0xc7: {  	[sflag:s29] =	ssyncadd.s32 $0xFFFFD800  }
0xc8: {  	[spmem:s2] =	stream.indirect.scatter.add.f32 [tilespmem:s24], [sflag:$0x4], $0x80, s16, s23, $0xb8;
	[tilespmem:$0x19880] =	vst v63  }
0xc9: {  	_ =	swait.ge [sflag:s30], $0x2800  }
0xca: {  	[sflag:s30] =	ssyncset.done $0x0  }
0xcb: {  	[sflag:s30] =	ssyncadd.s32 $0xFFFFD800  }
0xcc: {  	[spmem:s2] =	stream.indirect.scatter.add.f32 [tilespmem:s24], [sflag:$0x5], $0x80, s17, s23, $0xb8;
	[tilespmem:$0x19880] =	vst v63  }
0xcd: {  	_ =	swait.ge [sflag:s25], $0x2800  }
0xce: {  	[sflag:s25] =	ssyncset.done $0x0  }
0xcf: {  	[sflag:s25] =	ssyncadd.s32 $0xFFFFD800  }
0xd0: {  	[spmem:s2] =	stream.indirect.scatter.add.f32 [tilespmem:s24], [sflag:$0x1], $0x80, s18, s23, $0xb8;
	[tilespmem:$0x19880] =	vst v63  }
0xd1: {  	_ =	swait.ge [sflag:s26], $0x2800  }
0xd2: {  	[sflag:s26] =	ssyncset.done $0x0  }
0xd3: {  	[sflag:s26] =	ssyncadd.s32 $0xFFFFD800  }
0xd4: {  	[spmem:s2] =	stream.indirect.scatter.add.f32 [tilespmem:s24], [sflag:$0x2], $0x80, s19, s23, $0xb8;
	[tilespmem:$0x19880] =	vst v63  }
0xd5: {  	_ =	swait.ge [sflag:s28], $0x2800  }
0xd6: {  	[sflag:s28] =	ssyncset.done $0x0  }
0xd7: {  	[sflag:s28] =	ssyncadd.s32 $0xFFFFD800  }
0xd8: {  	[spmem:s2] =	stream.indirect.scatter.add.f32 [tilespmem:s24], [sflag:$0x3], $0x80, s20, s23, $0xb8;
	[tilespmem:$0x19880] =	vst v63  }
0xd9: {  	_ =	swait.ge [sflag:s29], $0x2800  }
0xda: {  	[sflag:s29] =	ssyncset.done $0x0  }
0xdb: {  	[sflag:s29] =	ssyncadd.s32 $0xFFFFD800  }
0xdc: {  	[spmem:s2] =	stream.indirect.scatter.add.f32 [tilespmem:s24], [sflag:$0x4], $0x80, s5, s23, $0xb8;
	[tilespmem:$0x19880] =	vst v63  }
0xdd: {  	p2 =	por $0x0, $0x0;
	_ =	swait.ge [sflag:s30], $0x2800  }
0xde: {  	s8 =	simm.s32 $0x200;
	s9 =	simm.s32 $0x400;
	[sflag:s30] =	ssyncset.done $0x0  }
.LBB2_6:
0xdf: {  	s10 =	simm.s32 @!p2 $0x1;
	[sflag:s30] =	ssyncadd.s32 $0xFFFFD800  }
0xe0: {  	[spmem:s2] =	stream.indirect.scatter.add.f32 [tilespmem:s24], [sflag:$0x5], $0x80, s6, s23, $0xb8;
	[tilespmem:$0x19880] =	vst v63  }
0xe1: {  	_ =	swait.ge @!p2 [sflag:s10], $0x2800  }
0xe2: {  	[sflag:s10] =	ssyncset.done @!p2 $0x0  }
0xe3: {  	[sflag:s10] =	ssyncadd.s32 @!p2 $0xFFFFD800;
	s10 =	simm.s32 @!p2 $0x2  }
0xe4: {  	_ =	swait.ge @!p2 [sflag:s10], $0x2800  }
0xe5: {  	[sflag:s10] =	ssyncset.done @!p2 $0x0  }
0xe6: {  	[sflag:s10] =	ssyncadd.s32 @!p2 $0xFFFFD800;
	s10 =	simm.s32 @!p2 $0x3  }
0xe7: {  	_ =	swait.ge @!p2 [sflag:s10], $0x2800  }
0xe8: {  	[sflag:s10] =	ssyncset.done @!p2 $0x0  }
0xe9: {  	[sflag:s10] =	ssyncadd.s32 @!p2 $0xFFFFD800;
	s10 =	simm.s32 @!p2 $0x4  }
0xea: {  	_ =	swait.ge @!p2 [sflag:s10], $0x2800  }
0xeb: {  	[sflag:s10] =	ssyncset.done @!p2 $0x0  }
0xec: {  	[sflag:s10] =	ssyncadd.s32 @!p2 $0xFFFFD800;
	s10 =	simm.s32 @!p2 $0x5  }
0xed: {  	_ =	swait.ge @!p2 [sflag:s10], $0x2800  }
0xee: {  	[sflag:s10] =	ssyncset.done @!p2 $0x0;
	s12 =	rddreg [dreg:$0x3]  }
0xef: {  	[sflag:s10] =	ssyncadd.s32 @!p2 $0xFFFFD800;
	s21 =	sadd.s32 s8, s12  }
0xf0: {  	[tilespmem:s3], [sflag:$0x6] =	stream.linear.gather [hbm4b:s21+s3], $0xC80, $0x38;
	[tilespmem:$0x19880] =	vst v63  }
0xf1: {  	_ =	swait.ge [sflag:s22], $0xC80  }
0xf2: {  	[sflag:s22] =	ssyncset.done $0x0  }
0xf3: {  	[sflag:s22] =	ssyncadd.s32 $0xFFFFF380  }
0xf4: {  	[spmem:s2] =	stream.indirect.scatter.add.f32 [tilespmem:s24], [sflag:$0x1], $0x80, s3, s23, $0xb8;
	[tilespmem:$0x19880] =	vst v63  }
0xf5: {  	s12 =	rddreg [dreg:$0x4]  }
0xf6: {  	[spmem:s2] =	stream.indirect.scatter.add.f32 [tilespmem:s24], [sflag:$0x2], $0x80, s12, s23, $0xb8;
	[tilespmem:$0x19880] =	vst v63  }
0xf7: {  	s21 =	rddreg [dreg:$0x5]  }
0xf8: {  	[spmem:s2] =	stream.indirect.scatter.add.f32 [tilespmem:s24], [sflag:$0x3], $0x80, s21, s23, $0xb8;
	[tilespmem:$0x19880] =	vst v63  }
0xf9: {  	s12 =	rddreg [dreg:$0x6]  }
0xfa: {  	[spmem:s2] =	stream.indirect.scatter.add.f32 [tilespmem:s24], [sflag:$0x4], $0x80, s12, s23, $0xb8;
	[tilespmem:$0x19880] =	vst v63  }
0xfb: {  	s21 =	rddreg [dreg:$0x7]  }
0xfc: {  	[spmem:s2] =	stream.indirect.scatter.add.f32 [tilespmem:s24], [sflag:$0x5], $0x80, s21, s23, $0xb8;
	[tilespmem:$0x19880] =	vst v63  }
0xfd: {  	_ =	swait.ge [sflag:s25], $0x2800  }
0xfe: {  	s11 =	smov.u32 s9;
	[sflag:s25] =	ssyncset.done $0x0  }
0xff: {  	s8 =	smov.u32 s11;
	s11 =	rddreg [dreg:$0x8];
	[sflag:s25] =	ssyncadd.s32 $0xFFFFD800  }
0x100: {  	[spmem:s2] =	stream.indirect.scatter.add.f32 [tilespmem:s24], [sflag:$0x1], $0x80, s11, s23, $0xb8;
	[tilespmem:$0x19880] =	vst v63  }
0x101: {  	_ =	swait.ge [sflag:s26], $0x2800  }
0x102: {  	[sflag:s26] =	ssyncset.done $0x0  }
0x103: {  	s12 =	rddreg [dreg:$0x9];
	[sflag:s26] =	ssyncadd.s32 $0xFFFFD800  }
0x104: {  	[spmem:s2] =	stream.indirect.scatter.add.f32 [tilespmem:s24], [sflag:$0x2], $0x80, s12, s23, $0xb8;
	[tilespmem:$0x19880] =	vst v63  }
0x105: {  	_ =	swait.ge [sflag:s28], $0x2800  }
0x106: {  	[sflag:s28] =	ssyncset.done $0x0  }
0x107: {  	s21 =	rddreg [dreg:$0xa];
	[sflag:s28] =	ssyncadd.s32 $0xFFFFD800  }
0x108: {  	[spmem:s2] =	stream.indirect.scatter.add.f32 [tilespmem:s24], [sflag:$0x3], $0x80, s21, s23, $0xb8;
	[tilespmem:$0x19880] =	vst v63  }
0x109: {  	_ =	swait.ge [sflag:s29], $0x2800  }
0x10a: {  	[sflag:s29] =	ssyncset.done $0x0  }
0x10b: {  	s11 =	rddreg [dreg:$0xb];
	[sflag:s29] =	ssyncadd.s32 $0xFFFFD800  }
0x10c: {  	[spmem:s2] =	stream.indirect.scatter.add.f32 [tilespmem:s24], [sflag:$0x4], $0x80, s11, s23, $0xb8;
	[tilespmem:$0x19880] =	vst v63  }
0x10d: {  	_ =	swait.ge [sflag:s30], $0x2800  }
0x10e: {  	[sflag:s30] =	ssyncset.done $0x0  }
0x10f: {  	s12 =	rddreg [dreg:$0xc];
	[sflag:s30] =	ssyncadd.s32 $0xFFFFD800  }
0x110: {  	[spmem:s2] =	stream.indirect.scatter.add.f32 [tilespmem:s24], [sflag:$0x5], $0x80, s12, s23, $0xb8;
	[tilespmem:$0x19880] =	vst v63  }
0x111: {  	_ =	swait.ge [sflag:s25], $0x2800  }
0x112: {  	[sflag:s25] =	ssyncset.done $0x0  }
0x113: {  	s21 =	rddreg [dreg:$0xd];
	[sflag:s25] =	ssyncadd.s32 $0xFFFFD800  }
0x114: {  	[spmem:s2] =	stream.indirect.scatter.add.f32 [tilespmem:s24], [sflag:$0x1], $0x80, s21, s23, $0xb8;
	[tilespmem:$0x19880] =	vst v63  }
0x115: {  	_ =	swait.ge [sflag:s26], $0x2800  }
0x116: {  	[sflag:s26] =	ssyncset.done $0x0  }
0x117: {  	[sflag:s26] =	ssyncadd.s32 $0xFFFFD800  }
0x118: {  	[spmem:s2] =	stream.indirect.scatter.add.f32 [tilespmem:s24], [sflag:$0x2], $0x80, s31, s23, $0xb8;
	[tilespmem:$0x19880] =	vst v63  }
0x119: {  	_ =	swait.ge [sflag:s28], $0x2800  }
0x11a: {  	[sflag:s28] =	ssyncset.done $0x0  }
0x11b: {  	[sflag:s28] =	ssyncadd.s32 $0xFFFFD800  }
0x11c: {  	[spmem:s2] =	stream.indirect.scatter.add.f32 [tilespmem:s24], [sflag:$0x3], $0x80, s1, s23, $0xb8;
	[tilespmem:$0x19880] =	vst v63  }
0x11d: {  	_ =	swait.ge [sflag:s29], $0x2800  }
0x11e: {  	[sflag:s29] =	ssyncset.done $0x0  }
0x11f: {  	[sflag:s29] =	ssyncadd.s32 $0xFFFFD800  }
0x120: {  	[spmem:s2] =	stream.indirect.scatter.add.f32 [tilespmem:s24], [sflag:$0x4], $0x80, s0, s23, $0xb8;
	[tilespmem:$0x19880] =	vst v63  }
0x121: {  	_ =	swait.ge [sflag:s30], $0x2800  }
0x122: {  	[sflag:s30] =	ssyncset.done $0x0  }
0x123: {  	[sflag:s30] =	ssyncadd.s32 $0xFFFFD800  }
0x124: {  	[spmem:s2] =	stream.indirect.scatter.add.f32 [tilespmem:s24], [sflag:$0x5], $0x80, s4, s23, $0xb8;
	[tilespmem:$0x19880] =	vst v63  }
0x125: {  	_ =	swait.ge [sflag:s25], $0x2800  }
0x126: {  	[sflag:s25] =	ssyncset.done $0x0  }
0x127: {  	[sflag:s25] =	ssyncadd.s32 $0xFFFFD800  }
0x128: {  	[spmem:s2] =	stream.indirect.scatter.add.f32 [tilespmem:s24], [sflag:$0x1], $0x80, s13, s23, $0xb8;
	[tilespmem:$0x19880] =	vst v63  }
0x129: {  	_ =	swait.ge [sflag:s26], $0x2800  }
0x12a: {  	[sflag:s26] =	ssyncset.done $0x0  }
0x12b: {  	[sflag:s26] =	ssyncadd.s32 $0xFFFFD800  }
0x12c: {  	[spmem:s2] =	stream.indirect.scatter.add.f32 [tilespmem:s24], [sflag:$0x2], $0x80, s14, s23, $0xb8;
	[tilespmem:$0x19880] =	vst v63  }
0x12d: {  	_ =	swait.ge [sflag:s28], $0x2800  }
0x12e: {  	[sflag:s28] =	ssyncset.done $0x0  }
0x12f: {  	[sflag:s28] =	ssyncadd.s32 $0xFFFFD800  }
0x130: {  	[spmem:s2] =	stream.indirect.scatter.add.f32 [tilespmem:s24], [sflag:$0x3], $0x80, s15, s23, $0xb8;
	[tilespmem:$0x19880] =	vst v63  }
0x131: {  	_ =	swait.ge [sflag:s29], $0x2800  }
0x132: {  	[sflag:s29] =	ssyncset.done $0x0  }
0x133: {  	[sflag:s29] =	ssyncadd.s32 $0xFFFFD800  }
0x134: {  	[spmem:s2] =	stream.indirect.scatter.add.f32 [tilespmem:s24], [sflag:$0x4], $0x80, s16, s23, $0xb8;
	[tilespmem:$0x19880] =	vst v63  }
0x135: {  	_ =	swait.ge [sflag:s30], $0x2800  }
0x136: {  	[sflag:s30] =	ssyncset.done $0x0  }
0x137: {  	[sflag:s30] =	ssyncadd.s32 $0xFFFFD800  }
0x138: {  	[spmem:s2] =	stream.indirect.scatter.add.f32 [tilespmem:s24], [sflag:$0x5], $0x80, s17, s23, $0xb8;
	[tilespmem:$0x19880] =	vst v63  }
0x139: {  	_ =	swait.ge [sflag:s25], $0x2800  }
0x13a: {  	[sflag:s25] =	ssyncset.done $0x0  }
0x13b: {  	[sflag:s25] =	ssyncadd.s32 $0xFFFFD800  }
0x13c: {  	[spmem:s2] =	stream.indirect.scatter.add.f32 [tilespmem:s24], [sflag:$0x1], $0x80, s18, s23, $0xb8;
	[tilespmem:$0x19880] =	vst v63  }
0x13d: {  	_ =	swait.ge [sflag:s26], $0x2800  }
0x13e: {  	[sflag:s26] =	ssyncset.done $0x0  }
0x13f: {  	[sflag:s26] =	ssyncadd.s32 $0xFFFFD800  }
0x140: {  	[spmem:s2] =	stream.indirect.scatter.add.f32 [tilespmem:s24], [sflag:$0x2], $0x80, s19, s23, $0xb8;
	[tilespmem:$0x19880] =	vst v63  }
0x141: {  	_ =	swait.ge [sflag:s28], $0x2800  }
0x142: {  	[sflag:s28] =	ssyncset.done $0x0  }
0x143: {  	s9 =	sadd.s32 $0x200, s9;
	[sflag:s28] =	ssyncadd.s32 $0xFFFFD800  }
0x144: {  	[spmem:s2] =	stream.indirect.scatter.add.f32 [tilespmem:s24], [sflag:$0x3], $0x80, s20, s23, $0xb8;
	[tilespmem:$0x19880] =	vst v63  }
0x145: {  	p1 =	sne.s32 s9, $0xA00;
	_ =	swait.ge [sflag:s29], $0x2800  }
.Ltmp2:
0x146: {  	[sflag:s29] =	ssyncset.done $0x0;
	(pc) =	sbr.rel @p1 .LBB2_6-.Ltmp2, $4  }
0x147: {  	[sflag:s29] =	ssyncadd.s32 $0xFFFFD800  }
0x148: {  	[spmem:s2] =	stream.indirect.scatter.add.f32 [tilespmem:s24], [sflag:$0x4], $0x80, s5, s23, $0xb8;
	[tilespmem:$0x19880] =	vst v63  }
0x149: {  	_ =	swait.ge [sflag:s30], $0x2800  }
0x14a: {  	p2 =	seq.s32 s8, $0x0;
	[sflag:s30] =	ssyncset.done $0x0  }
0x14b: {  	s9 =	simm.s32 @!p2 $0x1;
	[sflag:s30] =	ssyncadd.s32 $0xFFFFD800  }
0x14c: {  	[spmem:s2] =	stream.indirect.scatter.add.f32 [tilespmem:s24], [sflag:$0x5], $0x80, s6, s23, $0xb8;
	[tilespmem:$0x19880] =	vst v63  }
0x14d: {  	_ =	swait.ge @!p2 [sflag:s9], $0x2800  }
0x14e: {  	[sflag:s9] =	ssyncset.done @!p2 $0x0  }
0x14f: {  	[sflag:s9] =	ssyncadd.s32 @!p2 $0xFFFFD800;
	s9 =	simm.s32 @!p2 $0x2  }
0x150: {  	_ =	swait.ge @!p2 [sflag:s9], $0x2800  }
0x151: {  	[sflag:s9] =	ssyncset.done @!p2 $0x0  }
0x152: {  	[sflag:s9] =	ssyncadd.s32 @!p2 $0xFFFFD800;
	s9 =	simm.s32 @!p2 $0x3  }
0x153: {  	_ =	swait.ge @!p2 [sflag:s9], $0x2800  }
0x154: {  	[sflag:s9] =	ssyncset.done @!p2 $0x0  }
0x155: {  	[sflag:s9] =	ssyncadd.s32 @!p2 $0xFFFFD800;
	s9 =	simm.s32 @!p2 $0x4  }
0x156: {  	_ =	swait.ge @!p2 [sflag:s9], $0x2800  }
0x157: {  	[sflag:s9] =	ssyncset.done @!p2 $0x0  }
0x158: {  	[sflag:s9] =	ssyncadd.s32 @!p2 $0xFFFFD800;
	s9 =	simm.s32 @!p2 $0x5  }
0x159: {  	_ =	swait.ge @!p2 [sflag:s9], $0x2800  }
0x15a: {  	s10 =	rddreg [dreg:$0x3];
	[sflag:s9] =	ssyncset.done @!p2 $0x0  }
0x15b: {  	[sflag:s9] =	ssyncadd.s32 @!p2 $0xFFFFD800;
	s8 =	sadd.s32 s8, s10  }
0x15c: {  	[tilespmem:s3], [sflag:$0x6] =	stream.linear.gather [hbm4b:s8+s3], $0xC80, $0x38;
	[tilespmem:$0x19880] =	vst v63  }
0x15d: {  	_ =	swait.ge [sflag:s22], $0xC80  }
0x15e: {  	[sflag:s22] =	ssyncset.done $0x0  }
0x15f: {  	[sflag:s22] =	ssyncadd.s32 $0xFFFFF380  }
0x160: {  	[spmem:s2] =	stream.indirect.scatter.add.f32 [tilespmem:s24], [sflag:$0x1], $0x80, s3, s23, $0xb8;
	[tilespmem:$0x19880] =	vst v63  }
0x161: {  	s9 =	rddreg [dreg:$0x4]  }
0x162: {  	[spmem:s2] =	stream.indirect.scatter.add.f32 [tilespmem:s24], [sflag:$0x2], $0x80, s9, s23, $0xb8;
	[tilespmem:$0x19880] =	vst v63  }
0x163: {  	s10 =	rddreg [dreg:$0x5]  }
0x164: {  	[spmem:s2] =	stream.indirect.scatter.add.f32 [tilespmem:s24], [sflag:$0x3], $0x80, s10, s23, $0xb8;
	[tilespmem:$0x19880] =	vst v63  }
0x165: {  	s11 =	rddreg [dreg:$0x6]  }
0x166: {  	[spmem:s2] =	stream.indirect.scatter.add.f32 [tilespmem:s24], [sflag:$0x4], $0x80, s11, s23, $0xb8;
	[tilespmem:$0x19880] =	vst v63  }
0x167: {  	s12 =	rddreg [dreg:$0x7]  }
0x168: {  	[spmem:s2] =	stream.indirect.scatter.add.f32 [tilespmem:s24], [sflag:$0x5], $0x80, s12, s23, $0xb8;
	[tilespmem:$0x19880] =	vst v63  }
0x169: {  	_ =	swait.ge [sflag:s25], $0x2800  }
0x16a: {  	[sflag:s25] =	ssyncset.done $0x0  }
0x16b: {  	s21 =	rddreg [dreg:$0x8];
	[sflag:s25] =	ssyncadd.s32 $0xFFFFD800  }
0x16c: {  	[spmem:s2] =	stream.indirect.scatter.add.f32 [tilespmem:s24], [sflag:$0x1], $0x80, s21, s23, $0xb8;
	[tilespmem:$0x19880] =	vst v63  }
0x16d: {  	_ =	swait.ge [sflag:s26], $0x2800  }
0x16e: {  	[sflag:s26] =	ssyncset.done $0x0  }
0x16f: {  	s9 =	rddreg [dreg:$0x9];
	[sflag:s26] =	ssyncadd.s32 $0xFFFFD800  }
0x170: {  	[spmem:s2] =	stream.indirect.scatter.add.f32 [tilespmem:s24], [sflag:$0x2], $0x80, s9, s23, $0xb8;
	[tilespmem:$0x19880] =	vst v63  }
0x171: {  	_ =	swait.ge [sflag:s28], $0x2800  }
0x172: {  	[sflag:s28] =	ssyncset.done $0x0  }
0x173: {  	s10 =	rddreg [dreg:$0xa];
	[sflag:s28] =	ssyncadd.s32 $0xFFFFD800  }
0x174: {  	[spmem:s2] =	stream.indirect.scatter.add.f32 [tilespmem:s24], [sflag:$0x3], $0x80, s10, s23, $0xb8;
	[tilespmem:$0x19880] =	vst v63  }
0x175: {  	_ =	swait.ge [sflag:s29], $0x2800  }
0x176: {  	[sflag:s29] =	ssyncset.done $0x0  }
0x177: {  	s11 =	rddreg [dreg:$0xb];
	[sflag:s29] =	ssyncadd.s32 $0xFFFFD800  }
0x178: {  	[spmem:s2] =	stream.indirect.scatter.add.f32 [tilespmem:s24], [sflag:$0x4], $0x80, s11, s23, $0xb8;
	[tilespmem:$0x19880] =	vst v63  }
0x179: {  	_ =	swait.ge [sflag:s30], $0x2800  }
0x17a: {  	[sflag:s30] =	ssyncset.done $0x0  }
0x17b: {  	s12 =	rddreg [dreg:$0xc];
	[sflag:s30] =	ssyncadd.s32 $0xFFFFD800  }
0x17c: {  	[spmem:s2] =	stream.indirect.scatter.add.f32 [tilespmem:s24], [sflag:$0x5], $0x80, s12, s23, $0xb8;
	[tilespmem:$0x19880] =	vst v63  }
0x17d: {  	_ =	swait.ge [sflag:s25], $0x2800  }
0x17e: {  	[sflag:s25] =	ssyncset.done $0x0  }
0x17f: {  	s21 =	rddreg [dreg:$0xd];
	[sflag:s25] =	ssyncadd.s32 $0xFFFFD800  }
0x180: {  	[spmem:s2] =	stream.indirect.scatter.add.f32 [tilespmem:s24], [sflag:$0x1], $0x80, s21, s23, $0xb8;
	[tilespmem:$0x19880] =	vst v63  }
0x181: {  	_ =	swait.ge [sflag:s26], $0x2800  }
0x182: {  	[sflag:s26] =	ssyncset.done $0x0  }
0x183: {  	[sflag:s26] =	ssyncadd.s32 $0xFFFFD800  }
0x184: {  	[spmem:s2] =	stream.indirect.scatter.add.f32 [tilespmem:s24], [sflag:$0x2], $0x80, s31, s23, $0xb8;
	[tilespmem:$0x19880] =	vst v63  }
0x185: {  	_ =	swait.ge [sflag:s28], $0x2800  }
0x186: {  	[sflag:s28] =	ssyncset.done $0x0  }
0x187: {  	[sflag:s28] =	ssyncadd.s32 $0xFFFFD800  }
0x188: {  	[spmem:s2] =	stream.indirect.scatter.add.f32 [tilespmem:s24], [sflag:$0x3], $0x80, s1, s23, $0xb8;
	[tilespmem:$0x19880] =	vst v63  }
0x189: {  	_ =	swait.ge [sflag:s29], $0x2800  }
0x18a: {  	[sflag:s29] =	ssyncset.done $0x0  }
0x18b: {  	[sflag:s29] =	ssyncadd.s32 $0xFFFFD800  }
0x18c: {  	[spmem:s2] =	stream.indirect.scatter.add.f32 [tilespmem:s24], [sflag:$0x4], $0x80, s0, s23, $0xb8;
	[tilespmem:$0x19880] =	vst v63  }
0x18d: {  	_ =	swait.ge [sflag:s30], $0x2800  }
0x18e: {  	[sflag:s30] =	ssyncset.done $0x0  }
0x18f: {  	[sflag:s30] =	ssyncadd.s32 $0xFFFFD800  }
0x190: {  	[spmem:s2] =	stream.indirect.scatter.add.f32 [tilespmem:s24], [sflag:$0x5], $0x80, s4, s23, $0xb8;
	[tilespmem:$0x19880] =	vst v63  }
0x191: {  	_ =	swait.ge [sflag:s25], $0x2800  }
0x192: {  	[sflag:s25] =	ssyncset.done $0x0  }
0x193: {  	[sflag:s25] =	ssyncadd.s32 $0xFFFFD800  }
0x194: {  	[spmem:s2] =	stream.indirect.scatter.add.f32 [tilespmem:s24], [sflag:$0x1], $0x80, s13, s23, $0xb8;
	[tilespmem:$0x19880] =	vst v63  }
0x195: {  	_ =	swait.ge [sflag:s26], $0x2800  }
0x196: {  	[sflag:s26] =	ssyncset.done $0x0  }
0x197: {  	[sflag:s26] =	ssyncadd.s32 $0xFFFFD800  }
0x198: {  	[spmem:s2] =	stream.indirect.scatter.add.f32 [tilespmem:s24], [sflag:$0x2], $0x80, s14, s23, $0xb8;
	[tilespmem:$0x19880] =	vst v63  }
0x199: {  	_ =	swait.ge [sflag:s28], $0x2800  }
0x19a: {  	[sflag:s28] =	ssyncset.done $0x0  }
0x19b: {  	[sflag:s28] =	ssyncadd.s32 $0xFFFFD800  }
0x19c: {  	[spmem:s2] =	stream.indirect.scatter.add.f32 [tilespmem:s24], [sflag:$0x3], $0x80, s15, s23, $0xb8;
	[tilespmem:$0x19880] =	vst v63  }
0x19d: {  	_ =	swait.ge [sflag:s29], $0x2800  }
0x19e: {  	[sflag:s29] =	ssyncset.done $0x0  }
0x19f: {  	[sflag:s29] =	ssyncadd.s32 $0xFFFFD800  }
0x1a0: {  	[spmem:s2] =	stream.indirect.scatter.add.f32 [tilespmem:s24], [sflag:$0x4], $0x80, s16, s23, $0xb8;
	[tilespmem:$0x19880] =	vst v63  }
0x1a1: {  	_ =	swait.ge [sflag:s30], $0x2800  }
0x1a2: {  	[sflag:s30] =	ssyncset.done $0x0  }
0x1a3: {  	[sflag:s30] =	ssyncadd.s32 $0xFFFFD800  }
0x1a4: {  	[spmem:s2] =	stream.indirect.scatter.add.f32 [tilespmem:s24], [sflag:$0x5], $0x80, s17, s23, $0xb8;
	[tilespmem:$0x19880] =	vst v63  }
0x1a5: {  	_ =	swait.ge [sflag:s25], $0x2800  }
0x1a6: {  	[sflag:s25] =	ssyncset.done $0x0  }
0x1a7: {  	[sflag:s25] =	ssyncadd.s32 $0xFFFFD800  }
0x1a8: {  	[spmem:s2] =	stream.indirect.scatter.add.f32 [tilespmem:s24], [sflag:$0x1], $0x80, s18, s23, $0xb8;
	[tilespmem:$0x19880] =	vst v63  }
0x1a9: {  	_ =	swait.ge [sflag:s26], $0x2800  }
0x1aa: {  	[sflag:s26] =	ssyncset.done $0x0  }
0x1ab: {  	[sflag:s26] =	ssyncadd.s32 $0xFFFFD800  }
0x1ac: {  	[spmem:s2] =	stream.indirect.scatter.add.f32 [tilespmem:s24], [sflag:$0x2], $0x80, s19, s23, $0xb8;
	[tilespmem:$0x19880] =	vst v63  }
0x1ad: {  	_ =	swait.ge [sflag:s28], $0x2800  }
0x1ae: {  	[sflag:s28] =	ssyncset.done $0x0  }
0x1af: {  	[sflag:s28] =	ssyncadd.s32 $0xFFFFD800  }
0x1b0: {  	[spmem:s2] =	stream.indirect.scatter.add.f32 [tilespmem:s24], [sflag:$0x3], $0x80, s20, s23, $0xb8;
	[tilespmem:$0x19880] =	vst v63  }
0x1b1: {  	_ =	swait.ge [sflag:s29], $0x2800  }
0x1b2: {  	[sflag:s29] =	ssyncset.done $0x0  }
0x1b3: {  	[sflag:s29] =	ssyncadd.s32 $0xFFFFD800  }
0x1b4: {  	[spmem:s2] =	stream.indirect.scatter.add.f32 [tilespmem:s24], [sflag:$0x4], $0x80, s5, s23, $0xb8;
	[tilespmem:$0x19880] =	vst v63  }
0x1b5: {  	_ =	swait.ge [sflag:s30], $0x2800  }
0x1b6: {  	[sflag:s30] =	ssyncset.done $0x0  }
0x1b7: {  	[sflag:s30] =	ssyncadd.s32 $0xFFFFD800  }
0x1b8: {  	[spmem:s2] =	stream.indirect.scatter.add.f32 [tilespmem:s24], [sflag:$0x5], $0x80, s6, s23, $0xb8;
	[tilespmem:$0x19880] =	vst v63  }
0x1b9: {  	_ =	swait.ge [sflag:s25], $0x2800  }
0x1ba: {  	[sflag:s25] =	ssyncset.done $0x0  }
0x1bb: {  	[sflag:s25] =	ssyncadd.s32 $0xFFFFD800  }
0x1bc: {  	_ =	swait.ge [sflag:s26], $0x2800  }
0x1bd: {  	[sflag:s26] =	ssyncset.done $0x0  }
0x1be: {  	[sflag:s26] =	ssyncadd.s32 $0xFFFFD800  }
0x1bf: {  	_ =	swait.ge [sflag:s28], $0x2800  }
0x1c0: {  	[sflag:s28] =	ssyncset.done $0x0  }
0x1c1: {  	[sflag:s28] =	ssyncadd.s32 $0xFFFFD800  }
0x1c2: {  	_ =	swait.ge [sflag:s29], $0x2800  }
0x1c3: {  	[sflag:s29] =	ssyncset.done $0x0  }
0x1c4: {  	[sflag:s29] =	ssyncadd.s32 $0xFFFFD800  }
0x1c5: {  	_ =	swait.ge [sflag:s30], $0x2800  }
0x1c6: {  	[sflag:s30] =	ssyncset.done $0x0  }
0x1c7: {  	[sflag:s30] =	ssyncadd.s32 $0xFFFFD800  }
0x1c8: {  	s9 =	stileid.u32;
	[bflag:$0x0] =	sbarrier.arrive $0xFFFF  }
0x1c9: {  	s8 =	sshll.u32 s9, $0x6;
	s10 =	rddreg [dreg:$0xf]  }
0x1ca: {  	s8 =	sor.u32 $0x1C06, s8;
	s11 =	rddreg [dreg:$0x17];
	s9 =	sshrl.u32 s10, $0x3  }
0x1cb: {  	[hbm:s11], [sflag:s8] =	dma.local [spmem:s9], $0x500  }
0x1cc: {  	_ =	swait.ge [sflag:s22], $0x500  }
0x1cd: {  	[sflag:s22] =	ssyncset.done $0x0;
	s12 =	rddreg [dreg:$0x10]  }
0x1ce: {  	s21 =	rddreg [dreg:$0x18];
	[sflag:s22] =	ssyncadd.s32 $0xFFFFFB00;
	s9 =	sshrl.u32 s12, $0x3  }
0x1cf: {  	[hbm:s21], [sflag:s8] =	dma.local [spmem:s9], $0x500  }
0x1d0: {  	_ =	swait.ge [sflag:s22], $0x500  }
0x1d1: {  	[sflag:s22] =	ssyncset.done $0x0;
	s10 =	rddreg [dreg:$0x11]  }
0x1d2: {  	s11 =	rddreg [dreg:$0x19];
	[sflag:s22] =	ssyncadd.s32 $0xFFFFFB00;
	s9 =	sshrl.u32 s10, $0x3  }
0x1d3: {  	[hbm:s11], [sflag:s8] =	dma.local [spmem:s9], $0x500  }
0x1d4: {  	_ =	swait.ge [sflag:s22], $0x500  }
0x1d5: {  	[sflag:s22] =	ssyncset.done $0x0;
	s12 =	rddreg [dreg:$0x12]  }
0x1d6: {  	s21 =	rddreg [dreg:$0x1a];
	[sflag:s22] =	ssyncadd.s32 $0xFFFFFB00;
	s9 =	sshrl.u32 s12, $0x3  }
0x1d7: {  	[hbm:s21], [sflag:s8] =	dma.local [spmem:s9], $0x500  }
0x1d8: {  	_ =	swait.ge [sflag:s22], $0x500  }
0x1d9: {  	[sflag:s22] =	ssyncset.done $0x0;
	s10 =	rddreg [dreg:$0x13]  }
0x1da: {  	s11 =	rddreg [dreg:$0x1b];
	[sflag:s22] =	ssyncadd.s32 $0xFFFFFB00;
	s9 =	sshrl.u32 s10, $0x3  }
0x1db: {  	[hbm:s11], [sflag:s8] =	dma.local [spmem:s9], $0x500  }
0x1dc: {  	_ =	swait.ge [sflag:s22], $0x500  }
0x1dd: {  	[sflag:s22] =	ssyncset.done $0x0;
	s10 =	rddreg [dreg:$0x14]  }
0x1de: {  	s11 =	rddreg [dreg:$0x1c];
	[sflag:s22] =	ssyncadd.s32 $0xFFFFFB00;
	s12 =	sshrl.u32 s10, $0x3  }
0x1df: {  	[hbm:s11], [sflag:s8] =	dma.local [spmem:s12], $0x500  }
0x1e0: {  	_ =	swait.ge [sflag:s22], $0x500  }
0x1e1: {  	[sflag:s22] =	ssyncset.done $0x0;
	s11 =	rddreg [dreg:$0x15]  }
0x1e2: {  	s12 =	rddreg [dreg:$0x1d];
	[sflag:s22] =	ssyncadd.s32 $0xFFFFFB00;
	s21 =	sshrl.u32 s11, $0x3  }
0x1e3: {  	[hbm:s12], [sflag:s8] =	dma.local [spmem:s21], $0x500  }
0x1e4: {  	_ =	swait.ge [sflag:s22], $0x500  }
0x1e5: {  	[sflag:s22] =	ssyncset.done $0x0;
	s12 =	rddreg [dreg:$0x16]  }
0x1e6: {  	s21 =	rddreg [dreg:$0x1e];
	[sflag:s22] =	ssyncadd.s32 $0xFFFFFB00;
	s9 =	sshrl.u32 @!p0 s12, $0x3  }
0x1e7: {  	[hbm:s21], [sflag:s8] =	dma.local @!p0 [spmem:s9], $0x500  }
0x1e8: {  	s8 =	simm.s32 @!p0 $0x6  }
0x1e9: {  	_ =	swait.ge @!p0 [sflag:s8], $0x500  }
0x1ea: {  	s7 =	sadd.s32 $0x1, s7;
	s21 =	rddreg [dreg:$0xe]  }
0x1eb: {  	p1 =	sne.s32 s7, s21  }
.Ltmp3:
0x1ec: {  	_ = 	snop;
	(pc) =	sbr.rel @p1 .LBB2_1-.Ltmp3, $3  }
0x1ed: {  	_ =	sdelay $0x1  }
0x1ee: {  	[sflag:s8] =	ssyncset.done @!p0 $0x0  }
0x1ef: {  	[sflag:s8] =	ssyncadd.s32 @!p0 $0xFFFFFB00  }
0x1f0: {  	_ =	sfence.sel $0x180000  }
0x1f1: {  	[bflag:$0x0] =	sbarrier.arrive $0xFFFF  }
0x1f2: {  	_ =	strace $0x90000047  }
0x1f3: {  	s0 =	stileid.u32;
	[bflag:$0x2] =	sbarrier.arrive $0xFFFF  }
0x1f4: {  	p0 =	sne.s32 s0, $0x0;
	s0 =	rddreg [dreg:$0x2]  }
0x1f5: {  	s0 =	sadd.s32 @!p0 $0x100000, s0  }
0x1f6: {  	[sflag:s0] =	ssyncadd.tile.s32 @!p0 $0x1;
	_ =	shalt  }
.Lfunc_end2:
_tile_overlayer_lowered:
.L_overlay_start_2:
0x1f7: {  	(tag) =	ssettag $0x2  }
0x1f8: {  	s0 =	rddreg [dreg:$0x0];
	s2 =	stileid.u32  }
0x1f9: {  	s1 =	rddreg [dreg:$0x1];
	p0 =	sne.s32 s2, $0x0  }
0x1fa: {  	s3 =	rddreg [dreg:$0x2];
	[bflag:$0x3] =	sbarrier.arrive $0xFFFF;
	s2 =	simm.s32 @!p0 $0x1C06  }
0x1fb: {  	[timem:s3], [sflag:s2] =	dma.local @!p0 [hbm:s0], s1  }
0x1fc: {  	s0 =	simm.s32 @!p0 $0x6  }
0x1fd: {  	_ =	swait.ge @!p0 [sflag:s0], s1  }
0x1fe: {  	s1 =	ssub.s32 @!p0 $0x0, s1;
	[sflag:s0] =	ssyncset.done @!p0 $0x0  }
0x1ff: {  	[sflag:s0] =	ssyncadd.s32 @!p0 s1  }
0x200: {  	[bflag:$0x3] =	sbarrier.arrive $0xFFFF  }
0x201: {  	_ =	shalt  }

// kernel: kernel.13.cloned.1.call-start
scs
__scs_entry_jumppad:
0x0: {  	(pc) =	sbr.rel $0x88, $3  }
0x1: {  	(tag) =	ssettag $0x0;
	lr =	simm.s32 $0x1  }
0x2: {  	[smem:$0x3F8E] =	sst lr;
	_ =	strace $0xD0000000  }
0x3: {  	_ = 	snop  }
0x4: {  	_ = 	snop  }
0x5: {  	_ = 	snop  }
0x6: {  	_ = 	snop  }
0x7: {  	_ = 	snop  }
__scs_overlays_trampoline_lowered:
0x8: {  	[smem:$0x3F9D] =	sst s0  }
0x9: {  	[smem:$0x3F9E] =	sst s1  }
0xa: {  	[smem:$0x3F9F] =	sst s2  }
0xb: {  	[smem:$0x3FA0] =	sst s3  }
0xc: {  	[smem:$0x3FA1] =	sst s4  }
0xd: {  	[smem:$0x3FA2] =	sst s5  }
0xe: {  	[smem:$0x3FA3] =	sst s6  }
0xf: {  	[smem:$0x3FA4] =	sst s7  }
0x10: {  	[smem:$0x3FA5] =	sst s8  }
0x11: {  	[smem:$0x3FA6] =	sst s9;
	s0 =	simm.s32 @!p0 $0x0  }
0x12: {  	s1 =	sld [smem:$0x3F8C];
	s0 =	simm.s32 @p0 $0x1  }
0x13: {  	[smem:$0x3FA7] =	sst s0;
	s0 =	simm.s32 @!p1 $0x0  }
0x14: {  	s2 =	sld [smem:$0x3F8B];
	s0 =	simm.s32 @p1 $0x1  }
0x15: {  	[smem:$0x3FA8] =	sst s0;
	s0 =	simm.s32 @!p2 $0x0  }
0x16: {  	s3 =	sld [smem:$0x3FDB];
	s0 =	simm.s32 @p2 $0x1  }
0x17: {  	s4 =	simm.s32 $0x1BF5;
	[smem:$0x3FAA] =	sst s0  }
0x18: {  	s0 =	sld [smem:$0x3F8D];
	_ =	swait.ge [sflag:s4], $0x0  }
0x19: {  	s7 =	sld [smem:$0x3F8E]  }
0x1a: {  	s8 =	sadd.s32 $0xFFFFE003, lr  }
0x1b: {  	s9 =	sadd.s32 $0xFFFFFEF7, lr;
	s5 =	simm.s32 $0xFFFFFFFF;
	p2 =	slt.u32 s8, $0xFFFFF086  }
0x1c: {  	p1 =	slt.u32 s9, $0xF7A;
	s5 =	simm.s32 @!p2 $0x0  }
0x1d: {  	s5 =	simm.s32 @p1 $0x1;
	p0 =	seq.s32 s7, s2  }
0x1e: {  	s7 =	smul.u32 @!p0 $0xF7A, s2;
	p2 =	seq.s32 @!p0 s5, $0x0  }
0x1f: {  	s9 =	smul.u32 $0xF7A, s1;
	s8 =	simm.s32 @!p0 $0x1BF5;
	p2 =	por !p2, p0  }
0x20: {  	[sflag:s8] =	ssyncset.s32 @!p0 $0xFFFFF086;
	s6 =	sadd.s32 @!p0 s3, s7;
	s7 =	simm.s32 @!p0 $0x108  }
0x21: {  	s3 =	sadd.s32 s3, s9;
	s6 =	sadd.s32 @!p0 $0x88, s6;
	s7 =	simm.s32 @p2 $0x1082  }
0x22: {  	[simem:s7], [sflag:s8] =	dma.local @!p0 [hbm:s6], $0xF7A  }
0x23: {  	s9 =	sor.u32 $0xD0000000, s2;
	s6 =	simm.s32 $0x108;
	_ =	swait.ge @!p0 [sflag:s8], $0x0  }
0x24: {  	s3 =	sadd.s32 $0x88, s3;
	s6 =	simm.s32 @!p1 $0x1082;
	[sflag:s4] =	ssyncset.s32 $0xFFFFF086  }
0x25: {  	[simem:s6], [sflag:s4] =	dma.local [hbm:s3], $0xF7A  }
0x26: {  	[smem:$0x3F8E] =	sst s1;
	(tag) =	ssettag s2;
	_ =	strace s9  }
0x27: {  	s1 =	sld [smem:$0x3F9E]  }
0x28: {  	s2 =	sld [smem:$0x3F9F]  }
0x29: {  	s4 =	sld [smem:$0x3FA1]  }
0x2a: {  	p0 =	seq.s32 s5, $0x0;
	s5 =	sld [smem:$0x3FA2]  }
0x2b: {  	s6 =	sld [smem:$0x3FA3]  }
0x2c: {  	s7 =	sld [smem:$0x3FA4]  }
0x2d: {  	s3 =	simm.s32 $0x108;
	s8 =	sld [smem:$0x3FA5]  }
0x2e: {  	s3 =	simm.s32 @!p0 $0x1082;
	s9 =	sld [smem:$0x3FA6]  }
0x2f: {  	lr =	sadd.s32 s0, s3;
	s0 =	sld [smem:$0x3F9D]  }
0x30: {  	s3 =	sld [smem:$0x3FA0]  }
0x31: {  	[smem:$0x3FA9] =	sst s10  }
0x32: {  	s10 =	sld [smem:$0x3FA7];
	_ =	sdelay $0x3  }
0x33: {  	p0 =	seq.s32 s10, $0x1;
	s10 =	sld [smem:$0x3FA9];
	_ =	sdelay $0x3  }
0x34: {  	[smem:$0x3FA9] =	sst s10  }
0x35: {  	s10 =	sld [smem:$0x3FA8];
	_ =	sdelay $0x3  }
0x36: {  	p1 =	seq.s32 s10, $0x1;
	s10 =	sld [smem:$0x3FA9];
	_ =	sdelay $0x3  }
0x37: {  	[smem:$0x3FA9] =	sst s10  }
0x38: {  	s10 =	sld [smem:$0x3FAA]  }
0x39: {  	_ = 	snop;
	(pc) =	sbr.ind lr, $3  }
0x3a: {  	_ = 	snop  }
0x3b: {  	_ = 	snop  }
0x3c: {  	p2 =	seq.s32 s10, $0x1;
	s10 =	sld [smem:$0x3FA9]  }
0x3d: {  	_ =	shalt  }
0x3e: {  	_ =	shalt  }
0x3f: {  	_ =	shalt  }
0x40: {  	_ =	shalt  }
0x41: {  	_ =	shalt  }
0x42: {  	_ =	shalt  }
0x43: {  	_ =	shalt  }
0x44: {  	_ =	shalt  }
0x45: {  	_ =	shalt  }
0x46: {  	_ =	shalt  }
0x47: {  	_ =	shalt  }
0x48: {  	_ =	shalt  }
0x49: {  	_ =	shalt  }
0x4a: {  	_ =	shalt  }
0x4b: {  	_ =	shalt  }
0x4c: {  	_ =	shalt  }
0x4d: {  	_ =	shalt  }
0x4e: {  	_ =	shalt  }
0x4f: {  	_ =	shalt  }
0x50: {  	_ =	shalt  }
0x51: {  	_ =	shalt  }
0x52: {  	_ =	shalt  }
0x53: {  	_ =	shalt  }
0x54: {  	_ =	shalt  }
0x55: {  	_ =	shalt  }
0x56: {  	_ =	shalt  }
0x57: {  	_ =	shalt  }
0x58: {  	_ =	shalt  }
0x59: {  	_ =	shalt  }
0x5a: {  	_ =	shalt  }
0x5b: {  	_ =	shalt  }
0x5c: {  	_ =	shalt  }
0x5d: {  	_ =	shalt  }
0x5e: {  	_ =	shalt  }
0x5f: {  	_ =	shalt  }
0x60: {  	_ =	shalt  }
0x61: {  	_ =	shalt  }
0x62: {  	_ =	shalt  }
0x63: {  	_ =	shalt  }
0x64: {  	_ =	shalt  }
0x65: {  	_ =	shalt  }
0x66: {  	_ =	shalt  }
0x67: {  	_ =	shalt  }
0x68: {  	_ =	shalt  }
0x69: {  	_ =	shalt  }
0x6a: {  	_ =	shalt  }
0x6b: {  	_ =	shalt  }
0x6c: {  	_ =	shalt  }
0x6d: {  	_ =	shalt  }
0x6e: {  	_ =	shalt  }
0x6f: {  	_ =	shalt  }
0x70: {  	_ =	shalt  }
0x71: {  	_ =	shalt  }
0x72: {  	_ =	shalt  }
0x73: {  	_ =	shalt  }
0x74: {  	_ =	shalt  }
0x75: {  	_ =	shalt  }
0x76: {  	_ =	shalt  }
0x77: {  	_ =	shalt  }
0x78: {  	_ =	shalt  }
0x79: {  	_ =	shalt  }
0x7a: {  	_ =	shalt  }
0x7b: {  	_ =	shalt  }
0x7c: {  	_ =	shalt  }
0x7d: {  	_ =	shalt  }
0x7e: {  	_ =	shalt  }
0x7f: {  	_ =	shalt  }
0x80: {  	_ =	shalt  }
0x81: {  	_ =	shalt  }
0x82: {  	_ =	shalt  }
0x83: {  	_ =	shalt  }
0x84: {  	_ =	shalt  }
0x85: {  	_ =	shalt  }
0x86: {  	_ =	shalt  }
0x87: {  	_ =	shalt  }
.Lfunc_end0:
.L_simem_size_0:
called_computation.1_lowered:
.L_overlay_start_0:
0x88: {  	s2 =	sld [smem:$0x3FD9]  }
0x89: {  	s3 =	sld [smem:$0x3FFE];
	_ =	sdelay $0x1  }
0x8a: {  	s1 =	srdreg.scid  }
0x8b: {  	s0 =	sand.u32 $0x1, s1  }
0x8c: {  	s16 =	sshll.u32 s0, $0xA;
	s2 =	sadd.s32 s3, s2  }
0x8d: {  	s2 =	sadd.s32 s2, s16  }
0x8e: {  	[smem:$0x3FB5] =	sst s2  }
0x8f: {  	_ = 	snop  }
0x90: {  	(tm) =	ssettm $0x1  }
0x91: {  	s17 =	sld [smem:$0x3FFB];
	_ =	sdelay $0x3  }
0x92: {  	_ =	strace s17  }
0x93: {  	s2 =	sld [smem:$0x3FFC];
	_ =	sdelay $0x3  }
0x94: {  	_ =	strace s2  }
0x95: {  	s2 =	sld [smem:$0x3FFD];
	_ =	sdelay $0x3  }
0x96: {  	_ =	strace s2  }
0x97: {  	_ =	strace $0x8FFFFFFF  }
0x98: {  	s18 =	sld [smem:$0x3FDB];
	_ =	sdelay $0x1  }
0x99: {  	s19 =	simm.s32 $_scs_section_size  }
0x9a: {  	s4 =	simm.s32 $_size__tile_overlayer_lowered;
	s5 =	simm.s32 $_tile_overlayer_lowered  }
0x9b: {  	s22 =	simm.s32 $0x1BFF;
	s21 =	sshll.u32 s5, $0x1;
	s2 =	sadd.s32 s19, s18  }
0x9c: {  	s6 =	simm.s32 $0x0;
	s20 =	sshll.u32 s4, $0x1;
	s4 =	sadd.s32 s21, s2  }
0x9d: {  	[timem:s6], [sflag:s22] =	dma.local [hbm:s4], s20  }
0x9e: {  	_ =	swait.ge [sflag:s22], s20  }
0x9f: {  	s3 =	ssub.s32 $0x0, s20;
	[sflag:s22] =	ssyncset.done $0x0  }
0xa0: {  	[sflag:s22] =	ssyncadd.s32 s3;
	_ =	sdelay $0x1  }
0xa1: {  	s23 =	simm.s32 $0x1B8B  }
0xa2: {  	_ =	swait.ge [sflag:s23], $0x1  }
0xa3: {  	[sflag:s23] =	ssyncset.done $0x0  }
0xa4: {  	s25 =	simm.s32 $0x1B8E;
	s24 =	sld [smem:$0x3FFE];
	[sflag:s23] =	ssyncadd.s32 $0xFFFFFFFF  }
0xa5: {  	s26 =	simm.s32 $execute0_lowered;
	[smem:$0x3FD2] =	sst s25  }
0xa6: {  	s4 =	sshll.u32 s26, $0x1;
	_ =	strace $0x80000049;
	[dreg:$0x1] =	wrdreg $0xFFFFFFFF  }
0xa7: {  	s28 =	simm.s32 $_size_execute0_lowered;
	s2 =	sadd.s32 s2, s4;
	[dreg:$0x0] =	wrdreg $0x0  }
0xa8: {  	s4 =	sshll.u32 s28, $0x1;
	[dreg:$0x2] =	wrdreg s2  }
0xa9: {  	[dreg:$0x3] =	wrdreg s4  }
0xaa: {  	[dreg:$0x4] =	wrdreg $0xC0  }
0xab: {  	_ =	task [dreg:s6], $0x5FFFF  }
0xac: {  	[dreg:$0x1] =	wrdreg $0xFFFFFFFF  }
0xad: {  	[dreg:$0x0] =	wrdreg $0x60  }
0xae: {  	[dreg:$0x2] =	wrdreg s24  }
0xaf: {  	[dreg:$0x3] =	wrdreg $0xA4000  }
0xb0: {  	[dreg:$0x4] =	wrdreg $0x9  }
0xb1: {  	_ =	task.clear_ibuf [dreg:s6], $0x5FFFF;
	_ =	strace $0x90000049  }
0xb2: {  	s29 =	simm.s32 $0x9;
	_ =	strace $0x8000004B  }
0xb3: {  	_ =	swait.ge [sflag:s29], $0x1  }
0xb4: {  	[sflag:s29] =	ssyncadd.s32 $0xFFFFFFFF  }
0xb5: {  	_ =	strace $0x9000004B  }
0xb6: {  	_ =	sfence  }
0xb7: {  	s30 =	sld [smem:$0x0];
	_ =	sdelay $0x2  }
0xb8: {  	s31 =	sshll.u32 s1, $0xD;
	s1 =	sshrl.u32 s1, $0x2  }
0xb9: {  	s3 =	sand.u32 $0x4000, s31;
	s1 =	sadd.s32 s1, s30  }
0xba: {  	s0 =	sor.u32 s3, s0;
	s1 =	sshll.u32 s1, $0x11  }
0xbb: {  	s0 =	sor.u32 s1, s0  }
0xbc: {  	s0 =	sadd.s32 $0x8F2B, s0  }
0xbd: {  	[sflag:s0] =	ssyncadd.remote.s32 $0x1  }
0xbe: {  	_ =	sfence.sel $0xFFFF  }
0xbf: {  	[dreg:$0x0] =	wrdreg $0xFFFFFFFF;
	(pc) =	sbr.abs _section_cstart, $3  }
0xc0: {  	[dreg:$0x1] =	wrdreg $0xFFFFFFFF  }
0xc1: {  	_ =	task.clear_ibuf [dreg:s6], $0x2FFFF;
	_ =	strace $0x9FFFFFFF  }
0xc2: {  	(tm) =	ssettm $0x7FFFFFFF  }
0xc3: {  	_ =	shalt  }
tec
execute0_lowered:
.L_overlay_start_1:
0x0: {  	(tag) =	ssettag $0x1  }
0x1: {  	s2 =	srdreg.scid  }
0x2: {  	s3 =	sand.u32 $0x1, s2  }
0x3: {  	s2 =	stileid.u32;
	s4 =	smul.u32 $0x27100, s3  }
0x4: {  	s6 =	smul.u32 $0x14000, s2  }
0x5: {  	s7 =	smul.u32 $0x138800, s3  }
0x6: {  	s0 =	rddreg [dreg:$0x0];
	s8 =	smul.u32 $0x2800, s2;
	s9 =	sor.u32 $0x10, s2  }
0x7: {  	s1 =	rddreg [dreg:$0x1];
	s11 =	sor.u32 $0x20, s2;
	s10 =	smul.u32 $0x2800, s9  }
0x8: {  	s5 =	simm.s32 $0x0;
	s13 =	sor.u32 $0x30, s2;
	s12 =	smul.u32 $0x2800, s11  }
0x9: {  	s30 =	simm.s32 $0x28;
	s15 =	sor.u32 $0x40, s2;
	s14 =	smul.u32 $0x2800, s13  }
0xa: {  	s28 =	simm.s32 $0xA;
	s18 =	sor.u32 $0x50, s2;
	s17 =	smul.u32 $0x2800, s15  }
0xb: {  	[smem:$0x7FF] =	sst s5;
	s19 =	sor.u32 $0x60, s2;
	s5 =	smul.u32 $0x2800, s18  }
0xc: {  	s23 =	sadd.s32 $0x8E200, s0;
	s21 =	sor.u32 $0x70, s2;
	s20 =	smul.u32 $0x2800, s19  }
0xd: {  	s24 =	sadd.s32 $0x66200, s0;
	_ =	strace $0x8000004A;
	s22 =	smul.u32 $0x2800, s21  }
0xe: {  	s3 =	ssub.s32 $0x2, s3;
	[dreg:$0x5] =	wrdreg s23;
	s11 =	smul.u32 $0xA000, s11  }
0xf: {  	[dreg:$0x6] =	wrdreg s24;
	s16 =	sshrl.u32 s3, $0x1;
	s15 =	smul.u32 $0xA000, s15  }
0x10: {  	p0 =	sgt.u32 s21, $0x7C;
	s4 =	sadd.s32 s4, s0;
	s8 =	sadd.s32 s7, s8  }
0x11: {  	s0 =	sadd.s32 $0xB6200, s0;
	s3 =	ssub.s32 s3, s16;
	s8 =	sshrl.u32 s8, $0x3  }
0x12: {  	s10 =	sadd.s32 s7, s10;
	s12 =	sadd.s32 s7, s12;
	s14 =	sadd.s32 s7, s14  }
0x13: {  	s17 =	sadd.s32 s7, s17;
	s16 =	sadd.s32 s7, s5;
	s20 =	sadd.s32 s7, s20  }
0x14: {  	s7 =	sadd.s32 s7, s22;
	s22 =	sshrl.u32 s6, $0x3;
	s3 =	smax.u32 s3, $0x1  }
0x15: {  	s5 =	simm.s32 $0x0;
	s8 =	sadd.s32 s0, s8;
	s25 =	sshrl.u32 s10, $0x3  }
0x16: {  	s29 =	sshrl.u32 s12, $0x3;
	s31 =	sshrl.u32 s14, $0x3;
	s12 =	sshrl.u32 s17, $0x3  }
0x17: {  	s17 =	sshrl.u32 s16, $0x3;
	s20 =	sshrl.u32 s20, $0x3;
	[dreg:$0x13] =	wrdreg s3  }
0x18: {  	s7 =	sshrl.u32 s7, $0x3;
	[dreg:$0x7] =	wrdreg s8;
	s26 =	sadd.s32 s0, s25  }
0x19: {  	s16 =	sadd.s32 $0x4000, s4;
	s8 =	sadd.s32 s0, s29;
	[dreg:$0x8] =	wrdreg s26  }
0x1a: {  	s10 =	sadd.s32 s0, s31;
	s14 =	sadd.s32 s0, s12;
	[dreg:$0x9] =	wrdreg s8  }
0x1b: {  	s25 =	sadd.s32 s0, s17;
	s31 =	smul.u32 $0xA000, s9;
	[dreg:$0xa] =	wrdreg s10  }
0x1c: {  	s29 =	sadd.s32 s23, s22;
	s17 =	smul.u32 $0xA000, s18;
	[dreg:$0xb] =	wrdreg s14  }
0x1d: {  	s9 =	sor.u32 $0x1000, s6;
	s18 =	smul.u32 $0xA000, s19;
	[dreg:$0xc] =	wrdreg s25  }
0x1e: {  	s19 =	smul.u32 $0xA000, s21;
	s26 =	sadd.s32 s0, s20;
	[dreg:$0xf] =	wrdreg s29  }
0x1f: {  	s0 =	sadd.s32 s0, s7;
	s7 =	sadd.s32 s24, s22;
	[dreg:$0x11] =	wrdreg s9  }
0x20: {  	s8 =	smul.u32 $0xA000, s2;
	s10 =	sor.u32 $0x2000, s6;
	[dreg:$0xd] =	wrdreg s26  }
0x21: {  	s14 =	smul.u32 $0xA000, s13;
	s6 =	sshrl.u32 s11, $0x2;
	[dreg:$0xe] =	wrdreg s0  }
0x22: {  	s20 =	smul.u32 $0x5000, s2;
	s13 =	simm.s32 $0x7C00;
	[dreg:$0x10] =	wrdreg s7  }
0x23: {  	[dreg:$0x12] =	wrdreg s10;
	s0 =	sshrl.u32 s31, $0x2;
	s6 =	sadd.s32 s6, s1  }
0x24: {  	s7 =	sshrl.u32 s15, $0x2;
	s9 =	sshrl.u32 s18, $0x2;
	s10 =	sshrl.u32 s19, $0x2  }
0x25: {  	s12 =	sshrl.u32 s8, $0x2;
	s0 =	sadd.s32 s0, s1;
	s4 =	sshrl.u32 s14, $0x2  }
0x26: {  	s8 =	sshrl.u32 s17, $0x2;
	s7 =	sadd.s32 s7, s1;
	s9 =	sadd.s32 s9, s1  }
0x27: {  	s11 =	sshrl.u32 s20, $0x2;
	s10 =	sadd.s32 s10, s1;
	s22 =	sshrl.u32 s6, $0x3  }
0x28: {  	s6 =	simm.s32 $0x9000;
	s14 =	simm.s32 $0x5;
	s3 =	sadd.s32 s12, s1  }
0x29: {  	s4 =	sadd.s32 s4, s1;
	s21 =	sadd.s32 s11, s1;
	[dreg:$0x17] =	wrdreg s22  }
0x2a: {  	s8 =	sadd.s32 s8, s1;
	s0 =	sshrl.u32 s0, $0x3;
	[dreg:$0x14] =	wrdreg s21  }
0x2b: {  	s26 =	sshrl.u32 s7, $0x3;
	s31 =	sshrl.u32 s9, $0x3;
	[dreg:$0x16] =	wrdreg s0  }
0x2c: {  	s7 =	simm.s32 $0x1;
	s9 =	simm.s32 $0x5400;
	[dreg:$0x19] =	wrdreg s26  }
0x2d: {  	s11 =	simm.s32 $0x6800;
	s3 =	sshrl.u32 s3, $0x3;
	[dreg:$0x1b] =	wrdreg s31  }
0x2e: {  	s12 =	simm.s32 $0x4;
	s25 =	sshrl.u32 s4, $0x3;
	[dreg:$0x15] =	wrdreg s3  }
0x2f: {  	s29 =	sshrl.u32 s8, $0x3;
	s0 =	sshrl.u32 @!p0 s10, $0x3;
	[dreg:$0x18] =	wrdreg s25  }
0x30: {  	s8 =	simm.s32 $0x2;
	s10 =	simm.s32 $0x3;
	[dreg:$0x1a] =	wrdreg s29  }
0x31: {  	v0 =	vimm.f32 $0.0e+00;
	[dreg:$0x1c] =	wrdreg s0;
	s3 =	simm.s32 $0x4000;
	s25 =	simm.s32 $0x9  }
.LBB2_1:
0x32: {  	s0 =	simm.s32 $0x0;
	s4 =	rddreg [dreg:$0xf]  }
0x33: {  	[tilespmem:s0], [sflag:$0xB] =	stream.linear.gather [hbm4b:s4+s0], $0xC80, $0x38;
	[tilespmem:$0x1DC80] =	vst v63  }
0x34: {  	s29 =	rddreg [dreg:$0x10];
	s31 =	simm.s32 $0x2000  }
0x35: {  	[tilespmem:s31], [sflag:$0xC] =	stream.linear.gather [hbm4b:s29+s0], $0xC80, $0x38;
	[tilespmem:$0x1DC80] =	vst v63  }
0x36: {  	[dreg:$0x1d] =	wrdreg s5;
	s4 =	simm.s32 $0x200;
	s0 =	simm.s32 $0x0  }
.LBB2_2:
0x37: {  	p1 =	sne.s32 s4, $0x4E00;
	[tilespmem:s0+$0x4070] =	vst v0  }
0x38: {  	[tilespmem:s0+$0x4000] =	vst v0  }
0x39: {  	[tilespmem:s0+$0x4010] =	vst v0  }
.Ltmp0:
0x3a: {  	[tilespmem:s0+$0x4020] =	vst v0;
	(pc) =	sbr.rel @p1 .LBB2_2-.Ltmp0, $4  }
0x3b: {  	[tilespmem:s0+$0x4030] =	vst v0  }
0x3c: {  	[tilespmem:s0+$0x4040] =	vst v0  }
0x3d: {  	[tilespmem:s0+$0x4050] =	vst v0  }
0x3e: {  	[tilespmem:s0+$0x4060] =	vst v0;
	s0 =	sshra.s32 s4, $0x2;
	s4 =	sadd.s32 $0x200, s4  }
0x3f: {  	[tilespmem:s0+$0x4070] =	vst v0  }
0x40: {  	[tilespmem:s0+$0x4000] =	vst v0  }
0x41: {  	[tilespmem:s0+$0x4010] =	vst v0  }
0x42: {  	[tilespmem:s0+$0x4020] =	vst v0  }
0x43: {  	[tilespmem:s0+$0x4030] =	vst v0  }
0x44: {  	[tilespmem:s0+$0x4040] =	vst v0;
	s4 =	sadd.s32 $0x0, s2  }
0x45: {  	[tilespmem:s0+$0x4050] =	vst v0;
	p1 =	sgt.u32 s4, $0xF9  }
0x46: {  	[tilespmem:s0+$0x4060] =	vst v0;
	s5 =	rddreg [dreg:$0x14];
	s0 =	simm.s32 @!p1 $0x4000;
	s18 =	simm.s32 @!p1 $0xD  }
0x47: {  	[spmem:s5] =	stream.linear.scatter @!p1 [tilespmem:s0], [sflag:$0xD], $0x1400, $0x38;
	[tilespmem:$0x1DC80] =	vst v63  }
0x48: {  	s17 =	simm.s32 $0x20;
	_ =	swait.ge @!p1 [sflag:s18], $0x1400  }
0x49: {  	s4 =	simm.s32 $0x10;
	s0 =	sadd.s32 $0x14000, s5;
	[sflag:s18] =	ssyncset.done @!p1 $0x0  }
.LBB2_4:
0x4a: {  	s19 =	sadd.s32 s4, s2;
	s4 =	smov.u32 s17;
	s17 =	sadd.s32 $0x10, s17  }
0x4b: {  	[sflag:s18] =	ssyncadd.s32 @!p1 $0xFFFFEC00;
	p2 =	sne.s32 s17, $0x100  }
.Ltmp1:
0x4c: {  	p1 =	sgt.u32 s19, $0xF9;
	(pc) =	sbr.rel @p2 .LBB2_4-.Ltmp1, $4  }
0x4d: {  	s19 =	simm.s32 @!p1 $0x4000;
	s18 =	simm.s32 @!p1 $0xD  }
0x4e: {  	[spmem:s0] =	stream.linear.scatter @!p1 [tilespmem:s19], [sflag:$0xD], $0x1400, $0x38;
	[tilespmem:$0x1DC80] =	vst v63  }
0x4f: {  	_ =	swait.ge @!p1 [sflag:s18], $0x1400  }
0x50: {  	s0 =	sadd.s32 $0x14000, s0;
	[sflag:s18] =	ssyncset.done @!p1 $0x0  }
0x51: {  	s4 =	sadd.s32 s4, s2  }
0x52: {  	p2 =	sgt.u32 s4, $0xF9  }
0x53: {  	[sflag:s18] =	ssyncadd.s32 @!p1 $0xFFFFEC00;
	s4 =	simm.s32 @!p2 $0x4000;
	s17 =	simm.s32 @!p2 $0xD  }
0x54: {  	[spmem:s0] =	stream.linear.scatter @!p2 [tilespmem:s4], [sflag:$0xD], $0x1400, $0x38;
	[tilespmem:$0x1DC80] =	vst v63  }
0x55: {  	_ =	swait.ge @!p2 [sflag:s17], $0x1400  }
0x56: {  	[sflag:s17] =	ssyncset.done @!p2 $0x0  }
0x57: {  	s29 =	simm.s32 $0xB;
	[sflag:s17] =	ssyncadd.s32 @!p2 $0xFFFFEC00  }
0x58: {  	_ =	swait.ge [sflag:s29], $0xC80  }
0x59: {  	[sflag:s29] =	ssyncset.done $0x0  }
0x5a: {  	s31 =	simm.s32 $0xC;
	[sflag:s29] =	ssyncadd.s32 $0xFFFFF380  }
0x5b: {  	_ =	swait.ge [sflag:s31], $0xC80  }
0x5c: {  	[sflag:s31] =	ssyncset.done $0x0  }
0x5d: {  	[sflag:s31] =	ssyncadd.s32 $0xFFFFF380  }
0x5e: {  	s26 =	simm.s32 $0x0;
	[bflag:$0x0] =	sbarrier.arrive $0xFFFF  }
.LBB2_6:
0x5f: {  	p1 =	seq.s32 s26, $0x0  }
0x60: {  	s0 =	simm.s32 @!p1 $0xB  }
0x61: {  	_ =	swait.ge @!p1 [sflag:s0], $0xC80  }
0x62: {  	s5 =	sshll.u32 s26, $0xD;
	s4 =	rddreg [dreg:$0x11]  }
0x63: {  	[dreg:$0x1e] =	wrdreg s5;
	[sflag:s0] =	ssyncset.done @!p1 $0x0;
	s4 =	sadd.s32 s5, s4  }
0x64: {  	[sflag:s0] =	ssyncadd.s32 @!p1 $0xFFFFF380;
	s0 =	simm.s32 @!p1 $0xC;
	s4 =	sshrl.u32 s4, $0x3  }
0x65: {  	_ =	swait.ge @!p1 [sflag:s0], $0xC80;
	s17 =	sadd.s32 s23, s4;
	s23 =	simm.s32 $0x0  }
0x66: {  	[sflag:s0] =	ssyncset.done @!p1 $0x0;
	s18 =	sor.u32 s26, s23  }
0x67: {  	s4 =	sadd.s32 s24, s4;
	[dreg:$0x3] =	wrdreg s17;
	p2 =	seq.s32 s18, $0x0  }
0x68: {  	[sflag:s0] =	ssyncadd.s32 @!p1 $0xFFFFF380;
	[dreg:$0x4] =	wrdreg s4;
	s0 =	simm.s32 @!p2 $0x6  }
0x69: {  	_ =	swait.ge @!p2 [sflag:s0], $0x1400  }
0x6a: {  	p1 =	sne.s32 s18, $0x0;
	[sflag:s0] =	ssyncset.done @!p2 $0x0  }
0x6b: {  	s19 =	simm.s32 $0x0;
	[sflag:s0] =	ssyncadd.s32 @!p2 $0xFFFFEC00;
	s0 =	simm.s32 @p1 $0x7  }
0x6c: {  	[tilespmem:s3], [sflag:$0x1] =	stream.indirect.gather [hbm4b:s16+s30], $0x80, s19, s30, $0xb8;
	[tilespmem:$0x1DC80] =	vst v63  }
0x6d: {  	_ =	swait.ge @p1 [sflag:s0], $0x1400  }
0x6e: {  	s4 =	simm.s32 @p1 $0x80;
	s17 =	simm.s32 @p1 $0x8;
	[sflag:s0] =	ssyncset.done @p1 $0x0  }
0x6f: {  	s18 =	simm.s32 @p1 $0x5400;
	[sflag:s0] =	ssyncadd.s32 @p1 $0xFFFFEC00;
	s0 =	simm.s32 @p1 $0x28  }
0x70: {  	[tilespmem:s18], [sflag:$0x2] =	stream.indirect.gather @p1 [hbm4b:s16+s0], $0x80, s4, s0, $0xb8;
	[tilespmem:$0x1DC80] =	vst v63  }
0x71: {  	_ =	swait.ge @p1 [sflag:s17], $0x1400  }
0x72: {  	s4 =	simm.s32 @p1 $0x100;
	[sflag:s17] =	ssyncset.done @p1 $0x0  }
0x73: {  	s18 =	simm.s32 @p1 $0x9;
	[sflag:s17] =	ssyncadd.s32 @p1 $0xFFFFEC00;
	s17 =	simm.s32 @p1 $0x6800  }
0x74: {  	[tilespmem:s17], [sflag:$0x3] =	stream.indirect.gather @p1 [hbm4b:s16+s0], $0x80, s4, s0, $0xb8;
	[tilespmem:$0x1DC80] =	vst v63  }
0x75: {  	_ =	swait.ge @p1 [sflag:s18], $0x1400  }
0x76: {  	s4 =	simm.s32 @p1 $0x180;
	[sflag:s18] =	ssyncset.done @p1 $0x0  }
0x77: {  	s17 =	simm.s32 @p1 $0x7C00;
	[sflag:s18] =	ssyncadd.s32 @p1 $0xFFFFEC00;
	s18 =	simm.s32 @p1 $0xA  }
0x78: {  	[tilespmem:s17], [sflag:$0x4] =	stream.indirect.gather @p1 [hbm4b:s16+s0], $0x80, s4, s0, $0xb8;
	[tilespmem:$0x1DC80] =	vst v63  }
0x79: {  	_ =	swait.ge @p1 [sflag:s18], $0x1400  }
0x7a: {  	s0 =	simm.s32 @!p1 $0x5400;
	[sflag:s18] =	ssyncset.done @p1 $0x0  }
0x7b: {  	s4 =	simm.s32 @!p1 $0x28;
	s17 =	simm.s32 @!p1 $0x80;
	[sflag:s18] =	ssyncadd.s32 @p1 $0xFFFFEC00  }
0x7c: {  	[tilespmem:s0], [sflag:$0x2] =	stream.indirect.gather @!p1 [hbm4b:s16+s4], $0x80, s17, s4, $0xb8;
	[tilespmem:$0x1DC80] =	vst v63  }
0x7d: {  	s0 =	simm.s32 @!p1 $0x100;
	s17 =	simm.s32 @!p1 $0x6800  }
0x7e: {  	[tilespmem:s17], [sflag:$0x3] =	stream.indirect.gather @!p1 [hbm4b:s16+s4], $0x80, s0, s4, $0xb8;
	[tilespmem:$0x1DC80] =	vst v63  }
0x7f: {  	s0 =	simm.s32 @!p1 $0x180;
	s17 =	simm.s32 @!p1 $0x7C00  }
0x80: {  	[tilespmem:s17], [sflag:$0x4] =	stream.indirect.gather @!p1 [hbm4b:s16+s4], $0x80, s0, s4, $0xb8;
	[tilespmem:$0x1DC80] =	vst v63  }
0x81: {  	s29 =	simm.s32 $0x200;
	p2 =	por $0x0, $0x0  }
0x82: {  	[tilespmem:s6], [sflag:$0x5] =	stream.indirect.gather [hbm4b:s16+s30], $0x80, s29, s30, $0xb8;
	[tilespmem:$0x1DC80] =	vst v63  }
0x83: {  	s4 =	rddreg [dreg:$0x3];
	s0 =	simm.s32 @!p2 $0x0;
	s17 =	simm.s32 @!p2 $0x1000  }
0x84: {  	[tilespmem:s17], [sflag:$0xB] =	stream.linear.gather @!p2 [hbm4b:s4+s0], $0xC80, $0x38;
	[tilespmem:$0x1DC80] =	vst v63  }
0x85: {  	s18 =	rddreg [dreg:$0x4];
	s4 =	simm.s32 @!p2 $0x3000  }
0x86: {  	[tilespmem:s4], [sflag:$0xC] =	stream.linear.gather @!p2 [hbm4b:s18+s0], $0xC80, $0x38;
	[tilespmem:$0x1DC80] =	vst v63  }
0x87: {  	_ =	swait.ge [sflag:s7], $0x1400  }
0x88: {  	[sflag:s7] =	ssyncset.done $0x0  }
0x89: {  	s31 =	simm.s32 $0x2000;
	[sflag:s7] =	ssyncadd.s32 $0xFFFFEC00  }
0x8a: {  	[spmem:s1] =	stream.indirect.scatter.add.f32 [tilespmem:s3], [sflag:$0x6], $0x80, s31, s30, $0xb8;
	[tilespmem:$0x1DC80] =	vst v63  }
0x8b: {  	s0 =	simm.s32 @p1 $0x80;
	_ =	swait.ge [sflag:s8], $0x1400  }
0x8c: {  	s0 =	simm.s32 @!p1 $0x80;
	[sflag:s8] =	ssyncset.done $0x0  }
0x8d: {  	s0 =	sadd.s32 $0x2000, s0;
	[sflag:s8] =	ssyncadd.s32 $0xFFFFEC00  }
0x8e: {  	[spmem:s1] =	stream.indirect.scatter.add.f32 [tilespmem:s9], [sflag:$0x7], $0x80, s0, s30, $0xb8;
	[tilespmem:$0x1DC80] =	vst v63  }
0x8f: {  	s0 =	simm.s32 @p1 $0x100;
	_ =	swait.ge [sflag:s10], $0x1400  }
0x90: {  	s0 =	simm.s32 @!p1 $0x100;
	[sflag:s10] =	ssyncset.done $0x0  }
0x91: {  	s0 =	sadd.s32 $0x2000, s0;
	[sflag:s10] =	ssyncadd.s32 $0xFFFFEC00  }
0x92: {  	[spmem:s1] =	stream.indirect.scatter.add.f32 [tilespmem:s11], [sflag:$0x8], $0x80, s0, s30, $0xb8;
	[tilespmem:$0x1DC80] =	vst v63  }
0x93: {  	s22 =	simm.s32 $0xA00;
	s0 =	simm.s32 $0x180;
	_ =	swait.ge [sflag:s12], $0x1400  }
0x94: {  	s20 =	simm.s32 $0x400;
	s0 =	simm.s32 @!p1 $0x180;
	[sflag:s12] =	ssyncset.done $0x0  }
0x95: {  	s17 =	simm.s32 $0x1;
	s0 =	sadd.s32 $0x2000, s0;
	[sflag:s12] =	ssyncadd.s32 $0xFFFFEC00  }
0x96: {  	[spmem:s1] =	stream.indirect.scatter.add.f32 [tilespmem:s13], [sflag:$0x9], $0x80, s0, s30, $0xb8;
	[tilespmem:$0x1DC80] =	vst v63  }
0x97: {  	s24 =	simm.s32 $0x1400;
	s0 =	sor.u32 s26, s17;
	_ =	swait.ge [sflag:s14], $0x1400  }
.LBB2_7:
0x98: {  	p2 =	seq.s32 s0, $0x0;
	[sflag:s14] =	ssyncset.done $0x0  }
0x99: {  	s19 =	sadd.s32 $0x2200, s19;
	s4 =	simm.s32 @!p2 $0x6;
	[sflag:s14] =	ssyncadd.s32 $0xFFFFEC00  }
0x9a: {  	[spmem:s1] =	stream.indirect.scatter.add.f32 [tilespmem:s6], [sflag:$0xA], $0x80, s19, s30, $0xb8;
	[tilespmem:$0x1DC80] =	vst v63  }
0x9b: {  	_ =	swait.ge @!p2 [sflag:s4], $0x1400  }
0x9c: {  	[sflag:s4] =	ssyncset.done @!p2 $0x0  }
0x9d: {  	s19 =	sshra.s32 s22, $0x2;
	[sflag:s4] =	ssyncadd.s32 @!p2 $0xFFFFEC00;
	p2 =	sne.s32 s0, $0x0  }
0x9e: {  	[tilespmem:s3], [sflag:$0x1] =	stream.indirect.gather [hbm4b:s16+s30], $0x80, s19, s30, $0xb8;
	[tilespmem:$0x1DC80] =	vst v63  }
0x9f: {  	s0 =	simm.s32 @p2 $0x7  }
0xa0: {  	s4 =	sshra.s32 @p2 s22, $0x2;
	_ =	swait.ge @p2 [sflag:s0], $0x1400  }
0xa1: {  	s15 =	simm.s32 @p2 $0x8;
	s23 =	simm.s32 @p2 $0x28;
	[sflag:s0] =	ssyncset.done @p2 $0x0  }
0xa2: {  	s5 =	sadd.s32 @p2 $0x80, s4;
	[sflag:s0] =	ssyncadd.s32 @p2 $0xFFFFEC00;
	s0 =	simm.s32 @p2 $0x5400  }
0xa3: {  	[tilespmem:s0], [sflag:$0x2] =	stream.indirect.gather @p2 [hbm4b:s16+s23], $0x80, s5, s23, $0xb8;
	[tilespmem:$0x1DC80] =	vst v63  }
0xa4: {  	_ =	swait.ge @p2 [sflag:s15], $0x1400  }
0xa5: {  	s29 =	sadd.s32 @p2 $0x100, s4;
	[sflag:s15] =	ssyncset.done @p2 $0x0  }
0xa6: {  	s5 =	simm.s32 @p2 $0x6800;
	[sflag:s15] =	ssyncadd.s32 @p2 $0xFFFFEC00;
	s15 =	simm.s32 @p2 $0x9  }
0xa7: {  	[tilespmem:s5], [sflag:$0x3] =	stream.indirect.gather @p2 [hbm4b:s16+s23], $0x80, s29, s23, $0xb8;
	[tilespmem:$0x1DC80] =	vst v63  }
0xa8: {  	_ =	swait.ge @p2 [sflag:s15], $0x1400  }
0xa9: {  	s21 =	sadd.s32 @p2 $0x180, s4;
	[sflag:s15] =	ssyncset.done @p2 $0x0  }
0xaa: {  	s5 =	simm.s32 @p2 $0x7C00;
	[sflag:s15] =	ssyncadd.s32 @p2 $0xFFFFEC00;
	s15 =	simm.s32 @p2 $0xA  }
0xab: {  	[tilespmem:s5], [sflag:$0x4] =	stream.indirect.gather @p2 [hbm4b:s16+s23], $0x80, s21, s23, $0xb8;
	[tilespmem:$0x1DC80] =	vst v63  }
0xac: {  	s31 =	sadd.s32 @p2 $0xFFFFFF00, s20;
	s4 =	sadd.s32 @p2 $0xFFFFFF80, s20;
	_ =	swait.ge @p2 [sflag:s15], $0x1400  }
0xad: {  	s31 =	simm.s32 @!p2 $0x80;
	s5 =	simm.s32 @!p2 $0x5400;
	[sflag:s15] =	ssyncset.done @p2 $0x0  }
0xae: {  	s21 =	simm.s32 @!p2 $0x80;
	[sflag:s15] =	ssyncadd.s32 @p2 $0xFFFFEC00;
	s15 =	simm.s32 @!p2 $0x28  }
0xaf: {  	[tilespmem:s5], [sflag:$0x2] =	stream.indirect.gather @!p2 [hbm4b:s16+s15], $0x80, s21, s15, $0xb8;
	[tilespmem:$0x1DC80] =	vst v63  }
0xb0: {  	s4 =	simm.s32 @!p2 $0x100;
	s5 =	simm.s32 @!p2 $0x100;
	s21 =	simm.s32 @!p2 $0x6800  }
0xb1: {  	[tilespmem:s21], [sflag:$0x3] =	stream.indirect.gather @!p2 [hbm4b:s16+s15], $0x80, s5, s15, $0xb8;
	[tilespmem:$0x1DC80] =	vst v63  }
0xb2: {  	s0 =	smov.u32 s20;
	s5 =	simm.s32 @!p2 $0x180;
	s21 =	simm.s32 @!p2 $0x7C00  }
0xb3: {  	[tilespmem:s21], [sflag:$0x4] =	stream.indirect.gather @!p2 [hbm4b:s16+s15], $0x80, s5, s15, $0xb8;
	[tilespmem:$0x1DC80] =	vst v63  }
0xb4: {  	s0 =	simm.s32 @!p2 $0x180;
	s23 =	sadd.s32 $0x200, s19;
	p2 =	sne.s32 s22, $0x0  }
0xb5: {  	[tilespmem:s6], [sflag:$0x5] =	stream.indirect.gather [hbm4b:s16+s30], $0x80, s23, s30, $0xb8;
	[tilespmem:$0x1DC80] =	vst v63  }
0xb6: {  	s15 =	rddreg [dreg:$0x3];
	s5 =	simm.s32 @!p2 $0x0;
	s21 =	simm.s32 @!p2 $0x1000  }
0xb7: {  	[tilespmem:s21], [sflag:$0xB] =	stream.linear.gather @!p2 [hbm4b:s15+s5], $0xC80, $0x38;
	[tilespmem:$0x1DC80] =	vst v63  }
0xb8: {  	s23 =	rddreg [dreg:$0x4];
	s15 =	simm.s32 @!p2 $0x3000  }
0xb9: {  	[tilespmem:s15], [sflag:$0xC] =	stream.linear.gather @!p2 [hbm4b:s23+s5], $0xC80, $0x38;
	[tilespmem:$0x1DC80] =	vst v63  }
0xba: {  	_ =	swait.ge [sflag:s7], $0x1400  }
0xbb: {  	[sflag:s7] =	ssyncset.done $0x0  }
0xbc: {  	s29 =	sadd.s32 $0x2000, s19;
	[sflag:s7] =	ssyncadd.s32 $0xFFFFEC00  }
0xbd: {  	[spmem:s1] =	stream.indirect.scatter.add.f32 [tilespmem:s3], [sflag:$0x6], $0x80, s29, s30, $0xb8;
	[tilespmem:$0x1DC80] =	vst v63  }
0xbe: {  	_ =	swait.ge [sflag:s8], $0x1400  }
0xbf: {  	[sflag:s8] =	ssyncset.done $0x0  }
0xc0: {  	s31 =	sadd.s32 $0x2000, s31;
	[sflag:s8] =	ssyncadd.s32 $0xFFFFEC00  }
0xc1: {  	[spmem:s1] =	stream.indirect.scatter.add.f32 [tilespmem:s9], [sflag:$0x7], $0x80, s31, s30, $0xb8;
	[tilespmem:$0x1DC80] =	vst v63  }
0xc2: {  	_ =	swait.ge [sflag:s10], $0x1400  }
0xc3: {  	s18 =	smov.u32 s24;
	s24 =	sadd.s32 $0xA00, s24;
	[sflag:s10] =	ssyncset.done $0x0  }
0xc4: {  	p1 =	sne.s32 s24, $0x3200;
	s4 =	sadd.s32 $0x2000, s4;
	[sflag:s10] =	ssyncadd.s32 $0xFFFFEC00  }
0xc5: {  	[spmem:s1] =	stream.indirect.scatter.add.f32 [tilespmem:s11], [sflag:$0x8], $0x80, s4, s30, $0xb8;
	[tilespmem:$0x1DC80] =	vst v63  }
.Ltmp2:
0xc6: {  	_ =	swait.ge [sflag:s12], $0x1400;
	(pc) =	sbr.rel @p1 .LBB2_7-.Ltmp2, $4  }
0xc7: {  	s17 =	sadd.s32 $0x1, s17;
	[sflag:s12] =	ssyncset.done $0x0  }
0xc8: {  	s20 =	sadd.s32 $0x280, s20;
	s0 =	sadd.s32 $0x2000, s0;
	[sflag:s12] =	ssyncadd.s32 $0xFFFFEC00  }
0xc9: {  	[spmem:s1] =	stream.indirect.scatter.add.f32 [tilespmem:s13], [sflag:$0x9], $0x80, s0, s30, $0xb8;
	[tilespmem:$0x1DC80] =	vst v63  }
0xca: {  	s22 =	smov.u32 s18;
	s0 =	sor.u32 s26, s17;
	_ =	swait.ge [sflag:s14], $0x1400  }
0xcb: {  	p1 =	seq.s32 s0, $0x0;
	[sflag:s14] =	ssyncset.done $0x0  }
0xcc: {  	s5 =	sadd.s32 $0x2200, s19;
	s4 =	simm.s32 @!p1 $0x6;
	[sflag:s14] =	ssyncadd.s32 $0xFFFFEC00  }
0xcd: {  	[spmem:s1] =	stream.indirect.scatter.add.f32 [tilespmem:s6], [sflag:$0xA], $0x80, s5, s30, $0xb8;
	[tilespmem:$0x1DC80] =	vst v63  }
0xce: {  	_ =	swait.ge @!p1 [sflag:s4], $0x1400  }
0xcf: {  	[sflag:s4] =	ssyncset.done @!p1 $0x0  }
0xd0: {  	s29 =	sshra.s32 s22, $0x2;
	[sflag:s4] =	ssyncadd.s32 @!p1 $0xFFFFEC00;
	p1 =	sne.s32 s0, $0x0  }
0xd1: {  	[tilespmem:s3], [sflag:$0x1] =	stream.indirect.gather [hbm4b:s16+s30], $0x80, s29, s30, $0xb8;
	[tilespmem:$0x1DC80] =	vst v63  }
0xd2: {  	s4 =	simm.s32 @p1 $0x7  }
0xd3: {  	_ =	swait.ge @p1 [sflag:s4], $0x1400  }
0xd4: {  	s5 =	sshra.s32 @p1 s22, $0x2;
	s17 =	simm.s32 @p1 $0x5400;
	[sflag:s4] =	ssyncset.done @p1 $0x0  }
0xd5: {  	s15 =	sadd.s32 @p1 $0x80, s5;
	[sflag:s4] =	ssyncadd.s32 @p1 $0xFFFFEC00;
	s4 =	simm.s32 @p1 $0x28  }
0xd6: {  	[tilespmem:s17], [sflag:$0x2] =	stream.indirect.gather @p1 [hbm4b:s16+s4], $0x80, s15, s4, $0xb8;
	[tilespmem:$0x1DC80] =	vst v63  }
0xd7: {  	s15 =	simm.s32 @p1 $0x8  }
0xd8: {  	_ =	swait.ge @p1 [sflag:s15], $0x1400  }
0xd9: {  	[sflag:s15] =	ssyncset.done @p1 $0x0  }
0xda: {  	s17 =	sadd.s32 @p1 $0x100, s5;
	[sflag:s15] =	ssyncadd.s32 @p1 $0xFFFFEC00;
	s15 =	simm.s32 @p1 $0x6800  }
0xdb: {  	[tilespmem:s15], [sflag:$0x3] =	stream.indirect.gather @p1 [hbm4b:s16+s4], $0x80, s17, s4, $0xb8;
	[tilespmem:$0x1DC80] =	vst v63  }
0xdc: {  	s15 =	simm.s32 @p1 $0x9  }
0xdd: {  	_ =	swait.ge @p1 [sflag:s15], $0x1400  }
0xde: {  	[sflag:s15] =	ssyncset.done @p1 $0x0  }
0xdf: {  	s5 =	sadd.s32 @p1 $0x180, s5;
	[sflag:s15] =	ssyncadd.s32 @p1 $0xFFFFEC00;
	s15 =	simm.s32 @p1 $0x7C00  }
0xe0: {  	[tilespmem:s15], [sflag:$0x4] =	stream.indirect.gather @p1 [hbm4b:s16+s4], $0x80, s5, s4, $0xb8;
	[tilespmem:$0x1DC80] =	vst v63  }
0xe1: {  	s4 =	simm.s32 @p1 $0xA  }
0xe2: {  	_ =	swait.ge @p1 [sflag:s4], $0x1400  }
0xe3: {  	s5 =	simm.s32 @!p1 $0x5400;
	[sflag:s4] =	ssyncset.done @p1 $0x0  }
0xe4: {  	s15 =	simm.s32 @!p1 $0x80;
	[sflag:s4] =	ssyncadd.s32 @p1 $0xFFFFEC00;
	s4 =	simm.s32 @!p1 $0x28  }
0xe5: {  	[tilespmem:s5], [sflag:$0x2] =	stream.indirect.gather @!p1 [hbm4b:s16+s4], $0x80, s15, s4, $0xb8;
	[tilespmem:$0x1DC80] =	vst v63  }
0xe6: {  	s5 =	simm.s32 @!p1 $0x100;
	s15 =	simm.s32 @!p1 $0x6800  }
0xe7: {  	[tilespmem:s15], [sflag:$0x3] =	stream.indirect.gather @!p1 [hbm4b:s16+s4], $0x80, s5, s4, $0xb8;
	[tilespmem:$0x1DC80] =	vst v63  }
0xe8: {  	s5 =	simm.s32 @!p1 $0x180;
	s15 =	simm.s32 @!p1 $0x7C00  }
0xe9: {  	[tilespmem:s15], [sflag:$0x4] =	stream.indirect.gather @!p1 [hbm4b:s16+s4], $0x80, s5, s4, $0xb8;
	[tilespmem:$0x1DC80] =	vst v63  }
0xea: {  	p2 =	sne.s32 s22, $0x0;
	s31 =	sadd.s32 $0x200, s29  }
0xeb: {  	[tilespmem:s6], [sflag:$0x5] =	stream.indirect.gather [hbm4b:s16+s30], $0x80, s31, s30, $0xb8;
	[tilespmem:$0x1DC80] =	vst v63  }
0xec: {  	s5 =	rddreg [dreg:$0x3];
	s4 =	simm.s32 @!p2 $0x0;
	s15 =	simm.s32 @!p2 $0x1000  }
0xed: {  	[tilespmem:s15], [sflag:$0xB] =	stream.linear.gather @!p2 [hbm4b:s5+s4], $0xC80, $0x38;
	[tilespmem:$0x1DC80] =	vst v63  }
0xee: {  	s17 =	rddreg [dreg:$0x4];
	s5 =	simm.s32 @!p2 $0x3000  }
0xef: {  	[tilespmem:s5], [sflag:$0xC] =	stream.linear.gather @!p2 [hbm4b:s17+s4], $0xC80, $0x38;
	[tilespmem:$0x1DC80] =	vst v63  }
0xf0: {  	_ =	swait.ge [sflag:s7], $0x1400  }
0xf1: {  	[sflag:s7] =	ssyncset.done $0x0  }
0xf2: {  	s15 =	sadd.s32 $0x2000, s29;
	[sflag:s7] =	ssyncadd.s32 $0xFFFFEC00  }
0xf3: {  	[spmem:s1] =	stream.indirect.scatter.add.f32 [tilespmem:s3], [sflag:$0x6], $0x80, s15, s30, $0xb8;
	[tilespmem:$0x1DC80] =	vst v63  }
0xf4: {  	s4 =	sadd.s32 @p1 $0xFFFFFF00, s20;
	_ =	swait.ge [sflag:s8], $0x1400  }
0xf5: {  	s4 =	simm.s32 @!p1 $0x80;
	[sflag:s8] =	ssyncset.done $0x0  }
0xf6: {  	s4 =	sadd.s32 $0x2000, s4;
	[sflag:s8] =	ssyncadd.s32 $0xFFFFEC00  }
0xf7: {  	[spmem:s1] =	stream.indirect.scatter.add.f32 [tilespmem:s9], [sflag:$0x7], $0x80, s4, s30, $0xb8;
	[tilespmem:$0x1DC80] =	vst v63  }
0xf8: {  	s4 =	sadd.s32 @p1 $0xFFFFFF80, s20;
	_ =	swait.ge [sflag:s10], $0x1400  }
0xf9: {  	s4 =	simm.s32 @!p1 $0x100;
	[sflag:s10] =	ssyncset.done $0x0  }
0xfa: {  	s4 =	sadd.s32 $0x2000, s4;
	[sflag:s10] =	ssyncadd.s32 $0xFFFFEC00  }
0xfb: {  	[spmem:s1] =	stream.indirect.scatter.add.f32 [tilespmem:s11], [sflag:$0x8], $0x80, s4, s30, $0xb8;
	[tilespmem:$0x1DC80] =	vst v63  }
0xfc: {  	_ =	swait.ge [sflag:s12], $0x1400  }
0xfd: {  	s20 =	simm.s32 @!p1 $0x180;
	[sflag:s12] =	ssyncset.done $0x0  }
0xfe: {  	s17 =	sadd.s32 $0x2000, s20;
	[sflag:s12] =	ssyncadd.s32 $0xFFFFEC00  }
0xff: {  	[spmem:s1] =	stream.indirect.scatter.add.f32 [tilespmem:s13], [sflag:$0x9], $0x80, s17, s30, $0xb8;
	[tilespmem:$0x1DC80] =	vst v63  }
0x100: {  	_ =	swait.ge [sflag:s14], $0x1400  }
0x101: {  	[sflag:s14] =	ssyncset.done $0x0  }
0x102: {  	s18 =	simm.s32 $0xB;
	s0 =	sadd.s32 $0x2200, s29;
	[sflag:s14] =	ssyncadd.s32 $0xFFFFEC00  }
0x103: {  	[spmem:s1] =	stream.indirect.scatter.add.f32 [tilespmem:s6], [sflag:$0xA], $0x80, s0, s30, $0xb8;
	[tilespmem:$0x1DC80] =	vst v63  }
0x104: {  	_ =	swait.ge [sflag:s18], $0xC80  }
0x105: {  	[sflag:s18] =	ssyncset.done $0x0  }
0x106: {  	s19 =	simm.s32 $0xC;
	[sflag:s18] =	ssyncadd.s32 $0xFFFFF380  }
0x107: {  	_ =	swait.ge [sflag:s19], $0xC80  }
0x108: {  	[sflag:s19] =	ssyncset.done $0x0  }
0x109: {  	s15 =	simm.s32 $0x6;
	[sflag:s19] =	ssyncadd.s32 $0xFFFFF380  }
0x10a: {  	_ =	swait.ge [sflag:s15], $0x1400  }
0x10b: {  	[sflag:s15] =	ssyncset.done $0x0  }
0x10c: {  	s20 =	simm.s32 $0x1000;
	s17 =	simm.s32 $0x7;
	[sflag:s15] =	ssyncadd.s32 $0xFFFFEC00  }
0x10d: {  	[tilespmem:s3], [sflag:$0x1] =	stream.indirect.gather [hbm4b:s16+s30], $0x80, s20, s30, $0xb8;
	[tilespmem:$0x1DC80] =	vst v63  }
0x10e: {  	_ =	swait.ge [sflag:s17], $0x1400  }
0x10f: {  	[sflag:s17] =	ssyncset.done $0x0  }
0x110: {  	s21 =	simm.s32 $0x1080;
	s18 =	simm.s32 $0x8;
	[sflag:s17] =	ssyncadd.s32 $0xFFFFEC00  }
0x111: {  	[tilespmem:s9], [sflag:$0x2] =	stream.indirect.gather [hbm4b:s16+s30], $0x80, s21, s30, $0xb8;
	[tilespmem:$0x1DC80] =	vst v63  }
0x112: {  	_ =	swait.ge [sflag:s18], $0x1400  }
0x113: {  	[sflag:s18] =	ssyncset.done $0x0  }
0x114: {  	s22 =	simm.s32 $0x1100;
	[sflag:s18] =	ssyncadd.s32 $0xFFFFEC00  }
0x115: {  	[tilespmem:s11], [sflag:$0x3] =	stream.indirect.gather [hbm4b:s16+s30], $0x80, s22, s30, $0xb8;
	[tilespmem:$0x1DC80] =	vst v63  }
0x116: {  	_ =	swait.ge [sflag:s25], $0x1400  }
0x117: {  	[sflag:s25] =	ssyncset.done $0x0  }
0x118: {  	s23 =	simm.s32 $0x1180;
	[sflag:s25] =	ssyncadd.s32 $0xFFFFEC00  }
0x119: {  	[tilespmem:s13], [sflag:$0x4] =	stream.indirect.gather [hbm4b:s16+s30], $0x80, s23, s30, $0xb8;
	[tilespmem:$0x1DC80] =	vst v63  }
0x11a: {  	_ =	swait.ge [sflag:s28], $0x1400  }
0x11b: {  	s0 =	rddreg [dreg:$0x12]  }
0x11c: {  	p1 =	seq.s32 s26, $0x9;
	[sflag:s28] =	ssyncset.done $0x0;
	s4 =	rddreg [dreg:$0x1e]  }
0x11d: {  	s24 =	simm.s32 $0x1200;
	[sflag:s28] =	ssyncadd.s32 $0xFFFFEC00;
	s0 =	sadd.s32 @!p1 s4, s0  }
0x11e: {  	[tilespmem:s6], [sflag:$0x5] =	stream.indirect.gather [hbm4b:s16+s30], $0x80, s24, s30, $0xb8;
	[tilespmem:$0x1DC80] =	vst v63  }
0x11f: {  	s23 =	rddreg [dreg:$0x5];
	s0 =	sshrl.u32 @!p1 s0, $0x3  }
0x120: {  	s5 =	simm.s32 @!p1 $0x0;
	s24 =	rddreg [dreg:$0x6];
	s4 =	sadd.s32 @!p1 s23, s0  }
0x121: {  	[tilespmem:s5], [sflag:$0xB] =	stream.linear.gather @!p1 [hbm4b:s4+s5], $0xC80, $0x38;
	[tilespmem:$0x1DC80] =	vst v63  }
0x122: {  	s0 =	sadd.s32 @!p1 s24, s0;
	s4 =	simm.s32 @!p1 $0x2000  }
0x123: {  	[tilespmem:s4], [sflag:$0xC] =	stream.linear.gather @!p1 [hbm4b:s0+s5], $0xC80, $0x38;
	[tilespmem:$0x1DC80] =	vst v63  }
0x124: {  	_ =	swait.ge [sflag:s7], $0x1400  }
0x125: {  	[sflag:s7] =	ssyncset.done $0x0  }
0x126: {  	s29 =	simm.s32 $0x3000;
	[sflag:s7] =	ssyncadd.s32 $0xFFFFEC00  }
0x127: {  	[spmem:s1] =	stream.indirect.scatter.add.f32 [tilespmem:s3], [sflag:$0x6], $0x80, s29, s30, $0xb8;
	[tilespmem:$0x1DC80] =	vst v63  }
0x128: {  	_ =	swait.ge [sflag:s8], $0x1400  }
0x129: {  	[sflag:s8] =	ssyncset.done $0x0  }
0x12a: {  	s31 =	simm.s32 $0x3080;
	[sflag:s8] =	ssyncadd.s32 $0xFFFFEC00  }
0x12b: {  	[spmem:s1] =	stream.indirect.scatter.add.f32 [tilespmem:s9], [sflag:$0x7], $0x80, s31, s30, $0xb8;
	[tilespmem:$0x1DC80] =	vst v63  }
0x12c: {  	_ =	swait.ge [sflag:s10], $0x1400  }
0x12d: {  	[sflag:s10] =	ssyncset.done $0x0  }
0x12e: {  	s4 =	simm.s32 $0x3100;
	[sflag:s10] =	ssyncadd.s32 $0xFFFFEC00  }
0x12f: {  	[spmem:s1] =	stream.indirect.scatter.add.f32 [tilespmem:s11], [sflag:$0x8], $0x80, s4, s30, $0xb8;
	[tilespmem:$0x1DC80] =	vst v63  }
0x130: {  	_ =	swait.ge [sflag:s12], $0x1400  }
0x131: {  	[sflag:s12] =	ssyncset.done $0x0  }
0x132: {  	s5 =	simm.s32 $0x3180;
	[sflag:s12] =	ssyncadd.s32 $0xFFFFEC00  }
0x133: {  	[spmem:s1] =	stream.indirect.scatter.add.f32 [tilespmem:s13], [sflag:$0x9], $0x80, s5, s30, $0xb8;
	[tilespmem:$0x1DC80] =	vst v63  }
0x134: {  	_ =	swait.ge [sflag:s14], $0x1400  }
0x135: {  	[sflag:s14] =	ssyncset.done $0x0  }
0x136: {  	s19 =	simm.s32 $0x3200;
	[sflag:s14] =	ssyncadd.s32 $0xFFFFEC00  }
0x137: {  	[spmem:s1] =	stream.indirect.scatter.add.f32 [tilespmem:s6], [sflag:$0xA], $0x80, s19, s30, $0xb8;
	[tilespmem:$0x1DC80] =	vst v63  }
0x138: {  	_ =	swait.ge [sflag:s15], $0x1400  }
0x139: {  	[sflag:s15] =	ssyncset.done $0x0  }
0x13a: {  	s20 =	simm.s32 $0x1280;
	[sflag:s15] =	ssyncadd.s32 $0xFFFFEC00  }
0x13b: {  	[tilespmem:s3], [sflag:$0x1] =	stream.indirect.gather [hbm4b:s16+s30], $0x80, s20, s30, $0xb8;
	[tilespmem:$0x1DC80] =	vst v63  }
0x13c: {  	_ =	swait.ge [sflag:s17], $0x1400  }
0x13d: {  	[sflag:s17] =	ssyncset.done $0x0  }
0x13e: {  	s21 =	simm.s32 $0x1300;
	[sflag:s17] =	ssyncadd.s32 $0xFFFFEC00  }
0x13f: {  	[tilespmem:s9], [sflag:$0x2] =	stream.indirect.gather [hbm4b:s16+s30], $0x80, s21, s30, $0xb8;
	[tilespmem:$0x1DC80] =	vst v63  }
0x140: {  	_ =	swait.ge [sflag:s18], $0x1400  }
0x141: {  	[sflag:s18] =	ssyncset.done $0x0  }
0x142: {  	s22 =	simm.s32 $0x1380;
	[sflag:s18] =	ssyncadd.s32 $0xFFFFEC00  }
0x143: {  	[tilespmem:s11], [sflag:$0x3] =	stream.indirect.gather [hbm4b:s16+s30], $0x80, s22, s30, $0xb8;
	[tilespmem:$0x1DC80] =	vst v63  }
0x144: {  	_ =	swait.ge [sflag:s25], $0x1400  }
0x145: {  	[sflag:s25] =	ssyncset.done $0x0  }
0x146: {  	s29 =	simm.s32 $0x1400;
	[sflag:s25] =	ssyncadd.s32 $0xFFFFEC00  }
0x147: {  	[tilespmem:s13], [sflag:$0x4] =	stream.indirect.gather [hbm4b:s16+s30], $0x80, s29, s30, $0xb8;
	[tilespmem:$0x1DC80] =	vst v63  }
0x148: {  	_ =	swait.ge [sflag:s28], $0x1400  }
0x149: {  	[sflag:s28] =	ssyncset.done $0x0  }
0x14a: {  	s31 =	simm.s32 $0x1480;
	[sflag:s28] =	ssyncadd.s32 $0xFFFFEC00  }
0x14b: {  	[tilespmem:s6], [sflag:$0x5] =	stream.indirect.gather [hbm4b:s16+s30], $0x80, s31, s30, $0xb8;
	[tilespmem:$0x1DC80] =	vst v63  }
0x14c: {  	_ =	swait.ge [sflag:s7], $0x1400  }
0x14d: {  	[sflag:s7] =	ssyncset.done $0x0  }
0x14e: {  	s4 =	simm.s32 $0x3280;
	[sflag:s7] =	ssyncadd.s32 $0xFFFFEC00  }
0x14f: {  	[spmem:s1] =	stream.indirect.scatter.add.f32 [tilespmem:s3], [sflag:$0x6], $0x80, s4, s30, $0xb8;
	[tilespmem:$0x1DC80] =	vst v63  }
0x150: {  	_ =	swait.ge [sflag:s8], $0x1400  }
0x151: {  	[sflag:s8] =	ssyncset.done $0x0  }
0x152: {  	s5 =	simm.s32 $0x3300;
	[sflag:s8] =	ssyncadd.s32 $0xFFFFEC00  }
0x153: {  	[spmem:s1] =	stream.indirect.scatter.add.f32 [tilespmem:s9], [sflag:$0x7], $0x80, s5, s30, $0xb8;
	[tilespmem:$0x1DC80] =	vst v63  }
0x154: {  	_ =	swait.ge [sflag:s10], $0x1400  }
0x155: {  	[sflag:s10] =	ssyncset.done $0x0  }
0x156: {  	s19 =	simm.s32 $0x3380;
	[sflag:s10] =	ssyncadd.s32 $0xFFFFEC00  }
0x157: {  	[spmem:s1] =	stream.indirect.scatter.add.f32 [tilespmem:s11], [sflag:$0x8], $0x80, s19, s30, $0xb8;
	[tilespmem:$0x1DC80] =	vst v63  }
0x158: {  	_ =	swait.ge [sflag:s12], $0x1400  }
0x159: {  	[sflag:s12] =	ssyncset.done $0x0  }
0x15a: {  	s20 =	simm.s32 $0x3400;
	[sflag:s12] =	ssyncadd.s32 $0xFFFFEC00  }
0x15b: {  	[spmem:s1] =	stream.indirect.scatter.add.f32 [tilespmem:s13], [sflag:$0x9], $0x80, s20, s30, $0xb8;
	[tilespmem:$0x1DC80] =	vst v63  }
0x15c: {  	_ =	swait.ge [sflag:s14], $0x1400  }
0x15d: {  	[sflag:s14] =	ssyncset.done $0x0  }
0x15e: {  	s21 =	simm.s32 $0x3480;
	[sflag:s14] =	ssyncadd.s32 $0xFFFFEC00  }
0x15f: {  	[spmem:s1] =	stream.indirect.scatter.add.f32 [tilespmem:s6], [sflag:$0xA], $0x80, s21, s30, $0xb8;
	[tilespmem:$0x1DC80] =	vst v63  }
0x160: {  	_ =	swait.ge [sflag:s15], $0x1400  }
0x161: {  	[sflag:s15] =	ssyncset.done $0x0  }
0x162: {  	s22 =	simm.s32 $0x1500;
	[sflag:s15] =	ssyncadd.s32 $0xFFFFEC00  }
0x163: {  	[tilespmem:s3], [sflag:$0x1] =	stream.indirect.gather [hbm4b:s16+s30], $0x80, s22, s30, $0xb8;
	[tilespmem:$0x1DC80] =	vst v63  }
0x164: {  	_ =	swait.ge [sflag:s17], $0x1400  }
0x165: {  	[sflag:s17] =	ssyncset.done $0x0  }
0x166: {  	s29 =	simm.s32 $0x1580;
	[sflag:s17] =	ssyncadd.s32 $0xFFFFEC00  }
0x167: {  	[tilespmem:s9], [sflag:$0x2] =	stream.indirect.gather [hbm4b:s16+s30], $0x80, s29, s30, $0xb8;
	[tilespmem:$0x1DC80] =	vst v63  }
0x168: {  	_ =	swait.ge [sflag:s18], $0x1400  }
0x169: {  	[sflag:s18] =	ssyncset.done $0x0  }
0x16a: {  	s31 =	simm.s32 $0x1600;
	[sflag:s18] =	ssyncadd.s32 $0xFFFFEC00  }
0x16b: {  	[tilespmem:s11], [sflag:$0x3] =	stream.indirect.gather [hbm4b:s16+s30], $0x80, s31, s30, $0xb8;
	[tilespmem:$0x1DC80] =	vst v63  }
0x16c: {  	_ =	swait.ge [sflag:s25], $0x1400  }
0x16d: {  	[sflag:s25] =	ssyncset.done $0x0  }
0x16e: {  	s4 =	simm.s32 $0x1680;
	[sflag:s25] =	ssyncadd.s32 $0xFFFFEC00  }
0x16f: {  	[tilespmem:s13], [sflag:$0x4] =	stream.indirect.gather [hbm4b:s16+s30], $0x80, s4, s30, $0xb8;
	[tilespmem:$0x1DC80] =	vst v63  }
0x170: {  	_ =	swait.ge [sflag:s28], $0x1400  }
0x171: {  	[sflag:s28] =	ssyncset.done $0x0  }
0x172: {  	s5 =	simm.s32 $0x1700;
	[sflag:s28] =	ssyncadd.s32 $0xFFFFEC00  }
0x173: {  	[tilespmem:s6], [sflag:$0x5] =	stream.indirect.gather [hbm4b:s16+s30], $0x80, s5, s30, $0xb8;
	[tilespmem:$0x1DC80] =	vst v63  }
0x174: {  	_ =	swait.ge [sflag:s7], $0x1400  }
0x175: {  	[sflag:s7] =	ssyncset.done $0x0  }
0x176: {  	s19 =	simm.s32 $0x3500;
	[sflag:s7] =	ssyncadd.s32 $0xFFFFEC00  }
0x177: {  	[spmem:s1] =	stream.indirect.scatter.add.f32 [tilespmem:s3], [sflag:$0x6], $0x80, s19, s30, $0xb8;
	[tilespmem:$0x1DC80] =	vst v63  }
0x178: {  	_ =	swait.ge [sflag:s8], $0x1400  }
0x179: {  	[sflag:s8] =	ssyncset.done $0x0  }
0x17a: {  	s20 =	simm.s32 $0x3580;
	[sflag:s8] =	ssyncadd.s32 $0xFFFFEC00  }
0x17b: {  	[spmem:s1] =	stream.indirect.scatter.add.f32 [tilespmem:s9], [sflag:$0x7], $0x80, s20, s30, $0xb8;
	[tilespmem:$0x1DC80] =	vst v63  }
0x17c: {  	_ =	swait.ge [sflag:s10], $0x1400  }
0x17d: {  	[sflag:s10] =	ssyncset.done $0x0  }
0x17e: {  	s21 =	simm.s32 $0x3600;
	[sflag:s10] =	ssyncadd.s32 $0xFFFFEC00  }
0x17f: {  	[spmem:s1] =	stream.indirect.scatter.add.f32 [tilespmem:s11], [sflag:$0x8], $0x80, s21, s30, $0xb8;
	[tilespmem:$0x1DC80] =	vst v63  }
0x180: {  	_ =	swait.ge [sflag:s12], $0x1400  }
0x181: {  	[sflag:s12] =	ssyncset.done $0x0  }
0x182: {  	s22 =	simm.s32 $0x3680;
	[sflag:s12] =	ssyncadd.s32 $0xFFFFEC00  }
0x183: {  	[spmem:s1] =	stream.indirect.scatter.add.f32 [tilespmem:s13], [sflag:$0x9], $0x80, s22, s30, $0xb8;
	[tilespmem:$0x1DC80] =	vst v63  }
0x184: {  	_ =	swait.ge [sflag:s14], $0x1400  }
0x185: {  	[sflag:s14] =	ssyncset.done $0x0  }
0x186: {  	s29 =	simm.s32 $0x3700;
	[sflag:s14] =	ssyncadd.s32 $0xFFFFEC00  }
0x187: {  	[spmem:s1] =	stream.indirect.scatter.add.f32 [tilespmem:s6], [sflag:$0xA], $0x80, s29, s30, $0xb8;
	[tilespmem:$0x1DC80] =	vst v63  }
0x188: {  	_ =	swait.ge [sflag:s15], $0x1400  }
0x189: {  	[sflag:s15] =	ssyncset.done $0x0  }
0x18a: {  	s31 =	simm.s32 $0x1780;
	[sflag:s15] =	ssyncadd.s32 $0xFFFFEC00  }
0x18b: {  	[tilespmem:s3], [sflag:$0x1] =	stream.indirect.gather [hbm4b:s16+s30], $0x80, s31, s30, $0xb8;
	[tilespmem:$0x1DC80] =	vst v63  }
0x18c: {  	_ =	swait.ge [sflag:s17], $0x1400  }
0x18d: {  	[sflag:s17] =	ssyncset.done $0x0  }
0x18e: {  	s4 =	simm.s32 $0x1800;
	[sflag:s17] =	ssyncadd.s32 $0xFFFFEC00  }
0x18f: {  	[tilespmem:s9], [sflag:$0x2] =	stream.indirect.gather [hbm4b:s16+s30], $0x80, s4, s30, $0xb8;
	[tilespmem:$0x1DC80] =	vst v63  }
0x190: {  	_ =	swait.ge [sflag:s18], $0x1400  }
0x191: {  	[sflag:s18] =	ssyncset.done $0x0  }
0x192: {  	s5 =	simm.s32 $0x1880;
	[sflag:s18] =	ssyncadd.s32 $0xFFFFEC00  }
0x193: {  	[tilespmem:s11], [sflag:$0x3] =	stream.indirect.gather [hbm4b:s16+s30], $0x80, s5, s30, $0xb8;
	[tilespmem:$0x1DC80] =	vst v63  }
0x194: {  	_ =	swait.ge [sflag:s25], $0x1400  }
0x195: {  	[sflag:s25] =	ssyncset.done $0x0  }
0x196: {  	s19 =	simm.s32 $0x1900;
	[sflag:s25] =	ssyncadd.s32 $0xFFFFEC00  }
0x197: {  	[tilespmem:s13], [sflag:$0x4] =	stream.indirect.gather [hbm4b:s16+s30], $0x80, s19, s30, $0xb8;
	[tilespmem:$0x1DC80] =	vst v63  }
0x198: {  	_ =	swait.ge [sflag:s28], $0x1400  }
0x199: {  	[sflag:s28] =	ssyncset.done $0x0  }
0x19a: {  	s20 =	simm.s32 $0x1980;
	[sflag:s28] =	ssyncadd.s32 $0xFFFFEC00  }
0x19b: {  	[tilespmem:s6], [sflag:$0x5] =	stream.indirect.gather [hbm4b:s16+s30], $0x80, s20, s30, $0xb8;
	[tilespmem:$0x1DC80] =	vst v63  }
0x19c: {  	_ =	swait.ge [sflag:s7], $0x1400  }
0x19d: {  	[sflag:s7] =	ssyncset.done $0x0  }
0x19e: {  	s21 =	simm.s32 $0x3780;
	[sflag:s7] =	ssyncadd.s32 $0xFFFFEC00  }
0x19f: {  	[spmem:s1] =	stream.indirect.scatter.add.f32 [tilespmem:s3], [sflag:$0x6], $0x80, s21, s30, $0xb8;
	[tilespmem:$0x1DC80] =	vst v63  }
0x1a0: {  	_ =	swait.ge [sflag:s8], $0x1400  }
0x1a1: {  	[sflag:s8] =	ssyncset.done $0x0  }
0x1a2: {  	s22 =	simm.s32 $0x3800;
	[sflag:s8] =	ssyncadd.s32 $0xFFFFEC00  }
0x1a3: {  	[spmem:s1] =	stream.indirect.scatter.add.f32 [tilespmem:s9], [sflag:$0x7], $0x80, s22, s30, $0xb8;
	[tilespmem:$0x1DC80] =	vst v63  }
0x1a4: {  	_ =	swait.ge [sflag:s10], $0x1400  }
0x1a5: {  	[sflag:s10] =	ssyncset.done $0x0  }
0x1a6: {  	s29 =	simm.s32 $0x3880;
	[sflag:s10] =	ssyncadd.s32 $0xFFFFEC00  }
0x1a7: {  	[spmem:s1] =	stream.indirect.scatter.add.f32 [tilespmem:s11], [sflag:$0x8], $0x80, s29, s30, $0xb8;
	[tilespmem:$0x1DC80] =	vst v63  }
0x1a8: {  	_ =	swait.ge [sflag:s12], $0x1400  }
0x1a9: {  	[sflag:s12] =	ssyncset.done $0x0  }
0x1aa: {  	s31 =	simm.s32 $0x3900;
	[sflag:s12] =	ssyncadd.s32 $0xFFFFEC00  }
0x1ab: {  	[spmem:s1] =	stream.indirect.scatter.add.f32 [tilespmem:s13], [sflag:$0x9], $0x80, s31, s30, $0xb8;
	[tilespmem:$0x1DC80] =	vst v63  }
0x1ac: {  	_ =	swait.ge [sflag:s14], $0x1400  }
0x1ad: {  	[sflag:s14] =	ssyncset.done $0x0  }
0x1ae: {  	s4 =	simm.s32 $0x3980;
	[sflag:s14] =	ssyncadd.s32 $0xFFFFEC00  }
0x1af: {  	[spmem:s1] =	stream.indirect.scatter.add.f32 [tilespmem:s6], [sflag:$0xA], $0x80, s4, s30, $0xb8;
	[tilespmem:$0x1DC80] =	vst v63  }
0x1b0: {  	_ =	swait.ge [sflag:s15], $0x1400  }
0x1b1: {  	[sflag:s15] =	ssyncset.done $0x0  }
0x1b2: {  	s5 =	simm.s32 $0x1A00;
	[sflag:s15] =	ssyncadd.s32 $0xFFFFEC00  }
0x1b3: {  	[tilespmem:s3], [sflag:$0x1] =	stream.indirect.gather [hbm4b:s16+s30], $0x80, s5, s30, $0xb8;
	[tilespmem:$0x1DC80] =	vst v63  }
0x1b4: {  	_ =	swait.ge [sflag:s17], $0x1400  }
0x1b5: {  	[sflag:s17] =	ssyncset.done $0x0  }
0x1b6: {  	s15 =	simm.s32 $0x1A80;
	[sflag:s17] =	ssyncadd.s32 $0xFFFFEC00  }
0x1b7: {  	[tilespmem:s9], [sflag:$0x2] =	stream.indirect.gather [hbm4b:s16+s30], $0x80, s15, s30, $0xb8;
	[tilespmem:$0x1DC80] =	vst v63  }
0x1b8: {  	_ =	swait.ge [sflag:s18], $0x1400  }
0x1b9: {  	[sflag:s18] =	ssyncset.done $0x0  }
0x1ba: {  	s17 =	simm.s32 $0x1B00;
	[sflag:s18] =	ssyncadd.s32 $0xFFFFEC00  }
0x1bb: {  	[tilespmem:s11], [sflag:$0x3] =	stream.indirect.gather [hbm4b:s16+s30], $0x80, s17, s30, $0xb8;
	[tilespmem:$0x1DC80] =	vst v63  }
0x1bc: {  	_ =	swait.ge [sflag:s25], $0x1400  }
0x1bd: {  	[sflag:s25] =	ssyncset.done $0x0  }
0x1be: {  	s18 =	simm.s32 $0x1B80;
	[sflag:s25] =	ssyncadd.s32 $0xFFFFEC00  }
0x1bf: {  	[tilespmem:s13], [sflag:$0x4] =	stream.indirect.gather [hbm4b:s16+s30], $0x80, s18, s30, $0xb8;
	[tilespmem:$0x1DC80] =	vst v63  }
0x1c0: {  	_ =	swait.ge [sflag:s28], $0x1400  }
0x1c1: {  	[sflag:s28] =	ssyncset.done $0x0  }
0x1c2: {  	s19 =	simm.s32 $0x1C00;
	[sflag:s28] =	ssyncadd.s32 $0xFFFFEC00  }
0x1c3: {  	[tilespmem:s6], [sflag:$0x5] =	stream.indirect.gather [hbm4b:s16+s30], $0x80, s19, s30, $0xb8;
	[tilespmem:$0x1DC80] =	vst v63  }
0x1c4: {  	_ =	swait.ge [sflag:s7], $0x1400  }
0x1c5: {  	[sflag:s7] =	ssyncset.done $0x0  }
0x1c6: {  	s20 =	simm.s32 $0x3A00;
	[sflag:s7] =	ssyncadd.s32 $0xFFFFEC00  }
0x1c7: {  	[spmem:s1] =	stream.indirect.scatter.add.f32 [tilespmem:s3], [sflag:$0x6], $0x80, s20, s30, $0xb8;
	[tilespmem:$0x1DC80] =	vst v63  }
0x1c8: {  	_ =	swait.ge [sflag:s8], $0x1400  }
0x1c9: {  	[sflag:s8] =	ssyncset.done $0x0  }
0x1ca: {  	s21 =	simm.s32 $0x3A80;
	[sflag:s8] =	ssyncadd.s32 $0xFFFFEC00  }
0x1cb: {  	[spmem:s1] =	stream.indirect.scatter.add.f32 [tilespmem:s9], [sflag:$0x7], $0x80, s21, s30, $0xb8;
	[tilespmem:$0x1DC80] =	vst v63  }
0x1cc: {  	_ =	swait.ge [sflag:s10], $0x1400  }
0x1cd: {  	[sflag:s10] =	ssyncset.done $0x0  }
0x1ce: {  	s22 =	simm.s32 $0x3B00;
	[sflag:s10] =	ssyncadd.s32 $0xFFFFEC00  }
0x1cf: {  	[spmem:s1] =	stream.indirect.scatter.add.f32 [tilespmem:s11], [sflag:$0x8], $0x80, s22, s30, $0xb8;
	[tilespmem:$0x1DC80] =	vst v63  }
0x1d0: {  	_ =	swait.ge [sflag:s12], $0x1400  }
0x1d1: {  	s26 =	sadd.s32 $0x1, s26;
	[sflag:s12] =	ssyncset.done $0x0  }
0x1d2: {  	p1 =	sne.s32 s26, $0xA;
	s29 =	simm.s32 $0x3B80;
	[sflag:s12] =	ssyncadd.s32 $0xFFFFEC00  }
0x1d3: {  	[spmem:s1] =	stream.indirect.scatter.add.f32 [tilespmem:s13], [sflag:$0x9], $0x80, s29, s30, $0xb8;
	[tilespmem:$0x1DC80] =	vst v63  }
.Ltmp3:
0x1d4: {  	_ = 	snop;
	(pc) =	sbr.rel @p1 .LBB2_6-.Ltmp3, $4  }
0x1d5: {  	_ =	swait.ge [sflag:s14], $0x1400  }
0x1d6: {  	[sflag:s14] =	ssyncset.done $0x0  }
0x1d7: {  	s31 =	simm.s32 $0x3C00;
	[sflag:s14] =	ssyncadd.s32 $0xFFFFEC00  }
0x1d8: {  	[spmem:s1] =	stream.indirect.scatter.add.f32 [tilespmem:s6], [sflag:$0xA], $0x80, s31, s30, $0xb8;
	[tilespmem:$0x1DC80] =	vst v63  }
0x1d9: {  	s0 =	simm.s32 $0x6  }
0x1da: {  	_ =	swait.ge [sflag:s0], $0x1400  }
0x1db: {  	[sflag:s0] =	ssyncset.done $0x0  }
0x1dc: {  	s19 =	simm.s32 $0x7;
	[sflag:s0] =	ssyncadd.s32 $0xFFFFEC00  }
0x1dd: {  	_ =	swait.ge [sflag:s19], $0x1400  }
0x1de: {  	[sflag:s19] =	ssyncset.done $0x0  }
0x1df: {  	s20 =	simm.s32 $0x8;
	[sflag:s19] =	ssyncadd.s32 $0xFFFFEC00  }
0x1e0: {  	_ =	swait.ge [sflag:s20], $0x1400  }
0x1e1: {  	[sflag:s20] =	ssyncset.done $0x0  }
0x1e2: {  	[sflag:s20] =	ssyncadd.s32 $0xFFFFEC00  }
0x1e3: {  	_ =	swait.ge [sflag:s25], $0x1400  }
0x1e4: {  	[sflag:s25] =	ssyncset.done $0x0  }
0x1e5: {  	[sflag:s25] =	ssyncadd.s32 $0xFFFFEC00  }
0x1e6: {  	_ =	swait.ge [sflag:s28], $0x1400  }
0x1e7: {  	[sflag:s28] =	ssyncset.done $0x0  }
0x1e8: {  	[sflag:s28] =	ssyncadd.s32 $0xFFFFEC00  }
0x1e9: {  	[bflag:$0x0] =	sbarrier.arrive $0xFFFF  }
0x1ea: {  	s21 =	sshll.u32 s2, $0x6;
	s4 =	rddreg [dreg:$0x7]  }
0x1eb: {  	s15 =	simm.s32 $0xD;
	s0 =	sor.u32 $0x1C0D, s21;
	s5 =	rddreg [dreg:$0x15]  }
0x1ec: {  	[hbm:s4], [sflag:s0] =	dma.local [spmem:s5], $0x500  }
0x1ed: {  	_ =	swait.ge [sflag:s15], $0x500  }
0x1ee: {  	[sflag:s15] =	ssyncset.done $0x0;
	s22 =	rddreg [dreg:$0x8]  }
0x1ef: {  	s26 =	rddreg [dreg:$0x16];
	[sflag:s15] =	ssyncadd.s32 $0xFFFFFB00  }
0x1f0: {  	[hbm:s22], [sflag:s0] =	dma.local [spmem:s26], $0x500  }
0x1f1: {  	_ =	swait.ge [sflag:s15], $0x500  }
0x1f2: {  	[sflag:s15] =	ssyncset.done $0x0;
	s29 =	rddreg [dreg:$0x9]  }
0x1f3: {  	s31 =	rddreg [dreg:$0x17];
	[sflag:s15] =	ssyncadd.s32 $0xFFFFFB00  }
0x1f4: {  	[hbm:s29], [sflag:s0] =	dma.local [spmem:s31], $0x500  }
0x1f5: {  	_ =	swait.ge [sflag:s15], $0x500  }
0x1f6: {  	[sflag:s15] =	ssyncset.done $0x0;
	s5 =	rddreg [dreg:$0xa]  }
0x1f7: {  	s17 =	rddreg [dreg:$0x18];
	[sflag:s15] =	ssyncadd.s32 $0xFFFFFB00  }
0x1f8: {  	[hbm:s5], [sflag:s0] =	dma.local [spmem:s17], $0x500  }
0x1f9: {  	_ =	swait.ge [sflag:s15], $0x500  }
0x1fa: {  	[sflag:s15] =	ssyncset.done $0x0;
	s18 =	rddreg [dreg:$0xb]  }
0x1fb: {  	s19 =	rddreg [dreg:$0x19];
	[sflag:s15] =	ssyncadd.s32 $0xFFFFFB00  }
0x1fc: {  	[hbm:s18], [sflag:s0] =	dma.local [spmem:s19], $0x500  }
0x1fd: {  	_ =	swait.ge [sflag:s15], $0x500  }
0x1fe: {  	[sflag:s15] =	ssyncset.done $0x0;
	s20 =	rddreg [dreg:$0xc]  }
0x1ff: {  	s21 =	rddreg [dreg:$0x1a];
	[sflag:s15] =	ssyncadd.s32 $0xFFFFFB00  }
0x200: {  	[hbm:s20], [sflag:s0] =	dma.local [spmem:s21], $0x500  }
0x201: {  	_ =	swait.ge [sflag:s15], $0x500  }
0x202: {  	[sflag:s15] =	ssyncset.done $0x0;
	s22 =	rddreg [dreg:$0xd]  }
0x203: {  	s26 =	rddreg [dreg:$0x1b];
	[sflag:s15] =	ssyncadd.s32 $0xFFFFFB00  }
0x204: {  	[hbm:s22], [sflag:s0] =	dma.local [spmem:s26], $0x500  }
0x205: {  	_ =	swait.ge [sflag:s15], $0x500  }
0x206: {  	[sflag:s15] =	ssyncset.done $0x0;
	s4 =	rddreg [dreg:$0xe]  }
0x207: {  	s5 =	rddreg [dreg:$0x1c];
	[sflag:s15] =	ssyncadd.s32 $0xFFFFFB00  }
0x208: {  	[hbm:s4], [sflag:s0] =	dma.local @!p0 [spmem:s5], $0x500  }
0x209: {  	s0 =	simm.s32 @!p0 $0xD  }
0x20a: {  	_ =	swait.ge @!p0 [sflag:s0], $0x500  }
0x20b: {  	s29 =	rddreg [dreg:$0x1d]  }
0x20c: {  	s31 =	rddreg [dreg:$0x13];
	s5 =	sadd.s32 $0x1, s29  }
0x20d: {  	p1 =	sne.s32 s5, s31  }
.Ltmp4:
0x20e: {  	_ = 	snop;
	(pc) =	sbr.rel @p1 .LBB2_1-.Ltmp4, $3  }
0x20f: {  	_ =	sdelay $0x1  }
0x210: {  	[sflag:s0] =	ssyncset.done @!p0 $0x0  }
0x211: {  	[sflag:s0] =	ssyncadd.s32 @!p0 $0xFFFFFB00  }
0x212: {  	_ =	sfence.sel $0x180000  }
0x213: {  	[bflag:$0x0] =	sbarrier.arrive $0xFFFF  }
0x214: {  	_ =	strace $0x9000004A  }
0x215: {  	[bflag:$0x2] =	sbarrier.arrive $0xFFFF  }
0x216: {  	p0 =	sne.s32 s2, $0x0;
	s0 =	rddreg [dreg:$0x2]  }
0x217: {  	s0 =	sadd.s32 @!p0 $0x100000, s0  }
0x218: {  	[sflag:s0] =	ssyncadd.tile.s32 @!p0 $0x1;
	_ =	shalt  }
.Lfunc_end2:
_tile_overlayer_lowered:
.L_overlay_start_2:
0x219: {  	(tag) =	ssettag $0x2  }
0x21a: {  	s0 =	rddreg [dreg:$0x0];
	s2 =	stileid.u32  }
0x21b: {  	s1 =	rddreg [dreg:$0x1];
	p0 =	sne.s32 s2, $0x0  }
0x21c: {  	s3 =	rddreg [dreg:$0x2];
	[bflag:$0x3] =	sbarrier.arrive $0xFFFF;
	s2 =	simm.s32 @!p0 $0x1C0D  }
0x21d: {  	[timem:s3], [sflag:s2] =	dma.local @!p0 [hbm:s0], s1  }
0x21e: {  	s0 =	simm.s32 @!p0 $0xD  }
0x21f: {  	_ =	swait.ge @!p0 [sflag:s0], s1  }
0x220: {  	s1 =	ssub.s32 @!p0 $0x0, s1;
	[sflag:s0] =	ssyncset.done @!p0 $0x0  }
0x221: {  	[sflag:s0] =	ssyncadd.s32 @!p0 s1  }
0x222: {  	[bflag:$0x3] =	sbarrier.arrive $0xFFFF  }
0x223: {  	_ =	shalt  }

// kernel: kernel.16.cloned.1.call-start
scs
__scs_entry_jumppad:
0x0: {  	(pc) =	sbr.rel $0x88, $3  }
0x1: {  	(tag) =	ssettag $0x0;
	lr =	simm.s32 $0x1  }
0x2: {  	[smem:$0x3F8E] =	sst lr;
	_ =	strace $0xD0000000  }
0x3: {  	_ = 	snop  }
0x4: {  	_ = 	snop  }
0x5: {  	_ = 	snop  }
0x6: {  	_ = 	snop  }
0x7: {  	_ = 	snop  }
__scs_overlays_trampoline_lowered:
0x8: {  	[smem:$0x3F9D] =	sst s0  }
0x9: {  	[smem:$0x3F9E] =	sst s1  }
0xa: {  	[smem:$0x3F9F] =	sst s2  }
0xb: {  	[smem:$0x3FA0] =	sst s3  }
0xc: {  	[smem:$0x3FA1] =	sst s4  }
0xd: {  	[smem:$0x3FA2] =	sst s5  }
0xe: {  	[smem:$0x3FA3] =	sst s6  }
0xf: {  	[smem:$0x3FA4] =	sst s7  }
0x10: {  	[smem:$0x3FA5] =	sst s8  }
0x11: {  	[smem:$0x3FA6] =	sst s9;
	s0 =	simm.s32 @!p0 $0x0  }
0x12: {  	s1 =	sld [smem:$0x3F8C];
	s0 =	simm.s32 @p0 $0x1  }
0x13: {  	[smem:$0x3FA7] =	sst s0;
	s0 =	simm.s32 @!p1 $0x0  }
0x14: {  	s2 =	sld [smem:$0x3F8B];
	s0 =	simm.s32 @p1 $0x1  }
0x15: {  	[smem:$0x3FA8] =	sst s0;
	s0 =	simm.s32 @!p2 $0x0  }
0x16: {  	s3 =	sld [smem:$0x3FDB];
	s0 =	simm.s32 @p2 $0x1  }
0x17: {  	s4 =	simm.s32 $0x1BF5;
	[smem:$0x3FAA] =	sst s0  }
0x18: {  	s0 =	sld [smem:$0x3F8D];
	_ =	swait.ge [sflag:s4], $0x0  }
0x19: {  	s7 =	sld [smem:$0x3F8E]  }
0x1a: {  	s8 =	sadd.s32 $0xFFFFE003, lr  }
0x1b: {  	s9 =	sadd.s32 $0xFFFFFEF7, lr;
	s5 =	simm.s32 $0xFFFFFFFF;
	p2 =	slt.u32 s8, $0xFFFFF086  }
0x1c: {  	p1 =	slt.u32 s9, $0xF7A;
	s5 =	simm.s32 @!p2 $0x0  }
0x1d: {  	s5 =	simm.s32 @p1 $0x1;
	p0 =	seq.s32 s7, s2  }
0x1e: {  	s7 =	smul.u32 @!p0 $0xF7A, s2;
	p2 =	seq.s32 @!p0 s5, $0x0  }
0x1f: {  	s9 =	smul.u32 $0xF7A, s1;
	s8 =	simm.s32 @!p0 $0x1BF5;
	p2 =	por !p2, p0  }
0x20: {  	[sflag:s8] =	ssyncset.s32 @!p0 $0xFFFFF086;
	s6 =	sadd.s32 @!p0 s3, s7;
	s7 =	simm.s32 @!p0 $0x108  }
0x21: {  	s3 =	sadd.s32 s3, s9;
	s6 =	sadd.s32 @!p0 $0x88, s6;
	s7 =	simm.s32 @p2 $0x1082  }
0x22: {  	[simem:s7], [sflag:s8] =	dma.local @!p0 [hbm:s6], $0xF7A  }
0x23: {  	s9 =	sor.u32 $0xD0000000, s2;
	s6 =	simm.s32 $0x108;
	_ =	swait.ge @!p0 [sflag:s8], $0x0  }
0x24: {  	s3 =	sadd.s32 $0x88, s3;
	s6 =	simm.s32 @!p1 $0x1082;
	[sflag:s4] =	ssyncset.s32 $0xFFFFF086  }
0x25: {  	[simem:s6], [sflag:s4] =	dma.local [hbm:s3], $0xF7A  }
0x26: {  	[smem:$0x3F8E] =	sst s1;
	(tag) =	ssettag s2;
	_ =	strace s9  }
0x27: {  	s1 =	sld [smem:$0x3F9E]  }
0x28: {  	s2 =	sld [smem:$0x3F9F]  }
0x29: {  	s4 =	sld [smem:$0x3FA1]  }
0x2a: {  	p0 =	seq.s32 s5, $0x0;
	s5 =	sld [smem:$0x3FA2]  }
0x2b: {  	s6 =	sld [smem:$0x3FA3]  }
0x2c: {  	s7 =	sld [smem:$0x3FA4]  }
0x2d: {  	s3 =	simm.s32 $0x108;
	s8 =	sld [smem:$0x3FA5]  }
0x2e: {  	s3 =	simm.s32 @!p0 $0x1082;
	s9 =	sld [smem:$0x3FA6]  }
0x2f: {  	lr =	sadd.s32 s0, s3;
	s0 =	sld [smem:$0x3F9D]  }
0x30: {  	s3 =	sld [smem:$0x3FA0]  }
0x31: {  	[smem:$0x3FA9] =	sst s10  }
0x32: {  	s10 =	sld [smem:$0x3FA7];
	_ =	sdelay $0x3  }
0x33: {  	p0 =	seq.s32 s10, $0x1;
	s10 =	sld [smem:$0x3FA9];
	_ =	sdelay $0x3  }
0x34: {  	[smem:$0x3FA9] =	sst s10  }
0x35: {  	s10 =	sld [smem:$0x3FA8];
	_ =	sdelay $0x3  }
0x36: {  	p1 =	seq.s32 s10, $0x1;
	s10 =	sld [smem:$0x3FA9];
	_ =	sdelay $0x3  }
0x37: {  	[smem:$0x3FA9] =	sst s10  }
0x38: {  	s10 =	sld [smem:$0x3FAA]  }
0x39: {  	_ = 	snop;
	(pc) =	sbr.ind lr, $3  }
0x3a: {  	_ = 	snop  }
0x3b: {  	_ = 	snop  }
0x3c: {  	p2 =	seq.s32 s10, $0x1;
	s10 =	sld [smem:$0x3FA9]  }
0x3d: {  	_ =	shalt  }
0x3e: {  	_ =	shalt  }
0x3f: {  	_ =	shalt  }
0x40: {  	_ =	shalt  }
0x41: {  	_ =	shalt  }
0x42: {  	_ =	shalt  }
0x43: {  	_ =	shalt  }
0x44: {  	_ =	shalt  }
0x45: {  	_ =	shalt  }
0x46: {  	_ =	shalt  }
0x47: {  	_ =	shalt  }
0x48: {  	_ =	shalt  }
0x49: {  	_ =	shalt  }
0x4a: {  	_ =	shalt  }
0x4b: {  	_ =	shalt  }
0x4c: {  	_ =	shalt  }
0x4d: {  	_ =	shalt  }
0x4e: {  	_ =	shalt  }
0x4f: {  	_ =	shalt  }
0x50: {  	_ =	shalt  }
0x51: {  	_ =	shalt  }
0x52: {  	_ =	shalt  }
0x53: {  	_ =	shalt  }
0x54: {  	_ =	shalt  }
0x55: {  	_ =	shalt  }
0x56: {  	_ =	shalt  }
0x57: {  	_ =	shalt  }
0x58: {  	_ =	shalt  }
0x59: {  	_ =	shalt  }
0x5a: {  	_ =	shalt  }
0x5b: {  	_ =	shalt  }
0x5c: {  	_ =	shalt  }
0x5d: {  	_ =	shalt  }
0x5e: {  	_ =	shalt  }
0x5f: {  	_ =	shalt  }
0x60: {  	_ =	shalt  }
0x61: {  	_ =	shalt  }
0x62: {  	_ =	shalt  }
0x63: {  	_ =	shalt  }
0x64: {  	_ =	shalt  }
0x65: {  	_ =	shalt  }
0x66: {  	_ =	shalt  }
0x67: {  	_ =	shalt  }
0x68: {  	_ =	shalt  }
0x69: {  	_ =	shalt  }
0x6a: {  	_ =	shalt  }
0x6b: {  	_ =	shalt  }
0x6c: {  	_ =	shalt  }
0x6d: {  	_ =	shalt  }
0x6e: {  	_ =	shalt  }
0x6f: {  	_ =	shalt  }
0x70: {  	_ =	shalt  }
0x71: {  	_ =	shalt  }
0x72: {  	_ =	shalt  }
0x73: {  	_ =	shalt  }
0x74: {  	_ =	shalt  }
0x75: {  	_ =	shalt  }
0x76: {  	_ =	shalt  }
0x77: {  	_ =	shalt  }
0x78: {  	_ =	shalt  }
0x79: {  	_ =	shalt  }
0x7a: {  	_ =	shalt  }
0x7b: {  	_ =	shalt  }
0x7c: {  	_ =	shalt  }
0x7d: {  	_ =	shalt  }
0x7e: {  	_ =	shalt  }
0x7f: {  	_ =	shalt  }
0x80: {  	_ =	shalt  }
0x81: {  	_ =	shalt  }
0x82: {  	_ =	shalt  }
0x83: {  	_ =	shalt  }
0x84: {  	_ =	shalt  }
0x85: {  	_ =	shalt  }
0x86: {  	_ =	shalt  }
0x87: {  	_ =	shalt  }
.Lfunc_end0:
.L_simem_size_0:
called_computation.2_lowered:
.L_overlay_start_0:
0x88: {  	s2 =	sld [smem:$0x3FD9]  }
0x89: {  	s3 =	sld [smem:$0x3FFE];
	_ =	sdelay $0x1  }
0x8a: {  	s1 =	srdreg.scid  }
0x8b: {  	s0 =	sand.u32 $0x1, s1  }
0x8c: {  	s16 =	sshll.u32 s0, $0xA;
	s2 =	sadd.s32 s3, s2  }
0x8d: {  	s2 =	sadd.s32 s2, s16  }
0x8e: {  	[smem:$0x3FB5] =	sst s2  }
0x8f: {  	_ = 	snop  }
0x90: {  	(tm) =	ssettm $0x1  }
0x91: {  	s17 =	sld [smem:$0x3FFB];
	_ =	sdelay $0x3  }
0x92: {  	_ =	strace s17  }
0x93: {  	s2 =	sld [smem:$0x3FFC];
	_ =	sdelay $0x3  }
0x94: {  	_ =	strace s2  }
0x95: {  	s2 =	sld [smem:$0x3FFD];
	_ =	sdelay $0x3  }
0x96: {  	_ =	strace s2  }
0x97: {  	_ =	strace $0x8FFFFFFF  }
0x98: {  	s18 =	sld [smem:$0x3FDB];
	_ =	sdelay $0x1  }
0x99: {  	s19 =	simm.s32 $_scs_section_size  }
0x9a: {  	s4 =	simm.s32 $_size__tile_overlayer_lowered;
	s5 =	simm.s32 $_tile_overlayer_lowered  }
0x9b: {  	s22 =	simm.s32 $0x1BFF;
	s21 =	sshll.u32 s5, $0x1;
	s2 =	sadd.s32 s19, s18  }
0x9c: {  	s6 =	simm.s32 $0x0;
	s20 =	sshll.u32 s4, $0x1;
	s4 =	sadd.s32 s21, s2  }
0x9d: {  	[timem:s6], [sflag:s22] =	dma.local [hbm:s4], s20  }
0x9e: {  	_ =	swait.ge [sflag:s22], s20  }
0x9f: {  	s3 =	ssub.s32 $0x0, s20;
	[sflag:s22] =	ssyncset.done $0x0  }
0xa0: {  	[sflag:s22] =	ssyncadd.s32 s3;
	_ =	sdelay $0x1  }
0xa1: {  	s23 =	simm.s32 $0x1B8B  }
0xa2: {  	_ =	swait.ge [sflag:s23], $0x1  }
0xa3: {  	[sflag:s23] =	ssyncset.done $0x0  }
0xa4: {  	s25 =	simm.s32 $0x1B8E;
	s24 =	sld [smem:$0x3FFE];
	[sflag:s23] =	ssyncadd.s32 $0xFFFFFFFF  }
0xa5: {  	s26 =	simm.s32 $execute0_lowered;
	[smem:$0x3FD2] =	sst s25  }
0xa6: {  	s4 =	sshll.u32 s26, $0x1;
	_ =	strace $0x8000004C;
	[dreg:$0x1] =	wrdreg $0xFFFFFFFF  }
0xa7: {  	s28 =	simm.s32 $_size_execute0_lowered;
	s2 =	sadd.s32 s2, s4;
	[dreg:$0x0] =	wrdreg $0x0  }
0xa8: {  	s4 =	sshll.u32 s28, $0x1;
	[dreg:$0x2] =	wrdreg s2  }
0xa9: {  	[dreg:$0x3] =	wrdreg s4  }
0xaa: {  	[dreg:$0x4] =	wrdreg $0xC0  }
0xab: {  	_ =	task [dreg:s6], $0x5FFFF  }
0xac: {  	[dreg:$0x1] =	wrdreg $0xFFFFFFFF  }
0xad: {  	[dreg:$0x0] =	wrdreg $0x60  }
0xae: {  	[dreg:$0x2] =	wrdreg s24  }
0xaf: {  	[dreg:$0x3] =	wrdreg $0xA4000  }
0xb0: {  	[dreg:$0x4] =	wrdreg $0x9  }
0xb1: {  	_ =	task.clear_ibuf [dreg:s6], $0x5FFFF;
	_ =	strace $0x9000004C  }
0xb2: {  	s29 =	simm.s32 $0x9;
	_ =	strace $0x8000004E  }
0xb3: {  	_ =	swait.ge [sflag:s29], $0x1  }
0xb4: {  	[sflag:s29] =	ssyncadd.s32 $0xFFFFFFFF  }
0xb5: {  	_ =	strace $0x9000004E  }
0xb6: {  	_ =	sfence  }
0xb7: {  	s30 =	sld [smem:$0x0];
	_ =	sdelay $0x2  }
0xb8: {  	s31 =	sshll.u32 s1, $0xD;
	s1 =	sshrl.u32 s1, $0x2  }
0xb9: {  	s3 =	sand.u32 $0x4000, s31;
	s1 =	sadd.s32 s1, s30  }
0xba: {  	s0 =	sor.u32 s3, s0;
	s1 =	sshll.u32 s1, $0x11  }
0xbb: {  	s0 =	sor.u32 s1, s0  }
0xbc: {  	s0 =	sadd.s32 $0x8F2B, s0  }
0xbd: {  	[sflag:s0] =	ssyncadd.remote.s32 $0x1  }
0xbe: {  	_ =	sfence.sel $0xFFFF  }
0xbf: {  	[dreg:$0x0] =	wrdreg $0xFFFFFFFF;
	(pc) =	sbr.abs _section_cstart, $3  }
0xc0: {  	[dreg:$0x1] =	wrdreg $0xFFFFFFFF  }
0xc1: {  	_ =	task.clear_ibuf [dreg:s6], $0x2FFFF;
	_ =	strace $0x9FFFFFFF  }
0xc2: {  	(tm) =	ssettm $0x7FFFFFFF  }
0xc3: {  	_ =	shalt  }
tec
execute0_lowered:
.L_overlay_start_1:
0x0: {  	(tag) =	ssettag $0x1  }
0x1: {  	s1 =	rddreg [dreg:$0x0]  }
0x2: {  	s3 =	srdreg.scid;
	s0 =	stileid.u32  }
0x3: {  	s2 =	rddreg [dreg:$0x1];
	s3 =	sand.u32 $0x1, s3;
	s9 =	smul.u32 $0x2800, s0  }
0x4: {  	s5 =	simm.s32 $0x0;
	s10 =	sor.u32 $0x10, s0;
	s8 =	smul.u32 $0x138800, s3  }
0x5: {  	s30 =	simm.s32 $0x28;
	s12 =	sor.u32 $0x20, s0;
	s11 =	smul.u32 $0x2800, s10  }
0x6: {  	s28 =	simm.s32 $0xA;
	s14 =	sor.u32 $0x30, s0;
	s13 =	smul.u32 $0x2800, s12  }
0x7: {  	s4 =	sshll.u32 s0, $0x1;
	s16 =	sor.u32 $0x40, s0;
	s15 =	smul.u32 $0x2800, s14  }
0x8: {  	[smem:$0x7FF] =	sst s5;
	s18 =	sor.u32 $0x50, s0;
	s17 =	smul.u32 $0x2800, s16  }
0x9: {  	s24 =	sadd.s32 $0x104400, s1;
	s21 =	sor.u32 $0x60, s0;
	s20 =	smul.u32 $0x2800, s18  }
0xa: {  	s29 =	sadd.s32 $0x12C400, s1;
	s22 =	sor.u32 $0x70, s0;
	s6 =	smul.u32 $0x2800, s21  }
0xb: {  	s4 =	sor.u32 s3, s4;
	_ =	strace $0x8000004D;
	s23 =	smul.u32 $0x2800, s22  }
0xc: {  	s3 =	ssub.s32 $0x2, s3;
	s12 =	smul.u32 $0xA000, s12;
	[dreg:$0x5] =	wrdreg s24  }
0xd: {  	p0 =	sgt.u32 s22, $0x7C;
	[dreg:$0x6] =	wrdreg s29;
	s7 =	smul.u32 $0xA000, s4  }
0xe: {  	s4 =	sadd.s32 $0x4000, s1;
	s1 =	sadd.s32 $0x2B200, s1;
	s19 =	sshrl.u32 s3, $0x1  }
0xf: {  	s3 =	ssub.s32 s3, s19;
	s9 =	sadd.s32 s8, s9;
	s11 =	sadd.s32 s8, s11  }
0x10: {  	s13 =	sadd.s32 s8, s13;
	s15 =	sadd.s32 s8, s15;
	s17 =	sadd.s32 s8, s17  }
0x11: {  	s20 =	sadd.s32 s8, s20;
	s19 =	sadd.s32 s8, s6;
	s8 =	sadd.s32 s8, s23  }
0x12: {  	s23 =	sshrl.u32 s7, $0x3;
	s9 =	sshrl.u32 s9, $0x3;
	s11 =	sshrl.u32 s11, $0x3  }
0x13: {  	s26 =	sshrl.u32 s13, $0x3;
	s31 =	sshrl.u32 s15, $0x3;
	s6 =	sshrl.u32 s17, $0x3  }
0x14: {  	s20 =	sshrl.u32 s20, $0x3;
	s8 =	sshrl.u32 s8, $0x3;
	s3 =	smax.u32 s3, $0x1  }
0x15: {  	s13 =	smul.u32 $0xA000, s14;
	s9 =	sadd.s32 s1, s9;
	[dreg:$0x13] =	wrdreg s3  }
0x16: {  	s25 =	sadd.s32 s1, s11;
	s15 =	sadd.s32 s1, s31;
	[dreg:$0x7] =	wrdreg s9  }
0x17: {  	s17 =	sadd.s32 s1, s6;
	s5 =	sadd.s32 s24, s23;
	[dreg:$0x8] =	wrdreg s25  }
0x18: {  	s6 =	sadd.s32 s29, s23;
	s9 =	smul.u32 $0xA000, s10;
	[dreg:$0xa] =	wrdreg s15  }
0x19: {  	s11 =	sadd.s32 $0x2000, s7;
	[dreg:$0xb] =	wrdreg s17;
	s15 =	smul.u32 $0xA000, s16  }
0x1a: {  	s10 =	sadd.s32 s1, s26;
	[dreg:$0xf] =	wrdreg s5;
	s16 =	smul.u32 $0xA000, s18  }
0x1b: {  	s25 =	sshrl.u32 s19, $0x3;
	[dreg:$0x10] =	wrdreg s6;
	s17 =	smul.u32 $0xA000, s21  }
0x1c: {  	s26 =	sadd.s32 s1, s20;
	[dreg:$0x12] =	wrdreg s11;
	s18 =	smul.u32 $0xA000, s22  }
0x1d: {  	s3 =	sshrl.u32 s13, $0x2;
	s19 =	smul.u32 $0x5000, s0;
	[dreg:$0x9] =	wrdreg s10  }
0x1e: {  	s6 =	simm.s32 $0x0;
	[dreg:$0xc] =	wrdreg s26;
	s31 =	sadd.s32 s1, s25  }
0x1f: {  	s1 =	sadd.s32 s1, s8;
	s8 =	smul.u32 $0xA000, s0;
	[dreg:$0xd] =	wrdreg s31  }
0x20: {  	s10 =	sor.u32 $0x1000, s7;
	s7 =	sshrl.u32 s12, $0x2;
	[dreg:$0xe] =	wrdreg s1  }
0x21: {  	s3 =	sadd.s32 s3, s2;
	[dreg:$0x11] =	wrdreg s10;
	s14 =	sshrl.u32 s9, $0x2  }
0x22: {  	s7 =	sadd.s32 s7, s2;
	s9 =	sshrl.u32 s15, $0x2;
	s10 =	sshrl.u32 s16, $0x2  }
0x23: {  	s11 =	sshrl.u32 s17, $0x2;
	s12 =	sshrl.u32 s18, $0x2;
	s13 =	sshrl.u32 s19, $0x2  }
0x24: {  	s23 =	sshrl.u32 s3, $0x3;
	s3 =	simm.s32 $0x9000;
	s15 =	simm.s32 $0x5  }
0x25: {  	s16 =	simm.s32 $0x6;
	s1 =	sshrl.u32 s8, $0x2;
	s8 =	sadd.s32 s14, s2  }
0x26: {  	s9 =	sadd.s32 s9, s2;
	s10 =	sadd.s32 s10, s2;
	s11 =	sadd.s32 s11, s2  }
0x27: {  	s12 =	sadd.s32 s12, s2;
	s20 =	sadd.s32 s13, s2;
	s22 =	sshrl.u32 s7, $0x3  }
0x28: {  	[dreg:$0x18] =	wrdreg s23;
	s7 =	simm.s32 $0x1;
	s13 =	simm.s32 $0x4  }
0x29: {  	s14 =	simm.s32 $0x7C00;
	s23 =	simm.s32 $0x8;
	[dreg:$0x14] =	wrdreg s20  }
0x2a: {  	s1 =	sadd.s32 s1, s2;
	s21 =	sshrl.u32 s8, $0x3;
	[dreg:$0x17] =	wrdreg s22  }
0x2b: {  	s25 =	sshrl.u32 s9, $0x3;
	s26 =	sshrl.u32 s10, $0x3;
	[dreg:$0x16] =	wrdreg s21  }
0x2c: {  	s31 =	sshrl.u32 s11, $0x3;
	s8 =	simm.s32 $0x4000;
	[dreg:$0x19] =	wrdreg s25  }
0x2d: {  	s9 =	simm.s32 $0x2;
	s10 =	simm.s32 $0x5400;
	[dreg:$0x1a] =	wrdreg s26  }
0x2e: {  	s11 =	simm.s32 $0x3;
	s1 =	sshrl.u32 s1, $0x3;
	[dreg:$0x1b] =	wrdreg s31  }
0x2f: {  	s21 =	simm.s32 $0x7;
	[dreg:$0x15] =	wrdreg s1;
	s1 =	sshrl.u32 @!p0 s12, $0x3  }
0x30: {  	v0 =	vimm.f32 $0.0e+00;
	s25 =	simm.s32 $0x9;
	s12 =	simm.s32 $0x6800;
	[dreg:$0x1c] =	wrdreg s1  }
.LBB2_1:
0x31: {  	[dreg:$0x1d] =	wrdreg s6  }
0x32: {  	s5 =	rddreg [dreg:$0xf]  }
0x33: {  	s1 =	simm.s32 $0x0;
	s26 =	rddreg [dreg:$0x10]  }
0x34: {  	[tilespmem:s1], [sflag:$0xB] =	stream.linear.gather [hbm4b:s5+s1], $0xC80, $0x38;
	[tilespmem:$0x1DC80] =	vst v63  }
0x35: {  	s31 =	simm.s32 $0x2000;
	s17 =	simm.s32 $0x0;
	s18 =	simm.s32 $0x200  }
0x36: {  	[tilespmem:s31], [sflag:$0xC] =	stream.linear.gather [hbm4b:s26+s1], $0xC80, $0x38;
	[tilespmem:$0x1DC80] =	vst v63  }
.LBB2_2:
0x37: {  	p1 =	sne.s32 s18, $0x4E00;
	[tilespmem:s17+$0x4070] =	vst v0  }
0x38: {  	[tilespmem:s17+$0x4000] =	vst v0  }
0x39: {  	[tilespmem:s17+$0x4010] =	vst v0  }
.Ltmp0:
0x3a: {  	[tilespmem:s17+$0x4020] =	vst v0;
	(pc) =	sbr.rel @p1 .LBB2_2-.Ltmp0, $4  }
0x3b: {  	[tilespmem:s17+$0x4030] =	vst v0  }
0x3c: {  	[tilespmem:s17+$0x4040] =	vst v0  }
0x3d: {  	[tilespmem:s17+$0x4050] =	vst v0  }
0x3e: {  	[tilespmem:s17+$0x4060] =	vst v0;
	s17 =	sshra.s32 s18, $0x2;
	s18 =	sadd.s32 $0x200, s18  }
0x3f: {  	[tilespmem:s17+$0x4070] =	vst v0  }
0x40: {  	[tilespmem:s17+$0x4000] =	vst v0  }
0x41: {  	[tilespmem:s17+$0x4010] =	vst v0  }
0x42: {  	[tilespmem:s17+$0x4020] =	vst v0  }
0x43: {  	[tilespmem:s17+$0x4030] =	vst v0  }
0x44: {  	[tilespmem:s17+$0x4040] =	vst v0;
	s18 =	sadd.s32 $0x0, s0  }
0x45: {  	[tilespmem:s17+$0x4050] =	vst v0;
	p1 =	sgt.u32 s18, $0xF9  }
0x46: {  	[tilespmem:s17+$0x4060] =	vst v0;
	s1 =	rddreg [dreg:$0x14];
	s17 =	simm.s32 @!p1 $0x4000;
	s20 =	simm.s32 @!p1 $0xD  }
0x47: {  	[spmem:s1] =	stream.linear.scatter @!p1 [tilespmem:s17], [sflag:$0xD], $0x1400, $0x38;
	[tilespmem:$0x1DC80] =	vst v63  }
0x48: {  	s19 =	simm.s32 $0x20;
	_ =	swait.ge @!p1 [sflag:s20], $0x1400  }
0x49: {  	s18 =	simm.s32 $0x10;
	s17 =	sadd.s32 $0x14000, s1;
	[sflag:s20] =	ssyncset.done @!p1 $0x0  }
.LBB2_4:
0x4a: {  	s22 =	sadd.s32 s18, s0;
	s18 =	smov.u32 s19;
	s19 =	sadd.s32 $0x10, s19  }
0x4b: {  	[sflag:s20] =	ssyncadd.s32 @!p1 $0xFFFFEC00;
	p2 =	sne.s32 s19, $0x100  }
.Ltmp1:
0x4c: {  	p1 =	sgt.u32 s22, $0xF9;
	(pc) =	sbr.rel @p2 .LBB2_4-.Ltmp1, $4  }
0x4d: {  	s22 =	simm.s32 @!p1 $0x4000;
	s20 =	simm.s32 @!p1 $0xD  }
0x4e: {  	[spmem:s17] =	stream.linear.scatter @!p1 [tilespmem:s22], [sflag:$0xD], $0x1400, $0x38;
	[tilespmem:$0x1DC80] =	vst v63  }
0x4f: {  	_ =	swait.ge @!p1 [sflag:s20], $0x1400  }
0x50: {  	s17 =	sadd.s32 $0x14000, s17;
	[sflag:s20] =	ssyncset.done @!p1 $0x0  }
0x51: {  	s18 =	sadd.s32 s18, s0  }
0x52: {  	p2 =	sgt.u32 s18, $0xF9  }
0x53: {  	[sflag:s20] =	ssyncadd.s32 @!p1 $0xFFFFEC00;
	s18 =	simm.s32 @!p2 $0x4000;
	s19 =	simm.s32 @!p2 $0xD  }
0x54: {  	[spmem:s17] =	stream.linear.scatter @!p2 [tilespmem:s18], [sflag:$0xD], $0x1400, $0x38;
	[tilespmem:$0x1DC80] =	vst v63  }
0x55: {  	_ =	swait.ge @!p2 [sflag:s19], $0x1400  }
0x56: {  	[sflag:s19] =	ssyncset.done @!p2 $0x0  }
0x57: {  	s1 =	simm.s32 $0xB;
	[sflag:s19] =	ssyncadd.s32 @!p2 $0xFFFFEC00  }
0x58: {  	_ =	swait.ge [sflag:s1], $0xC80  }
0x59: {  	[sflag:s1] =	ssyncset.done $0x0  }
0x5a: {  	s31 =	simm.s32 $0xC;
	[sflag:s1] =	ssyncadd.s32 $0xFFFFF380  }
0x5b: {  	_ =	swait.ge [sflag:s31], $0xC80  }
0x5c: {  	[sflag:s31] =	ssyncset.done $0x0  }
0x5d: {  	[sflag:s31] =	ssyncadd.s32 $0xFFFFF380  }
0x5e: {  	s26 =	simm.s32 $0x0;
	[bflag:$0x0] =	sbarrier.arrive $0xFFFF  }
.LBB2_6:
0x5f: {  	p2 =	seq.s32 s26, $0x0  }
0x60: {  	s17 =	simm.s32 @!p2 $0xB  }
0x61: {  	s22 =	simm.s32 $0x0;
	_ =	swait.ge @!p2 [sflag:s17], $0xC80  }
0x62: {  	s5 =	sshll.u32 s26, $0xD;
	s20 =	sor.u32 s26, s22;
	s1 =	rddreg [dreg:$0x11]  }
0x63: {  	[dreg:$0x1e] =	wrdreg s5;
	[sflag:s17] =	ssyncset.done @!p2 $0x0;
	s18 =	sadd.s32 s5, s1  }
0x64: {  	[sflag:s17] =	ssyncadd.s32 @!p2 $0xFFFFF380;
	s17 =	simm.s32 @!p2 $0xC;
	s18 =	sshrl.u32 s18, $0x3  }
0x65: {  	p1 =	sne.s32 s20, $0x0;
	_ =	swait.ge @!p2 [sflag:s17], $0xC80;
	s19 =	sadd.s32 s24, s18  }
0x66: {  	[sflag:s17] =	ssyncset.done @!p2 $0x0;
	s18 =	sadd.s32 s29, s18;
	[dreg:$0x3] =	wrdreg s19  }
0x67: {  	[sflag:s17] =	ssyncadd.s32 @!p2 $0xFFFFF380;
	[dreg:$0x4] =	wrdreg s18;
	s17 =	simm.s32 @p1 $0x6  }
0x68: {  	_ =	swait.ge @p1 [sflag:s17], $0x1400  }
0x69: {  	s20 =	simm.s32 @p1 $0x28;
	s18 =	simm.s32 @p1 $0x4000;
	[sflag:s17] =	ssyncset.done @p1 $0x0  }
0x6a: {  	s19 =	simm.s32 @p1 $0x7;
	[sflag:s17] =	ssyncadd.s32 @p1 $0xFFFFEC00;
	s17 =	simm.s32 @p1 $0x0  }
0x6b: {  	[tilespmem:s18], [sflag:$0x1] =	stream.indirect.gather @p1 [hbm4b:s4+s20], $0x80, s17, s20, $0xb8;
	[tilespmem:$0x1DC80] =	vst v63  }
0x6c: {  	_ =	swait.ge @p1 [sflag:s19], $0x1400  }
0x6d: {  	s17 =	simm.s32 @p1 $0x80;
	[sflag:s19] =	ssyncset.done @p1 $0x0  }
0x6e: {  	s18 =	simm.s32 @p1 $0x5400;
	[sflag:s19] =	ssyncadd.s32 @p1 $0xFFFFEC00;
	s19 =	simm.s32 @p1 $0x8  }
0x6f: {  	[tilespmem:s18], [sflag:$0x2] =	stream.indirect.gather @p1 [hbm4b:s4+s20], $0x80, s17, s20, $0xb8;
	[tilespmem:$0x1DC80] =	vst v63  }
0x70: {  	_ =	swait.ge @p1 [sflag:s19], $0x1400  }
0x71: {  	s17 =	simm.s32 @p1 $0x100;
	[sflag:s19] =	ssyncset.done @p1 $0x0  }
0x72: {  	s18 =	simm.s32 @p1 $0x6800;
	[sflag:s19] =	ssyncadd.s32 @p1 $0xFFFFEC00;
	s19 =	simm.s32 @p1 $0x9  }
0x73: {  	[tilespmem:s18], [sflag:$0x3] =	stream.indirect.gather @p1 [hbm4b:s4+s20], $0x80, s17, s20, $0xb8;
	[tilespmem:$0x1DC80] =	vst v63  }
0x74: {  	_ =	swait.ge @p1 [sflag:s19], $0x1400  }
0x75: {  	s17 =	simm.s32 @p1 $0x180;
	[sflag:s19] =	ssyncset.done @p1 $0x0  }
0x76: {  	s18 =	simm.s32 @p1 $0x7C00;
	[sflag:s19] =	ssyncadd.s32 @p1 $0xFFFFEC00;
	s19 =	simm.s32 @p1 $0xA  }
0x77: {  	[tilespmem:s18], [sflag:$0x4] =	stream.indirect.gather @p1 [hbm4b:s4+s20], $0x80, s17, s20, $0xb8;
	[tilespmem:$0x1DC80] =	vst v63  }
0x78: {  	_ =	swait.ge @p1 [sflag:s19], $0x1400  }
0x79: {  	s17 =	simm.s32 @!p1 $0x4000;
	[sflag:s19] =	ssyncset.done @p1 $0x0  }
0x7a: {  	s18 =	simm.s32 @!p1 $0x0;
	[sflag:s19] =	ssyncadd.s32 @p1 $0xFFFFEC00;
	s19 =	simm.s32 @!p1 $0x28  }
0x7b: {  	[tilespmem:s17], [sflag:$0x1] =	stream.indirect.gather @!p1 [hbm4b:s4+s19], $0x80, s18, s19, $0xb8;
	[tilespmem:$0x1DC80] =	vst v63  }
0x7c: {  	s17 =	simm.s32 @!p1 $0x80;
	s18 =	simm.s32 @!p1 $0x5400  }
0x7d: {  	[tilespmem:s18], [sflag:$0x2] =	stream.indirect.gather @!p1 [hbm4b:s4+s19], $0x80, s17, s19, $0xb8;
	[tilespmem:$0x1DC80] =	vst v63  }
0x7e: {  	s17 =	simm.s32 @!p1 $0x100;
	s18 =	simm.s32 @!p1 $0x6800  }
0x7f: {  	[tilespmem:s18], [sflag:$0x3] =	stream.indirect.gather @!p1 [hbm4b:s4+s19], $0x80, s17, s19, $0xb8;
	[tilespmem:$0x1DC80] =	vst v63  }
0x80: {  	s17 =	simm.s32 @!p1 $0x180;
	s18 =	simm.s32 @!p1 $0x7C00  }
0x81: {  	[tilespmem:s18], [sflag:$0x4] =	stream.indirect.gather @!p1 [hbm4b:s4+s19], $0x80, s17, s19, $0xb8;
	[tilespmem:$0x1DC80] =	vst v63  }
0x82: {  	s24 =	simm.s32 $0x200;
	p2 =	por $0x0, $0x0  }
0x83: {  	[tilespmem:s3], [sflag:$0x5] =	stream.indirect.gather [hbm4b:s4+s30], $0x80, s24, s30, $0xb8;
	[tilespmem:$0x1DC80] =	vst v63  }
0x84: {  	s18 =	rddreg [dreg:$0x3];
	s17 =	simm.s32 @!p2 $0x0;
	s19 =	simm.s32 @!p2 $0x1000  }
0x85: {  	[tilespmem:s19], [sflag:$0xB] =	stream.linear.gather @!p2 [hbm4b:s18+s17], $0xC80, $0x38;
	[tilespmem:$0x1DC80] =	vst v63  }
0x86: {  	s20 =	rddreg [dreg:$0x4];
	s18 =	simm.s32 @!p2 $0x3000  }
0x87: {  	[tilespmem:s18], [sflag:$0xC] =	stream.linear.gather @!p2 [hbm4b:s20+s17], $0xC80, $0x38;
	[tilespmem:$0x1DC80] =	vst v63  }
0x88: {  	_ =	swait.ge [sflag:s7], $0x1400  }
0x89: {  	[sflag:s7] =	ssyncset.done $0x0  }
0x8a: {  	s29 =	simm.s32 $0x2000;
	[sflag:s7] =	ssyncadd.s32 $0xFFFFEC00  }
0x8b: {  	[spmem:s2] =	stream.indirect.scatter.add.f32 [tilespmem:s8], [sflag:$0x6], $0x80, s29, s30, $0xb8;
	[tilespmem:$0x1DC80] =	vst v63  }
0x8c: {  	s17 =	simm.s32 @p1 $0x80;
	_ =	swait.ge [sflag:s9], $0x1400  }
0x8d: {  	s17 =	simm.s32 @!p1 $0x80;
	[sflag:s9] =	ssyncset.done $0x0  }
0x8e: {  	s17 =	sadd.s32 $0x2000, s17;
	[sflag:s9] =	ssyncadd.s32 $0xFFFFEC00  }
0x8f: {  	[spmem:s2] =	stream.indirect.scatter.add.f32 [tilespmem:s10], [sflag:$0x7], $0x80, s17, s30, $0xb8;
	[tilespmem:$0x1DC80] =	vst v63  }
0x90: {  	s17 =	simm.s32 @p1 $0x100;
	_ =	swait.ge [sflag:s11], $0x1400  }
0x91: {  	s17 =	simm.s32 @!p1 $0x100;
	[sflag:s11] =	ssyncset.done $0x0  }
0x92: {  	s17 =	sadd.s32 $0x2000, s17;
	[sflag:s11] =	ssyncadd.s32 $0xFFFFEC00  }
0x93: {  	[spmem:s2] =	stream.indirect.scatter.add.f32 [tilespmem:s12], [sflag:$0x8], $0x80, s17, s30, $0xb8;
	[tilespmem:$0x1DC80] =	vst v63  }
0x94: {  	s22 =	simm.s32 $0x1400;
	s17 =	simm.s32 $0x180;
	_ =	swait.ge [sflag:s13], $0x1400  }
0x95: {  	s24 =	simm.s32 $0x1;
	s17 =	simm.s32 @!p1 $0x180;
	[sflag:s13] =	ssyncset.done $0x0  }
0x96: {  	s31 =	sor.u32 s26, s24;
	s17 =	sadd.s32 $0x2000, s17;
	[sflag:s13] =	ssyncadd.s32 $0xFFFFEC00  }
0x97: {  	[spmem:s2] =	stream.indirect.scatter.add.f32 [tilespmem:s14], [sflag:$0x9], $0x80, s17, s30, $0xb8;
	[tilespmem:$0x1DC80] =	vst v63  }
0x98: {  	s19 =	simm.s32 $0xA00;
	s20 =	simm.s32 $0x400;
	_ =	swait.ge [sflag:s15], $0x1400  }
0x99: {  	s18 =	simm.s32 $0x2200;
	p1 =	sne.s32 s31, $0x0;
	[sflag:s15] =	ssyncset.done $0x0  }
.LBB2_7:
0x9a: {  	s31 =	simm.s32 @p1 $0x6;
	[sflag:s15] =	ssyncadd.s32 $0xFFFFEC00  }
0x9b: {  	[spmem:s2] =	stream.indirect.scatter.add.f32 [tilespmem:s3], [sflag:$0xA], $0x80, s18, s30, $0xb8;
	[tilespmem:$0x1DC80] =	vst v63  }
0x9c: {  	_ =	swait.ge @p1 [sflag:s31], $0x1400  }
0x9d: {  	s1 =	simm.s32 @p1 $0x7;
	s5 =	simm.s32 @p1 $0x28;
	[sflag:s31] =	ssyncset.done @p1 $0x0  }
0x9e: {  	s18 =	simm.s32 @p1 $0x4000;
	[sflag:s31] =	ssyncadd.s32 @p1 $0xFFFFEC00;
	s31 =	sshra.s32 @p1 s19, $0x2  }
0x9f: {  	[tilespmem:s18], [sflag:$0x1] =	stream.indirect.gather @p1 [hbm4b:s4+s5], $0x80, s31, s5, $0xb8;
	[tilespmem:$0x1DC80] =	vst v63  }
0xa0: {  	_ =	swait.ge @p1 [sflag:s1], $0x1400  }
0xa1: {  	s29 =	simm.s32 @p1 $0x8;
	[sflag:s1] =	ssyncset.done @p1 $0x0  }
0xa2: {  	s18 =	sadd.s32 @p1 $0x80, s31;
	[sflag:s1] =	ssyncadd.s32 @p1 $0xFFFFEC00;
	s1 =	simm.s32 @p1 $0x5400  }
0xa3: {  	[tilespmem:s1], [sflag:$0x2] =	stream.indirect.gather @p1 [hbm4b:s4+s5], $0x80, s18, s5, $0xb8;
	[tilespmem:$0x1DC80] =	vst v63  }
0xa4: {  	_ =	swait.ge @p1 [sflag:s29], $0x1400  }
0xa5: {  	s6 =	sadd.s32 @p1 $0x100, s31;
	[sflag:s29] =	ssyncset.done @p1 $0x0  }
0xa6: {  	s1 =	simm.s32 @p1 $0x6800;
	s18 =	simm.s32 @p1 $0x9;
	[sflag:s29] =	ssyncadd.s32 @p1 $0xFFFFEC00  }
0xa7: {  	[tilespmem:s1], [sflag:$0x3] =	stream.indirect.gather @p1 [hbm4b:s4+s5], $0x80, s6, s5, $0xb8;
	[tilespmem:$0x1DC80] =	vst v63  }
0xa8: {  	_ =	swait.ge @p1 [sflag:s18], $0x1400  }
0xa9: {  	s31 =	sadd.s32 @p1 $0x180, s31;
	[sflag:s18] =	ssyncset.done @p1 $0x0  }
0xaa: {  	s1 =	simm.s32 @p1 $0x7C00;
	s6 =	simm.s32 @p1 $0xA;
	[sflag:s18] =	ssyncadd.s32 @p1 $0xFFFFEC00  }
0xab: {  	[tilespmem:s1], [sflag:$0x4] =	stream.indirect.gather @p1 [hbm4b:s4+s5], $0x80, s31, s5, $0xb8;
	[tilespmem:$0x1DC80] =	vst v63  }
0xac: {  	_ =	swait.ge @p1 [sflag:s6], $0x1400  }
0xad: {  	s1 =	simm.s32 @!p1 $0x4000;
	[sflag:s6] =	ssyncset.done @p1 $0x0  }
0xae: {  	s5 =	sshra.s32 @!p1 s19, $0x2;
	[sflag:s6] =	ssyncadd.s32 @p1 $0xFFFFEC00;
	s6 =	simm.s32 @!p1 $0x28  }
0xaf: {  	[tilespmem:s1], [sflag:$0x1] =	stream.indirect.gather @!p1 [hbm4b:s4+s6], $0x80, s5, s6, $0xb8;
	[tilespmem:$0x1DC80] =	vst v63  }
0xb0: {  	s1 =	simm.s32 @!p1 $0x80;
	s5 =	simm.s32 @!p1 $0x5400  }
0xb1: {  	[tilespmem:s5], [sflag:$0x2] =	stream.indirect.gather @!p1 [hbm4b:s4+s6], $0x80, s1, s6, $0xb8;
	[tilespmem:$0x1DC80] =	vst v63  }
0xb2: {  	s1 =	simm.s32 @!p1 $0x100;
	s5 =	simm.s32 @!p1 $0x6800  }
0xb3: {  	[tilespmem:s5], [sflag:$0x3] =	stream.indirect.gather @!p1 [hbm4b:s4+s6], $0x80, s1, s6, $0xb8;
	[tilespmem:$0x1DC80] =	vst v63  }
0xb4: {  	s18 =	sshra.s32 s19, $0x2;
	s1 =	simm.s32 @!p1 $0x180;
	s5 =	simm.s32 @!p1 $0x7C00  }
0xb5: {  	[tilespmem:s5], [sflag:$0x4] =	stream.indirect.gather @!p1 [hbm4b:s4+s6], $0x80, s1, s6, $0xb8;
	[tilespmem:$0x1DC80] =	vst v63  }
0xb6: {  	p3 =	sne.s32 s19, $0x0;
	s6 =	sadd.s32 $0x200, s18  }
0xb7: {  	[tilespmem:s3], [sflag:$0x5] =	stream.indirect.gather [hbm4b:s4+s30], $0x80, s6, s30, $0xb8;
	[tilespmem:$0x1DC80] =	vst v63  }
0xb8: {  	s5 =	rddreg [dreg:$0x3];
	s1 =	simm.s32 @!p3 $0x0;
	s6 =	simm.s32 @!p3 $0x1000  }
0xb9: {  	[tilespmem:s6], [sflag:$0xB] =	stream.linear.gather @!p3 [hbm4b:s5+s1], $0xC80, $0x38;
	[tilespmem:$0x1DC80] =	vst v63  }
0xba: {  	s29 =	rddreg [dreg:$0x4];
	s5 =	simm.s32 @!p3 $0x3000  }
0xbb: {  	[tilespmem:s5], [sflag:$0xC] =	stream.linear.gather @!p3 [hbm4b:s29+s1], $0xC80, $0x38;
	[tilespmem:$0x1DC80] =	vst v63  }
0xbc: {  	_ =	swait.ge [sflag:s7], $0x1400  }
0xbd: {  	[sflag:s7] =	ssyncset.done $0x0  }
0xbe: {  	s29 =	sadd.s32 $0x2000, s18;
	[sflag:s7] =	ssyncadd.s32 $0xFFFFEC00  }
0xbf: {  	[spmem:s2] =	stream.indirect.scatter.add.f32 [tilespmem:s8], [sflag:$0x6], $0x80, s29, s30, $0xb8;
	[tilespmem:$0x1DC80] =	vst v63  }
0xc0: {  	s1 =	sadd.s32 @p1 $0xFFFFFF00, s20;
	_ =	swait.ge [sflag:s9], $0x1400  }
0xc1: {  	s1 =	simm.s32 @!p1 $0x80;
	[sflag:s9] =	ssyncset.done $0x0  }
0xc2: {  	s1 =	sadd.s32 $0x2000, s1;
	[sflag:s9] =	ssyncadd.s32 $0xFFFFEC00  }
0xc3: {  	[spmem:s2] =	stream.indirect.scatter.add.f32 [tilespmem:s10], [sflag:$0x7], $0x80, s1, s30, $0xb8;
	[tilespmem:$0x1DC80] =	vst v63  }
0xc4: {  	s17 =	smov.u32 s22;
	s1 =	sadd.s32 @p1 $0xFFFFFF80, s20;
	_ =	swait.ge [sflag:s11], $0x1400  }
0xc5: {  	s22 =	sadd.s32 $0xA00, s22;
	s1 =	simm.s32 @!p1 $0x100;
	[sflag:s11] =	ssyncset.done $0x0  }
0xc6: {  	s24 =	sadd.s32 $0x1, s24;
	s1 =	sadd.s32 $0x2000, s1;
	[sflag:s11] =	ssyncadd.s32 $0xFFFFEC00  }
0xc7: {  	[spmem:s2] =	stream.indirect.scatter.add.f32 [tilespmem:s12], [sflag:$0x8], $0x80, s1, s30, $0xb8;
	[tilespmem:$0x1DC80] =	vst v63  }
0xc8: {  	p2 =	sne.s32 s22, $0x3200;
	s1 =	smov.u32 s20;
	_ =	swait.ge [sflag:s13], $0x1400  }
.Ltmp2:
0xc9: {  	s1 =	simm.s32 @!p1 $0x180;
	[sflag:s13] =	ssyncset.done $0x0;
	(pc) =	sbr.rel @p2 .LBB2_7-.Ltmp2, $4  }
0xca: {  	s19 =	smov.u32 s17;
	s1 =	sadd.s32 $0x2000, s1;
	[sflag:s13] =	ssyncadd.s32 $0xFFFFEC00  }
0xcb: {  	[spmem:s2] =	stream.indirect.scatter.add.f32 [tilespmem:s14], [sflag:$0x9], $0x80, s1, s30, $0xb8;
	[tilespmem:$0x1DC80] =	vst v63  }
0xcc: {  	s31 =	sor.u32 s26, s24;
	s18 =	sadd.s32 $0x2200, s18;
	_ =	swait.ge [sflag:s15], $0x1400  }
0xcd: {  	s20 =	sadd.s32 $0x280, s20;
	p1 =	sne.s32 s31, $0x0;
	[sflag:s15] =	ssyncset.done $0x0  }
0xce: {  	s1 =	simm.s32 @p1 $0x6;
	[sflag:s15] =	ssyncadd.s32 $0xFFFFEC00  }
0xcf: {  	[spmem:s2] =	stream.indirect.scatter.add.f32 [tilespmem:s3], [sflag:$0xA], $0x80, s18, s30, $0xb8;
	[tilespmem:$0x1DC80] =	vst v63  }
0xd0: {  	_ =	swait.ge @p1 [sflag:s1], $0x1400  }
0xd1: {  	s5 =	simm.s32 @p1 $0x4000;
	s6 =	simm.s32 @p1 $0x7;
	[sflag:s1] =	ssyncset.done @p1 $0x0  }
0xd2: {  	s17 =	simm.s32 @p1 $0x28;
	[sflag:s1] =	ssyncadd.s32 @p1 $0xFFFFEC00;
	s1 =	sshra.s32 @p1 s19, $0x2  }
0xd3: {  	[tilespmem:s5], [sflag:$0x1] =	stream.indirect.gather @p1 [hbm4b:s4+s17], $0x80, s1, s17, $0xb8;
	[tilespmem:$0x1DC80] =	vst v63  }
0xd4: {  	_ =	swait.ge @p1 [sflag:s6], $0x1400  }
0xd5: {  	[sflag:s6] =	ssyncset.done @p1 $0x0  }
0xd6: {  	s5 =	sadd.s32 @p1 $0x80, s1;
	[sflag:s6] =	ssyncadd.s32 @p1 $0xFFFFEC00;
	s6 =	simm.s32 @p1 $0x5400  }
0xd7: {  	[tilespmem:s6], [sflag:$0x2] =	stream.indirect.gather @p1 [hbm4b:s4+s17], $0x80, s5, s17, $0xb8;
	[tilespmem:$0x1DC80] =	vst v63  }
0xd8: {  	s5 =	simm.s32 @p1 $0x8  }
0xd9: {  	_ =	swait.ge @p1 [sflag:s5], $0x1400  }
0xda: {  	[sflag:s5] =	ssyncset.done @p1 $0x0  }
0xdb: {  	s6 =	sadd.s32 @p1 $0x100, s1;
	[sflag:s5] =	ssyncadd.s32 @p1 $0xFFFFEC00;
	s5 =	simm.s32 @p1 $0x6800  }
0xdc: {  	[tilespmem:s5], [sflag:$0x3] =	stream.indirect.gather @p1 [hbm4b:s4+s17], $0x80, s6, s17, $0xb8;
	[tilespmem:$0x1DC80] =	vst v63  }
0xdd: {  	s5 =	simm.s32 @p1 $0x9  }
0xde: {  	_ =	swait.ge @p1 [sflag:s5], $0x1400  }
0xdf: {  	s1 =	sadd.s32 @p1 $0x180, s1;
	[sflag:s5] =	ssyncset.done @p1 $0x0  }
0xe0: {  	s6 =	simm.s32 @p1 $0xA;
	[sflag:s5] =	ssyncadd.s32 @p1 $0xFFFFEC00;
	s5 =	simm.s32 @p1 $0x7C00  }
0xe1: {  	[tilespmem:s5], [sflag:$0x4] =	stream.indirect.gather @p1 [hbm4b:s4+s17], $0x80, s1, s17, $0xb8;
	[tilespmem:$0x1DC80] =	vst v63  }
0xe2: {  	_ =	swait.ge @p1 [sflag:s6], $0x1400  }
0xe3: {  	s1 =	simm.s32 @!p1 $0x4000;
	[sflag:s6] =	ssyncset.done @p1 $0x0  }
0xe4: {  	s5 =	sshra.s32 @!p1 s19, $0x2;
	[sflag:s6] =	ssyncadd.s32 @p1 $0xFFFFEC00;
	s6 =	simm.s32 @!p1 $0x28  }
0xe5: {  	[tilespmem:s1], [sflag:$0x1] =	stream.indirect.gather @!p1 [hbm4b:s4+s6], $0x80, s5, s6, $0xb8;
	[tilespmem:$0x1DC80] =	vst v63  }
0xe6: {  	s1 =	simm.s32 @!p1 $0x80;
	s5 =	simm.s32 @!p1 $0x5400  }
0xe7: {  	[tilespmem:s5], [sflag:$0x2] =	stream.indirect.gather @!p1 [hbm4b:s4+s6], $0x80, s1, s6, $0xb8;
	[tilespmem:$0x1DC80] =	vst v63  }
0xe8: {  	s1 =	simm.s32 @!p1 $0x100;
	s5 =	simm.s32 @!p1 $0x6800  }
0xe9: {  	[tilespmem:s5], [sflag:$0x3] =	stream.indirect.gather @!p1 [hbm4b:s4+s6], $0x80, s1, s6, $0xb8;
	[tilespmem:$0x1DC80] =	vst v63  }
0xea: {  	s24 =	sshra.s32 s19, $0x2;
	s1 =	simm.s32 @!p1 $0x180;
	s5 =	simm.s32 @!p1 $0x7C00  }
0xeb: {  	[tilespmem:s5], [sflag:$0x4] =	stream.indirect.gather @!p1 [hbm4b:s4+s6], $0x80, s1, s6, $0xb8;
	[tilespmem:$0x1DC80] =	vst v63  }
0xec: {  	p2 =	sne.s32 s19, $0x0;
	s31 =	sadd.s32 $0x200, s24  }
0xed: {  	[tilespmem:s3], [sflag:$0x5] =	stream.indirect.gather [hbm4b:s4+s30], $0x80, s31, s30, $0xb8;
	[tilespmem:$0x1DC80] =	vst v63  }
0xee: {  	s5 =	rddreg [dreg:$0x3];
	s1 =	simm.s32 @!p2 $0x0;
	s6 =	simm.s32 @!p2 $0x1000  }
0xef: {  	[tilespmem:s6], [sflag:$0xB] =	stream.linear.gather @!p2 [hbm4b:s5+s1], $0xC80, $0x38;
	[tilespmem:$0x1DC80] =	vst v63  }
0xf0: {  	s18 =	rddreg [dreg:$0x4];
	s5 =	simm.s32 @!p2 $0x3000  }
0xf1: {  	[tilespmem:s5], [sflag:$0xC] =	stream.linear.gather @!p2 [hbm4b:s18+s1], $0xC80, $0x38;
	[tilespmem:$0x1DC80] =	vst v63  }
0xf2: {  	_ =	swait.ge [sflag:s7], $0x1400  }
0xf3: {  	[sflag:s7] =	ssyncset.done $0x0  }
0xf4: {  	s6 =	sadd.s32 $0x2000, s24;
	[sflag:s7] =	ssyncadd.s32 $0xFFFFEC00  }
0xf5: {  	[spmem:s2] =	stream.indirect.scatter.add.f32 [tilespmem:s8], [sflag:$0x6], $0x80, s6, s30, $0xb8;
	[tilespmem:$0x1DC80] =	vst v63  }
0xf6: {  	s1 =	sadd.s32 @p1 $0xFFFFFF00, s20;
	_ =	swait.ge [sflag:s9], $0x1400  }
0xf7: {  	s1 =	simm.s32 @!p1 $0x80;
	[sflag:s9] =	ssyncset.done $0x0  }
0xf8: {  	s1 =	sadd.s32 $0x2000, s1;
	[sflag:s9] =	ssyncadd.s32 $0xFFFFEC00  }
0xf9: {  	[spmem:s2] =	stream.indirect.scatter.add.f32 [tilespmem:s10], [sflag:$0x7], $0x80, s1, s30, $0xb8;
	[tilespmem:$0x1DC80] =	vst v63  }
0xfa: {  	s1 =	sadd.s32 @p1 $0xFFFFFF80, s20;
	_ =	swait.ge [sflag:s11], $0x1400  }
0xfb: {  	s1 =	simm.s32 @!p1 $0x100;
	[sflag:s11] =	ssyncset.done $0x0  }
0xfc: {  	s1 =	sadd.s32 $0x2000, s1;
	[sflag:s11] =	ssyncadd.s32 $0xFFFFEC00  }
0xfd: {  	[spmem:s2] =	stream.indirect.scatter.add.f32 [tilespmem:s12], [sflag:$0x8], $0x80, s1, s30, $0xb8;
	[tilespmem:$0x1DC80] =	vst v63  }
0xfe: {  	_ =	swait.ge [sflag:s13], $0x1400  }
0xff: {  	s20 =	simm.s32 @!p1 $0x180;
	[sflag:s13] =	ssyncset.done $0x0  }
0x100: {  	s18 =	sadd.s32 $0x2000, s20;
	[sflag:s13] =	ssyncadd.s32 $0xFFFFEC00  }
0x101: {  	[spmem:s2] =	stream.indirect.scatter.add.f32 [tilespmem:s14], [sflag:$0x9], $0x80, s18, s30, $0xb8;
	[tilespmem:$0x1DC80] =	vst v63  }
0x102: {  	_ =	swait.ge [sflag:s15], $0x1400  }
0x103: {  	[sflag:s15] =	ssyncset.done $0x0  }
0x104: {  	s19 =	sadd.s32 $0x2200, s24;
	s20 =	simm.s32 $0xB;
	[sflag:s15] =	ssyncadd.s32 $0xFFFFEC00  }
0x105: {  	[spmem:s2] =	stream.indirect.scatter.add.f32 [tilespmem:s3], [sflag:$0xA], $0x80, s19, s30, $0xb8;
	[tilespmem:$0x1DC80] =	vst v63  }
0x106: {  	_ =	swait.ge [sflag:s20], $0xC80  }
0x107: {  	[sflag:s20] =	ssyncset.done $0x0  }
0x108: {  	s22 =	simm.s32 $0xC;
	[sflag:s20] =	ssyncadd.s32 $0xFFFFF380  }
0x109: {  	_ =	swait.ge [sflag:s22], $0xC80  }
0x10a: {  	[sflag:s22] =	ssyncset.done $0x0  }
0x10b: {  	[sflag:s22] =	ssyncadd.s32 $0xFFFFF380  }
0x10c: {  	_ =	swait.ge [sflag:s16], $0x1400  }
0x10d: {  	[sflag:s16] =	ssyncset.done $0x0  }
0x10e: {  	s24 =	simm.s32 $0x1000;
	[sflag:s16] =	ssyncadd.s32 $0xFFFFEC00  }
0x10f: {  	[tilespmem:s8], [sflag:$0x1] =	stream.indirect.gather [hbm4b:s4+s30], $0x80, s24, s30, $0xb8;
	[tilespmem:$0x1DC80] =	vst v63  }
0x110: {  	_ =	swait.ge [sflag:s21], $0x1400  }
0x111: {  	[sflag:s21] =	ssyncset.done $0x0  }
0x112: {  	s31 =	simm.s32 $0x1080;
	[sflag:s21] =	ssyncadd.s32 $0xFFFFEC00  }
0x113: {  	[tilespmem:s10], [sflag:$0x2] =	stream.indirect.gather [hbm4b:s4+s30], $0x80, s31, s30, $0xb8;
	[tilespmem:$0x1DC80] =	vst v63  }
0x114: {  	_ =	swait.ge [sflag:s23], $0x1400  }
0x115: {  	[sflag:s23] =	ssyncset.done $0x0  }
0x116: {  	s5 =	simm.s32 $0x1100;
	[sflag:s23] =	ssyncadd.s32 $0xFFFFEC00  }
0x117: {  	[tilespmem:s12], [sflag:$0x3] =	stream.indirect.gather [hbm4b:s4+s30], $0x80, s5, s30, $0xb8;
	[tilespmem:$0x1DC80] =	vst v63  }
0x118: {  	_ =	swait.ge [sflag:s25], $0x1400  }
0x119: {  	[sflag:s25] =	ssyncset.done $0x0  }
0x11a: {  	s6 =	simm.s32 $0x1180;
	[sflag:s25] =	ssyncadd.s32 $0xFFFFEC00  }
0x11b: {  	[tilespmem:s14], [sflag:$0x4] =	stream.indirect.gather [hbm4b:s4+s30], $0x80, s6, s30, $0xb8;
	[tilespmem:$0x1DC80] =	vst v63  }
0x11c: {  	_ =	swait.ge [sflag:s28], $0x1400  }
0x11d: {  	s1 =	rddreg [dreg:$0x12]  }
0x11e: {  	p1 =	seq.s32 s26, $0x4;
	[sflag:s28] =	ssyncset.done $0x0;
	s5 =	rddreg [dreg:$0x1e]  }
0x11f: {  	s17 =	simm.s32 $0x1200;
	[sflag:s28] =	ssyncadd.s32 $0xFFFFEC00;
	s1 =	sadd.s32 @!p1 s5, s1  }
0x120: {  	[tilespmem:s3], [sflag:$0x5] =	stream.indirect.gather [hbm4b:s4+s30], $0x80, s17, s30, $0xb8;
	[tilespmem:$0x1DC80] =	vst v63  }
0x121: {  	s24 =	rddreg [dreg:$0x5];
	s1 =	sshrl.u32 @!p1 s1, $0x3  }
0x122: {  	s6 =	simm.s32 @!p1 $0x0;
	s29 =	rddreg [dreg:$0x6];
	s5 =	sadd.s32 @!p1 s24, s1  }
0x123: {  	[tilespmem:s6], [sflag:$0xB] =	stream.linear.gather @!p1 [hbm4b:s5+s6], $0xC80, $0x38;
	[tilespmem:$0x1DC80] =	vst v63  }
0x124: {  	s1 =	sadd.s32 @!p1 s29, s1;
	s5 =	simm.s32 @!p1 $0x2000  }
0x125: {  	[tilespmem:s5], [sflag:$0xC] =	stream.linear.gather @!p1 [hbm4b:s1+s6], $0xC80, $0x38;
	[tilespmem:$0x1DC80] =	vst v63  }
0x126: {  	_ =	swait.ge [sflag:s7], $0x1400  }
0x127: {  	[sflag:s7] =	ssyncset.done $0x0  }
0x128: {  	s18 =	simm.s32 $0x3000;
	[sflag:s7] =	ssyncadd.s32 $0xFFFFEC00  }
0x129: {  	[spmem:s2] =	stream.indirect.scatter.add.f32 [tilespmem:s8], [sflag:$0x6], $0x80, s18, s30, $0xb8;
	[tilespmem:$0x1DC80] =	vst v63  }
0x12a: {  	_ =	swait.ge [sflag:s9], $0x1400  }
0x12b: {  	[sflag:s9] =	ssyncset.done $0x0  }
0x12c: {  	s19 =	simm.s32 $0x3080;
	[sflag:s9] =	ssyncadd.s32 $0xFFFFEC00  }
0x12d: {  	[spmem:s2] =	stream.indirect.scatter.add.f32 [tilespmem:s10], [sflag:$0x7], $0x80, s19, s30, $0xb8;
	[tilespmem:$0x1DC80] =	vst v63  }
0x12e: {  	_ =	swait.ge [sflag:s11], $0x1400  }
0x12f: {  	[sflag:s11] =	ssyncset.done $0x0  }
0x130: {  	s20 =	simm.s32 $0x3100;
	[sflag:s11] =	ssyncadd.s32 $0xFFFFEC00  }
0x131: {  	[spmem:s2] =	stream.indirect.scatter.add.f32 [tilespmem:s12], [sflag:$0x8], $0x80, s20, s30, $0xb8;
	[tilespmem:$0x1DC80] =	vst v63  }
0x132: {  	_ =	swait.ge [sflag:s13], $0x1400  }
0x133: {  	[sflag:s13] =	ssyncset.done $0x0  }
0x134: {  	s22 =	simm.s32 $0x3180;
	[sflag:s13] =	ssyncadd.s32 $0xFFFFEC00  }
0x135: {  	[spmem:s2] =	stream.indirect.scatter.add.f32 [tilespmem:s14], [sflag:$0x9], $0x80, s22, s30, $0xb8;
	[tilespmem:$0x1DC80] =	vst v63  }
0x136: {  	_ =	swait.ge [sflag:s15], $0x1400  }
0x137: {  	[sflag:s15] =	ssyncset.done $0x0  }
0x138: {  	s31 =	simm.s32 $0x3200;
	[sflag:s15] =	ssyncadd.s32 $0xFFFFEC00  }
0x139: {  	[spmem:s2] =	stream.indirect.scatter.add.f32 [tilespmem:s3], [sflag:$0xA], $0x80, s31, s30, $0xb8;
	[tilespmem:$0x1DC80] =	vst v63  }
0x13a: {  	_ =	swait.ge [sflag:s16], $0x1400  }
0x13b: {  	[sflag:s16] =	ssyncset.done $0x0  }
0x13c: {  	s5 =	simm.s32 $0x1280;
	[sflag:s16] =	ssyncadd.s32 $0xFFFFEC00  }
0x13d: {  	[tilespmem:s8], [sflag:$0x1] =	stream.indirect.gather [hbm4b:s4+s30], $0x80, s5, s30, $0xb8;
	[tilespmem:$0x1DC80] =	vst v63  }
0x13e: {  	_ =	swait.ge [sflag:s21], $0x1400  }
0x13f: {  	[sflag:s21] =	ssyncset.done $0x0  }
0x140: {  	s6 =	simm.s32 $0x1300;
	[sflag:s21] =	ssyncadd.s32 $0xFFFFEC00  }
0x141: {  	[tilespmem:s10], [sflag:$0x2] =	stream.indirect.gather [hbm4b:s4+s30], $0x80, s6, s30, $0xb8;
	[tilespmem:$0x1DC80] =	vst v63  }
0x142: {  	_ =	swait.ge [sflag:s23], $0x1400  }
0x143: {  	[sflag:s23] =	ssyncset.done $0x0  }
0x144: {  	s17 =	simm.s32 $0x1380;
	[sflag:s23] =	ssyncadd.s32 $0xFFFFEC00  }
0x145: {  	[tilespmem:s12], [sflag:$0x3] =	stream.indirect.gather [hbm4b:s4+s30], $0x80, s17, s30, $0xb8;
	[tilespmem:$0x1DC80] =	vst v63  }
0x146: {  	_ =	swait.ge [sflag:s25], $0x1400  }
0x147: {  	[sflag:s25] =	ssyncset.done $0x0  }
0x148: {  	s18 =	simm.s32 $0x1400;
	[sflag:s25] =	ssyncadd.s32 $0xFFFFEC00  }
0x149: {  	[tilespmem:s14], [sflag:$0x4] =	stream.indirect.gather [hbm4b:s4+s30], $0x80, s18, s30, $0xb8;
	[tilespmem:$0x1DC80] =	vst v63  }
0x14a: {  	_ =	swait.ge [sflag:s28], $0x1400  }
0x14b: {  	[sflag:s28] =	ssyncset.done $0x0  }
0x14c: {  	s19 =	simm.s32 $0x1480;
	[sflag:s28] =	ssyncadd.s32 $0xFFFFEC00  }
0x14d: {  	[tilespmem:s3], [sflag:$0x5] =	stream.indirect.gather [hbm4b:s4+s30], $0x80, s19, s30, $0xb8;
	[tilespmem:$0x1DC80] =	vst v63  }
0x14e: {  	_ =	swait.ge [sflag:s7], $0x1400  }
0x14f: {  	[sflag:s7] =	ssyncset.done $0x0  }
0x150: {  	s20 =	simm.s32 $0x3280;
	[sflag:s7] =	ssyncadd.s32 $0xFFFFEC00  }
0x151: {  	[spmem:s2] =	stream.indirect.scatter.add.f32 [tilespmem:s8], [sflag:$0x6], $0x80, s20, s30, $0xb8;
	[tilespmem:$0x1DC80] =	vst v63  }
0x152: {  	_ =	swait.ge [sflag:s9], $0x1400  }
0x153: {  	[sflag:s9] =	ssyncset.done $0x0  }
0x154: {  	s22 =	simm.s32 $0x3300;
	[sflag:s9] =	ssyncadd.s32 $0xFFFFEC00  }
0x155: {  	[spmem:s2] =	stream.indirect.scatter.add.f32 [tilespmem:s10], [sflag:$0x7], $0x80, s22, s30, $0xb8;
	[tilespmem:$0x1DC80] =	vst v63  }
0x156: {  	_ =	swait.ge [sflag:s11], $0x1400  }
0x157: {  	[sflag:s11] =	ssyncset.done $0x0  }
0x158: {  	s31 =	simm.s32 $0x3380;
	[sflag:s11] =	ssyncadd.s32 $0xFFFFEC00  }
0x159: {  	[spmem:s2] =	stream.indirect.scatter.add.f32 [tilespmem:s12], [sflag:$0x8], $0x80, s31, s30, $0xb8;
	[tilespmem:$0x1DC80] =	vst v63  }
0x15a: {  	_ =	swait.ge [sflag:s13], $0x1400  }
0x15b: {  	[sflag:s13] =	ssyncset.done $0x0  }
0x15c: {  	s5 =	simm.s32 $0x3400;
	[sflag:s13] =	ssyncadd.s32 $0xFFFFEC00  }
0x15d: {  	[spmem:s2] =	stream.indirect.scatter.add.f32 [tilespmem:s14], [sflag:$0x9], $0x80, s5, s30, $0xb8;
	[tilespmem:$0x1DC80] =	vst v63  }
0x15e: {  	_ =	swait.ge [sflag:s15], $0x1400  }
0x15f: {  	[sflag:s15] =	ssyncset.done $0x0  }
0x160: {  	s6 =	simm.s32 $0x3480;
	[sflag:s15] =	ssyncadd.s32 $0xFFFFEC00  }
0x161: {  	[spmem:s2] =	stream.indirect.scatter.add.f32 [tilespmem:s3], [sflag:$0xA], $0x80, s6, s30, $0xb8;
	[tilespmem:$0x1DC80] =	vst v63  }
0x162: {  	_ =	swait.ge [sflag:s16], $0x1400  }
0x163: {  	[sflag:s16] =	ssyncset.done $0x0  }
0x164: {  	s17 =	simm.s32 $0x1500;
	[sflag:s16] =	ssyncadd.s32 $0xFFFFEC00  }
0x165: {  	[tilespmem:s8], [sflag:$0x1] =	stream.indirect.gather [hbm4b:s4+s30], $0x80, s17, s30, $0xb8;
	[tilespmem:$0x1DC80] =	vst v63  }
0x166: {  	_ =	swait.ge [sflag:s21], $0x1400  }
0x167: {  	[sflag:s21] =	ssyncset.done $0x0  }
0x168: {  	s18 =	simm.s32 $0x1580;
	[sflag:s21] =	ssyncadd.s32 $0xFFFFEC00  }
0x169: {  	[tilespmem:s10], [sflag:$0x2] =	stream.indirect.gather [hbm4b:s4+s30], $0x80, s18, s30, $0xb8;
	[tilespmem:$0x1DC80] =	vst v63  }
0x16a: {  	_ =	swait.ge [sflag:s23], $0x1400  }
0x16b: {  	[sflag:s23] =	ssyncset.done $0x0  }
0x16c: {  	s19 =	simm.s32 $0x1600;
	[sflag:s23] =	ssyncadd.s32 $0xFFFFEC00  }
0x16d: {  	[tilespmem:s12], [sflag:$0x3] =	stream.indirect.gather [hbm4b:s4+s30], $0x80, s19, s30, $0xb8;
	[tilespmem:$0x1DC80] =	vst v63  }
0x16e: {  	_ =	swait.ge [sflag:s25], $0x1400  }
0x16f: {  	[sflag:s25] =	ssyncset.done $0x0  }
0x170: {  	s20 =	simm.s32 $0x1680;
	[sflag:s25] =	ssyncadd.s32 $0xFFFFEC00  }
0x171: {  	[tilespmem:s14], [sflag:$0x4] =	stream.indirect.gather [hbm4b:s4+s30], $0x80, s20, s30, $0xb8;
	[tilespmem:$0x1DC80] =	vst v63  }
0x172: {  	_ =	swait.ge [sflag:s28], $0x1400  }
0x173: {  	[sflag:s28] =	ssyncset.done $0x0  }
0x174: {  	s22 =	simm.s32 $0x1700;
	[sflag:s28] =	ssyncadd.s32 $0xFFFFEC00  }
0x175: {  	[tilespmem:s3], [sflag:$0x5] =	stream.indirect.gather [hbm4b:s4+s30], $0x80, s22, s30, $0xb8;
	[tilespmem:$0x1DC80] =	vst v63  }
0x176: {  	_ =	swait.ge [sflag:s7], $0x1400  }
0x177: {  	[sflag:s7] =	ssyncset.done $0x0  }
0x178: {  	s31 =	simm.s32 $0x3500;
	[sflag:s7] =	ssyncadd.s32 $0xFFFFEC00  }
0x179: {  	[spmem:s2] =	stream.indirect.scatter.add.f32 [tilespmem:s8], [sflag:$0x6], $0x80, s31, s30, $0xb8;
	[tilespmem:$0x1DC80] =	vst v63  }
0x17a: {  	_ =	swait.ge [sflag:s9], $0x1400  }
0x17b: {  	[sflag:s9] =	ssyncset.done $0x0  }
0x17c: {  	s5 =	simm.s32 $0x3580;
	[sflag:s9] =	ssyncadd.s32 $0xFFFFEC00  }
0x17d: {  	[spmem:s2] =	stream.indirect.scatter.add.f32 [tilespmem:s10], [sflag:$0x7], $0x80, s5, s30, $0xb8;
	[tilespmem:$0x1DC80] =	vst v63  }
0x17e: {  	_ =	swait.ge [sflag:s11], $0x1400  }
0x17f: {  	[sflag:s11] =	ssyncset.done $0x0  }
0x180: {  	s6 =	simm.s32 $0x3600;
	[sflag:s11] =	ssyncadd.s32 $0xFFFFEC00  }
0x181: {  	[spmem:s2] =	stream.indirect.scatter.add.f32 [tilespmem:s12], [sflag:$0x8], $0x80, s6, s30, $0xb8;
	[tilespmem:$0x1DC80] =	vst v63  }
0x182: {  	_ =	swait.ge [sflag:s13], $0x1400  }
0x183: {  	[sflag:s13] =	ssyncset.done $0x0  }
0x184: {  	s17 =	simm.s32 $0x3680;
	[sflag:s13] =	ssyncadd.s32 $0xFFFFEC00  }
0x185: {  	[spmem:s2] =	stream.indirect.scatter.add.f32 [tilespmem:s14], [sflag:$0x9], $0x80, s17, s30, $0xb8;
	[tilespmem:$0x1DC80] =	vst v63  }
0x186: {  	_ =	swait.ge [sflag:s15], $0x1400  }
0x187: {  	[sflag:s15] =	ssyncset.done $0x0  }
0x188: {  	s18 =	simm.s32 $0x3700;
	[sflag:s15] =	ssyncadd.s32 $0xFFFFEC00  }
0x189: {  	[spmem:s2] =	stream.indirect.scatter.add.f32 [tilespmem:s3], [sflag:$0xA], $0x80, s18, s30, $0xb8;
	[tilespmem:$0x1DC80] =	vst v63  }
0x18a: {  	_ =	swait.ge [sflag:s16], $0x1400  }
0x18b: {  	[sflag:s16] =	ssyncset.done $0x0  }
0x18c: {  	s19 =	simm.s32 $0x1780;
	[sflag:s16] =	ssyncadd.s32 $0xFFFFEC00  }
0x18d: {  	[tilespmem:s8], [sflag:$0x1] =	stream.indirect.gather [hbm4b:s4+s30], $0x80, s19, s30, $0xb8;
	[tilespmem:$0x1DC80] =	vst v63  }
0x18e: {  	_ =	swait.ge [sflag:s21], $0x1400  }
0x18f: {  	[sflag:s21] =	ssyncset.done $0x0  }
0x190: {  	s20 =	simm.s32 $0x1800;
	[sflag:s21] =	ssyncadd.s32 $0xFFFFEC00  }
0x191: {  	[tilespmem:s10], [sflag:$0x2] =	stream.indirect.gather [hbm4b:s4+s30], $0x80, s20, s30, $0xb8;
	[tilespmem:$0x1DC80] =	vst v63  }
0x192: {  	_ =	swait.ge [sflag:s23], $0x1400  }
0x193: {  	[sflag:s23] =	ssyncset.done $0x0  }
0x194: {  	s22 =	simm.s32 $0x1880;
	[sflag:s23] =	ssyncadd.s32 $0xFFFFEC00  }
0x195: {  	[tilespmem:s12], [sflag:$0x3] =	stream.indirect.gather [hbm4b:s4+s30], $0x80, s22, s30, $0xb8;
	[tilespmem:$0x1DC80] =	vst v63  }
0x196: {  	_ =	swait.ge [sflag:s25], $0x1400  }
0x197: {  	[sflag:s25] =	ssyncset.done $0x0  }
0x198: {  	s31 =	simm.s32 $0x1900;
	[sflag:s25] =	ssyncadd.s32 $0xFFFFEC00  }
0x199: {  	[tilespmem:s14], [sflag:$0x4] =	stream.indirect.gather [hbm4b:s4+s30], $0x80, s31, s30, $0xb8;
	[tilespmem:$0x1DC80] =	vst v63  }
0x19a: {  	_ =	swait.ge [sflag:s28], $0x1400  }
0x19b: {  	[sflag:s28] =	ssyncset.done $0x0  }
0x19c: {  	s5 =	simm.s32 $0x1980;
	[sflag:s28] =	ssyncadd.s32 $0xFFFFEC00  }
0x19d: {  	[tilespmem:s3], [sflag:$0x5] =	stream.indirect.gather [hbm4b:s4+s30], $0x80, s5, s30, $0xb8;
	[tilespmem:$0x1DC80] =	vst v63  }
0x19e: {  	_ =	swait.ge [sflag:s7], $0x1400  }
0x19f: {  	[sflag:s7] =	ssyncset.done $0x0  }
0x1a0: {  	s6 =	simm.s32 $0x3780;
	[sflag:s7] =	ssyncadd.s32 $0xFFFFEC00  }
0x1a1: {  	[spmem:s2] =	stream.indirect.scatter.add.f32 [tilespmem:s8], [sflag:$0x6], $0x80, s6, s30, $0xb8;
	[tilespmem:$0x1DC80] =	vst v63  }
0x1a2: {  	_ =	swait.ge [sflag:s9], $0x1400  }
0x1a3: {  	[sflag:s9] =	ssyncset.done $0x0  }
0x1a4: {  	s17 =	simm.s32 $0x3800;
	[sflag:s9] =	ssyncadd.s32 $0xFFFFEC00  }
0x1a5: {  	[spmem:s2] =	stream.indirect.scatter.add.f32 [tilespmem:s10], [sflag:$0x7], $0x80, s17, s30, $0xb8;
	[tilespmem:$0x1DC80] =	vst v63  }
0x1a6: {  	_ =	swait.ge [sflag:s11], $0x1400  }
0x1a7: {  	[sflag:s11] =	ssyncset.done $0x0  }
0x1a8: {  	s18 =	simm.s32 $0x3880;
	[sflag:s11] =	ssyncadd.s32 $0xFFFFEC00  }
0x1a9: {  	[spmem:s2] =	stream.indirect.scatter.add.f32 [tilespmem:s12], [sflag:$0x8], $0x80, s18, s30, $0xb8;
	[tilespmem:$0x1DC80] =	vst v63  }
0x1aa: {  	_ =	swait.ge [sflag:s13], $0x1400  }
0x1ab: {  	[sflag:s13] =	ssyncset.done $0x0  }
0x1ac: {  	s19 =	simm.s32 $0x3900;
	[sflag:s13] =	ssyncadd.s32 $0xFFFFEC00  }
0x1ad: {  	[spmem:s2] =	stream.indirect.scatter.add.f32 [tilespmem:s14], [sflag:$0x9], $0x80, s19, s30, $0xb8;
	[tilespmem:$0x1DC80] =	vst v63  }
0x1ae: {  	_ =	swait.ge [sflag:s15], $0x1400  }
0x1af: {  	[sflag:s15] =	ssyncset.done $0x0  }
0x1b0: {  	s20 =	simm.s32 $0x3980;
	[sflag:s15] =	ssyncadd.s32 $0xFFFFEC00  }
0x1b1: {  	[spmem:s2] =	stream.indirect.scatter.add.f32 [tilespmem:s3], [sflag:$0xA], $0x80, s20, s30, $0xb8;
	[tilespmem:$0x1DC80] =	vst v63  }
0x1b2: {  	_ =	swait.ge [sflag:s16], $0x1400  }
0x1b3: {  	[sflag:s16] =	ssyncset.done $0x0  }
0x1b4: {  	s22 =	simm.s32 $0x1A00;
	[sflag:s16] =	ssyncadd.s32 $0xFFFFEC00  }
0x1b5: {  	[tilespmem:s8], [sflag:$0x1] =	stream.indirect.gather [hbm4b:s4+s30], $0x80, s22, s30, $0xb8;
	[tilespmem:$0x1DC80] =	vst v63  }
0x1b6: {  	_ =	swait.ge [sflag:s21], $0x1400  }
0x1b7: {  	[sflag:s21] =	ssyncset.done $0x0  }
0x1b8: {  	s31 =	simm.s32 $0x1A80;
	[sflag:s21] =	ssyncadd.s32 $0xFFFFEC00  }
0x1b9: {  	[tilespmem:s10], [sflag:$0x2] =	stream.indirect.gather [hbm4b:s4+s30], $0x80, s31, s30, $0xb8;
	[tilespmem:$0x1DC80] =	vst v63  }
0x1ba: {  	_ =	swait.ge [sflag:s23], $0x1400  }
0x1bb: {  	[sflag:s23] =	ssyncset.done $0x0  }
0x1bc: {  	s5 =	simm.s32 $0x1B00;
	[sflag:s23] =	ssyncadd.s32 $0xFFFFEC00  }
0x1bd: {  	[tilespmem:s12], [sflag:$0x3] =	stream.indirect.gather [hbm4b:s4+s30], $0x80, s5, s30, $0xb8;
	[tilespmem:$0x1DC80] =	vst v63  }
0x1be: {  	_ =	swait.ge [sflag:s25], $0x1400  }
0x1bf: {  	[sflag:s25] =	ssyncset.done $0x0  }
0x1c0: {  	s6 =	simm.s32 $0x1B80;
	[sflag:s25] =	ssyncadd.s32 $0xFFFFEC00  }
0x1c1: {  	[tilespmem:s14], [sflag:$0x4] =	stream.indirect.gather [hbm4b:s4+s30], $0x80, s6, s30, $0xb8;
	[tilespmem:$0x1DC80] =	vst v63  }
0x1c2: {  	_ =	swait.ge [sflag:s28], $0x1400  }
0x1c3: {  	[sflag:s28] =	ssyncset.done $0x0  }
0x1c4: {  	s17 =	simm.s32 $0x1C00;
	[sflag:s28] =	ssyncadd.s32 $0xFFFFEC00  }
0x1c5: {  	[tilespmem:s3], [sflag:$0x5] =	stream.indirect.gather [hbm4b:s4+s30], $0x80, s17, s30, $0xb8;
	[tilespmem:$0x1DC80] =	vst v63  }
0x1c6: {  	_ =	swait.ge [sflag:s7], $0x1400  }
0x1c7: {  	[sflag:s7] =	ssyncset.done $0x0  }
0x1c8: {  	s18 =	simm.s32 $0x3A00;
	[sflag:s7] =	ssyncadd.s32 $0xFFFFEC00  }
0x1c9: {  	[spmem:s2] =	stream.indirect.scatter.add.f32 [tilespmem:s8], [sflag:$0x6], $0x80, s18, s30, $0xb8;
	[tilespmem:$0x1DC80] =	vst v63  }
0x1ca: {  	_ =	swait.ge [sflag:s9], $0x1400  }
0x1cb: {  	[sflag:s9] =	ssyncset.done $0x0  }
0x1cc: {  	s19 =	simm.s32 $0x3A80;
	[sflag:s9] =	ssyncadd.s32 $0xFFFFEC00  }
0x1cd: {  	[spmem:s2] =	stream.indirect.scatter.add.f32 [tilespmem:s10], [sflag:$0x7], $0x80, s19, s30, $0xb8;
	[tilespmem:$0x1DC80] =	vst v63  }
0x1ce: {  	_ =	swait.ge [sflag:s11], $0x1400  }
0x1cf: {  	[sflag:s11] =	ssyncset.done $0x0  }
0x1d0: {  	s20 =	simm.s32 $0x3B00;
	[sflag:s11] =	ssyncadd.s32 $0xFFFFEC00  }
0x1d1: {  	[spmem:s2] =	stream.indirect.scatter.add.f32 [tilespmem:s12], [sflag:$0x8], $0x80, s20, s30, $0xb8;
	[tilespmem:$0x1DC80] =	vst v63  }
0x1d2: {  	_ =	swait.ge [sflag:s13], $0x1400  }
0x1d3: {  	s26 =	sadd.s32 $0x1, s26;
	[sflag:s13] =	ssyncset.done $0x0  }
0x1d4: {  	p1 =	sne.s32 s26, $0x5;
	s22 =	simm.s32 $0x3B80;
	[sflag:s13] =	ssyncadd.s32 $0xFFFFEC00  }
0x1d5: {  	[spmem:s2] =	stream.indirect.scatter.add.f32 [tilespmem:s14], [sflag:$0x9], $0x80, s22, s30, $0xb8;
	[tilespmem:$0x1DC80] =	vst v63  }
.Ltmp3:
0x1d6: {  	_ = 	snop;
	(pc) =	sbr.rel @p1 .LBB2_6-.Ltmp3, $4  }
0x1d7: {  	_ =	swait.ge [sflag:s15], $0x1400  }
0x1d8: {  	[sflag:s15] =	ssyncset.done $0x0  }
0x1d9: {  	s31 =	simm.s32 $0x3C00;
	[sflag:s15] =	ssyncadd.s32 $0xFFFFEC00  }
0x1da: {  	[spmem:s2] =	stream.indirect.scatter.add.f32 [tilespmem:s3], [sflag:$0xA], $0x80, s31, s30, $0xb8;
	[tilespmem:$0x1DC80] =	vst v63  }
0x1db: {  	_ =	swait.ge [sflag:s16], $0x1400  }
0x1dc: {  	[sflag:s16] =	ssyncset.done $0x0  }
0x1dd: {  	[sflag:s16] =	ssyncadd.s32 $0xFFFFEC00  }
0x1de: {  	_ =	swait.ge [sflag:s21], $0x1400  }
0x1df: {  	[sflag:s21] =	ssyncset.done $0x0  }
0x1e0: {  	[sflag:s21] =	ssyncadd.s32 $0xFFFFEC00  }
0x1e1: {  	_ =	swait.ge [sflag:s23], $0x1400  }
0x1e2: {  	[sflag:s23] =	ssyncset.done $0x0  }
0x1e3: {  	[sflag:s23] =	ssyncadd.s32 $0xFFFFEC00  }
0x1e4: {  	_ =	swait.ge [sflag:s25], $0x1400  }
0x1e5: {  	[sflag:s25] =	ssyncset.done $0x0  }
0x1e6: {  	[sflag:s25] =	ssyncadd.s32 $0xFFFFEC00  }
0x1e7: {  	_ =	swait.ge [sflag:s28], $0x1400  }
0x1e8: {  	[sflag:s28] =	ssyncset.done $0x0  }
0x1e9: {  	[sflag:s28] =	ssyncadd.s32 $0xFFFFEC00  }
0x1ea: {  	[bflag:$0x0] =	sbarrier.arrive $0xFFFF  }
0x1eb: {  	s1 =	sshll.u32 s0, $0x6;
	s5 =	rddreg [dreg:$0x7]  }
0x1ec: {  	s17 =	simm.s32 $0xD;
	s1 =	sor.u32 $0x1C0D, s1;
	s6 =	rddreg [dreg:$0x15]  }
0x1ed: {  	[hbm:s5], [sflag:s1] =	dma.local [spmem:s6], $0x500  }
0x1ee: {  	_ =	swait.ge [sflag:s17], $0x500  }
0x1ef: {  	[sflag:s17] =	ssyncset.done $0x0;
	s26 =	rddreg [dreg:$0x8]  }
0x1f0: {  	s31 =	rddreg [dreg:$0x16];
	[sflag:s17] =	ssyncadd.s32 $0xFFFFFB00  }
0x1f1: {  	[hbm:s26], [sflag:s1] =	dma.local [spmem:s31], $0x500  }
0x1f2: {  	_ =	swait.ge [sflag:s17], $0x500  }
0x1f3: {  	[sflag:s17] =	ssyncset.done $0x0;
	s18 =	rddreg [dreg:$0x9]  }
0x1f4: {  	s19 =	rddreg [dreg:$0x17];
	[sflag:s17] =	ssyncadd.s32 $0xFFFFFB00  }
0x1f5: {  	[hbm:s18], [sflag:s1] =	dma.local [spmem:s19], $0x500  }
0x1f6: {  	_ =	swait.ge [sflag:s17], $0x500  }
0x1f7: {  	[sflag:s17] =	ssyncset.done $0x0;
	s20 =	rddreg [dreg:$0xa]  }
0x1f8: {  	s22 =	rddreg [dreg:$0x18];
	[sflag:s17] =	ssyncadd.s32 $0xFFFFFB00  }
0x1f9: {  	[hbm:s20], [sflag:s1] =	dma.local [spmem:s22], $0x500  }
0x1fa: {  	_ =	swait.ge [sflag:s17], $0x500  }
0x1fb: {  	[sflag:s17] =	ssyncset.done $0x0;
	s26 =	rddreg [dreg:$0xb]  }
0x1fc: {  	s31 =	rddreg [dreg:$0x19];
	[sflag:s17] =	ssyncadd.s32 $0xFFFFFB00  }
0x1fd: {  	[hbm:s26], [sflag:s1] =	dma.local [spmem:s31], $0x500  }
0x1fe: {  	_ =	swait.ge [sflag:s17], $0x500  }
0x1ff: {  	[sflag:s17] =	ssyncset.done $0x0;
	s18 =	rddreg [dreg:$0xc]  }
0x200: {  	s19 =	rddreg [dreg:$0x1a];
	[sflag:s17] =	ssyncadd.s32 $0xFFFFFB00  }
0x201: {  	[hbm:s18], [sflag:s1] =	dma.local [spmem:s19], $0x500  }
0x202: {  	_ =	swait.ge [sflag:s17], $0x500  }
0x203: {  	[sflag:s17] =	ssyncset.done $0x0;
	s20 =	rddreg [dreg:$0xd]  }
0x204: {  	s22 =	rddreg [dreg:$0x1b];
	[sflag:s17] =	ssyncadd.s32 $0xFFFFFB00  }
0x205: {  	[hbm:s20], [sflag:s1] =	dma.local [spmem:s22], $0x500  }
0x206: {  	_ =	swait.ge [sflag:s17], $0x500  }
0x207: {  	[sflag:s17] =	ssyncset.done $0x0;
	s5 =	rddreg [dreg:$0xe]  }
0x208: {  	s6 =	rddreg [dreg:$0x1c];
	[sflag:s17] =	ssyncadd.s32 $0xFFFFFB00  }
0x209: {  	[hbm:s5], [sflag:s1] =	dma.local @!p0 [spmem:s6], $0x500  }
0x20a: {  	s1 =	simm.s32 @!p0 $0xD  }
0x20b: {  	_ =	swait.ge @!p0 [sflag:s1], $0x500  }
0x20c: {  	s26 =	rddreg [dreg:$0x1d]  }
0x20d: {  	s31 =	rddreg [dreg:$0x13];
	s6 =	sadd.s32 $0x1, s26  }
0x20e: {  	p1 =	sne.s32 s6, s31  }
.Ltmp4:
0x20f: {  	_ = 	snop;
	(pc) =	sbr.rel @p1 .LBB2_1-.Ltmp4, $3  }
0x210: {  	_ =	sdelay $0x1  }
0x211: {  	[sflag:s1] =	ssyncset.done @!p0 $0x0  }
0x212: {  	[sflag:s1] =	ssyncadd.s32 @!p0 $0xFFFFFB00  }
0x213: {  	_ =	sfence.sel $0x180000  }
0x214: {  	[bflag:$0x0] =	sbarrier.arrive $0xFFFF  }
0x215: {  	_ =	strace $0x9000004D  }
0x216: {  	[bflag:$0x2] =	sbarrier.arrive $0xFFFF  }
0x217: {  	p0 =	sne.s32 s0, $0x0;
	s0 =	rddreg [dreg:$0x2]  }
0x218: {  	s0 =	sadd.s32 @!p0 $0x100000, s0  }
0x219: {  	[sflag:s0] =	ssyncadd.tile.s32 @!p0 $0x1;
	_ =	shalt  }
.Lfunc_end2:
_tile_overlayer_lowered:
.L_overlay_start_2:
0x21a: {  	(tag) =	ssettag $0x2  }
0x21b: {  	s0 =	rddreg [dreg:$0x0];
	s2 =	stileid.u32  }
0x21c: {  	s1 =	rddreg [dreg:$0x1];
	p0 =	sne.s32 s2, $0x0  }
0x21d: {  	s3 =	rddreg [dreg:$0x2];
	[bflag:$0x3] =	sbarrier.arrive $0xFFFF;
	s2 =	simm.s32 @!p0 $0x1C0D  }
0x21e: {  	[timem:s3], [sflag:s2] =	dma.local @!p0 [hbm:s0], s1  }
0x21f: {  	s0 =	simm.s32 @!p0 $0xD  }
0x220: {  	_ =	swait.ge @!p0 [sflag:s0], s1  }
0x221: {  	s1 =	ssub.s32 @!p0 $0x0, s1;
	[sflag:s0] =	ssyncset.done @!p0 $0x0  }
0x222: {  	[sflag:s0] =	ssyncadd.s32 @!p0 s1  }
0x223: {  	[bflag:$0x3] =	sbarrier.arrive $0xFFFF  }
0x224: {  	_ =	shalt  }

</sc_bundles>
